<compile_context>
chip_gen: v7x
topology: tpu7x:2x2x1
jax: 0.10.2.dev20260603
libtpu: 0.0.44.dev20260713+nightly
codegen_flags: <defaults>
</compile_context>

<pallas_src>
import functools

import jax
import jax.numpy as jnp
from jax import lax
from jax.experimental import pallas as pl
from jax.experimental.pallas import tpu as pltpu
from jax.experimental.pallas import tpu_sc as plsc

S = 50
NB = 16384
D = 64
BT = 128
V = 1000000


def _mesh():
    return plsc.VectorSubcoreMesh(core_axis_name="c", subcore_axis_name="s")


@functools.cache
def _make_pack():
    info = plsc.get_sparse_core_info()
    NW = info.num_cores * info.num_subcores
    NC = info.num_cores
    CW = 128
    n_full = (V // CW)
    per_w = n_full // NW
    n_extra = n_full - per_w * NW

    @functools.partial(
        pl.kernel,
        mesh=_mesh(),
        compiler_params=pltpu.CompilerParams(
            use_tc_tiling_on_sc=True, needs_layout_passes=False
        ),
        out_type=jax.ShapeDtypeStruct((V // 2, 128), jnp.float32),
        scratch_types=[
            [pltpu.VMEM((D, CW), jnp.float32)] * 2,
            [pltpu.VMEM((CW // 2, 128), jnp.float32)] * 2,
            pltpu.VMEM((D, 64), jnp.float32),
            pltpu.VMEM((32, 128), jnp.float32),
            [pltpu.SemaphoreType.DMA] * 2,
            [pltpu.SemaphoreType.DMA] * 2,
        ],
    )
    def pack_kernel(emt, t128, svs, dvs, sv_t, dv_t, gsems, ssems):
        wid = lax.axis_index("s") * NC + lax.axis_index("c")
        iota = lax.iota(jnp.int32, 16)

        def load(u, p):
            u = jnp.minimum(u, n_full - 1)
            return pltpu.make_async_copy(
                emt.at[:, pl.ds(u * CW, CW)], svs[p], gsems[p]
            )

        def store(u, p):
            return pltpu.make_async_copy(
                dvs[p], t128.at[pl.ds(u * (CW // 2), CW // 2)], ssems[p]
            )

        def transpose(sv, dv, nv):
            def jloop(jv, carry2):
                pj = (iota + jv) & 15
                for d0 in range(0, D, 16):
                    dvec = d0 + pj
                    for v0 in range(0, nv, 16):
                        vv = v0 + iota
                        val = plsc.load_gather(sv, [dvec, vv])
                        plsc.store_scatter(
                            dv, [vv >> 1, ((vv & 1) << 6) + dvec], val
                        )
                return carry2

            lax.fori_loop(0, 16, jloop, 0)

        load(wid, 0).start()

        def step(i, carry):
            for b in range(2):
                j = 2 * i + b
                u = wid + NW * j
                load(jnp.minimum(u + NW, wid + NW * (per_w - 1)), 1 - b).start()
                load(u, b).wait()

                @pl.when(j >= 2)
                def _():
                    store(u - 2 * NW, b).wait()

                transpose(svs[b], dvs[b], CW)
                store(u, b).start()
            return carry

        lax.fori_loop(0, per_w // 2, step, 0)
        load(wid + NW * (per_w - 1), 0).wait()
        store(wid + NW * (per_w - 2), 0).wait()
        store(wid + NW * (per_w - 1), 1).wait()

        @pl.when(wid < n_extra)
        def _():
            u = per_w * NW + wid
            pltpu.sync_copy(emt.at[:, pl.ds(u * CW, CW)], svs[0])
            transpose(svs[0], dvs[0], CW)
            pltpu.sync_copy(dvs[0], t128.at[pl.ds(u * (CW // 2), CW // 2)])

        @pl.when(wid == n_extra)
        def _():
            pltpu.sync_copy(emt.at[:, pl.ds(n_full * CW, 64)], sv_t)
            transpose(sv_t, dv_t, 64)
            pltpu.sync_copy(dv_t, t128.at[pl.ds(n_full * (CW // 2), 32)])

    return pack_kernel


@functools.cache
def _make_gather():
    info = plsc.get_sparse_core_info()
    NC = info.num_cores
    NW = NC * info.num_subcores
    cpw = NB // NW
    kpw = cpw // BT
    n_units = S * kpw

    @functools.partial(
        pl.kernel,
        mesh=_mesh(),
        compiler_params=pltpu.CompilerParams(
            use_tc_tiling_on_sc=False, needs_layout_passes=False
        ),
        out_type=jax.ShapeDtypeStruct((S, D // 8, NB // BT, 8 * BT), jnp.float32),
        scratch_types=[
            pltpu.VMEM((S, cpw), jnp.int32),
            [pltpu.VMEM((BT, D), jnp.float32)] * 2,
            [pltpu.VMEM((D // 8, 8 * BT), jnp.float32)] * 2,
            [pltpu.SemaphoreType.DMA] * 2,
            [pltpu.SemaphoreType.DMA] * 2,
        ],
    )
    def gather_kernel(t64, idx2, out5, idx_v, rows, tiles, gsems, ssems):
        wid = lax.axis_index("s") * NC + lax.axis_index("c")
        col0 = wid * cpw

        pltpu.sync_copy(idx2.at[:, pl.ds(col0, cpw)], idx_v)

        iota = lax.iota(jnp.int32, 16)

        def unit_su(u):
            return u // kpw, u % kpw

        def gather(u, p):
            s, k = unit_su(u)
            return pltpu.make_async_copy(
                t64.at[idx_v.at[s, pl.ds(k * BT, BT)]], rows[p], gsems[p]
            )

        def store(u, p):
            s, k = unit_su(u)
            return pltpu.make_async_copy(
                tiles[p], out5.at[s, :, wid * kpw + k], ssems[p]
            )

        gather(0, 0).start()

        def pair(i, carry):
            for b in range(2):
                u = i * 2 + b
                gather(jnp.minimum(u + 1, n_units - 1), 1 - b).start()
                gather(u, b).wait()

                @pl.when(u >= 2)
                def _():
                    store(u - 2, b).wait()

                rb = rows[b]
                tb = tiles[b]

                def jloop(jv, carry2):
                    pj = (iota + jv) & 15
                    in0 = (pj & 7) * BT + iota
                    pj3 = pj >> 3
                    for d0 in range(0, D, 16):
                        cold = pj + d0
                        i0d = pj3 + (d0 // 8)
                        for t0 in range(0, BT, 16):
                            v = plsc.load_gather(rb, [t0 + iota, cold])
                            plsc.store_scatter(tb, [i0d, in0 + t0], v)
                    return carry2

                lax.fori_loop(0, 16, jloop, 0)
                store(u, b).start()
            return carry

        lax.fori_loop(0, n_units // 2, pair, 0)

        gather(n_units - 1, 0).wait()
        store(n_units - 2, 0).wait()
        store(n_units - 1, 1).wait()

    return gather_kernel


def kernel(token_ids, embedding_matrix):
    t128 = _make_pack()(embedding_matrix.T)
    idx2 = token_ids.astype(jnp.int32).T
    out5 = _make_gather()(t128.reshape(V, D), idx2)
    out5 = out5.reshape(S, D // 8, NB // BT, 8, BT)
    return out5.transpose(2, 4, 0, 1, 3).reshape(NB, S, D)

# --- scband reference (transcript-rebuilt; emitter-appended) ---
"""Pipeline reference for scband-embedding-68616397521479 (READ-ONLY COPY).

The authoritative reference and input builder live on the scoring server;
editing this copy changes nothing except your own understanding.
"""

import jax, jax.numpy as jnp
import numpy as np

NUM_EMBEDDINGS = 1000000
EMBEDDING_DIM = 64

def setup_inputs(seed: int = 0) -> dict:
    key = jax.random.key(seed)
    k_idx, k_tab = jax.random.split(key)
    token_ids = jax.random.randint(k_idx, (16384, 50), 0, NUM_EMBEDDINGS, dtype=jnp.int64 if jax.config.jax_enable_x64 else jnp.int32)
    # trunc_normal_(mean=0, std=1, a=-3, b=3) equivalent
    embedding_matrix = jax.random.truncated_normal(k_tab, -3.0, 3.0, (NUM_EMBEDDINGS, EMBEDDING_DIM), dtype=jnp.float32)
    return {"token_ids": token_ids, "embedding_matrix": embedding_matrix}

def reference(token_ids, embedding_matrix):
    # faithful to: self.embedding_matrix[token_ids]
    return jnp.take(embedding_matrix, token_ids, axis=0)

if __name__ == "__main__":
    import jax
    _d = setup_inputs()
    print(jax.jit(kernel)(*tuple(_d.values())))

</pallas_src>

<mosaic_0001>
#map = affine_map<(d0, d1) -> (0, 0)>
module attributes {stable_mosaic.version = 14 : i64} {
  func.func @pack_kernel(%arg0: i32, %arg1: i32, %arg2: memref<64x1000000xf32, #tpu.memory_space<hbm>>, %arg3: memref<500000x128xf32, #tpu.memory_space<hbm>>, %arg4: memref<64x128xf32, #tpu.memory_space<vmem>>, %arg5: memref<64x128xf32, #tpu.memory_space<vmem>>, %arg6: memref<64x128xf32, #tpu.memory_space<vmem>>, %arg7: memref<64x128xf32, #tpu.memory_space<vmem>>, %arg8: memref<64x64xf32, #tpu.memory_space<vmem>>, %arg9: memref<32x128xf32, #tpu.memory_space<vmem>>, %arg10: memref<!tpu.dma_semaphore, #tpu.memory_space<semaphore_mem>>, %arg11: memref<!tpu.dma_semaphore, #tpu.memory_space<semaphore_mem>>, %arg12: memref<!tpu.dma_semaphore, #tpu.memory_space<semaphore_mem>>, %arg13: memref<!tpu.dma_semaphore, #tpu.memory_space<semaphore_mem>>) attributes {dimension_semantics = [#tpu.dimension_semantics<core_parallel>, #tpu.dimension_semantics<subcore_parallel>], iteration_bounds = array<i64: 2, 16>, scalar_prefetch = 0 : i64, scratch_operands = 10 : i64, tpu.core_type = #tpu.core_type<sc_vector_subcore>, window_params = [{transform_indices = #map}, {transform_indices = #map}]} {
    %mul3A = arith.constant 2 : i32
    %mul3A_0 = arith.muli %arg1, %mul3A : i32
    %add3A = arith.addi %mul3A_0, %arg0 : i32
    %iota3A = tpu.iota {dimensions = array<i32: 0>} : vector<16xi32>
    %min3A = arith.constant 7811 : i32
    %min3A_1 = arith.minsi %add3A, %min3A : i32
    %mul3A_2 = arith.constant 128 : i32
    %mul3A_3 = arith.muli %min3A_1, %mul3A_2 : i32
    %dma_start3A = arith.constant 0 : i32
    %dma_start3A_4 = tpu.memref_slice %arg2[%dma_start3A, %mul3A_3] : memref<64x1000000xf32, #tpu.memory_space<hbm>> -> memref<64x128xf32, #tpu.memory_space<hbm>>
    %dma_start3A_5 = arith.constant 0 : i32
    %dma_start3A_6 = tpu.memref_slice %arg2[%dma_start3A_5, %mul3A_3] : memref<64x1000000xf32, #tpu.memory_space<hbm>> -> memref<64x128xf32, #tpu.memory_space<hbm>>
    tpu.enqueue_dma source(%dma_start3A_6 : memref<64x128xf32, #tpu.memory_space<hbm>>) target(%arg4 : memref<64x128xf32, #tpu.memory_space<vmem>>) target_semaphore(%arg10 : memref<!tpu.dma_semaphore, #tpu.memory_space<semaphore_mem>>)
    %scan3A = arith.constant 0 : i32
    %scan3A_7 = arith.constant 0 : i32
    %scan3A_8 = arith.constant 122 : i32
    %scan3A_9 = arith.addi %scan3A_7, %scan3A_8 : i32
    %scan3A_10 = arith.constant 1 : i32
    scf.for %scan3A_43 = %scan3A_7 to %scan3A_9 step %scan3A_10  : i32 {
      %mul3A_44 = arith.constant 2 : i32
      %mul3A_45 = arith.muli %mul3A_44, %scan3A_43 : i32
      %add3A_46 = arith.constant 0 : i32
      %add3A_47 = arith.addi %mul3A_45, %add3A_46 : i32
      %mul3A_48 = arith.constant 32 : i32
      %mul3A_49 = arith.muli %mul3A_48, %add3A_47 : i32
      %add3A_50 = arith.addi %add3A, %mul3A_49 : i32
      %add3A_51 = arith.constant 32 : i32
      %add3A_52 = arith.addi %add3A_50, %add3A_51 : i32
      %add3A_53 = arith.constant 7776 : i32
      %add3A_54 = arith.addi %add3A, %add3A_53 : i32
      %min3A_55 = arith.minsi %add3A_52, %add3A_54 : i32
      %min3A_56 = arith.constant 7811 : i32
      %min3A_57 = arith.minsi %min3A_55, %min3A_56 : i32
      %mul3A_58 = arith.constant 128 : i32
      %mul3A_59 = arith.muli %min3A_57, %mul3A_58 : i32
      %dma_start3A_60 = arith.constant 0 : i32
      %dma_start3A_61 = tpu.memref_slice %arg2[%dma_start3A_60, %mul3A_59] : memref<64x1000000xf32, #tpu.memory_space<hbm>> -> memref<64x128xf32, #tpu.memory_space<hbm>>
      %dma_start3A_62 = arith.constant 0 : i32
      %dma_start3A_63 = tpu.memref_slice %arg2[%dma_start3A_62, %mul3A_59] : memref<64x1000000xf32, #tpu.memory_space<hbm>> -> memref<64x128xf32, #tpu.memory_space<hbm>>
      tpu.enqueue_dma source(%dma_start3A_63 : memref<64x128xf32, #tpu.memory_space<hbm>>) target(%arg5 : memref<64x128xf32, #tpu.memory_space<vmem>>) target_semaphore(%arg11 : memref<!tpu.dma_semaphore, #tpu.memory_space<semaphore_mem>>)
      %min3A_64 = arith.constant 7811 : i32
      %min3A_65 = arith.minsi %add3A_50, %min3A_64 : i32
      %mul3A_66 = arith.constant 128 : i32
      %mul3A_67 = arith.muli %min3A_65, %mul3A_66 : i32
      %dma_wait3A_68 = arith.constant 0 : i32
      %dma_wait3A_69 = tpu.memref_slice %arg2[%dma_wait3A_68, %mul3A_67] : memref<64x1000000xf32, #tpu.memory_space<hbm>> -> memref<64x128xf32, #tpu.memory_space<hbm>>
      %dma_wait3A_70 = arith.constant 0 : i32
      %dma_wait3A_71 = tpu.memref_slice %arg2[%dma_wait3A_70, %mul3A_67] : memref<64x1000000xf32, #tpu.memory_space<hbm>> -> memref<64x128xf32, #tpu.memory_space<hbm>>
      tpu.wait_dma2 semaphore(%arg10 : memref<!tpu.dma_semaphore, #tpu.memory_space<semaphore_mem>>) src(%dma_wait3A_71 : memref<64x128xf32, #tpu.memory_space<hbm>>) dst(%arg4 : memref<64x128xf32, #tpu.memory_space<vmem>>)
      %ge3A = arith.constant 2 : i32
      %ge3A_72 = arith.cmpi sge, %add3A_47, %ge3A : i32
      %convert_element_type3A_73 = arith.extui %ge3A_72 : i1 to i32
      %cond3A_74 = arith.constant 0 : i32
      %cond3A_75 = arith.cmpi ne, %convert_element_type3A_73, %cond3A_74 : i32
      scf.if %cond3A_75 {
        %sub3A = arith.constant 64 : i32
        %sub3A_133 = arith.subi %add3A_50, %sub3A : i32
        %mul3A_134 = arith.constant 64 : i32
        %mul3A_135 = arith.muli %sub3A_133, %mul3A_134 : i32
        %dma_wait3A_136 = arith.constant 0 : i32
        %dma_wait3A_137 = tpu.memref_slice %arg3[%mul3A_135, %dma_wait3A_136] : memref<500000x128xf32, #tpu.memory_space<hbm>> -> memref<64x128xf32, #tpu.memory_space<hbm>>
        %dma_wait3A_138 = arith.constant 0 : i32
        %dma_wait3A_139 = tpu.memref_slice %arg3[%mul3A_135, %dma_wait3A_138] : memref<500000x128xf32, #tpu.memory_space<hbm>> -> memref<64x128xf32, #tpu.memory_space<hbm>>
        tpu.wait_dma2 semaphore(%arg12 : memref<!tpu.dma_semaphore, #tpu.memory_space<semaphore_mem>>) src(%arg6 : memref<64x128xf32, #tpu.memory_space<vmem>>) dst(%dma_wait3A_139 : memref<64x128xf32, #tpu.memory_space<hbm>>)
      } else {
      }
      %scan3A_76 = arith.constant 0 : i32
      %scan3A_77 = arith.constant 0 : i32
      %scan3A_78 = arith.constant 16 : i32
      %scan3A_79 = arith.addi %scan3A_77, %scan3A_78 : i32
      %scan3A_80 = arith.constant 1 : i32
      scf.for %scan3A_133 = %scan3A_77 to %scan3A_79 step %scan3A_80  : i32 {
        %add3A_134 = vector.broadcast %scan3A_133 : i32 to vector<16xi32>
        %add3A_135 = arith.addi %iota3A, %add3A_134 : vector<16xi32>
        %and3A = arith.constant 15 : i32
        %and3A_136 = vector.broadcast %and3A : i32 to vector<16xi32>
        %and3A_137 = arith.andi %add3A_135, %and3A_136 : vector<16xi32>
        %add3A_138 = arith.constant 0 : i32
        %add3A_139 = vector.broadcast %add3A_138 : i32 to vector<16xi32>
        %add3A_140 = arith.addi %add3A_139, %and3A_137 : vector<16xi32>
        %add3A_141 = arith.constant 0 : i32
        %add3A_142 = vector.broadcast %add3A_141 : i32 to vector<16xi32>
        %add3A_143 = arith.addi %add3A_142, %iota3A : vector<16xi32>
        %gather3A = tpu.vector_load_idx %arg4[%add3A_140, %add3A_143] : memref<64x128xf32, #tpu.memory_space<vmem>>[vector<16xi32>, vector<16xi32>], vector<16xf32>,
        %shift_right_arithmetic3A = arith.constant 1 : i32
        %shift_right_arithmetic3A_144 = vector.broadcast %shift_right_arithmetic3A : i32 to vector<16xi32>
        %shift_right_arithmetic3A_145 = arith.shrsi %add3A_143, %shift_right_arithmetic3A_144 : vector<16xi32>
        %and3A_146 = arith.constant 1 : i32
        %and3A_147 = vector.broadcast %and3A_146 : i32 to vector<16xi32>
        %and3A_148 = arith.andi %add3A_143, %and3A_147 : vector<16xi32>
        %shift_left3A = arith.constant 6 : i32
        %shift_left3A_149 = vector.broadcast %shift_left3A : i32 to vector<16xi32>
        %shift_left3A_150 = arith.shli %and3A_148, %shift_left3A_149 : vector<16xi32>
        %add3A_151 = arith.addi %shift_left3A_150, %add3A_140 : vector<16xi32>
        tpu.vector_store_idx %arg6[%shift_right_arithmetic3A_145, %add3A_151], %gather3A : memref<64x128xf32, #tpu.memory_space<vmem>>[vector<16xi32>, vector<16xi32>], vector<16xf32>,
        %add3A_152 = arith.constant 16 : i32
        %add3A_153 = vector.broadcast %add3A_152 : i32 to vector<16xi32>
        %add3A_154 = arith.addi %add3A_153, %iota3A : vector<16xi32>
        %gather3A_155 = tpu.vector_load_idx %arg4[%add3A_140, %add3A_154] : memref<64x128xf32, #tpu.memory_space<vmem>>[vector<16xi32>, vector<16xi32>], vector<16xf32>,
        %shift_right_arithmetic3A_156 = arith.constant 1 : i32
        %shift_right_arithmetic3A_157 = vector.broadcast %shift_right_arithmetic3A_156 : i32 to vector<16xi32>
        %shift_right_arithmetic3A_158 = arith.shrsi %add3A_154, %shift_right_arithmetic3A_157 : vector<16xi32>
        %and3A_159 = arith.constant 1 : i32
        %and3A_160 = vector.broadcast %and3A_159 : i32 to vector<16xi32>
        %and3A_161 = arith.andi %add3A_154, %and3A_160 : vector<16xi32>
        %shift_left3A_162 = arith.constant 6 : i32
        %shift_left3A_163 = vector.broadcast %shift_left3A_162 : i32 to vector<16xi32>
        %shift_left3A_164 = arith.shli %and3A_161, %shift_left3A_163 : vector<16xi32>
        %add3A_165 = arith.addi %shift_left3A_164, %add3A_140 : vector<16xi32>
        tpu.vector_store_idx %arg6[%shift_right_arithmetic3A_158, %add3A_165], %gather3A_155 : memref<64x128xf32, #tpu.memory_space<vmem>>[vector<16xi32>, vector<16xi32>], vector<16xf32>,
        %add3A_166 = arith.constant 32 : i32
        %add3A_167 = vector.broadcast %add3A_166 : i32 to vector<16xi32>
        %add3A_168 = arith.addi %add3A_167, %iota3A : vector<16xi32>
        %gather3A_169 = tpu.vector_load_idx %arg4[%add3A_140, %add3A_168] : memref<64x128xf32, #tpu.memory_space<vmem>>[vector<16xi32>, vector<16xi32>], vector<16xf32>,
        %shift_right_arithmetic3A_170 = arith.constant 1 : i32
        %shift_right_arithmetic3A_171 = vector.broadcast %shift_right_arithmetic3A_170 : i32 to vector<16xi32>
        %shift_right_arithmetic3A_172 = arith.shrsi %add3A_168, %shift_right_arithmetic3A_171 : vector<16xi32>
        %and3A_173 = arith.constant 1 : i32
        %and3A_174 = vector.broadcast %and3A_173 : i32 to vector<16xi32>
        %and3A_175 = arith.andi %add3A_168, %and3A_174 : vector<16xi32>
        %shift_left3A_176 = arith.constant 6 : i32
        %shift_left3A_177 = vector.broadcast %shift_left3A_176 : i32 to vector<16xi32>
        %shift_left3A_178 = arith.shli %and3A_175, %shift_left3A_177 : vector<16xi32>
        %add3A_179 = arith.addi %shift_left3A_178, %add3A_140 : vector<16xi32>
        tpu.vector_store_idx %arg6[%shift_right_arithmetic3A_172, %add3A_179], %gather3A_169 : memref<64x128xf32, #tpu.memory_space<vmem>>[vector<16xi32>, vector<16xi32>], vector<16xf32>,
        %add3A_180 = arith.constant 48 : i32
        %add3A_181 = vector.broadcast %add3A_180 : i32 to vector<16xi32>
        %add3A_182 = arith.addi %add3A_181, %iota3A : vector<16xi32>
        %gather3A_183 = tpu.vector_load_idx %arg4[%add3A_140, %add3A_182] : memref<64x128xf32, #tpu.memory_space<vmem>>[vector<16xi32>, vector<16xi32>], vector<16xf32>,
        %shift_right_arithmetic3A_184 = arith.constant 1 : i32
        %shift_right_arithmetic3A_185 = vector.broadcast %shift_right_arithmetic3A_184 : i32 to vector<16xi32>
        %shift_right_arithmetic3A_186 = arith.shrsi %add3A_182, %shift_right_arithmetic3A_185 : vector<16xi32>
        %and3A_187 = arith.constant 1 : i32
        %and3A_188 = vector.broadcast %and3A_187 : i32 to vector<16xi32>
        %and3A_189 = arith.andi %add3A_182, %and3A_188 : vector<16xi32>
        %shift_left3A_190 = arith.constant 6 : i32
        %shift_left3A_191 = vector.broadcast %shift_left3A_190 : i32 to vector<16xi32>
        %shift_left3A_192 = arith.shli %and3A_189, %shift_left3A_191 : vector<16xi32>
        %add3A_193 = arith.addi %shift_left3A_192, %add3A_140 : vector<16xi32>
        tpu.vector_store_idx %arg6[%shift_right_arithmetic3A_186, %add3A_193], %gather3A_183 : memref<64x128xf32, #tpu.memory_space<vmem>>[vector<16xi32>, vector<16xi32>], vector<16xf32>,
        %add3A_194 = arith.constant 64 : i32
        %add3A_195 = vector.broadcast %add3A_194 : i32 to vector<16xi32>
        %add3A_196 = arith.addi %add3A_195, %iota3A : vector<16xi32>
        %gather3A_197 = tpu.vector_load_idx %arg4[%add3A_140, %add3A_196] : memref<64x128xf32, #tpu.memory_space<vmem>>[vector<16xi32>, vector<16xi32>], vector<16xf32>,
        %shift_right_arithmetic3A_198 = arith.constant 1 : i32
        %shift_right_arithmetic3A_199 = vector.broadcast %shift_right_arithmetic3A_198 : i32 to vector<16xi32>
        %shift_right_arithmetic3A_200 = arith.shrsi %add3A_196, %shift_right_arithmetic3A_199 : vector<16xi32>
        %and3A_201 = arith.constant 1 : i32
        %and3A_202 = vector.broadcast %and3A_201 : i32 to vector<16xi32>
        %and3A_203 = arith.andi %add3A_196, %and3A_202 : vector<16xi32>
        %shift_left3A_204 = arith.constant 6 : i32
        %shift_left3A_205 = vector.broadcast %shift_left3A_204 : i32 to vector<16xi32>
        %shift_left3A_206 = arith.shli %and3A_203, %shift_left3A_205 : vector<16xi32>
        %add3A_207 = arith.addi %shift_left3A_206, %add3A_140 : vector<16xi32>
        tpu.vector_store_idx %arg6[%shift_right_arithmetic3A_200, %add3A_207], %gather3A_197 : memref<64x128xf32, #tpu.memory_space<vmem>>[vector<16xi32>, vector<16xi32>], vector<16xf32>,
        %add3A_208 = arith.constant 80 : i32
        %add3A_209 = vector.broadcast %add3A_208 : i32 to vector<16xi32>
        %add3A_210 = arith.addi %add3A_209, %iota3A : vector<16xi32>
        %gather3A_211 = tpu.vector_load_idx %arg4[%add3A_140, %add3A_210] : memref<64x128xf32, #tpu.memory_space<vmem>>[vector<16xi32>, vector<16xi32>], vector<16xf32>,
        %shift_right_arithmetic3A_212 = arith.constant 1 : i32
        %shift_right_arithmetic3A_213 = vector.broadcast %shift_right_arithmetic3A_212 : i32 to vector<16xi32>
        %shift_right_arithmetic3A_214 = arith.shrsi %add3A_210, %shift_right_arithmetic3A_213 : vector<16xi32>
        %and3A_215 = arith.constant 1 : i32
        %and3A_216 = vector.broadcast %and3A_215 : i32 to vector<16xi32>
        %and3A_217 = arith.andi %add3A_210, %and3A_216 : vector<16xi32>
        %shift_left3A_218 = arith.constant 6 : i32
        %shift_left3A_219 = vector.broadcast %shift_left3A_218 : i32 to vector<16xi32>
        %shift_left3A_220 = arith.shli %and3A_217, %shift_left3A_219 : vector<16xi32>
        %add3A_221 = arith.addi %shift_left3A_220, %add3A_140 : vector<16xi32>
        tpu.vector_store_idx %arg6[%shift_right_arithmetic3A_214, %add3A_221], %gather3A_211 : memref<64x128xf32, #tpu.memory_space<vmem>>[vector<16xi32>, vector<16xi32>], vector<16xf32>,
        %add3A_222 = arith.constant 96 : i32
        %add3A_223 = vector.broadcast %add3A_222 : i32 to vector<16xi32>
        %add3A_224 = arith.addi %add3A_223, %iota3A : vector<16xi32>
        %gather3A_225 = tpu.vector_load_idx %arg4[%add3A_140, %add3A_224] : memref<64x128xf32, #tpu.memory_space<vmem>>[vector<16xi32>, vector<16xi32>], vector<16xf32>,
        %shift_right_arithmetic3A_226 = arith.constant 1 : i32
        %shift_right_arithmetic3A_227 = vector.broadcast %shift_right_arithmetic3A_226 : i32 to vector<16xi32>
        %shift_right_arithmetic3A_228 = arith.shrsi %add3A_224, %shift_right_arithmetic3A_227 : vector<16xi32>
        %and3A_229 = arith.constant 1 : i32
        %and3A_230 = vector.broadcast %and3A_229 : i32 to vector<16xi32>
        %and3A_231 = arith.andi %add3A_224, %and3A_230 : vector<16xi32>
        %shift_left3A_232 = arith.constant 6 : i32
        %shift_left3A_233 = vector.broadcast %shift_left3A_232 : i32 to vector<16xi32>
        %shift_left3A_234 = arith.shli %and3A_231, %shift_left3A_233 : vector<16xi32>
        %add3A_235 = arith.addi %shift_left3A_234, %add3A_140 : vector<16xi32>
        tpu.vector_store_idx %arg6[%shift_right_arithmetic3A_228, %add3A_235], %gather3A_225 : memref<64x128xf32, #tpu.memory_space<vmem>>[vector<16xi32>, vector<16xi32>], vector<16xf32>,
        %add3A_236 = arith.constant 112 : i32
        %add3A_237 = vector.broadcast %add3A_236 : i32 to vector<16xi32>
        %add3A_238 = arith.addi %add3A_237, %iota3A : vector<16xi32>
        %gather3A_239 = tpu.vector_load_idx %arg4[%add3A_140, %add3A_238] : memref<64x128xf32, #tpu.memory_space<vmem>>[vector<16xi32>, vector<16xi32>], vector<16xf32>,
        %shift_right_arithmetic3A_240 = arith.constant 1 : i32
        %shift_right_arithmetic3A_241 = vector.broadcast %shift_right_arithmetic3A_240 : i32 to vector<16xi32>
        %shift_right_arithmetic3A_242 = arith.shrsi %add3A_238, %shift_right_arithmetic3A_241 : vector<16xi32>
        %and3A_243 = arith.constant 1 : i32
        %and3A_244 = vector.broadcast %and3A_243 : i32 to vector<16xi32>
        %and3A_245 = arith.andi %add3A_238, %and3A_244 : vector<16xi32>
        %shift_left3A_246 = arith.constant 6 : i32
        %shift_left3A_247 = vector.broadcast %shift_left3A_246 : i32 to vector<16xi32>
        %shift_left3A_248 = arith.shli %and3A_245, %shift_left3A_247 : vector<16xi32>
        %add3A_249 = arith.addi %shift_left3A_248, %add3A_140 : vector<16xi32>
        tpu.vector_store_idx %arg6[%shift_right_arithmetic3A_242, %add3A_249], %gather3A_239 : memref<64x128xf32, #tpu.memory_space<vmem>>[vector<16xi32>, vector<16xi32>], vector<16xf32>,
        %add3A_250 = arith.constant 16 : i32
        %add3A_251 = vector.broadcast %add3A_250 : i32 to vector<16xi32>
        %add3A_252 = arith.addi %add3A_251, %and3A_137 : vector<16xi32>
        %add3A_253 = arith.constant 0 : i32
        %add3A_254 = vector.broadcast %add3A_253 : i32 to vector<16xi32>
        %add3A_255 = arith.addi %add3A_254, %iota3A : vector<16xi32>
        %gather3A_256 = tpu.vector_load_idx %arg4[%add3A_252, %add3A_255] : memref<64x128xf32, #tpu.memory_space<vmem>>[vector<16xi32>, vector<16xi32>], vector<16xf32>,
        %shift_right_arithmetic3A_257 = arith.constant 1 : i32
        %shift_right_arithmetic3A_258 = vector.broadcast %shift_right_arithmetic3A_257 : i32 to vector<16xi32>
        %shift_right_arithmetic3A_259 = arith.shrsi %add3A_255, %shift_right_arithmetic3A_258 : vector<16xi32>
        %and3A_260 = arith.constant 1 : i32
        %and3A_261 = vector.broadcast %and3A_260 : i32 to vector<16xi32>
        %and3A_262 = arith.andi %add3A_255, %and3A_261 : vector<16xi32>
        %shift_left3A_263 = arith.constant 6 : i32
        %shift_left3A_264 = vector.broadcast %shift_left3A_263 : i32 to vector<16xi32>
        %shift_left3A_265 = arith.shli %and3A_262, %shift_left3A_264 : vector<16xi32>
        %add3A_266 = arith.addi %shift_left3A_265, %add3A_252 : vector<16xi32>
        tpu.vector_store_idx %arg6[%shift_right_arithmetic3A_259, %add3A_266], %gather3A_256 : memref<64x128xf32, #tpu.memory_space<vmem>>[vector<16xi32>, vector<16xi32>], vector<16xf32>,
        %add3A_267 = arith.constant 16 : i32
        %add3A_268 = vector.broadcast %add3A_267 : i32 to vector<16xi32>
        %add3A_269 = arith.addi %add3A_268, %iota3A : vector<16xi32>
        %gather3A_270 = tpu.vector_load_idx %arg4[%add3A_252, %add3A_269] : memref<64x128xf32, #tpu.memory_space<vmem>>[vector<16xi32>, vector<16xi32>], vector<16xf32>,
        %shift_right_arithmetic3A_271 = arith.constant 1 : i32
        %shift_right_arithmetic3A_272 = vector.broadcast %shift_right_arithmetic3A_271 : i32 to vector<16xi32>
        %shift_right_arithmetic3A_273 = arith.shrsi %add3A_269, %shift_right_arithmetic3A_272 : vector<16xi32>
        %and3A_274 = arith.constant 1 : i32
        %and3A_275 = vector.broadcast %and3A_274 : i32 to vector<16xi32>
        %and3A_276 = arith.andi %add3A_269, %and3A_275 : vector<16xi32>
        %shift_left3A_277 = arith.constant 6 : i32
        %shift_left3A_278 = vector.broadcast %shift_left3A_277 : i32 to vector<16xi32>
        %shift_left3A_279 = arith.shli %and3A_276, %shift_left3A_278 : vector<16xi32>
        %add3A_280 = arith.addi %shift_left3A_279, %add3A_252 : vector<16xi32>
        tpu.vector_store_idx %arg6[%shift_right_arithmetic3A_273, %add3A_280], %gather3A_270 : memref<64x128xf32, #tpu.memory_space<vmem>>[vector<16xi32>, vector<16xi32>], vector<16xf32>,
        %add3A_281 = arith.constant 32 : i32
        %add3A_282 = vector.broadcast %add3A_281 : i32 to vector<16xi32>
        %add3A_283 = arith.addi %add3A_282, %iota3A : vector<16xi32>
        %gather3A_284 = tpu.vector_load_idx %arg4[%add3A_252, %add3A_283] : memref<64x128xf32, #tpu.memory_space<vmem>>[vector<16xi32>, vector<16xi32>], vector<16xf32>,
        %shift_right_arithmetic3A_285 = arith.constant 1 : i32
        %shift_right_arithmetic3A_286 = vector.broadcast %shift_right_arithmetic3A_285 : i32 to vector<16xi32>
        %shift_right_arithmetic3A_287 = arith.shrsi %add3A_283, %shift_right_arithmetic3A_286 : vector<16xi32>
        %and3A_288 = arith.constant 1 : i32
        %and3A_289 = vector.broadcast %and3A_288 : i32 to vector<16xi32>
        %and3A_290 = arith.andi %add3A_283, %and3A_289 : vector<16xi32>
        %shift_left3A_291 = arith.constant 6 : i32
        %shift_left3A_292 = vector.broadcast %shift_left3A_291 : i32 to vector<16xi32>
        %shift_left3A_293 = arith.shli %and3A_290, %shift_left3A_292 : vector<16xi32>
        %add3A_294 = arith.addi %shift_left3A_293, %add3A_252 : vector<16xi32>
        tpu.vector_store_idx %arg6[%shift_right_arithmetic3A_287, %add3A_294], %gather3A_284 : memref<64x128xf32, #tpu.memory_space<vmem>>[vector<16xi32>, vector<16xi32>], vector<16xf32>,
        %add3A_295 = arith.constant 48 : i32
        %add3A_296 = vector.broadcast %add3A_295 : i32 to vector<16xi32>
        %add3A_297 = arith.addi %add3A_296, %iota3A : vector<16xi32>
        %gather3A_298 = tpu.vector_load_idx %arg4[%add3A_252, %add3A_297] : memref<64x128xf32, #tpu.memory_space<vmem>>[vector<16xi32>, vector<16xi32>], vector<16xf32>,
        %shift_right_arithmetic3A_299 = arith.constant 1 : i32
        %shift_right_arithmetic3A_300 = vector.broadcast %shift_right_arithmetic3A_299 : i32 to vector<16xi32>
        %shift_right_arithmetic3A_301 = arith.shrsi %add3A_297, %shift_right_arithmetic3A_300 : vector<16xi32>
        %and3A_302 = arith.constant 1 : i32
        %and3A_303 = vector.broadcast %and3A_302 : i32 to vector<16xi32>
        %and3A_304 = arith.andi %add3A_297, %and3A_303 : vector<16xi32>
        %shift_left3A_305 = arith.constant 6 : i32
        %shift_left3A_306 = vector.broadcast %shift_left3A_305 : i32 to vector<16xi32>
        %shift_left3A_307 = arith.shli %and3A_304, %shift_left3A_306 : vector<16xi32>
        %add3A_308 = arith.addi %shift_left3A_307, %add3A_252 : vector<16xi32>
        tpu.vector_store_idx %arg6[%shift_right_arithmetic3A_301, %add3A_308], %gather3A_298 : memref<64x128xf32, #tpu.memory_space<vmem>>[vector<16xi32>, vector<16xi32>], vector<16xf32>,
        %add3A_309 = arith.constant 64 : i32
        %add3A_310 = vector.broadcast %add3A_309 : i32 to vector<16xi32>
        %add3A_311 = arith.addi %add3A_310, %iota3A : vector<16xi32>
        %gather3A_312 = tpu.vector_load_idx %arg4[%add3A_252, %add3A_311] : memref<64x128xf32, #tpu.memory_space<vmem>>[vector<16xi32>, vector<16xi32>], vector<16xf32>,
        %shift_right_arithmetic3A_313 = arith.constant 1 : i32
        %shift_right_arithmetic3A_314 = vector.broadcast %shift_right_arithmetic3A_313 : i32 to vector<16xi32>
        %shift_right_arithmetic3A_315 = arith.shrsi %add3A_311, %shift_right_arithmetic3A_314 : vector<16xi32>
        %and3A_316 = arith.constant 1 : i32
        %and3A_317 = vector.broadcast %and3A_316 : i32 to vector<16xi32>
        %and3A_318 = arith.andi %add3A_311, %and3A_317 : vector<16xi32>
        %shift_left3A_319 = arith.constant 6 : i32
        %shift_left3A_320 = vector.broadcast %shift_left3A_319 : i32 to vector<16xi32>
        %shift_left3A_321 = arith.shli %and3A_318, %shift_left3A_320 : vector<16xi32>
        %add3A_322 = arith.addi %shift_left3A_321, %add3A_252 : vector<16xi32>
        tpu.vector_store_idx %arg6[%shift_right_arithmetic3A_315, %add3A_322], %gather3A_312 : memref<64x128xf32, #tpu.memory_space<vmem>>[vector<16xi32>, vector<16xi32>], vector<16xf32>,
        %add3A_323 = arith.constant 80 : i32
        %add3A_324 = vector.broadcast %add3A_323 : i32 to vector<16xi32>
        %add3A_325 = arith.addi %add3A_324, %iota3A : vector<16xi32>
        %gather3A_326 = tpu.vector_load_idx %arg4[%add3A_252, %add3A_325] : memref<64x128xf32, #tpu.memory_space<vmem>>[vector<16xi32>, vector<16xi32>], vector<16xf32>,
        %shift_right_arithmetic3A_327 = arith.constant 1 : i32
        %shift_right_arithmetic3A_328 = vector.broadcast %shift_right_arithmetic3A_327 : i32 to vector<16xi32>
        %shift_right_arithmetic3A_329 = arith.shrsi %add3A_325, %shift_right_arithmetic3A_328 : vector<16xi32>
        %and3A_330 = arith.constant 1 : i32
        %and3A_331 = vector.broadcast %and3A_330 : i32 to vector<16xi32>
        %and3A_332 = arith.andi %add3A_325, %and3A_331 : vector<16xi32>
        %shift_left3A_333 = arith.constant 6 : i32
        %shift_left3A_334 = vector.broadcast %shift_left3A_333 : i32 to vector<16xi32>
        %shift_left3A_335 = arith.shli %and3A_332, %shift_left3A_334 : vector<16xi32>
        %add3A_336 = arith.addi %shift_left3A_335, %add3A_252 : vector<16xi32>
        tpu.vector_store_idx %arg6[%shift_right_arithmetic3A_329, %add3A_336], %gather3A_326 : memref<64x128xf32, #tpu.memory_space<vmem>>[vector<16xi32>, vector<16xi32>], vector<16xf32>,
        %add3A_337 = arith.constant 96 : i32
        %add3A_338 = vector.broadcast %add3A_337 : i32 to vector<16xi32>
        %add3A_339 = arith.addi %add3A_338, %iota3A : vector<16xi32>
        %gather3A_340 = tpu.vector_load_idx %arg4[%add3A_252, %add3A_339] : memref<64x128xf32, #tpu.memory_space<vmem>>[vector<16xi32>, vector<16xi32>], vector<16xf32>,
        %shift_right_arithmetic3A_341 = arith.constant 1 : i32
        %shift_right_arithmetic3A_342 = vector.broadcast %shift_right_arithmetic3A_341 : i32 to vector<16xi32>
        %shift_right_arithmetic3A_343 = arith.shrsi %add3A_339, %shift_right_arithmetic3A_342 : vector<16xi32>
        %and3A_344 = arith.constant 1 : i32
        %and3A_345 = vector.broadcast %and3A_344 : i32 to vector<16xi32>
        %and3A_346 = arith.andi %add3A_339, %and3A_345 : vector<16xi32>
        %shift_left3A_347 = arith.constant 6 : i32
        %shift_left3A_348 = vector.broadcast %shift_left3A_347 : i32 to vector<16xi32>
        %shift_left3A_349 = arith.shli %and3A_346, %shift_left3A_348 : vector<16xi32>
        %add3A_350 = arith.addi %shift_left3A_349, %add3A_252 : vector<16xi32>
        tpu.vector_store_idx %arg6[%shift_right_arithmetic3A_343, %add3A_350], %gather3A_340 : memref<64x128xf32, #tpu.memory_space<vmem>>[vector<16xi32>, vector<16xi32>], vector<16xf32>,
        %add3A_351 = arith.constant 112 : i32
        %add3A_352 = vector.broadcast %add3A_351 : i32 to vector<16xi32>
        %add3A_353 = arith.addi %add3A_352, %iota3A : vector<16xi32>
        %gather3A_354 = tpu.vector_load_idx %arg4[%add3A_252, %add3A_353] : memref<64x128xf32, #tpu.memory_space<vmem>>[vector<16xi32>, vector<16xi32>], vector<16xf32>,
        %shift_right_arithmetic3A_355 = arith.constant 1 : i32
        %shift_right_arithmetic3A_356 = vector.broadcast %shift_right_arithmetic3A_355 : i32 to vector<16xi32>
        %shift_right_arithmetic3A_357 = arith.shrsi %add3A_353, %shift_right_arithmetic3A_356 : vector<16xi32>
        %and3A_358 = arith.constant 1 : i32
        %and3A_359 = vector.broadcast %and3A_358 : i32 to vector<16xi32>
        %and3A_360 = arith.andi %add3A_353, %and3A_359 : vector<16xi32>
        %shift_left3A_361 = arith.constant 6 : i32
        %shift_left3A_362 = vector.broadcast %shift_left3A_361 : i32 to vector<16xi32>
        %shift_left3A_363 = arith.shli %and3A_360, %shift_left3A_362 : vector<16xi32>
        %add3A_364 = arith.addi %shift_left3A_363, %add3A_252 : vector<16xi32>
        tpu.vector_store_idx %arg6[%shift_right_arithmetic3A_357, %add3A_364], %gather3A_354 : memref<64x128xf32, #tpu.memory_space<vmem>>[vector<16xi32>, vector<16xi32>], vector<16xf32>,
        %add3A_365 = arith.constant 32 : i32
        %add3A_366 = vector.broadcast %add3A_365 : i32 to vector<16xi32>
        %add3A_367 = arith.addi %add3A_366, %and3A_137 : vector<16xi32>
        %add3A_368 = arith.constant 0 : i32
        %add3A_369 = vector.broadcast %add3A_368 : i32 to vector<16xi32>
        %add3A_370 = arith.addi %add3A_369, %iota3A : vector<16xi32>
        %gather3A_371 = tpu.vector_load_idx %arg4[%add3A_367, %add3A_370] : memref<64x128xf32, #tpu.memory_space<vmem>>[vector<16xi32>, vector<16xi32>], vector<16xf32>,
        %shift_right_arithmetic3A_372 = arith.constant 1 : i32
        %shift_right_arithmetic3A_373 = vector.broadcast %shift_right_arithmetic3A_372 : i32 to vector<16xi32>
        %shift_right_arithmetic3A_374 = arith.shrsi %add3A_370, %shift_right_arithmetic3A_373 : vector<16xi32>
        %and3A_375 = arith.constant 1 : i32
        %and3A_376 = vector.broadcast %and3A_375 : i32 to vector<16xi32>
        %and3A_377 = arith.andi %add3A_370, %and3A_376 : vector<16xi32>
        %shift_left3A_378 = arith.constant 6 : i32
        %shift_left3A_379 = vector.broadcast %shift_left3A_378 : i32 to vector<16xi32>
        %shift_left3A_380 = arith.shli %and3A_377, %shift_left3A_379 : vector<16xi32>
        %add3A_381 = arith.addi %shift_left3A_380, %add3A_367 : vector<16xi32>
        tpu.vector_store_idx %arg6[%shift_right_arithmetic3A_374, %add3A_381], %gather3A_371 : memref<64x128xf32, #tpu.memory_space<vmem>>[vector<16xi32>, vector<16xi32>], vector<16xf32>,
        %add3A_382 = arith.constant 16 : i32
        %add3A_383 = vector.broadcast %add3A_382 : i32 to vector<16xi32>
        %add3A_384 = arith.addi %add3A_383, %iota3A : vector<16xi32>
        %gather3A_385 = tpu.vector_load_idx %arg4[%add3A_367, %add3A_384] : memref<64x128xf32, #tpu.memory_space<vmem>>[vector<16xi32>, vector<16xi32>], vector<16xf32>,
        %shift_right_arithmetic3A_386 = arith.constant 1 : i32
        %shift_right_arithmetic3A_387 = vector.broadcast %shift_right_arithmetic3A_386 : i32 to vector<16xi32>
        %shift_right_arithmetic3A_388 = arith.shrsi %add3A_384, %shift_right_arithmetic3A_387 : vector<16xi32>
        %and3A_389 = arith.constant 1 : i32
        %and3A_390 = vector.broadcast %and3A_389 : i32 to vector<16xi32>
        %and3A_391 = arith.andi %add3A_384, %and3A_390 : vector<16xi32>
        %shift_left3A_392 = arith.constant 6 : i32
        %shift_left3A_393 = vector.broadcast %shift_left3A_392 : i32 to vector<16xi32>
        %shift_left3A_394 = arith.shli %and3A_391, %shift_left3A_393 : vector<16xi32>
        %add3A_395 = arith.addi %shift_left3A_394, %add3A_367 : vector<16xi32>
        tpu.vector_store_idx %arg6[%shift_right_arithmetic3A_388, %add3A_395], %gather3A_385 : memref<64x128xf32, #tpu.memory_space<vmem>>[vector<16xi32>, vector<16xi32>], vector<16xf32>,
        %add3A_396 = arith.constant 32 : i32
        %add3A_397 = vector.broadcast %add3A_396 : i32 to vector<16xi32>
        %add3A_398 = arith.addi %add3A_397, %iota3A : vector<16xi32>
        %gather3A_399 = tpu.vector_load_idx %arg4[%add3A_367, %add3A_398] : memref<64x128xf32, #tpu.memory_space<vmem>>[vector<16xi32>, vector<16xi32>], vector<16xf32>,
        %shift_right_arithmetic3A_400 = arith.constant 1 : i32
        %shift_right_arithmetic3A_401 = vector.broadcast %shift_right_arithmetic3A_400 : i32 to vector<16xi32>
        %shift_right_arithmetic3A_402 = arith.shrsi %add3A_398, %shift_right_arithmetic3A_401 : vector<16xi32>
        %and3A_403 = arith.constant 1 : i32
        %and3A_404 = vector.broadcast %and3A_403 : i32 to vector<16xi32>
        %and3A_405 = arith.andi %add3A_398, %and3A_404 : vector<16xi32>
        %shift_left3A_406 = arith.constant 6 : i32
        %shift_left3A_407 = vector.broadcast %shift_left3A_406 : i32 to vector<16xi32>
        %shift_left3A_408 = arith.shli %and3A_405, %shift_left3A_407 : vector<16xi32>
        %add3A_409 = arith.addi %shift_left3A_408, %add3A_367 : vector<16xi32>
        tpu.vector_store_idx %arg6[%shift_right_arithmetic3A_402, %add3A_409], %gather3A_399 : memref<64x128xf32, #tpu.memory_space<vmem>>[vector<16xi32>, vector<16xi32>], vector<16xf32>,
        %add3A_410 = arith.constant 48 : i32
        %add3A_411 = vector.broadcast %add3A_410 : i32 to vector<16xi32>
        %add3A_412 = arith.addi %add3A_411, %iota3A : vector<16xi32>
        %gather3A_413 = tpu.vector_load_idx %arg4[%add3A_367, %add3A_412] : memref<64x128xf32, #tpu.memory_space<vmem>>[vector<16xi32>, vector<16xi32>], vector<16xf32>,
        %shift_right_arithmetic3A_414 = arith.constant 1 : i32
        %shift_right_arithmetic3A_415 = vector.broadcast %shift_right_arithmetic3A_414 : i32 to vector<16xi32>
        %shift_right_arithmetic3A_416 = arith.shrsi %add3A_412, %shift_right_arithmetic3A_415 : vector<16xi32>
        %and3A_417 = arith.constant 1 : i32
        %and3A_418 = vector.broadcast %and3A_417 : i32 to vector<16xi32>
        %and3A_419 = arith.andi %add3A_412, %and3A_418 : vector<16xi32>
        %shift_left3A_420 = arith.constant 6 : i32
        %shift_left3A_421 = vector.broadcast %shift_left3A_420 : i32 to vector<16xi32>
        %shift_left3A_422 = arith.shli %and3A_419, %shift_left3A_421 : vector<16xi32>
        %add3A_423 = arith.addi %shift_left3A_422, %add3A_367 : vector<16xi32>
        tpu.vector_store_idx %arg6[%shift_right_arithmetic3A_416, %add3A_423], %gather3A_413 : memref<64x128xf32, #tpu.memory_space<vmem>>[vector<16xi32>, vector<16xi32>], vector<16xf32>,
        %add3A_424 = arith.constant 64 : i32
        %add3A_425 = vector.broadcast %add3A_424 : i32 to vector<16xi32>
        %add3A_426 = arith.addi %add3A_425, %iota3A : vector<16xi32>
        %gather3A_427 = tpu.vector_load_idx %arg4[%add3A_367, %add3A_426] : memref<64x128xf32, #tpu.memory_space<vmem>>[vector<16xi32>, vector<16xi32>], vector<16xf32>,
        %shift_right_arithmetic3A_428 = arith.constant 1 : i32
        %shift_right_arithmetic3A_429 = vector.broadcast %shift_right_arithmetic3A_428 : i32 to vector<16xi32>
        %shift_right_arithmetic3A_430 = arith.shrsi %add3A_426, %shift_right_arithmetic3A_429 : vector<16xi32>
        %and3A_431 = arith.constant 1 : i32
        %and3A_432 = vector.broadcast %and3A_431 : i32 to vector<16xi32>
        %and3A_433 = arith.andi %add3A_426, %and3A_432 : vector<16xi32>
        %shift_left3A_434 = arith.constant 6 : i32
        %shift_left3A_435 = vector.broadcast %shift_left3A_434 : i32 to vector<16xi32>
        %shift_left3A_436 = arith.shli %and3A_433, %shift_left3A_435 : vector<16xi32>
        %add3A_437 = arith.addi %shift_left3A_436, %add3A_367 : vector<16xi32>
        tpu.vector_store_idx %arg6[%shift_right_arithmetic3A_430, %add3A_437], %gather3A_427 : memref<64x128xf32, #tpu.memory_space<vmem>>[vector<16xi32>, vector<16xi32>], vector<16xf32>,
        %add3A_438 = arith.constant 80 : i32
        %add3A_439 = vector.broadcast %add3A_438 : i32 to vector<16xi32>
        %add3A_440 = arith.addi %add3A_439, %iota3A : vector<16xi32>
        %gather3A_441 = tpu.vector_load_idx %arg4[%add3A_367, %add3A_440] : memref<64x128xf32, #tpu.memory_space<vmem>>[vector<16xi32>, vector<16xi32>], vector<16xf32>,
        %shift_right_arithmetic3A_442 = arith.constant 1 : i32
        %shift_right_arithmetic3A_443 = vector.broadcast %shift_right_arithmetic3A_442 : i32 to vector<16xi32>
        %shift_right_arithmetic3A_444 = arith.shrsi %add3A_440, %shift_right_arithmetic3A_443 : vector<16xi32>
        %and3A_445 = arith.constant 1 : i32
        %and3A_446 = vector.broadcast %and3A_445 : i32 to vector<16xi32>
        %and3A_447 = arith.andi %add3A_440, %and3A_446 : vector<16xi32>
        %shift_left3A_448 = arith.constant 6 : i32
        %shift_left3A_449 = vector.broadcast %shift_left3A_448 : i32 to vector<16xi32>
        %shift_left3A_450 = arith.shli %and3A_447, %shift_left3A_449 : vector<16xi32>
        %add3A_451 = arith.addi %shift_left3A_450, %add3A_367 : vector<16xi32>
        tpu.vector_store_idx %arg6[%shift_right_arithmetic3A_444, %add3A_451], %gather3A_441 : memref<64x128xf32, #tpu.memory_space<vmem>>[vector<16xi32>, vector<16xi32>], vector<16xf32>,
        %add3A_452 = arith.constant 96 : i32
        %add3A_453 = vector.broadcast %add3A_452 : i32 to vector<16xi32>
        %add3A_454 = arith.addi %add3A_453, %iota3A : vector<16xi32>
        %gather3A_455 = tpu.vector_load_idx %arg4[%add3A_367, %add3A_454] : memref<64x128xf32, #tpu.memory_space<vmem>>[vector<16xi32>, vector<16xi32>], vector<16xf32>,
        %shift_right_arithmetic3A_456 = arith.constant 1 : i32
        %shift_right_arithmetic3A_457 = vector.broadcast %shift_right_arithmetic3A_456 : i32 to vector<16xi32>
        %shift_right_arithmetic3A_458 = arith.shrsi %add3A_454, %shift_right_arithmetic3A_457 : vector<16xi32>
        %and3A_459 = arith.constant 1 : i32
        %and3A_460 = vector.broadcast %and3A_459 : i32 to vector<16xi32>
        %and3A_461 = arith.andi %add3A_454, %and3A_460 : vector<16xi32>
        %shift_left3A_462 = arith.constant 6 : i32
        %shift_left3A_463 = vector.broadcast %shift_left3A_462 : i32 to vector<16xi32>
        %shift_left3A_464 = arith.shli %and3A_461, %shift_left3A_463 : vector<16xi32>
        %add3A_465 = arith.addi %shift_left3A_464, %add3A_367 : vector<16xi32>
        tpu.vector_store_idx %arg6[%shift_right_arithmetic3A_458, %add3A_465], %gather3A_455 : memref<64x128xf32, #tpu.memory_space<vmem>>[vector<16xi32>, vector<16xi32>], vector<16xf32>,
        %add3A_466 = arith.constant 112 : i32
        %add3A_467 = vector.broadcast %add3A_466 : i32 to vector<16xi32>
        %add3A_468 = arith.addi %add3A_467, %iota3A : vector<16xi32>
        %gather3A_469 = tpu.vector_load_idx %arg4[%add3A_367, %add3A_468] : memref<64x128xf32, #tpu.memory_space<vmem>>[vector<16xi32>, vector<16xi32>], vector<16xf32>,
        %shift_right_arithmetic3A_470 = arith.constant 1 : i32
        %shift_right_arithmetic3A_471 = vector.broadcast %shift_right_arithmetic3A_470 : i32 to vector<16xi32>
        %shift_right_arithmetic3A_472 = arith.shrsi %add3A_468, %shift_right_arithmetic3A_471 : vector<16xi32>
        %and3A_473 = arith.constant 1 : i32
        %and3A_474 = vector.broadcast %and3A_473 : i32 to vector<16xi32>
        %and3A_475 = arith.andi %add3A_468, %and3A_474 : vector<16xi32>
        %shift_left3A_476 = arith.constant 6 : i32
        %shift_left3A_477 = vector.broadcast %shift_left3A_476 : i32 to vector<16xi32>
        %shift_left3A_478 = arith.shli %and3A_475, %shift_left3A_477 : vector<16xi32>
        %add3A_479 = arith.addi %shift_left3A_478, %add3A_367 : vector<16xi32>
        tpu.vector_store_idx %arg6[%shift_right_arithmetic3A_472, %add3A_479], %gather3A_469 : memref<64x128xf32, #tpu.memory_space<vmem>>[vector<16xi32>, vector<16xi32>], vector<16xf32>,
        %add3A_480 = arith.constant 48 : i32
        %add3A_481 = vector.broadcast %add3A_480 : i32 to vector<16xi32>
        %add3A_482 = arith.addi %add3A_481, %and3A_137 : vector<16xi32>
        %add3A_483 = arith.constant 0 : i32
        %add3A_484 = vector.broadcast %add3A_483 : i32 to vector<16xi32>
        %add3A_485 = arith.addi %add3A_484, %iota3A : vector<16xi32>
        %gather3A_486 = tpu.vector_load_idx %arg4[%add3A_482, %add3A_485] : memref<64x128xf32, #tpu.memory_space<vmem>>[vector<16xi32>, vector<16xi32>], vector<16xf32>,
        %shift_right_arithmetic3A_487 = arith.constant 1 : i32
        %shift_right_arithmetic3A_488 = vector.broadcast %shift_right_arithmetic3A_487 : i32 to vector<16xi32>
        %shift_right_arithmetic3A_489 = arith.shrsi %add3A_485, %shift_right_arithmetic3A_488 : vector<16xi32>
        %and3A_490 = arith.constant 1 : i32
        %and3A_491 = vector.broadcast %and3A_490 : i32 to vector<16xi32>
        %and3A_492 = arith.andi %add3A_485, %and3A_491 : vector<16xi32>
        %shift_left3A_493 = arith.constant 6 : i32
        %shift_left3A_494 = vector.broadcast %shift_left3A_493 : i32 to vector<16xi32>
        %shift_left3A_495 = arith.shli %and3A_492, %shift_left3A_494 : vector<16xi32>
        %add3A_496 = arith.addi %shift_left3A_495, %add3A_482 : vector<16xi32>
        tpu.vector_store_idx %arg6[%shift_right_arithmetic3A_489, %add3A_496], %gather3A_486 : memref<64x128xf32, #tpu.memory_space<vmem>>[vector<16xi32>, vector<16xi32>], vector<16xf32>,
        %add3A_497 = arith.constant 16 : i32
        %add3A_498 = vector.broadcast %add3A_497 : i32 to vector<16xi32>
        %add3A_499 = arith.addi %add3A_498, %iota3A : vector<16xi32>
        %gather3A_500 = tpu.vector_load_idx %arg4[%add3A_482, %add3A_499] : memref<64x128xf32, #tpu.memory_space<vmem>>[vector<16xi32>, vector<16xi32>], vector<16xf32>,
        %shift_right_arithmetic3A_501 = arith.constant 1 : i32
        %shift_right_arithmetic3A_502 = vector.broadcast %shift_right_arithmetic3A_501 : i32 to vector<16xi32>
        %shift_right_arithmetic3A_503 = arith.shrsi %add3A_499, %shift_right_arithmetic3A_502 : vector<16xi32>
        %and3A_504 = arith.constant 1 : i32
        %and3A_505 = vector.broadcast %and3A_504 : i32 to vector<16xi32>
        %and3A_506 = arith.andi %add3A_499, %and3A_505 : vector<16xi32>
        %shift_left3A_507 = arith.constant 6 : i32
        %shift_left3A_508 = vector.broadcast %shift_left3A_507 : i32 to vector<16xi32>
        %shift_left3A_509 = arith.shli %and3A_506, %shift_left3A_508 : vector<16xi32>
        %add3A_510 = arith.addi %shift_left3A_509, %add3A_482 : vector<16xi32>
        tpu.vector_store_idx %arg6[%shift_right_arithmetic3A_503, %add3A_510], %gather3A_500 : memref<64x128xf32, #tpu.memory_space<vmem>>[vector<16xi32>, vector<16xi32>], vector<16xf32>,
        %add3A_511 = arith.constant 32 : i32
        %add3A_512 = vector.broadcast %add3A_511 : i32 to vector<16xi32>
        %add3A_513 = arith.addi %add3A_512, %iota3A : vector<16xi32>
        %gather3A_514 = tpu.vector_load_idx %arg4[%add3A_482, %add3A_513] : memref<64x128xf32, #tpu.memory_space<vmem>>[vector<16xi32>, vector<16xi32>], vector<16xf32>,
        %shift_right_arithmetic3A_515 = arith.constant 1 : i32
        %shift_right_arithmetic3A_516 = vector.broadcast %shift_right_arithmetic3A_515 : i32 to vector<16xi32>
        %shift_right_arithmetic3A_517 = arith.shrsi %add3A_513, %shift_right_arithmetic3A_516 : vector<16xi32>
        %and3A_518 = arith.constant 1 : i32
        %and3A_519 = vector.broadcast %and3A_518 : i32 to vector<16xi32>
        %and3A_520 = arith.andi %add3A_513, %and3A_519 : vector<16xi32>
        %shift_left3A_521 = arith.constant 6 : i32
        %shift_left3A_522 = vector.broadcast %shift_left3A_521 : i32 to vector<16xi32>
        %shift_left3A_523 = arith.shli %and3A_520, %shift_left3A_522 : vector<16xi32>
        %add3A_524 = arith.addi %shift_left3A_523, %add3A_482 : vector<16xi32>
        tpu.vector_store_idx %arg6[%shift_right_arithmetic3A_517, %add3A_524], %gather3A_514 : memref<64x128xf32, #tpu.memory_space<vmem>>[vector<16xi32>, vector<16xi32>], vector<16xf32>,
        %add3A_525 = arith.constant 48 : i32
        %add3A_526 = vector.broadcast %add3A_525 : i32 to vector<16xi32>
        %add3A_527 = arith.addi %add3A_526, %iota3A : vector<16xi32>
        %gather3A_528 = tpu.vector_load_idx %arg4[%add3A_482, %add3A_527] : memref<64x128xf32, #tpu.memory_space<vmem>>[vector<16xi32>, vector<16xi32>], vector<16xf32>,
        %shift_right_arithmetic3A_529 = arith.constant 1 : i32
        %shift_right_arithmetic3A_530 = vector.broadcast %shift_right_arithmetic3A_529 : i32 to vector<16xi32>
        %shift_right_arithmetic3A_531 = arith.shrsi %add3A_527, %shift_right_arithmetic3A_530 : vector<16xi32>
        %and3A_532 = arith.constant 1 : i32
        %and3A_533 = vector.broadcast %and3A_532 : i32 to vector<16xi32>
        %and3A_534 = arith.andi %add3A_527, %and3A_533 : vector<16xi32>
        %shift_left3A_535 = arith.constant 6 : i32
        %shift_left3A_536 = vector.broadcast %shift_left3A_535 : i32 to vector<16xi32>
        %shift_left3A_537 = arith.shli %and3A_534, %shift_left3A_536 : vector<16xi32>
        %add3A_538 = arith.addi %shift_left3A_537, %add3A_482 : vector<16xi32>
        tpu.vector_store_idx %arg6[%shift_right_arithmetic3A_531, %add3A_538], %gather3A_528 : memref<64x128xf32, #tpu.memory_space<vmem>>[vector<16xi32>, vector<16xi32>], vector<16xf32>,
        %add3A_539 = arith.constant 64 : i32
        %add3A_540 = vector.broadcast %add3A_539 : i32 to vector<16xi32>
        %add3A_541 = arith.addi %add3A_540, %iota3A : vector<16xi32>
        %gather3A_542 = tpu.vector_load_idx %arg4[%add3A_482, %add3A_541] : memref<64x128xf32, #tpu.memory_space<vmem>>[vector<16xi32>, vector<16xi32>], vector<16xf32>,
        %shift_right_arithmetic3A_543 = arith.constant 1 : i32
        %shift_right_arithmetic3A_544 = vector.broadcast %shift_right_arithmetic3A_543 : i32 to vector<16xi32>
        %shift_right_arithmetic3A_545 = arith.shrsi %add3A_541, %shift_right_arithmetic3A_544 : vector<16xi32>
        %and3A_546 = arith.constant 1 : i32
        %and3A_547 = vector.broadcast %and3A_546 : i32 to vector<16xi32>
        %and3A_548 = arith.andi %add3A_541, %and3A_547 : vector<16xi32>
        %shift_left3A_549 = arith.constant 6 : i32
        %shift_left3A_550 = vector.broadcast %shift_left3A_549 : i32 to vector<16xi32>
        %shift_left3A_551 = arith.shli %and3A_548, %shift_left3A_550 : vector<16xi32>
        %add3A_552 = arith.addi %shift_left3A_551, %add3A_482 : vector<16xi32>
        tpu.vector_store_idx %arg6[%shift_right_arithmetic3A_545, %add3A_552], %gather3A_542 : memref<64x128xf32, #tpu.memory_space<vmem>>[vector<16xi32>, vector<16xi32>], vector<16xf32>,
        %add3A_553 = arith.constant 80 : i32
        %add3A_554 = vector.broadcast %add3A_553 : i32 to vector<16xi32>
        %add3A_555 = arith.addi %add3A_554, %iota3A : vector<16xi32>
        %gather3A_556 = tpu.vector_load_idx %arg4[%add3A_482, %add3A_555] : memref<64x128xf32, #tpu.memory_space<vmem>>[vector<16xi32>, vector<16xi32>], vector<16xf32>,
        %shift_right_arithmetic3A_557 = arith.constant 1 : i32
        %shift_right_arithmetic3A_558 = vector.broadcast %shift_right_arithmetic3A_557 : i32 to vector<16xi32>
        %shift_right_arithmetic3A_559 = arith.shrsi %add3A_555, %shift_right_arithmetic3A_558 : vector<16xi32>
        %and3A_560 = arith.constant 1 : i32
        %and3A_561 = vector.broadcast %and3A_560 : i32 to vector<16xi32>
        %and3A_562 = arith.andi %add3A_555, %and3A_561 : vector<16xi32>
        %shift_left3A_563 = arith.constant 6 : i32
        %shift_left3A_564 = vector.broadcast %shift_left3A_563 : i32 to vector<16xi32>
        %shift_left3A_565 = arith.shli %and3A_562, %shift_left3A_564 : vector<16xi32>
        %add3A_566 = arith.addi %shift_left3A_565, %add3A_482 : vector<16xi32>
        tpu.vector_store_idx %arg6[%shift_right_arithmetic3A_559, %add3A_566], %gather3A_556 : memref<64x128xf32, #tpu.memory_space<vmem>>[vector<16xi32>, vector<16xi32>], vector<16xf32>,
        %add3A_567 = arith.constant 96 : i32
        %add3A_568 = vector.broadcast %add3A_567 : i32 to vector<16xi32>
        %add3A_569 = arith.addi %add3A_568, %iota3A : vector<16xi32>
        %gather3A_570 = tpu.vector_load_idx %arg4[%add3A_482, %add3A_569] : memref<64x128xf32, #tpu.memory_space<vmem>>[vector<16xi32>, vector<16xi32>], vector<16xf32>,
        %shift_right_arithmetic3A_571 = arith.constant 1 : i32
        %shift_right_arithmetic3A_572 = vector.broadcast %shift_right_arithmetic3A_571 : i32 to vector<16xi32>
        %shift_right_arithmetic3A_573 = arith.shrsi %add3A_569, %shift_right_arithmetic3A_572 : vector<16xi32>
        %and3A_574 = arith.constant 1 : i32
        %and3A_575 = vector.broadcast %and3A_574 : i32 to vector<16xi32>
        %and3A_576 = arith.andi %add3A_569, %and3A_575 : vector<16xi32>
        %shift_left3A_577 = arith.constant 6 : i32
        %shift_left3A_578 = vector.broadcast %shift_left3A_577 : i32 to vector<16xi32>
        %shift_left3A_579 = arith.shli %and3A_576, %shift_left3A_578 : vector<16xi32>
        %add3A_580 = arith.addi %shift_left3A_579, %add3A_482 : vector<16xi32>
        tpu.vector_store_idx %arg6[%shift_right_arithmetic3A_573, %add3A_580], %gather3A_570 : memref<64x128xf32, #tpu.memory_space<vmem>>[vector<16xi32>, vector<16xi32>], vector<16xf32>,
        %add3A_581 = arith.constant 112 : i32
        %add3A_582 = vector.broadcast %add3A_581 : i32 to vector<16xi32>
        %add3A_583 = arith.addi %add3A_582, %iota3A : vector<16xi32>
        %gather3A_584 = tpu.vector_load_idx %arg4[%add3A_482, %add3A_583] : memref<64x128xf32, #tpu.memory_space<vmem>>[vector<16xi32>, vector<16xi32>], vector<16xf32>,
        %shift_right_arithmetic3A_585 = arith.constant 1 : i32
        %shift_right_arithmetic3A_586 = vector.broadcast %shift_right_arithmetic3A_585 : i32 to vector<16xi32>
        %shift_right_arithmetic3A_587 = arith.shrsi %add3A_583, %shift_right_arithmetic3A_586 : vector<16xi32>
        %and3A_588 = arith.constant 1 : i32
        %and3A_589 = vector.broadcast %and3A_588 : i32 to vector<16xi32>
        %and3A_590 = arith.andi %add3A_583, %and3A_589 : vector<16xi32>
        %shift_left3A_591 = arith.constant 6 : i32
        %shift_left3A_592 = vector.broadcast %shift_left3A_591 : i32 to vector<16xi32>
        %shift_left3A_593 = arith.shli %and3A_590, %shift_left3A_592 : vector<16xi32>
        %add3A_594 = arith.addi %shift_left3A_593, %add3A_482 : vector<16xi32>
        tpu.vector_store_idx %arg6[%shift_right_arithmetic3A_587, %add3A_594], %gather3A_584 : memref<64x128xf32, #tpu.memory_space<vmem>>[vector<16xi32>, vector<16xi32>], vector<16xf32>,
      }
      %scan3A_81 = arith.constant 16 : i32
      %mul3A_82 = arith.constant 64 : i32
      %mul3A_83 = arith.muli %add3A_50, %mul3A_82 : i32
      %dma_start3A_84 = arith.constant 0 : i32
      %dma_start3A_85 = tpu.memref_slice %arg3[%mul3A_83, %dma_start3A_84] : memref<500000x128xf32, #tpu.memory_space<hbm>> -> memref<64x128xf32, #tpu.memory_space<hbm>>
      %dma_start3A_86 = arith.constant 0 : i32
      %dma_start3A_87 = tpu.memref_slice %arg3[%mul3A_83, %dma_start3A_86] : memref<500000x128xf32, #tpu.memory_space<hbm>> -> memref<64x128xf32, #tpu.memory_space<hbm>>
      tpu.enqueue_dma source(%arg6 : memref<64x128xf32, #tpu.memory_space<vmem>>) target(%dma_start3A_87 : memref<64x128xf32, #tpu.memory_space<hbm>>) target_semaphore(%arg12 : memref<!tpu.dma_semaphore, #tpu.memory_space<semaphore_mem>>)
      %mul3A_88 = arith.constant 2 : i32
      %mul3A_89 = arith.muli %mul3A_88, %scan3A_43 : i32
      %add3A_90 = arith.constant 1 : i32
      %add3A_91 = arith.addi %mul3A_89, %add3A_90 : i32
      %mul3A_92 = arith.constant 32 : i32
      %mul3A_93 = arith.muli %mul3A_92, %add3A_91 : i32
      %add3A_94 = arith.addi %add3A, %mul3A_93 : i32
      %add3A_95 = arith.constant 32 : i32
      %add3A_96 = arith.addi %add3A_94, %add3A_95 : i32
      %add3A_97 = arith.constant 7776 : i32
      %add3A_98 = arith.addi %add3A, %add3A_97 : i32
      %min3A_99 = arith.minsi %add3A_96, %add3A_98 : i32
      %min3A_100 = arith.constant 7811 : i32
      %min3A_101 = arith.minsi %min3A_99, %min3A_100 : i32
      %mul3A_102 = arith.constant 128 : i32
      %mul3A_103 = arith.muli %min3A_101, %mul3A_102 : i32
      %dma_start3A_104 = arith.constant 0 : i32
      %dma_start3A_105 = tpu.memref_slice %arg2[%dma_start3A_104, %mul3A_103] : memref<64x1000000xf32, #tpu.memory_space<hbm>> -> memref<64x128xf32, #tpu.memory_space<hbm>>
      %dma_start3A_106 = arith.constant 0 : i32
      %dma_start3A_107 = tpu.memref_slice %arg2[%dma_start3A_106, %mul3A_103] : memref<64x1000000xf32, #tpu.memory_space<hbm>> -> memref<64x128xf32, #tpu.memory_space<hbm>>
      tpu.enqueue_dma source(%dma_start3A_107 : memref<64x128xf32, #tpu.memory_space<hbm>>) target(%arg4 : memref<64x128xf32, #tpu.memory_space<vmem>>) target_semaphore(%arg10 : memref<!tpu.dma_semaphore, #tpu.memory_space<semaphore_mem>>)
      %min3A_108 = arith.constant 7811 : i32
      %min3A_109 = arith.minsi %add3A_94, %min3A_108 : i32
      %mul3A_110 = arith.constant 128 : i32
      %mul3A_111 = arith.muli %min3A_109, %mul3A_110 : i32
      %dma_wait3A_112 = arith.constant 0 : i32
      %dma_wait3A_113 = tpu.memref_slice %arg2[%dma_wait3A_112, %mul3A_111] : memref<64x1000000xf32, #tpu.memory_space<hbm>> -> memref<64x128xf32, #tpu.memory_space<hbm>>
      %dma_wait3A_114 = arith.constant 0 : i32
      %dma_wait3A_115 = tpu.memref_slice %arg2[%dma_wait3A_114, %mul3A_111] : memref<64x1000000xf32, #tpu.memory_space<hbm>> -> memref<64x128xf32, #tpu.memory_space<hbm>>
      tpu.wait_dma2 semaphore(%arg11 : memref<!tpu.dma_semaphore, #tpu.memory_space<semaphore_mem>>) src(%dma_wait3A_115 : memref<64x128xf32, #tpu.memory_space<hbm>>) dst(%arg5 : memref<64x128xf32, #tpu.memory_space<vmem>>)
      %ge3A_116 = arith.constant 2 : i32
      %ge3A_117 = arith.cmpi sge, %add3A_91, %ge3A_116 : i32
      %convert_element_type3A_118 = arith.extui %ge3A_117 : i1 to i32
      %cond3A_119 = arith.constant 0 : i32
      %cond3A_120 = arith.cmpi ne, %convert_element_type3A_118, %cond3A_119 : i32
      scf.if %cond3A_120 {
        %sub3A = arith.constant 64 : i32
        %sub3A_133 = arith.subi %add3A_94, %sub3A : i32
        %mul3A_134 = arith.constant 64 : i32
        %mul3A_135 = arith.muli %sub3A_133, %mul3A_134 : i32
        %dma_wait3A_136 = arith.constant 0 : i32
        %dma_wait3A_137 = tpu.memref_slice %arg3[%mul3A_135, %dma_wait3A_136] : memref<500000x128xf32, #tpu.memory_space<hbm>> -> memref<64x128xf32, #tpu.memory_space<hbm>>
        %dma_wait3A_138 = arith.constant 0 : i32
        %dma_wait3A_139 = tpu.memref_slice %arg3[%mul3A_135, %dma_wait3A_138] : memref<500000x128xf32, #tpu.memory_space<hbm>> -> memref<64x128xf32, #tpu.memory_space<hbm>>
        tpu.wait_dma2 semaphore(%arg13 : memref<!tpu.dma_semaphore, #tpu.memory_space<semaphore_mem>>) src(%arg7 : memref<64x128xf32, #tpu.memory_space<vmem>>) dst(%dma_wait3A_139 : memref<64x128xf32, #tpu.memory_space<hbm>>)
      } else {
      }
      %scan3A_121 = arith.constant 0 : i32
      %scan3A_122 = arith.constant 0 : i32
      %scan3A_123 = arith.constant 16 : i32
      %scan3A_124 = arith.addi %scan3A_122, %scan3A_123 : i32
      %scan3A_125 = arith.constant 1 : i32
      scf.for %scan3A_133 = %scan3A_122 to %scan3A_124 step %scan3A_125  : i32 {
        %add3A_134 = vector.broadcast %scan3A_133 : i32 to vector<16xi32>
        %add3A_135 = arith.addi %iota3A, %add3A_134 : vector<16xi32>
        %and3A = arith.constant 15 : i32
        %and3A_136 = vector.broadcast %and3A : i32 to vector<16xi32>
        %and3A_137 = arith.andi %add3A_135, %and3A_136 : vector<16xi32>
        %add3A_138 = arith.constant 0 : i32
        %add3A_139 = vector.broadcast %add3A_138 : i32 to vector<16xi32>
        %add3A_140 = arith.addi %add3A_139, %and3A_137 : vector<16xi32>
        %add3A_141 = arith.constant 0 : i32
        %add3A_142 = vector.broadcast %add3A_141 : i32 to vector<16xi32>
        %add3A_143 = arith.addi %add3A_142, %iota3A : vector<16xi32>
        %gather3A = tpu.vector_load_idx %arg5[%add3A_140, %add3A_143] : memref<64x128xf32, #tpu.memory_space<vmem>>[vector<16xi32>, vector<16xi32>], vector<16xf32>,
        %shift_right_arithmetic3A = arith.constant 1 : i32
        %shift_right_arithmetic3A_144 = vector.broadcast %shift_right_arithmetic3A : i32 to vector<16xi32>
        %shift_right_arithmetic3A_145 = arith.shrsi %add3A_143, %shift_right_arithmetic3A_144 : vector<16xi32>
        %and3A_146 = arith.constant 1 : i32
        %and3A_147 = vector.broadcast %and3A_146 : i32 to vector<16xi32>
        %and3A_148 = arith.andi %add3A_143, %and3A_147 : vector<16xi32>
        %shift_left3A = arith.constant 6 : i32
        %shift_left3A_149 = vector.broadcast %shift_left3A : i32 to vector<16xi32>
        %shift_left3A_150 = arith.shli %and3A_148, %shift_left3A_149 : vector<16xi32>
        %add3A_151 = arith.addi %shift_left3A_150, %add3A_140 : vector<16xi32>
        tpu.vector_store_idx %arg7[%shift_right_arithmetic3A_145, %add3A_151], %gather3A : memref<64x128xf32, #tpu.memory_space<vmem>>[vector<16xi32>, vector<16xi32>], vector<16xf32>,
        %add3A_152 = arith.constant 16 : i32
        %add3A_153 = vector.broadcast %add3A_152 : i32 to vector<16xi32>
        %add3A_154 = arith.addi %add3A_153, %iota3A : vector<16xi32>
        %gather3A_155 = tpu.vector_load_idx %arg5[%add3A_140, %add3A_154] : memref<64x128xf32, #tpu.memory_space<vmem>>[vector<16xi32>, vector<16xi32>], vector<16xf32>,
        %shift_right_arithmetic3A_156 = arith.constant 1 : i32
        %shift_right_arithmetic3A_157 = vector.broadcast %shift_right_arithmetic3A_156 : i32 to vector<16xi32>
        %shift_right_arithmetic3A_158 = arith.shrsi %add3A_154, %shift_right_arithmetic3A_157 : vector<16xi32>
        %and3A_159 = arith.constant 1 : i32
        %and3A_160 = vector.broadcast %and3A_159 : i32 to vector<16xi32>
        %and3A_161 = arith.andi %add3A_154, %and3A_160 : vector<16xi32>
        %shift_left3A_162 = arith.constant 6 : i32
        %shift_left3A_163 = vector.broadcast %shift_left3A_162 : i32 to vector<16xi32>
        %shift_left3A_164 = arith.shli %and3A_161, %shift_left3A_163 : vector<16xi32>
        %add3A_165 = arith.addi %shift_left3A_164, %add3A_140 : vector<16xi32>
        tpu.vector_store_idx %arg7[%shift_right_arithmetic3A_158, %add3A_165], %gather3A_155 : memref<64x128xf32, #tpu.memory_space<vmem>>[vector<16xi32>, vector<16xi32>], vector<16xf32>,
        %add3A_166 = arith.constant 32 : i32
        %add3A_167 = vector.broadcast %add3A_166 : i32 to vector<16xi32>
        %add3A_168 = arith.addi %add3A_167, %iota3A : vector<16xi32>
        %gather3A_169 = tpu.vector_load_idx %arg5[%add3A_140, %add3A_168] : memref<64x128xf32, #tpu.memory_space<vmem>>[vector<16xi32>, vector<16xi32>], vector<16xf32>,
        %shift_right_arithmetic3A_170 = arith.constant 1 : i32
        %shift_right_arithmetic3A_171 = vector.broadcast %shift_right_arithmetic3A_170 : i32 to vector<16xi32>
        %shift_right_arithmetic3A_172 = arith.shrsi %add3A_168, %shift_right_arithmetic3A_171 : vector<16xi32>
        %and3A_173 = arith.constant 1 : i32
        %and3A_174 = vector.broadcast %and3A_173 : i32 to vector<16xi32>
        %and3A_175 = arith.andi %add3A_168, %and3A_174 : vector<16xi32>
        %shift_left3A_176 = arith.constant 6 : i32
        %shift_left3A_177 = vector.broadcast %shift_left3A_176 : i32 to vector<16xi32>
        %shift_left3A_178 = arith.shli %and3A_175, %shift_left3A_177 : vector<16xi32>
        %add3A_179 = arith.addi %shift_left3A_178, %add3A_140 : vector<16xi32>
        tpu.vector_store_idx %arg7[%shift_right_arithmetic3A_172, %add3A_179], %gather3A_169 : memref<64x128xf32, #tpu.memory_space<vmem>>[vector<16xi32>, vector<16xi32>], vector<16xf32>,
        %add3A_180 = arith.constant 48 : i32
        %add3A_181 = vector.broadcast %add3A_180 : i32 to vector<16xi32>
        %add3A_182 = arith.addi %add3A_181, %iota3A : vector<16xi32>
        %gather3A_183 = tpu.vector_load_idx %arg5[%add3A_140, %add3A_182] : memref<64x128xf32, #tpu.memory_space<vmem>>[vector<16xi32>, vector<16xi32>], vector<16xf32>,
        %shift_right_arithmetic3A_184 = arith.constant 1 : i32
        %shift_right_arithmetic3A_185 = vector.broadcast %shift_right_arithmetic3A_184 : i32 to vector<16xi32>
        %shift_right_arithmetic3A_186 = arith.shrsi %add3A_182, %shift_right_arithmetic3A_185 : vector<16xi32>
        %and3A_187 = arith.constant 1 : i32
        %and3A_188 = vector.broadcast %and3A_187 : i32 to vector<16xi32>
        %and3A_189 = arith.andi %add3A_182, %and3A_188 : vector<16xi32>
        %shift_left3A_190 = arith.constant 6 : i32
        %shift_left3A_191 = vector.broadcast %shift_left3A_190 : i32 to vector<16xi32>
        %shift_left3A_192 = arith.shli %and3A_189, %shift_left3A_191 : vector<16xi32>
        %add3A_193 = arith.addi %shift_left3A_192, %add3A_140 : vector<16xi32>
        tpu.vector_store_idx %arg7[%shift_right_arithmetic3A_186, %add3A_193], %gather3A_183 : memref<64x128xf32, #tpu.memory_space<vmem>>[vector<16xi32>, vector<16xi32>], vector<16xf32>,
        %add3A_194 = arith.constant 64 : i32
        %add3A_195 = vector.broadcast %add3A_194 : i32 to vector<16xi32>
        %add3A_196 = arith.addi %add3A_195, %iota3A : vector<16xi32>
        %gather3A_197 = tpu.vector_load_idx %arg5[%add3A_140, %add3A_196] : memref<64x128xf32, #tpu.memory_space<vmem>>[vector<16xi32>, vector<16xi32>], vector<16xf32>,
        %shift_right_arithmetic3A_198 = arith.constant 1 : i32
        %shift_right_arithmetic3A_199 = vector.broadcast %shift_right_arithmetic3A_198 : i32 to vector<16xi32>
        %shift_right_arithmetic3A_200 = arith.shrsi %add3A_196, %shift_right_arithmetic3A_199 : vector<16xi32>
        %and3A_201 = arith.constant 1 : i32
        %and3A_202 = vector.broadcast %and3A_201 : i32 to vector<16xi32>
        %and3A_203 = arith.andi %add3A_196, %and3A_202 : vector<16xi32>
        %shift_left3A_204 = arith.constant 6 : i32
        %shift_left3A_205 = vector.broadcast %shift_left3A_204 : i32 to vector<16xi32>
        %shift_left3A_206 = arith.shli %and3A_203, %shift_left3A_205 : vector<16xi32>
        %add3A_207 = arith.addi %shift_left3A_206, %add3A_140 : vector<16xi32>
        tpu.vector_store_idx %arg7[%shift_right_arithmetic3A_200, %add3A_207], %gather3A_197 : memref<64x128xf32, #tpu.memory_space<vmem>>[vector<16xi32>, vector<16xi32>], vector<16xf32>,
        %add3A_208 = arith.constant 80 : i32
        %add3A_209 = vector.broadcast %add3A_208 : i32 to vector<16xi32>
        %add3A_210 = arith.addi %add3A_209, %iota3A : vector<16xi32>
        %gather3A_211 = tpu.vector_load_idx %arg5[%add3A_140, %add3A_210] : memref<64x128xf32, #tpu.memory_space<vmem>>[vector<16xi32>, vector<16xi32>], vector<16xf32>,
        %shift_right_arithmetic3A_212 = arith.constant 1 : i32
        %shift_right_arithmetic3A_213 = vector.broadcast %shift_right_arithmetic3A_212 : i32 to vector<16xi32>
        %shift_right_arithmetic3A_214 = arith.shrsi %add3A_210, %shift_right_arithmetic3A_213 : vector<16xi32>
        %and3A_215 = arith.constant 1 : i32
        %and3A_216 = vector.broadcast %and3A_215 : i32 to vector<16xi32>
        %and3A_217 = arith.andi %add3A_210, %and3A_216 : vector<16xi32>
        %shift_left3A_218 = arith.constant 6 : i32
        %shift_left3A_219 = vector.broadcast %shift_left3A_218 : i32 to vector<16xi32>
        %shift_left3A_220 = arith.shli %and3A_217, %shift_left3A_219 : vector<16xi32>
        %add3A_221 = arith.addi %shift_left3A_220, %add3A_140 : vector<16xi32>
        tpu.vector_store_idx %arg7[%shift_right_arithmetic3A_214, %add3A_221], %gather3A_211 : memref<64x128xf32, #tpu.memory_space<vmem>>[vector<16xi32>, vector<16xi32>], vector<16xf32>,
        %add3A_222 = arith.constant 96 : i32
        %add3A_223 = vector.broadcast %add3A_222 : i32 to vector<16xi32>
        %add3A_224 = arith.addi %add3A_223, %iota3A : vector<16xi32>
        %gather3A_225 = tpu.vector_load_idx %arg5[%add3A_140, %add3A_224] : memref<64x128xf32, #tpu.memory_space<vmem>>[vector<16xi32>, vector<16xi32>], vector<16xf32>,
        %shift_right_arithmetic3A_226 = arith.constant 1 : i32
        %shift_right_arithmetic3A_227 = vector.broadcast %shift_right_arithmetic3A_226 : i32 to vector<16xi32>
        %shift_right_arithmetic3A_228 = arith.shrsi %add3A_224, %shift_right_arithmetic3A_227 : vector<16xi32>
        %and3A_229 = arith.constant 1 : i32
        %and3A_230 = vector.broadcast %and3A_229 : i32 to vector<16xi32>
        %and3A_231 = arith.andi %add3A_224, %and3A_230 : vector<16xi32>
        %shift_left3A_232 = arith.constant 6 : i32
        %shift_left3A_233 = vector.broadcast %shift_left3A_232 : i32 to vector<16xi32>
        %shift_left3A_234 = arith.shli %and3A_231, %shift_left3A_233 : vector<16xi32>
        %add3A_235 = arith.addi %shift_left3A_234, %add3A_140 : vector<16xi32>
        tpu.vector_store_idx %arg7[%shift_right_arithmetic3A_228, %add3A_235], %gather3A_225 : memref<64x128xf32, #tpu.memory_space<vmem>>[vector<16xi32>, vector<16xi32>], vector<16xf32>,
        %add3A_236 = arith.constant 112 : i32
        %add3A_237 = vector.broadcast %add3A_236 : i32 to vector<16xi32>
        %add3A_238 = arith.addi %add3A_237, %iota3A : vector<16xi32>
        %gather3A_239 = tpu.vector_load_idx %arg5[%add3A_140, %add3A_238] : memref<64x128xf32, #tpu.memory_space<vmem>>[vector<16xi32>, vector<16xi32>], vector<16xf32>,
        %shift_right_arithmetic3A_240 = arith.constant 1 : i32
        %shift_right_arithmetic3A_241 = vector.broadcast %shift_right_arithmetic3A_240 : i32 to vector<16xi32>
        %shift_right_arithmetic3A_242 = arith.shrsi %add3A_238, %shift_right_arithmetic3A_241 : vector<16xi32>
        %and3A_243 = arith.constant 1 : i32
        %and3A_244 = vector.broadcast %and3A_243 : i32 to vector<16xi32>
        %and3A_245 = arith.andi %add3A_238, %and3A_244 : vector<16xi32>
        %shift_left3A_246 = arith.constant 6 : i32
        %shift_left3A_247 = vector.broadcast %shift_left3A_246 : i32 to vector<16xi32>
        %shift_left3A_248 = arith.shli %and3A_245, %shift_left3A_247 : vector<16xi32>
        %add3A_249 = arith.addi %shift_left3A_248, %add3A_140 : vector<16xi32>
        tpu.vector_store_idx %arg7[%shift_right_arithmetic3A_242, %add3A_249], %gather3A_239 : memref<64x128xf32, #tpu.memory_space<vmem>>[vector<16xi32>, vector<16xi32>], vector<16xf32>,
        %add3A_250 = arith.constant 16 : i32
        %add3A_251 = vector.broadcast %add3A_250 : i32 to vector<16xi32>
        %add3A_252 = arith.addi %add3A_251, %and3A_137 : vector<16xi32>
        %add3A_253 = arith.constant 0 : i32
        %add3A_254 = vector.broadcast %add3A_253 : i32 to vector<16xi32>
        %add3A_255 = arith.addi %add3A_254, %iota3A : vector<16xi32>
        %gather3A_256 = tpu.vector_load_idx %arg5[%add3A_252, %add3A_255] : memref<64x128xf32, #tpu.memory_space<vmem>>[vector<16xi32>, vector<16xi32>], vector<16xf32>,
        %shift_right_arithmetic3A_257 = arith.constant 1 : i32
        %shift_right_arithmetic3A_258 = vector.broadcast %shift_right_arithmetic3A_257 : i32 to vector<16xi32>
        %shift_right_arithmetic3A_259 = arith.shrsi %add3A_255, %shift_right_arithmetic3A_258 : vector<16xi32>
        %and3A_260 = arith.constant 1 : i32
        %and3A_261 = vector.broadcast %and3A_260 : i32 to vector<16xi32>
        %and3A_262 = arith.andi %add3A_255, %and3A_261 : vector<16xi32>
        %shift_left3A_263 = arith.constant 6 : i32
        %shift_left3A_264 = vector.broadcast %shift_left3A_263 : i32 to vector<16xi32>
        %shift_left3A_265 = arith.shli %and3A_262, %shift_left3A_264 : vector<16xi32>
        %add3A_266 = arith.addi %shift_left3A_265, %add3A_252 : vector<16xi32>
        tpu.vector_store_idx %arg7[%shift_right_arithmetic3A_259, %add3A_266], %gather3A_256 : memref<64x128xf32, #tpu.memory_space<vmem>>[vector<16xi32>, vector<16xi32>], vector<16xf32>,
        %add3A_267 = arith.constant 16 : i32
        %add3A_268 = vector.broadcast %add3A_267 : i32 to vector<16xi32>
        %add3A_269 = arith.addi %add3A_268, %iota3A : vector<16xi32>
        %gather3A_270 = tpu.vector_load_idx %arg5[%add3A_252, %add3A_269] : memref<64x128xf32, #tpu.memory_space<vmem>>[vector<16xi32>, vector<16xi32>], vector<16xf32>,
        %shift_right_arithmetic3A_271 = arith.constant 1 : i32
        %shift_right_arithmetic3A_272 = vector.broadcast %shift_right_arithmetic3A_271 : i32 to vector<16xi32>
        %shift_right_arithmetic3A_273 = arith.shrsi %add3A_269, %shift_right_arithmetic3A_272 : vector<16xi32>
        %and3A_274 = arith.constant 1 : i32
        %and3A_275 = vector.broadcast %and3A_274 : i32 to vector<16xi32>
        %and3A_276 = arith.andi %add3A_269, %and3A_275 : vector<16xi32>
        %shift_left3A_277 = arith.constant 6 : i32
        %shift_left3A_278 = vector.broadcast %shift_left3A_277 : i32 to vector<16xi32>
        %shift_left3A_279 = arith.shli %and3A_276, %shift_left3A_278 : vector<16xi32>
        %add3A_280 = arith.addi %shift_left3A_279, %add3A_252 : vector<16xi32>
        tpu.vector_store_idx %arg7[%shift_right_arithmetic3A_273, %add3A_280], %gather3A_270 : memref<64x128xf32, #tpu.memory_space<vmem>>[vector<16xi32>, vector<16xi32>], vector<16xf32>,
        %add3A_281 = arith.constant 32 : i32
        %add3A_282 = vector.broadcast %add3A_281 : i32 to vector<16xi32>
        %add3A_283 = arith.addi %add3A_282, %iota3A : vector<16xi32>
        %gather3A_284 = tpu.vector_load_idx %arg5[%add3A_252, %add3A_283] : memref<64x128xf32, #tpu.memory_space<vmem>>[vector<16xi32>, vector<16xi32>], vector<16xf32>,
        %shift_right_arithmetic3A_285 = arith.constant 1 : i32
        %shift_right_arithmetic3A_286 = vector.broadcast %shift_right_arithmetic3A_285 : i32 to vector<16xi32>
        %shift_right_arithmetic3A_287 = arith.shrsi %add3A_283, %shift_right_arithmetic3A_286 : vector<16xi32>
        %and3A_288 = arith.constant 1 : i32
        %and3A_289 = vector.broadcast %and3A_288 : i32 to vector<16xi32>
        %and3A_290 = arith.andi %add3A_283, %and3A_289 : vector<16xi32>
        %shift_left3A_291 = arith.constant 6 : i32
        %shift_left3A_292 = vector.broadcast %shift_left3A_291 : i32 to vector<16xi32>
        %shift_left3A_293 = arith.shli %and3A_290, %shift_left3A_292 : vector<16xi32>
        %add3A_294 = arith.addi %shift_left3A_293, %add3A_252 : vector<16xi32>
        tpu.vector_store_idx %arg7[%shift_right_arithmetic3A_287, %add3A_294], %gather3A_284 : memref<64x128xf32, #tpu.memory_space<vmem>>[vector<16xi32>, vector<16xi32>], vector<16xf32>,
        %add3A_295 = arith.constant 48 : i32
        %add3A_296 = vector.broadcast %add3A_295 : i32 to vector<16xi32>
        %add3A_297 = arith.addi %add3A_296, %iota3A : vector<16xi32>
        %gather3A_298 = tpu.vector_load_idx %arg5[%add3A_252, %add3A_297] : memref<64x128xf32, #tpu.memory_space<vmem>>[vector<16xi32>, vector<16xi32>], vector<16xf32>,
        %shift_right_arithmetic3A_299 = arith.constant 1 : i32
        %shift_right_arithmetic3A_300 = vector.broadcast %shift_right_arithmetic3A_299 : i32 to vector<16xi32>
        %shift_right_arithmetic3A_301 = arith.shrsi %add3A_297, %shift_right_arithmetic3A_300 : vector<16xi32>
        %and3A_302 = arith.constant 1 : i32
        %and3A_303 = vector.broadcast %and3A_302 : i32 to vector<16xi32>
        %and3A_304 = arith.andi %add3A_297, %and3A_303 : vector<16xi32>
        %shift_left3A_305 = arith.constant 6 : i32
        %shift_left3A_306 = vector.broadcast %shift_left3A_305 : i32 to vector<16xi32>
        %shift_left3A_307 = arith.shli %and3A_304, %shift_left3A_306 : vector<16xi32>
        %add3A_308 = arith.addi %shift_left3A_307, %add3A_252 : vector<16xi32>
        tpu.vector_store_idx %arg7[%shift_right_arithmetic3A_301, %add3A_308], %gather3A_298 : memref<64x128xf32, #tpu.memory_space<vmem>>[vector<16xi32>, vector<16xi32>], vector<16xf32>,
        %add3A_309 = arith.constant 64 : i32
        %add3A_310 = vector.broadcast %add3A_309 : i32 to vector<16xi32>
        %add3A_311 = arith.addi %add3A_310, %iota3A : vector<16xi32>
        %gather3A_312 = tpu.vector_load_idx %arg5[%add3A_252, %add3A_311] : memref<64x128xf32, #tpu.memory_space<vmem>>[vector<16xi32>, vector<16xi32>], vector<16xf32>,
        %shift_right_arithmetic3A_313 = arith.constant 1 : i32
        %shift_right_arithmetic3A_314 = vector.broadcast %shift_right_arithmetic3A_313 : i32 to vector<16xi32>
        %shift_right_arithmetic3A_315 = arith.shrsi %add3A_311, %shift_right_arithmetic3A_314 : vector<16xi32>
        %and3A_316 = arith.constant 1 : i32
        %and3A_317 = vector.broadcast %and3A_316 : i32 to vector<16xi32>
        %and3A_318 = arith.andi %add3A_311, %and3A_317 : vector<16xi32>
        %shift_left3A_319 = arith.constant 6 : i32
        %shift_left3A_320 = vector.broadcast %shift_left3A_319 : i32 to vector<16xi32>
        %shift_left3A_321 = arith.shli %and3A_318, %shift_left3A_320 : vector<16xi32>
        %add3A_322 = arith.addi %shift_left3A_321, %add3A_252 : vector<16xi32>
        tpu.vector_store_idx %arg7[%shift_right_arithmetic3A_315, %add3A_322], %gather3A_312 : memref<64x128xf32, #tpu.memory_space<vmem>>[vector<16xi32>, vector<16xi32>], vector<16xf32>,
        %add3A_323 = arith.constant 80 : i32
        %add3A_324 = vector.broadcast %add3A_323 : i32 to vector<16xi32>
        %add3A_325 = arith.addi %add3A_324, %iota3A : vector<16xi32>
        %gather3A_326 = tpu.vector_load_idx %arg5[%add3A_252, %add3A_325] : memref<64x128xf32, #tpu.memory_space<vmem>>[vector<16xi32>, vector<16xi32>], vector<16xf32>,
        %shift_right_arithmetic3A_327 = arith.constant 1 : i32
        %shift_right_arithmetic3A_328 = vector.broadcast %shift_right_arithmetic3A_327 : i32 to vector<16xi32>
        %shift_right_arithmetic3A_329 = arith.shrsi %add3A_325, %shift_right_arithmetic3A_328 : vector<16xi32>
        %and3A_330 = arith.constant 1 : i32
        %and3A_331 = vector.broadcast %and3A_330 : i32 to vector<16xi32>
        %and3A_332 = arith.andi %add3A_325, %and3A_331 : vector<16xi32>
        %shift_left3A_333 = arith.constant 6 : i32
        %shift_left3A_334 = vector.broadcast %shift_left3A_333 : i32 to vector<16xi32>
        %shift_left3A_335 = arith.shli %and3A_332, %shift_left3A_334 : vector<16xi32>
        %add3A_336 = arith.addi %shift_left3A_335, %add3A_252 : vector<16xi32>
        tpu.vector_store_idx %arg7[%shift_right_arithmetic3A_329, %add3A_336], %gather3A_326 : memref<64x128xf32, #tpu.memory_space<vmem>>[vector<16xi32>, vector<16xi32>], vector<16xf32>,
        %add3A_337 = arith.constant 96 : i32
        %add3A_338 = vector.broadcast %add3A_337 : i32 to vector<16xi32>
        %add3A_339 = arith.addi %add3A_338, %iota3A : vector<16xi32>
        %gather3A_340 = tpu.vector_load_idx %arg5[%add3A_252, %add3A_339] : memref<64x128xf32, #tpu.memory_space<vmem>>[vector<16xi32>, vector<16xi32>], vector<16xf32>,
        %shift_right_arithmetic3A_341 = arith.constant 1 : i32
        %shift_right_arithmetic3A_342 = vector.broadcast %shift_right_arithmetic3A_341 : i32 to vector<16xi32>
        %shift_right_arithmetic3A_343 = arith.shrsi %add3A_339, %shift_right_arithmetic3A_342 : vector<16xi32>
        %and3A_344 = arith.constant 1 : i32
        %and3A_345 = vector.broadcast %and3A_344 : i32 to vector<16xi32>
        %and3A_346 = arith.andi %add3A_339, %and3A_345 : vector<16xi32>
        %shift_left3A_347 = arith.constant 6 : i32
        %shift_left3A_348 = vector.broadcast %shift_left3A_347 : i32 to vector<16xi32>
        %shift_left3A_349 = arith.shli %and3A_346, %shift_left3A_348 : vector<16xi32>
        %add3A_350 = arith.addi %shift_left3A_349, %add3A_252 : vector<16xi32>
        tpu.vector_store_idx %arg7[%shift_right_arithmetic3A_343, %add3A_350], %gather3A_340 : memref<64x128xf32, #tpu.memory_space<vmem>>[vector<16xi32>, vector<16xi32>], vector<16xf32>,
        %add3A_351 = arith.constant 112 : i32
        %add3A_352 = vector.broadcast %add3A_351 : i32 to vector<16xi32>
        %add3A_353 = arith.addi %add3A_352, %iota3A : vector<16xi32>
        %gather3A_354 = tpu.vector_load_idx %arg5[%add3A_252, %add3A_353] : memref<64x128xf32, #tpu.memory_space<vmem>>[vector<16xi32>, vector<16xi32>], vector<16xf32>,
        %shift_right_arithmetic3A_355 = arith.constant 1 : i32
        %shift_right_arithmetic3A_356 = vector.broadcast %shift_right_arithmetic3A_355 : i32 to vector<16xi32>
        %shift_right_arithmetic3A_357 = arith.shrsi %add3A_353, %shift_right_arithmetic3A_356 : vector<16xi32>
        %and3A_358 = arith.constant 1 : i32
        %and3A_359 = vector.broadcast %and3A_358 : i32 to vector<16xi32>
        %and3A_360 = arith.andi %add3A_353, %and3A_359 : vector<16xi32>
        %shift_left3A_361 = arith.constant 6 : i32
        %shift_left3A_362 = vector.broadcast %shift_left3A_361 : i32 to vector<16xi32>
        %shift_left3A_363 = arith.shli %and3A_360, %shift_left3A_362 : vector<16xi32>
        %add3A_364 = arith.addi %shift_left3A_363, %add3A_252 : vector<16xi32>
        tpu.vector_store_idx %arg7[%shift_right_arithmetic3A_357, %add3A_364], %gather3A_354 : memref<64x128xf32, #tpu.memory_space<vmem>>[vector<16xi32>, vector<16xi32>], vector<16xf32>,
        %add3A_365 = arith.constant 32 : i32
        %add3A_366 = vector.broadcast %add3A_365 : i32 to vector<16xi32>
        %add3A_367 = arith.addi %add3A_366, %and3A_137 : vector<16xi32>
        %add3A_368 = arith.constant 0 : i32
        %add3A_369 = vector.broadcast %add3A_368 : i32 to vector<16xi32>
        %add3A_370 = arith.addi %add3A_369, %iota3A : vector<16xi32>
        %gather3A_371 = tpu.vector_load_idx %arg5[%add3A_367, %add3A_370] : memref<64x128xf32, #tpu.memory_space<vmem>>[vector<16xi32>, vector<16xi32>], vector<16xf32>,
        %shift_right_arithmetic3A_372 = arith.constant 1 : i32
        %shift_right_arithmetic3A_373 = vector.broadcast %shift_right_arithmetic3A_372 : i32 to vector<16xi32>
        %shift_right_arithmetic3A_374 = arith.shrsi %add3A_370, %shift_right_arithmetic3A_373 : vector<16xi32>
        %and3A_375 = arith.constant 1 : i32
        %and3A_376 = vector.broadcast %and3A_375 : i32 to vector<16xi32>
        %and3A_377 = arith.andi %add3A_370, %and3A_376 : vector<16xi32>
        %shift_left3A_378 = arith.constant 6 : i32
        %shift_left3A_379 = vector.broadcast %shift_left3A_378 : i32 to vector<16xi32>
        %shift_left3A_380 = arith.shli %and3A_377, %shift_left3A_379 : vector<16xi32>
        %add3A_381 = arith.addi %shift_left3A_380, %add3A_367 : vector<16xi32>
        tpu.vector_store_idx %arg7[%shift_right_arithmetic3A_374, %add3A_381], %gather3A_371 : memref<64x128xf32, #tpu.memory_space<vmem>>[vector<16xi32>, vector<16xi32>], vector<16xf32>,
        %add3A_382 = arith.constant 16 : i32
        %add3A_383 = vector.broadcast %add3A_382 : i32 to vector<16xi32>
        %add3A_384 = arith.addi %add3A_383, %iota3A : vector<16xi32>
        %gather3A_385 = tpu.vector_load_idx %arg5[%add3A_367, %add3A_384] : memref<64x128xf32, #tpu.memory_space<vmem>>[vector<16xi32>, vector<16xi32>], vector<16xf32>,
        %shift_right_arithmetic3A_386 = arith.constant 1 : i32
        %shift_right_arithmetic3A_387 = vector.broadcast %shift_right_arithmetic3A_386 : i32 to vector<16xi32>
        %shift_right_arithmetic3A_388 = arith.shrsi %add3A_384, %shift_right_arithmetic3A_387 : vector<16xi32>
        %and3A_389 = arith.constant 1 : i32
        %and3A_390 = vector.broadcast %and3A_389 : i32 to vector<16xi32>
        %and3A_391 = arith.andi %add3A_384, %and3A_390 : vector<16xi32>
        %shift_left3A_392 = arith.constant 6 : i32
        %shift_left3A_393 = vector.broadcast %shift_left3A_392 : i32 to vector<16xi32>
        %shift_left3A_394 = arith.shli %and3A_391, %shift_left3A_393 : vector<16xi32>
        %add3A_395 = arith.addi %shift_left3A_394, %add3A_367 : vector<16xi32>
        tpu.vector_store_idx %arg7[%shift_right_arithmetic3A_388, %add3A_395], %gather3A_385 : memref<64x128xf32, #tpu.memory_space<vmem>>[vector<16xi32>, vector<16xi32>], vector<16xf32>,
        %add3A_396 = arith.constant 32 : i32
        %add3A_397 = vector.broadcast %add3A_396 : i32 to vector<16xi32>
        %add3A_398 = arith.addi %add3A_397, %iota3A : vector<16xi32>
        %gather3A_399 = tpu.vector_load_idx %arg5[%add3A_367, %add3A_398] : memref<64x128xf32, #tpu.memory_space<vmem>>[vector<16xi32>, vector<16xi32>], vector<16xf32>,
        %shift_right_arithmetic3A_400 = arith.constant 1 : i32
        %shift_right_arithmetic3A_401 = vector.broadcast %shift_right_arithmetic3A_400 : i32 to vector<16xi32>
        %shift_right_arithmetic3A_402 = arith.shrsi %add3A_398, %shift_right_arithmetic3A_401 : vector<16xi32>
        %and3A_403 = arith.constant 1 : i32
        %and3A_404 = vector.broadcast %and3A_403 : i32 to vector<16xi32>
        %and3A_405 = arith.andi %add3A_398, %and3A_404 : vector<16xi32>
        %shift_left3A_406 = arith.constant 6 : i32
        %shift_left3A_407 = vector.broadcast %shift_left3A_406 : i32 to vector<16xi32>
        %shift_left3A_408 = arith.shli %and3A_405, %shift_left3A_407 : vector<16xi32>
        %add3A_409 = arith.addi %shift_left3A_408, %add3A_367 : vector<16xi32>
        tpu.vector_store_idx %arg7[%shift_right_arithmetic3A_402, %add3A_409], %gather3A_399 : memref<64x128xf32, #tpu.memory_space<vmem>>[vector<16xi32>, vector<16xi32>], vector<16xf32>,
        %add3A_410 = arith.constant 48 : i32
        %add3A_411 = vector.broadcast %add3A_410 : i32 to vector<16xi32>
        %add3A_412 = arith.addi %add3A_411, %iota3A : vector<16xi32>
        %gather3A_413 = tpu.vector_load_idx %arg5[%add3A_367, %add3A_412] : memref<64x128xf32, #tpu.memory_space<vmem>>[vector<16xi32>, vector<16xi32>], vector<16xf32>,
        %shift_right_arithmetic3A_414 = arith.constant 1 : i32
        %shift_right_arithmetic3A_415 = vector.broadcast %shift_right_arithmetic3A_414 : i32 to vector<16xi32>
        %shift_right_arithmetic3A_416 = arith.shrsi %add3A_412, %shift_right_arithmetic3A_415 : vector<16xi32>
        %and3A_417 = arith.constant 1 : i32
        %and3A_418 = vector.broadcast %and3A_417 : i32 to vector<16xi32>
        %and3A_419 = arith.andi %add3A_412, %and3A_418 : vector<16xi32>
        %shift_left3A_420 = arith.constant 6 : i32
        %shift_left3A_421 = vector.broadcast %shift_left3A_420 : i32 to vector<16xi32>
        %shift_left3A_422 = arith.shli %and3A_419, %shift_left3A_421 : vector<16xi32>
        %add3A_423 = arith.addi %shift_left3A_422, %add3A_367 : vector<16xi32>
        tpu.vector_store_idx %arg7[%shift_right_arithmetic3A_416, %add3A_423], %gather3A_413 : memref<64x128xf32, #tpu.memory_space<vmem>>[vector<16xi32>, vector<16xi32>], vector<16xf32>,
        %add3A_424 = arith.constant 64 : i32
        %add3A_425 = vector.broadcast %add3A_424 : i32 to vector<16xi32>
        %add3A_426 = arith.addi %add3A_425, %iota3A : vector<16xi32>
        %gather3A_427 = tpu.vector_load_idx %arg5[%add3A_367, %add3A_426] : memref<64x128xf32, #tpu.memory_space<vmem>>[vector<16xi32>, vector<16xi32>], vector<16xf32>,
        %shift_right_arithmetic3A_428 = arith.constant 1 : i32
        %shift_right_arithmetic3A_429 = vector.broadcast %shift_right_arithmetic3A_428 : i32 to vector<16xi32>
        %shift_right_arithmetic3A_430 = arith.shrsi %add3A_426, %shift_right_arithmetic3A_429 : vector<16xi32>
        %and3A_431 = arith.constant 1 : i32
        %and3A_432 = vector.broadcast %and3A_431 : i32 to vector<16xi32>
        %and3A_433 = arith.andi %add3A_426, %and3A_432 : vector<16xi32>
        %shift_left3A_434 = arith.constant 6 : i32
        %shift_left3A_435 = vector.broadcast %shift_left3A_434 : i32 to vector<16xi32>
        %shift_left3A_436 = arith.shli %and3A_433, %shift_left3A_435 : vector<16xi32>
        %add3A_437 = arith.addi %shift_left3A_436, %add3A_367 : vector<16xi32>
        tpu.vector_store_idx %arg7[%shift_right_arithmetic3A_430, %add3A_437], %gather3A_427 : memref<64x128xf32, #tpu.memory_space<vmem>>[vector<16xi32>, vector<16xi32>], vector<16xf32>,
        %add3A_438 = arith.constant 80 : i32
        %add3A_439 = vector.broadcast %add3A_438 : i32 to vector<16xi32>
        %add3A_440 = arith.addi %add3A_439, %iota3A : vector<16xi32>
        %gather3A_441 = tpu.vector_load_idx %arg5[%add3A_367, %add3A_440] : memref<64x128xf32, #tpu.memory_space<vmem>>[vector<16xi32>, vector<16xi32>], vector<16xf32>,
        %shift_right_arithmetic3A_442 = arith.constant 1 : i32
        %shift_right_arithmetic3A_443 = vector.broadcast %shift_right_arithmetic3A_442 : i32 to vector<16xi32>
        %shift_right_arithmetic3A_444 = arith.shrsi %add3A_440, %shift_right_arithmetic3A_443 : vector<16xi32>
        %and3A_445 = arith.constant 1 : i32
        %and3A_446 = vector.broadcast %and3A_445 : i32 to vector<16xi32>
        %and3A_447 = arith.andi %add3A_440, %and3A_446 : vector<16xi32>
        %shift_left3A_448 = arith.constant 6 : i32
        %shift_left3A_449 = vector.broadcast %shift_left3A_448 : i32 to vector<16xi32>
        %shift_left3A_450 = arith.shli %and3A_447, %shift_left3A_449 : vector<16xi32>
        %add3A_451 = arith.addi %shift_left3A_450, %add3A_367 : vector<16xi32>
        tpu.vector_store_idx %arg7[%shift_right_arithmetic3A_444, %add3A_451], %gather3A_441 : memref<64x128xf32, #tpu.memory_space<vmem>>[vector<16xi32>, vector<16xi32>], vector<16xf32>,
        %add3A_452 = arith.constant 96 : i32
        %add3A_453 = vector.broadcast %add3A_452 : i32 to vector<16xi32>
        %add3A_454 = arith.addi %add3A_453, %iota3A : vector<16xi32>
        %gather3A_455 = tpu.vector_load_idx %arg5[%add3A_367, %add3A_454] : memref<64x128xf32, #tpu.memory_space<vmem>>[vector<16xi32>, vector<16xi32>], vector<16xf32>,
        %shift_right_arithmetic3A_456 = arith.constant 1 : i32
        %shift_right_arithmetic3A_457 = vector.broadcast %shift_right_arithmetic3A_456 : i32 to vector<16xi32>
        %shift_right_arithmetic3A_458 = arith.shrsi %add3A_454, %shift_right_arithmetic3A_457 : vector<16xi32>
        %and3A_459 = arith.constant 1 : i32
        %and3A_460 = vector.broadcast %and3A_459 : i32 to vector<16xi32>
        %and3A_461 = arith.andi %add3A_454, %and3A_460 : vector<16xi32>
        %shift_left3A_462 = arith.constant 6 : i32
        %shift_left3A_463 = vector.broadcast %shift_left3A_462 : i32 to vector<16xi32>
        %shift_left3A_464 = arith.shli %and3A_461, %shift_left3A_463 : vector<16xi32>
        %add3A_465 = arith.addi %shift_left3A_464, %add3A_367 : vector<16xi32>
        tpu.vector_store_idx %arg7[%shift_right_arithmetic3A_458, %add3A_465], %gather3A_455 : memref<64x128xf32, #tpu.memory_space<vmem>>[vector<16xi32>, vector<16xi32>], vector<16xf32>,
        %add3A_466 = arith.constant 112 : i32
        %add3A_467 = vector.broadcast %add3A_466 : i32 to vector<16xi32>
        %add3A_468 = arith.addi %add3A_467, %iota3A : vector<16xi32>
        %gather3A_469 = tpu.vector_load_idx %arg5[%add3A_367, %add3A_468] : memref<64x128xf32, #tpu.memory_space<vmem>>[vector<16xi32>, vector<16xi32>], vector<16xf32>,
        %shift_right_arithmetic3A_470 = arith.constant 1 : i32
        %shift_right_arithmetic3A_471 = vector.broadcast %shift_right_arithmetic3A_470 : i32 to vector<16xi32>
        %shift_right_arithmetic3A_472 = arith.shrsi %add3A_468, %shift_right_arithmetic3A_471 : vector<16xi32>
        %and3A_473 = arith.constant 1 : i32
        %and3A_474 = vector.broadcast %and3A_473 : i32 to vector<16xi32>
        %and3A_475 = arith.andi %add3A_468, %and3A_474 : vector<16xi32>
        %shift_left3A_476 = arith.constant 6 : i32
        %shift_left3A_477 = vector.broadcast %shift_left3A_476 : i32 to vector<16xi32>
        %shift_left3A_478 = arith.shli %and3A_475, %shift_left3A_477 : vector<16xi32>
        %add3A_479 = arith.addi %shift_left3A_478, %add3A_367 : vector<16xi32>
        tpu.vector_store_idx %arg7[%shift_right_arithmetic3A_472, %add3A_479], %gather3A_469 : memref<64x128xf32, #tpu.memory_space<vmem>>[vector<16xi32>, vector<16xi32>], vector<16xf32>,
        %add3A_480 = arith.constant 48 : i32
        %add3A_481 = vector.broadcast %add3A_480 : i32 to vector<16xi32>
        %add3A_482 = arith.addi %add3A_481, %and3A_137 : vector<16xi32>
        %add3A_483 = arith.constant 0 : i32
        %add3A_484 = vector.broadcast %add3A_483 : i32 to vector<16xi32>
        %add3A_485 = arith.addi %add3A_484, %iota3A : vector<16xi32>
        %gather3A_486 = tpu.vector_load_idx %arg5[%add3A_482, %add3A_485] : memref<64x128xf32, #tpu.memory_space<vmem>>[vector<16xi32>, vector<16xi32>], vector<16xf32>,
        %shift_right_arithmetic3A_487 = arith.constant 1 : i32
        %shift_right_arithmetic3A_488 = vector.broadcast %shift_right_arithmetic3A_487 : i32 to vector<16xi32>
        %shift_right_arithmetic3A_489 = arith.shrsi %add3A_485, %shift_right_arithmetic3A_488 : vector<16xi32>
        %and3A_490 = arith.constant 1 : i32
        %and3A_491 = vector.broadcast %and3A_490 : i32 to vector<16xi32>
        %and3A_492 = arith.andi %add3A_485, %and3A_491 : vector<16xi32>
        %shift_left3A_493 = arith.constant 6 : i32
        %shift_left3A_494 = vector.broadcast %shift_left3A_493 : i32 to vector<16xi32>
        %shift_left3A_495 = arith.shli %and3A_492, %shift_left3A_494 : vector<16xi32>
        %add3A_496 = arith.addi %shift_left3A_495, %add3A_482 : vector<16xi32>
        tpu.vector_store_idx %arg7[%shift_right_arithmetic3A_489, %add3A_496], %gather3A_486 : memref<64x128xf32, #tpu.memory_space<vmem>>[vector<16xi32>, vector<16xi32>], vector<16xf32>,
        %add3A_497 = arith.constant 16 : i32
        %add3A_498 = vector.broadcast %add3A_497 : i32 to vector<16xi32>
        %add3A_499 = arith.addi %add3A_498, %iota3A : vector<16xi32>
        %gather3A_500 = tpu.vector_load_idx %arg5[%add3A_482, %add3A_499] : memref<64x128xf32, #tpu.memory_space<vmem>>[vector<16xi32>, vector<16xi32>], vector<16xf32>,
        %shift_right_arithmetic3A_501 = arith.constant 1 : i32
        %shift_right_arithmetic3A_502 = vector.broadcast %shift_right_arithmetic3A_501 : i32 to vector<16xi32>
        %shift_right_arithmetic3A_503 = arith.shrsi %add3A_499, %shift_right_arithmetic3A_502 : vector<16xi32>
        %and3A_504 = arith.constant 1 : i32
        %and3A_505 = vector.broadcast %and3A_504 : i32 to vector<16xi32>
        %and3A_506 = arith.andi %add3A_499, %and3A_505 : vector<16xi32>
        %shift_left3A_507 = arith.constant 6 : i32
        %shift_left3A_508 = vector.broadcast %shift_left3A_507 : i32 to vector<16xi32>
        %shift_left3A_509 = arith.shli %and3A_506, %shift_left3A_508 : vector<16xi32>
        %add3A_510 = arith.addi %shift_left3A_509, %add3A_482 : vector<16xi32>
        tpu.vector_store_idx %arg7[%shift_right_arithmetic3A_503, %add3A_510], %gather3A_500 : memref<64x128xf32, #tpu.memory_space<vmem>>[vector<16xi32>, vector<16xi32>], vector<16xf32>,
        %add3A_511 = arith.constant 32 : i32
        %add3A_512 = vector.broadcast %add3A_511 : i32 to vector<16xi32>
        %add3A_513 = arith.addi %add3A_512, %iota3A : vector<16xi32>
        %gather3A_514 = tpu.vector_load_idx %arg5[%add3A_482, %add3A_513] : memref<64x128xf32, #tpu.memory_space<vmem>>[vector<16xi32>, vector<16xi32>], vector<16xf32>,
        %shift_right_arithmetic3A_515 = arith.constant 1 : i32
        %shift_right_arithmetic3A_516 = vector.broadcast %shift_right_arithmetic3A_515 : i32 to vector<16xi32>
        %shift_right_arithmetic3A_517 = arith.shrsi %add3A_513, %shift_right_arithmetic3A_516 : vector<16xi32>
        %and3A_518 = arith.constant 1 : i32
        %and3A_519 = vector.broadcast %and3A_518 : i32 to vector<16xi32>
        %and3A_520 = arith.andi %add3A_513, %and3A_519 : vector<16xi32>
        %shift_left3A_521 = arith.constant 6 : i32
        %shift_left3A_522 = vector.broadcast %shift_left3A_521 : i32 to vector<16xi32>
        %shift_left3A_523 = arith.shli %and3A_520, %shift_left3A_522 : vector<16xi32>
        %add3A_524 = arith.addi %shift_left3A_523, %add3A_482 : vector<16xi32>
        tpu.vector_store_idx %arg7[%shift_right_arithmetic3A_517, %add3A_524], %gather3A_514 : memref<64x128xf32, #tpu.memory_space<vmem>>[vector<16xi32>, vector<16xi32>], vector<16xf32>,
        %add3A_525 = arith.constant 48 : i32
        %add3A_526 = vector.broadcast %add3A_525 : i32 to vector<16xi32>
        %add3A_527 = arith.addi %add3A_526, %iota3A : vector<16xi32>
        %gather3A_528 = tpu.vector_load_idx %arg5[%add3A_482, %add3A_527] : memref<64x128xf32, #tpu.memory_space<vmem>>[vector<16xi32>, vector<16xi32>], vector<16xf32>,
        %shift_right_arithmetic3A_529 = arith.constant 1 : i32
        %shift_right_arithmetic3A_530 = vector.broadcast %shift_right_arithmetic3A_529 : i32 to vector<16xi32>
        %shift_right_arithmetic3A_531 = arith.shrsi %add3A_527, %shift_right_arithmetic3A_530 : vector<16xi32>
        %and3A_532 = arith.constant 1 : i32
        %and3A_533 = vector.broadcast %and3A_532 : i32 to vector<16xi32>
        %and3A_534 = arith.andi %add3A_527, %and3A_533 : vector<16xi32>
        %shift_left3A_535 = arith.constant 6 : i32
        %shift_left3A_536 = vector.broadcast %shift_left3A_535 : i32 to vector<16xi32>
        %shift_left3A_537 = arith.shli %and3A_534, %shift_left3A_536 : vector<16xi32>
        %add3A_538 = arith.addi %shift_left3A_537, %add3A_482 : vector<16xi32>
        tpu.vector_store_idx %arg7[%shift_right_arithmetic3A_531, %add3A_538], %gather3A_528 : memref<64x128xf32, #tpu.memory_space<vmem>>[vector<16xi32>, vector<16xi32>], vector<16xf32>,
        %add3A_539 = arith.constant 64 : i32
        %add3A_540 = vector.broadcast %add3A_539 : i32 to vector<16xi32>
        %add3A_541 = arith.addi %add3A_540, %iota3A : vector<16xi32>
        %gather3A_542 = tpu.vector_load_idx %arg5[%add3A_482, %add3A_541] : memref<64x128xf32, #tpu.memory_space<vmem>>[vector<16xi32>, vector<16xi32>], vector<16xf32>,
        %shift_right_arithmetic3A_543 = arith.constant 1 : i32
        %shift_right_arithmetic3A_544 = vector.broadcast %shift_right_arithmetic3A_543 : i32 to vector<16xi32>
        %shift_right_arithmetic3A_545 = arith.shrsi %add3A_541, %shift_right_arithmetic3A_544 : vector<16xi32>
        %and3A_546 = arith.constant 1 : i32
        %and3A_547 = vector.broadcast %and3A_546 : i32 to vector<16xi32>
        %and3A_548 = arith.andi %add3A_541, %and3A_547 : vector<16xi32>
        %shift_left3A_549 = arith.constant 6 : i32
        %shift_left3A_550 = vector.broadcast %shift_left3A_549 : i32 to vector<16xi32>
        %shift_left3A_551 = arith.shli %and3A_548, %shift_left3A_550 : vector<16xi32>
        %add3A_552 = arith.addi %shift_left3A_551, %add3A_482 : vector<16xi32>
        tpu.vector_store_idx %arg7[%shift_right_arithmetic3A_545, %add3A_552], %gather3A_542 : memref<64x128xf32, #tpu.memory_space<vmem>>[vector<16xi32>, vector<16xi32>], vector<16xf32>,
        %add3A_553 = arith.constant 80 : i32
        %add3A_554 = vector.broadcast %add3A_553 : i32 to vector<16xi32>
        %add3A_555 = arith.addi %add3A_554, %iota3A : vector<16xi32>
        %gather3A_556 = tpu.vector_load_idx %arg5[%add3A_482, %add3A_555] : memref<64x128xf32, #tpu.memory_space<vmem>>[vector<16xi32>, vector<16xi32>], vector<16xf32>,
        %shift_right_arithmetic3A_557 = arith.constant 1 : i32
        %shift_right_arithmetic3A_558 = vector.broadcast %shift_right_arithmetic3A_557 : i32 to vector<16xi32>
        %shift_right_arithmetic3A_559 = arith.shrsi %add3A_555, %shift_right_arithmetic3A_558 : vector<16xi32>
        %and3A_560 = arith.constant 1 : i32
        %and3A_561 = vector.broadcast %and3A_560 : i32 to vector<16xi32>
        %and3A_562 = arith.andi %add3A_555, %and3A_561 : vector<16xi32>
        %shift_left3A_563 = arith.constant 6 : i32
        %shift_left3A_564 = vector.broadcast %shift_left3A_563 : i32 to vector<16xi32>
        %shift_left3A_565 = arith.shli %and3A_562, %shift_left3A_564 : vector<16xi32>
        %add3A_566 = arith.addi %shift_left3A_565, %add3A_482 : vector<16xi32>
        tpu.vector_store_idx %arg7[%shift_right_arithmetic3A_559, %add3A_566], %gather3A_556 : memref<64x128xf32, #tpu.memory_space<vmem>>[vector<16xi32>, vector<16xi32>], vector<16xf32>,
        %add3A_567 = arith.constant 96 : i32
        %add3A_568 = vector.broadcast %add3A_567 : i32 to vector<16xi32>
        %add3A_569 = arith.addi %add3A_568, %iota3A : vector<16xi32>
        %gather3A_570 = tpu.vector_load_idx %arg5[%add3A_482, %add3A_569] : memref<64x128xf32, #tpu.memory_space<vmem>>[vector<16xi32>, vector<16xi32>], vector<16xf32>,
        %shift_right_arithmetic3A_571 = arith.constant 1 : i32
        %shift_right_arithmetic3A_572 = vector.broadcast %shift_right_arithmetic3A_571 : i32 to vector<16xi32>
        %shift_right_arithmetic3A_573 = arith.shrsi %add3A_569, %shift_right_arithmetic3A_572 : vector<16xi32>
        %and3A_574 = arith.constant 1 : i32
        %and3A_575 = vector.broadcast %and3A_574 : i32 to vector<16xi32>
        %and3A_576 = arith.andi %add3A_569, %and3A_575 : vector<16xi32>
        %shift_left3A_577 = arith.constant 6 : i32
        %shift_left3A_578 = vector.broadcast %shift_left3A_577 : i32 to vector<16xi32>
        %shift_left3A_579 = arith.shli %and3A_576, %shift_left3A_578 : vector<16xi32>
        %add3A_580 = arith.addi %shift_left3A_579, %add3A_482 : vector<16xi32>
        tpu.vector_store_idx %arg7[%shift_right_arithmetic3A_573, %add3A_580], %gather3A_570 : memref<64x128xf32, #tpu.memory_space<vmem>>[vector<16xi32>, vector<16xi32>], vector<16xf32>,
        %add3A_581 = arith.constant 112 : i32
        %add3A_582 = vector.broadcast %add3A_581 : i32 to vector<16xi32>
        %add3A_583 = arith.addi %add3A_582, %iota3A : vector<16xi32>
        %gather3A_584 = tpu.vector_load_idx %arg5[%add3A_482, %add3A_583] : memref<64x128xf32, #tpu.memory_space<vmem>>[vector<16xi32>, vector<16xi32>], vector<16xf32>,
        %shift_right_arithmetic3A_585 = arith.constant 1 : i32
        %shift_right_arithmetic3A_586 = vector.broadcast %shift_right_arithmetic3A_585 : i32 to vector<16xi32>
        %shift_right_arithmetic3A_587 = arith.shrsi %add3A_583, %shift_right_arithmetic3A_586 : vector<16xi32>
        %and3A_588 = arith.constant 1 : i32
        %and3A_589 = vector.broadcast %and3A_588 : i32 to vector<16xi32>
        %and3A_590 = arith.andi %add3A_583, %and3A_589 : vector<16xi32>
        %shift_left3A_591 = arith.constant 6 : i32
        %shift_left3A_592 = vector.broadcast %shift_left3A_591 : i32 to vector<16xi32>
        %shift_left3A_593 = arith.shli %and3A_590, %shift_left3A_592 : vector<16xi32>
        %add3A_594 = arith.addi %shift_left3A_593, %add3A_482 : vector<16xi32>
        tpu.vector_store_idx %arg7[%shift_right_arithmetic3A_587, %add3A_594], %gather3A_584 : memref<64x128xf32, #tpu.memory_space<vmem>>[vector<16xi32>, vector<16xi32>], vector<16xf32>,
      }
      %scan3A_126 = arith.constant 16 : i32
      %mul3A_127 = arith.constant 64 : i32
      %mul3A_128 = arith.muli %add3A_94, %mul3A_127 : i32
      %dma_start3A_129 = arith.constant 0 : i32
      %dma_start3A_130 = tpu.memref_slice %arg3[%mul3A_128, %dma_start3A_129] : memref<500000x128xf32, #tpu.memory_space<hbm>> -> memref<64x128xf32, #tpu.memory_space<hbm>>
      %dma_start3A_131 = arith.constant 0 : i32
      %dma_start3A_132 = tpu.memref_slice %arg3[%mul3A_128, %dma_start3A_131] : memref<500000x128xf32, #tpu.memory_space<hbm>> -> memref<64x128xf32, #tpu.memory_space<hbm>>
      tpu.enqueue_dma source(%arg7 : memref<64x128xf32, #tpu.memory_space<vmem>>) target(%dma_start3A_132 : memref<64x128xf32, #tpu.memory_space<hbm>>) target_semaphore(%arg13 : memref<!tpu.dma_semaphore, #tpu.memory_space<semaphore_mem>>)
    }
    %scan3A_11 = arith.constant 122 : i32
    %add3A_12 = arith.constant 7776 : i32
    %add3A_13 = arith.addi %add3A, %add3A_12 : i32
    %min3A_14 = arith.constant 7811 : i32
    %min3A_15 = arith.minsi %add3A_13, %min3A_14 : i32
    %mul3A_16 = arith.constant 128 : i32
    %mul3A_17 = arith.muli %min3A_15, %mul3A_16 : i32
    %dma_wait3A = arith.constant 0 : i32
    %dma_wait3A_18 = tpu.memref_slice %arg2[%dma_wait3A, %mul3A_17] : memref<64x1000000xf32, #tpu.memory_space<hbm>> -> memref<64x128xf32, #tpu.memory_space<hbm>>
    %dma_wait3A_19 = arith.constant 0 : i32
    %dma_wait3A_20 = tpu.memref_slice %arg2[%dma_wait3A_19, %mul3A_17] : memref<64x1000000xf32, #tpu.memory_space<hbm>> -> memref<64x128xf32, #tpu.memory_space<hbm>>
    tpu.wait_dma2 semaphore(%arg10 : memref<!tpu.dma_semaphore, #tpu.memory_space<semaphore_mem>>) src(%dma_wait3A_20 : memref<64x128xf32, #tpu.memory_space<hbm>>) dst(%arg4 : memref<64x128xf32, #tpu.memory_space<vmem>>)
    %add3A_21 = arith.constant 7744 : i32
    %add3A_22 = arith.addi %add3A, %add3A_21 : i32
    %mul3A_23 = arith.constant 64 : i32
    %mul3A_24 = arith.muli %add3A_22, %mul3A_23 : i32
    %dma_wait3A_25 = arith.constant 0 : i32
    %dma_wait3A_26 = tpu.memref_slice %arg3[%mul3A_24, %dma_wait3A_25] : memref<500000x128xf32, #tpu.memory_space<hbm>> -> memref<64x128xf32, #tpu.memory_space<hbm>>
    %dma_wait3A_27 = arith.constant 0 : i32
    %dma_wait3A_28 = tpu.memref_slice %arg3[%mul3A_24, %dma_wait3A_27] : memref<500000x128xf32, #tpu.memory_space<hbm>> -> memref<64x128xf32, #tpu.memory_space<hbm>>
    tpu.wait_dma2 semaphore(%arg12 : memref<!tpu.dma_semaphore, #tpu.memory_space<semaphore_mem>>) src(%arg6 : memref<64x128xf32, #tpu.memory_space<vmem>>) dst(%dma_wait3A_28 : memref<64x128xf32, #tpu.memory_space<hbm>>)
    %add3A_29 = arith.constant 7776 : i32
    %add3A_30 = arith.addi %add3A, %add3A_29 : i32
    %mul3A_31 = arith.constant 64 : i32
    %mul3A_32 = arith.muli %add3A_30, %mul3A_31 : i32
    %dma_wait3A_33 = arith.constant 0 : i32
    %dma_wait3A_34 = tpu.memref_slice %arg3[%mul3A_32, %dma_wait3A_33] : memref<500000x128xf32, #tpu.memory_space<hbm>> -> memref<64x128xf32, #tpu.memory_space<hbm>>
    %dma_wait3A_35 = arith.constant 0 : i32
    %dma_wait3A_36 = tpu.memref_slice %arg3[%mul3A_32, %dma_wait3A_35] : memref<500000x128xf32, #tpu.memory_space<hbm>> -> memref<64x128xf32, #tpu.memory_space<hbm>>
    tpu.wait_dma2 semaphore(%arg13 : memref<!tpu.dma_semaphore, #tpu.memory_space<semaphore_mem>>) src(%arg7 : memref<64x128xf32, #tpu.memory_space<vmem>>) dst(%dma_wait3A_36 : memref<64x128xf32, #tpu.memory_space<hbm>>)
    %lt3A = arith.constant 4 : i32
    %lt3A_37 = arith.cmpi slt, %add3A, %lt3A : i32
    %convert_element_type3A = arith.extui %lt3A_37 : i1 to i32
    %cond3A = arith.constant 0 : i32
    %cond3A_38 = arith.cmpi ne, %convert_element_type3A, %cond3A : i32
    scf.if %cond3A_38 {
      %add3A_43 = arith.constant 7808 : i32
      %add3A_44 = arith.addi %add3A_43, %add3A : i32
      %mul3A_45 = arith.constant 128 : i32
      %mul3A_46 = arith.muli %add3A_44, %mul3A_45 : i32
      "tpu.region"() ({
        %run_scoped3A = tpu.sem_alloc : memref<!tpu.dma_semaphore, #tpu.memory_space<semaphore_mem>>
        %dma_start3A_55 = arith.constant 0 : i32
        %dma_start3A_56 = tpu.memref_slice %arg2[%dma_start3A_55, %mul3A_46] : memref<64x1000000xf32, #tpu.memory_space<hbm>> -> memref<64x128xf32, #tpu.memory_space<hbm>>
        %dma_start3A_57 = arith.constant 0 : i32
        %dma_start3A_58 = tpu.memref_slice %arg2[%dma_start3A_57, %mul3A_46] : memref<64x1000000xf32, #tpu.memory_space<hbm>> -> memref<64x128xf32, #tpu.memory_space<hbm>>
        tpu.enqueue_dma source(%dma_start3A_58 : memref<64x128xf32, #tpu.memory_space<hbm>>) target(%arg4 : memref<64x128xf32, #tpu.memory_space<vmem>>) target_semaphore(%run_scoped3A : memref<!tpu.dma_semaphore, #tpu.memory_space<semaphore_mem>>)
        %dma_wait3A_59 = arith.constant 0 : i32
        %dma_wait3A_60 = tpu.memref_slice %arg2[%dma_wait3A_59, %mul3A_46] : memref<64x1000000xf32, #tpu.memory_space<hbm>> -> memref<64x128xf32, #tpu.memory_space<hbm>>
        %dma_wait3A_61 = arith.constant 0 : i32
        %dma_wait3A_62 = tpu.memref_slice %arg2[%dma_wait3A_61, %mul3A_46] : memref<64x1000000xf32, #tpu.memory_space<hbm>> -> memref<64x128xf32, #tpu.memory_space<hbm>>
        tpu.wait_dma2 semaphore(%run_scoped3A : memref<!tpu.dma_semaphore, #tpu.memory_space<semaphore_mem>>) src(%dma_wait3A_62 : memref<64x128xf32, #tpu.memory_space<hbm>>) dst(%arg4 : memref<64x128xf32, #tpu.memory_space<vmem>>)
        tpu.yield
      }) : () -> ()
      %scan3A_47 = arith.constant 0 : i32
      %scan3A_48 = arith.constant 0 : i32
      %scan3A_49 = arith.constant 16 : i32
      %scan3A_50 = arith.addi %scan3A_48, %scan3A_49 : i32
      %scan3A_51 = arith.constant 1 : i32
      scf.for %scan3A_55 = %scan3A_48 to %scan3A_50 step %scan3A_51  : i32 {
        %add3A_56 = vector.broadcast %scan3A_55 : i32 to vector<16xi32>
        %add3A_57 = arith.addi %iota3A, %add3A_56 : vector<16xi32>
        %and3A = arith.constant 15 : i32
        %and3A_58 = vector.broadcast %and3A : i32 to vector<16xi32>
        %and3A_59 = arith.andi %add3A_57, %and3A_58 : vector<16xi32>
        %add3A_60 = arith.constant 0 : i32
        %add3A_61 = vector.broadcast %add3A_60 : i32 to vector<16xi32>
        %add3A_62 = arith.addi %add3A_61, %and3A_59 : vector<16xi32>
        %add3A_63 = arith.constant 0 : i32
        %add3A_64 = vector.broadcast %add3A_63 : i32 to vector<16xi32>
        %add3A_65 = arith.addi %add3A_64, %iota3A : vector<16xi32>
        %gather3A = tpu.vector_load_idx %arg4[%add3A_62, %add3A_65] : memref<64x128xf32, #tpu.memory_space<vmem>>[vector<16xi32>, vector<16xi32>], vector<16xf32>,
        %shift_right_arithmetic3A = arith.constant 1 : i32
        %shift_right_arithmetic3A_66 = vector.broadcast %shift_right_arithmetic3A : i32 to vector<16xi32>
        %shift_right_arithmetic3A_67 = arith.shrsi %add3A_65, %shift_right_arithmetic3A_66 : vector<16xi32>
        %and3A_68 = arith.constant 1 : i32
        %and3A_69 = vector.broadcast %and3A_68 : i32 to vector<16xi32>
        %and3A_70 = arith.andi %add3A_65, %and3A_69 : vector<16xi32>
        %shift_left3A = arith.constant 6 : i32
        %shift_left3A_71 = vector.broadcast %shift_left3A : i32 to vector<16xi32>
        %shift_left3A_72 = arith.shli %and3A_70, %shift_left3A_71 : vector<16xi32>
        %add3A_73 = arith.addi %shift_left3A_72, %add3A_62 : vector<16xi32>
        tpu.vector_store_idx %arg6[%shift_right_arithmetic3A_67, %add3A_73], %gather3A : memref<64x128xf32, #tpu.memory_space<vmem>>[vector<16xi32>, vector<16xi32>], vector<16xf32>,
        %add3A_74 = arith.constant 16 : i32
        %add3A_75 = vector.broadcast %add3A_74 : i32 to vector<16xi32>
        %add3A_76 = arith.addi %add3A_75, %iota3A : vector<16xi32>
        %gather3A_77 = tpu.vector_load_idx %arg4[%add3A_62, %add3A_76] : memref<64x128xf32, #tpu.memory_space<vmem>>[vector<16xi32>, vector<16xi32>], vector<16xf32>,
        %shift_right_arithmetic3A_78 = arith.constant 1 : i32
        %shift_right_arithmetic3A_79 = vector.broadcast %shift_right_arithmetic3A_78 : i32 to vector<16xi32>
        %shift_right_arithmetic3A_80 = arith.shrsi %add3A_76, %shift_right_arithmetic3A_79 : vector<16xi32>
        %and3A_81 = arith.constant 1 : i32
        %and3A_82 = vector.broadcast %and3A_81 : i32 to vector<16xi32>
        %and3A_83 = arith.andi %add3A_76, %and3A_82 : vector<16xi32>
        %shift_left3A_84 = arith.constant 6 : i32
        %shift_left3A_85 = vector.broadcast %shift_left3A_84 : i32 to vector<16xi32>
        %shift_left3A_86 = arith.shli %and3A_83, %shift_left3A_85 : vector<16xi32>
        %add3A_87 = arith.addi %shift_left3A_86, %add3A_62 : vector<16xi32>
        tpu.vector_store_idx %arg6[%shift_right_arithmetic3A_80, %add3A_87], %gather3A_77 : memref<64x128xf32, #tpu.memory_space<vmem>>[vector<16xi32>, vector<16xi32>], vector<16xf32>,
        %add3A_88 = arith.constant 32 : i32
        %add3A_89 = vector.broadcast %add3A_88 : i32 to vector<16xi32>
        %add3A_90 = arith.addi %add3A_89, %iota3A : vector<16xi32>
        %gather3A_91 = tpu.vector_load_idx %arg4[%add3A_62, %add3A_90] : memref<64x128xf32, #tpu.memory_space<vmem>>[vector<16xi32>, vector<16xi32>], vector<16xf32>,
        %shift_right_arithmetic3A_92 = arith.constant 1 : i32
        %shift_right_arithmetic3A_93 = vector.broadcast %shift_right_arithmetic3A_92 : i32 to vector<16xi32>
        %shift_right_arithmetic3A_94 = arith.shrsi %add3A_90, %shift_right_arithmetic3A_93 : vector<16xi32>
        %and3A_95 = arith.constant 1 : i32
        %and3A_96 = vector.broadcast %and3A_95 : i32 to vector<16xi32>
        %and3A_97 = arith.andi %add3A_90, %and3A_96 : vector<16xi32>
        %shift_left3A_98 = arith.constant 6 : i32
        %shift_left3A_99 = vector.broadcast %shift_left3A_98 : i32 to vector<16xi32>
        %shift_left3A_100 = arith.shli %and3A_97, %shift_left3A_99 : vector<16xi32>
        %add3A_101 = arith.addi %shift_left3A_100, %add3A_62 : vector<16xi32>
        tpu.vector_store_idx %arg6[%shift_right_arithmetic3A_94, %add3A_101], %gather3A_91 : memref<64x128xf32, #tpu.memory_space<vmem>>[vector<16xi32>, vector<16xi32>], vector<16xf32>,
        %add3A_102 = arith.constant 48 : i32
        %add3A_103 = vector.broadcast %add3A_102 : i32 to vector<16xi32>
        %add3A_104 = arith.addi %add3A_103, %iota3A : vector<16xi32>
        %gather3A_105 = tpu.vector_load_idx %arg4[%add3A_62, %add3A_104] : memref<64x128xf32, #tpu.memory_space<vmem>>[vector<16xi32>, vector<16xi32>], vector<16xf32>,
        %shift_right_arithmetic3A_106 = arith.constant 1 : i32
        %shift_right_arithmetic3A_107 = vector.broadcast %shift_right_arithmetic3A_106 : i32 to vector<16xi32>
        %shift_right_arithmetic3A_108 = arith.shrsi %add3A_104, %shift_right_arithmetic3A_107 : vector<16xi32>
        %and3A_109 = arith.constant 1 : i32
        %and3A_110 = vector.broadcast %and3A_109 : i32 to vector<16xi32>
        %and3A_111 = arith.andi %add3A_104, %and3A_110 : vector<16xi32>
        %shift_left3A_112 = arith.constant 6 : i32
        %shift_left3A_113 = vector.broadcast %shift_left3A_112 : i32 to vector<16xi32>
        %shift_left3A_114 = arith.shli %and3A_111, %shift_left3A_113 : vector<16xi32>
        %add3A_115 = arith.addi %shift_left3A_114, %add3A_62 : vector<16xi32>
        tpu.vector_store_idx %arg6[%shift_right_arithmetic3A_108, %add3A_115], %gather3A_105 : memref<64x128xf32, #tpu.memory_space<vmem>>[vector<16xi32>, vector<16xi32>], vector<16xf32>,
        %add3A_116 = arith.constant 64 : i32
        %add3A_117 = vector.broadcast %add3A_116 : i32 to vector<16xi32>
        %add3A_118 = arith.addi %add3A_117, %iota3A : vector<16xi32>
        %gather3A_119 = tpu.vector_load_idx %arg4[%add3A_62, %add3A_118] : memref<64x128xf32, #tpu.memory_space<vmem>>[vector<16xi32>, vector<16xi32>], vector<16xf32>,
        %shift_right_arithmetic3A_120 = arith.constant 1 : i32
        %shift_right_arithmetic3A_121 = vector.broadcast %shift_right_arithmetic3A_120 : i32 to vector<16xi32>
        %shift_right_arithmetic3A_122 = arith.shrsi %add3A_118, %shift_right_arithmetic3A_121 : vector<16xi32>
        %and3A_123 = arith.constant 1 : i32
        %and3A_124 = vector.broadcast %and3A_123 : i32 to vector<16xi32>
        %and3A_125 = arith.andi %add3A_118, %and3A_124 : vector<16xi32>
        %shift_left3A_126 = arith.constant 6 : i32
        %shift_left3A_127 = vector.broadcast %shift_left3A_126 : i32 to vector<16xi32>
        %shift_left3A_128 = arith.shli %and3A_125, %shift_left3A_127 : vector<16xi32>
        %add3A_129 = arith.addi %shift_left3A_128, %add3A_62 : vector<16xi32>
        tpu.vector_store_idx %arg6[%shift_right_arithmetic3A_122, %add3A_129], %gather3A_119 : memref<64x128xf32, #tpu.memory_space<vmem>>[vector<16xi32>, vector<16xi32>], vector<16xf32>,
        %add3A_130 = arith.constant 80 : i32
        %add3A_131 = vector.broadcast %add3A_130 : i32 to vector<16xi32>
        %add3A_132 = arith.addi %add3A_131, %iota3A : vector<16xi32>
        %gather3A_133 = tpu.vector_load_idx %arg4[%add3A_62, %add3A_132] : memref<64x128xf32, #tpu.memory_space<vmem>>[vector<16xi32>, vector<16xi32>], vector<16xf32>,
        %shift_right_arithmetic3A_134 = arith.constant 1 : i32
        %shift_right_arithmetic3A_135 = vector.broadcast %shift_right_arithmetic3A_134 : i32 to vector<16xi32>
        %shift_right_arithmetic3A_136 = arith.shrsi %add3A_132, %shift_right_arithmetic3A_135 : vector<16xi32>
        %and3A_137 = arith.constant 1 : i32
        %and3A_138 = vector.broadcast %and3A_137 : i32 to vector<16xi32>
        %and3A_139 = arith.andi %add3A_132, %and3A_138 : vector<16xi32>
        %shift_left3A_140 = arith.constant 6 : i32
        %shift_left3A_141 = vector.broadcast %shift_left3A_140 : i32 to vector<16xi32>
        %shift_left3A_142 = arith.shli %and3A_139, %shift_left3A_141 : vector<16xi32>
        %add3A_143 = arith.addi %shift_left3A_142, %add3A_62 : vector<16xi32>
        tpu.vector_store_idx %arg6[%shift_right_arithmetic3A_136, %add3A_143], %gather3A_133 : memref<64x128xf32, #tpu.memory_space<vmem>>[vector<16xi32>, vector<16xi32>], vector<16xf32>,
        %add3A_144 = arith.constant 96 : i32
        %add3A_145 = vector.broadcast %add3A_144 : i32 to vector<16xi32>
        %add3A_146 = arith.addi %add3A_145, %iota3A : vector<16xi32>
        %gather3A_147 = tpu.vector_load_idx %arg4[%add3A_62, %add3A_146] : memref<64x128xf32, #tpu.memory_space<vmem>>[vector<16xi32>, vector<16xi32>], vector<16xf32>,
        %shift_right_arithmetic3A_148 = arith.constant 1 : i32
        %shift_right_arithmetic3A_149 = vector.broadcast %shift_right_arithmetic3A_148 : i32 to vector<16xi32>
        %shift_right_arithmetic3A_150 = arith.shrsi %add3A_146, %shift_right_arithmetic3A_149 : vector<16xi32>
        %and3A_151 = arith.constant 1 : i32
        %and3A_152 = vector.broadcast %and3A_151 : i32 to vector<16xi32>
        %and3A_153 = arith.andi %add3A_146, %and3A_152 : vector<16xi32>
        %shift_left3A_154 = arith.constant 6 : i32
        %shift_left3A_155 = vector.broadcast %shift_left3A_154 : i32 to vector<16xi32>
        %shift_left3A_156 = arith.shli %and3A_153, %shift_left3A_155 : vector<16xi32>
        %add3A_157 = arith.addi %shift_left3A_156, %add3A_62 : vector<16xi32>
        tpu.vector_store_idx %arg6[%shift_right_arithmetic3A_150, %add3A_157], %gather3A_147 : memref<64x128xf32, #tpu.memory_space<vmem>>[vector<16xi32>, vector<16xi32>], vector<16xf32>,
        %add3A_158 = arith.constant 112 : i32
        %add3A_159 = vector.broadcast %add3A_158 : i32 to vector<16xi32>
        %add3A_160 = arith.addi %add3A_159, %iota3A : vector<16xi32>
        %gather3A_161 = tpu.vector_load_idx %arg4[%add3A_62, %add3A_160] : memref<64x128xf32, #tpu.memory_space<vmem>>[vector<16xi32>, vector<16xi32>], vector<16xf32>,
        %shift_right_arithmetic3A_162 = arith.constant 1 : i32
        %shift_right_arithmetic3A_163 = vector.broadcast %shift_right_arithmetic3A_162 : i32 to vector<16xi32>
        %shift_right_arithmetic3A_164 = arith.shrsi %add3A_160, %shift_right_arithmetic3A_163 : vector<16xi32>
        %and3A_165 = arith.constant 1 : i32
        %and3A_166 = vector.broadcast %and3A_165 : i32 to vector<16xi32>
        %and3A_167 = arith.andi %add3A_160, %and3A_166 : vector<16xi32>
        %shift_left3A_168 = arith.constant 6 : i32
        %shift_left3A_169 = vector.broadcast %shift_left3A_168 : i32 to vector<16xi32>
        %shift_left3A_170 = arith.shli %and3A_167, %shift_left3A_169 : vector<16xi32>
        %add3A_171 = arith.addi %shift_left3A_170, %add3A_62 : vector<16xi32>
        tpu.vector_store_idx %arg6[%shift_right_arithmetic3A_164, %add3A_171], %gather3A_161 : memref<64x128xf32, #tpu.memory_space<vmem>>[vector<16xi32>, vector<16xi32>], vector<16xf32>,
        %add3A_172 = arith.constant 16 : i32
        %add3A_173 = vector.broadcast %add3A_172 : i32 to vector<16xi32>
        %add3A_174 = arith.addi %add3A_173, %and3A_59 : vector<16xi32>
        %add3A_175 = arith.constant 0 : i32
        %add3A_176 = vector.broadcast %add3A_175 : i32 to vector<16xi32>
        %add3A_177 = arith.addi %add3A_176, %iota3A : vector<16xi32>
        %gather3A_178 = tpu.vector_load_idx %arg4[%add3A_174, %add3A_177] : memref<64x128xf32, #tpu.memory_space<vmem>>[vector<16xi32>, vector<16xi32>], vector<16xf32>,
        %shift_right_arithmetic3A_179 = arith.constant 1 : i32
        %shift_right_arithmetic3A_180 = vector.broadcast %shift_right_arithmetic3A_179 : i32 to vector<16xi32>
        %shift_right_arithmetic3A_181 = arith.shrsi %add3A_177, %shift_right_arithmetic3A_180 : vector<16xi32>
        %and3A_182 = arith.constant 1 : i32
        %and3A_183 = vector.broadcast %and3A_182 : i32 to vector<16xi32>
        %and3A_184 = arith.andi %add3A_177, %and3A_183 : vector<16xi32>
        %shift_left3A_185 = arith.constant 6 : i32
        %shift_left3A_186 = vector.broadcast %shift_left3A_185 : i32 to vector<16xi32>
        %shift_left3A_187 = arith.shli %and3A_184, %shift_left3A_186 : vector<16xi32>
        %add3A_188 = arith.addi %shift_left3A_187, %add3A_174 : vector<16xi32>
        tpu.vector_store_idx %arg6[%shift_right_arithmetic3A_181, %add3A_188], %gather3A_178 : memref<64x128xf32, #tpu.memory_space<vmem>>[vector<16xi32>, vector<16xi32>], vector<16xf32>,
        %add3A_189 = arith.constant 16 : i32
        %add3A_190 = vector.broadcast %add3A_189 : i32 to vector<16xi32>
        %add3A_191 = arith.addi %add3A_190, %iota3A : vector<16xi32>
        %gather3A_192 = tpu.vector_load_idx %arg4[%add3A_174, %add3A_191] : memref<64x128xf32, #tpu.memory_space<vmem>>[vector<16xi32>, vector<16xi32>], vector<16xf32>,
        %shift_right_arithmetic3A_193 = arith.constant 1 : i32
        %shift_right_arithmetic3A_194 = vector.broadcast %shift_right_arithmetic3A_193 : i32 to vector<16xi32>
        %shift_right_arithmetic3A_195 = arith.shrsi %add3A_191, %shift_right_arithmetic3A_194 : vector<16xi32>
        %and3A_196 = arith.constant 1 : i32
        %and3A_197 = vector.broadcast %and3A_196 : i32 to vector<16xi32>
        %and3A_198 = arith.andi %add3A_191, %and3A_197 : vector<16xi32>
        %shift_left3A_199 = arith.constant 6 : i32
        %shift_left3A_200 = vector.broadcast %shift_left3A_199 : i32 to vector<16xi32>
        %shift_left3A_201 = arith.shli %and3A_198, %shift_left3A_200 : vector<16xi32>
        %add3A_202 = arith.addi %shift_left3A_201, %add3A_174 : vector<16xi32>
        tpu.vector_store_idx %arg6[%shift_right_arithmetic3A_195, %add3A_202], %gather3A_192 : memref<64x128xf32, #tpu.memory_space<vmem>>[vector<16xi32>, vector<16xi32>], vector<16xf32>,
        %add3A_203 = arith.constant 32 : i32
        %add3A_204 = vector.broadcast %add3A_203 : i32 to vector<16xi32>
        %add3A_205 = arith.addi %add3A_204, %iota3A : vector<16xi32>
        %gather3A_206 = tpu.vector_load_idx %arg4[%add3A_174, %add3A_205] : memref<64x128xf32, #tpu.memory_space<vmem>>[vector<16xi32>, vector<16xi32>], vector<16xf32>,
        %shift_right_arithmetic3A_207 = arith.constant 1 : i32
        %shift_right_arithmetic3A_208 = vector.broadcast %shift_right_arithmetic3A_207 : i32 to vector<16xi32>
        %shift_right_arithmetic3A_209 = arith.shrsi %add3A_205, %shift_right_arithmetic3A_208 : vector<16xi32>
        %and3A_210 = arith.constant 1 : i32
        %and3A_211 = vector.broadcast %and3A_210 : i32 to vector<16xi32>
        %and3A_212 = arith.andi %add3A_205, %and3A_211 : vector<16xi32>
        %shift_left3A_213 = arith.constant 6 : i32
        %shift_left3A_214 = vector.broadcast %shift_left3A_213 : i32 to vector<16xi32>
        %shift_left3A_215 = arith.shli %and3A_212, %shift_left3A_214 : vector<16xi32>
        %add3A_216 = arith.addi %shift_left3A_215, %add3A_174 : vector<16xi32>
        tpu.vector_store_idx %arg6[%shift_right_arithmetic3A_209, %add3A_216], %gather3A_206 : memref<64x128xf32, #tpu.memory_space<vmem>>[vector<16xi32>, vector<16xi32>], vector<16xf32>,
        %add3A_217 = arith.constant 48 : i32
        %add3A_218 = vector.broadcast %add3A_217 : i32 to vector<16xi32>
        %add3A_219 = arith.addi %add3A_218, %iota3A : vector<16xi32>
        %gather3A_220 = tpu.vector_load_idx %arg4[%add3A_174, %add3A_219] : memref<64x128xf32, #tpu.memory_space<vmem>>[vector<16xi32>, vector<16xi32>], vector<16xf32>,
        %shift_right_arithmetic3A_221 = arith.constant 1 : i32
        %shift_right_arithmetic3A_222 = vector.broadcast %shift_right_arithmetic3A_221 : i32 to vector<16xi32>
        %shift_right_arithmetic3A_223 = arith.shrsi %add3A_219, %shift_right_arithmetic3A_222 : vector<16xi32>
        %and3A_224 = arith.constant 1 : i32
        %and3A_225 = vector.broadcast %and3A_224 : i32 to vector<16xi32>
        %and3A_226 = arith.andi %add3A_219, %and3A_225 : vector<16xi32>
        %shift_left3A_227 = arith.constant 6 : i32
        %shift_left3A_228 = vector.broadcast %shift_left3A_227 : i32 to vector<16xi32>
        %shift_left3A_229 = arith.shli %and3A_226, %shift_left3A_228 : vector<16xi32>
        %add3A_230 = arith.addi %shift_left3A_229, %add3A_174 : vector<16xi32>
        tpu.vector_store_idx %arg6[%shift_right_arithmetic3A_223, %add3A_230], %gather3A_220 : memref<64x128xf32, #tpu.memory_space<vmem>>[vector<16xi32>, vector<16xi32>], vector<16xf32>,
        %add3A_231 = arith.constant 64 : i32
        %add3A_232 = vector.broadcast %add3A_231 : i32 to vector<16xi32>
        %add3A_233 = arith.addi %add3A_232, %iota3A : vector<16xi32>
        %gather3A_234 = tpu.vector_load_idx %arg4[%add3A_174, %add3A_233] : memref<64x128xf32, #tpu.memory_space<vmem>>[vector<16xi32>, vector<16xi32>], vector<16xf32>,
        %shift_right_arithmetic3A_235 = arith.constant 1 : i32
        %shift_right_arithmetic3A_236 = vector.broadcast %shift_right_arithmetic3A_235 : i32 to vector<16xi32>
        %shift_right_arithmetic3A_237 = arith.shrsi %add3A_233, %shift_right_arithmetic3A_236 : vector<16xi32>
        %and3A_238 = arith.constant 1 : i32
        %and3A_239 = vector.broadcast %and3A_238 : i32 to vector<16xi32>
        %and3A_240 = arith.andi %add3A_233, %and3A_239 : vector<16xi32>
        %shift_left3A_241 = arith.constant 6 : i32
        %shift_left3A_242 = vector.broadcast %shift_left3A_241 : i32 to vector<16xi32>
        %shift_left3A_243 = arith.shli %and3A_240, %shift_left3A_242 : vector<16xi32>
        %add3A_244 = arith.addi %shift_left3A_243, %add3A_174 : vector<16xi32>
        tpu.vector_store_idx %arg6[%shift_right_arithmetic3A_237, %add3A_244], %gather3A_234 : memref<64x128xf32, #tpu.memory_space<vmem>>[vector<16xi32>, vector<16xi32>], vector<16xf32>,
        %add3A_245 = arith.constant 80 : i32
        %add3A_246 = vector.broadcast %add3A_245 : i32 to vector<16xi32>
        %add3A_247 = arith.addi %add3A_246, %iota3A : vector<16xi32>
        %gather3A_248 = tpu.vector_load_idx %arg4[%add3A_174, %add3A_247] : memref<64x128xf32, #tpu.memory_space<vmem>>[vector<16xi32>, vector<16xi32>], vector<16xf32>,
        %shift_right_arithmetic3A_249 = arith.constant 1 : i32
        %shift_right_arithmetic3A_250 = vector.broadcast %shift_right_arithmetic3A_249 : i32 to vector<16xi32>
        %shift_right_arithmetic3A_251 = arith.shrsi %add3A_247, %shift_right_arithmetic3A_250 : vector<16xi32>
        %and3A_252 = arith.constant 1 : i32
        %and3A_253 = vector.broadcast %and3A_252 : i32 to vector<16xi32>
        %and3A_254 = arith.andi %add3A_247, %and3A_253 : vector<16xi32>
        %shift_left3A_255 = arith.constant 6 : i32
        %shift_left3A_256 = vector.broadcast %shift_left3A_255 : i32 to vector<16xi32>
        %shift_left3A_257 = arith.shli %and3A_254, %shift_left3A_256 : vector<16xi32>
        %add3A_258 = arith.addi %shift_left3A_257, %add3A_174 : vector<16xi32>
        tpu.vector_store_idx %arg6[%shift_right_arithmetic3A_251, %add3A_258], %gather3A_248 : memref<64x128xf32, #tpu.memory_space<vmem>>[vector<16xi32>, vector<16xi32>], vector<16xf32>,
        %add3A_259 = arith.constant 96 : i32
        %add3A_260 = vector.broadcast %add3A_259 : i32 to vector<16xi32>
        %add3A_261 = arith.addi %add3A_260, %iota3A : vector<16xi32>
        %gather3A_262 = tpu.vector_load_idx %arg4[%add3A_174, %add3A_261] : memref<64x128xf32, #tpu.memory_space<vmem>>[vector<16xi32>, vector<16xi32>], vector<16xf32>,
        %shift_right_arithmetic3A_263 = arith.constant 1 : i32
        %shift_right_arithmetic3A_264 = vector.broadcast %shift_right_arithmetic3A_263 : i32 to vector<16xi32>
        %shift_right_arithmetic3A_265 = arith.shrsi %add3A_261, %shift_right_arithmetic3A_264 : vector<16xi32>
        %and3A_266 = arith.constant 1 : i32
        %and3A_267 = vector.broadcast %and3A_266 : i32 to vector<16xi32>
        %and3A_268 = arith.andi %add3A_261, %and3A_267 : vector<16xi32>
        %shift_left3A_269 = arith.constant 6 : i32
        %shift_left3A_270 = vector.broadcast %shift_left3A_269 : i32 to vector<16xi32>
        %shift_left3A_271 = arith.shli %and3A_268, %shift_left3A_270 : vector<16xi32>
        %add3A_272 = arith.addi %shift_left3A_271, %add3A_174 : vector<16xi32>
        tpu.vector_store_idx %arg6[%shift_right_arithmetic3A_265, %add3A_272], %gather3A_262 : memref<64x128xf32, #tpu.memory_space<vmem>>[vector<16xi32>, vector<16xi32>], vector<16xf32>,
        %add3A_273 = arith.constant 112 : i32
        %add3A_274 = vector.broadcast %add3A_273 : i32 to vector<16xi32>
        %add3A_275 = arith.addi %add3A_274, %iota3A : vector<16xi32>
        %gather3A_276 = tpu.vector_load_idx %arg4[%add3A_174, %add3A_275] : memref<64x128xf32, #tpu.memory_space<vmem>>[vector<16xi32>, vector<16xi32>], vector<16xf32>,
        %shift_right_arithmetic3A_277 = arith.constant 1 : i32
        %shift_right_arithmetic3A_278 = vector.broadcast %shift_right_arithmetic3A_277 : i32 to vector<16xi32>
        %shift_right_arithmetic3A_279 = arith.shrsi %add3A_275, %shift_right_arithmetic3A_278 : vector<16xi32>
        %and3A_280 = arith.constant 1 : i32
        %and3A_281 = vector.broadcast %and3A_280 : i32 to vector<16xi32>
        %and3A_282 = arith.andi %add3A_275, %and3A_281 : vector<16xi32>
        %shift_left3A_283 = arith.constant 6 : i32
        %shift_left3A_284 = vector.broadcast %shift_left3A_283 : i32 to vector<16xi32>
        %shift_left3A_285 = arith.shli %and3A_282, %shift_left3A_284 : vector<16xi32>
        %add3A_286 = arith.addi %shift_left3A_285, %add3A_174 : vector<16xi32>
        tpu.vector_store_idx %arg6[%shift_right_arithmetic3A_279, %add3A_286], %gather3A_276 : memref<64x128xf32, #tpu.memory_space<vmem>>[vector<16xi32>, vector<16xi32>], vector<16xf32>,
        %add3A_287 = arith.constant 32 : i32
        %add3A_288 = vector.broadcast %add3A_287 : i32 to vector<16xi32>
        %add3A_289 = arith.addi %add3A_288, %and3A_59 : vector<16xi32>
        %add3A_290 = arith.constant 0 : i32
        %add3A_291 = vector.broadcast %add3A_290 : i32 to vector<16xi32>
        %add3A_292 = arith.addi %add3A_291, %iota3A : vector<16xi32>
        %gather3A_293 = tpu.vector_load_idx %arg4[%add3A_289, %add3A_292] : memref<64x128xf32, #tpu.memory_space<vmem>>[vector<16xi32>, vector<16xi32>], vector<16xf32>,
        %shift_right_arithmetic3A_294 = arith.constant 1 : i32
        %shift_right_arithmetic3A_295 = vector.broadcast %shift_right_arithmetic3A_294 : i32 to vector<16xi32>
        %shift_right_arithmetic3A_296 = arith.shrsi %add3A_292, %shift_right_arithmetic3A_295 : vector<16xi32>
        %and3A_297 = arith.constant 1 : i32
        %and3A_298 = vector.broadcast %and3A_297 : i32 to vector<16xi32>
        %and3A_299 = arith.andi %add3A_292, %and3A_298 : vector<16xi32>
        %shift_left3A_300 = arith.constant 6 : i32
        %shift_left3A_301 = vector.broadcast %shift_left3A_300 : i32 to vector<16xi32>
        %shift_left3A_302 = arith.shli %and3A_299, %shift_left3A_301 : vector<16xi32>
        %add3A_303 = arith.addi %shift_left3A_302, %add3A_289 : vector<16xi32>
        tpu.vector_store_idx %arg6[%shift_right_arithmetic3A_296, %add3A_303], %gather3A_293 : memref<64x128xf32, #tpu.memory_space<vmem>>[vector<16xi32>, vector<16xi32>], vector<16xf32>,
        %add3A_304 = arith.constant 16 : i32
        %add3A_305 = vector.broadcast %add3A_304 : i32 to vector<16xi32>
        %add3A_306 = arith.addi %add3A_305, %iota3A : vector<16xi32>
        %gather3A_307 = tpu.vector_load_idx %arg4[%add3A_289, %add3A_306] : memref<64x128xf32, #tpu.memory_space<vmem>>[vector<16xi32>, vector<16xi32>], vector<16xf32>,
        %shift_right_arithmetic3A_308 = arith.constant 1 : i32
        %shift_right_arithmetic3A_309 = vector.broadcast %shift_right_arithmetic3A_308 : i32 to vector<16xi32>
        %shift_right_arithmetic3A_310 = arith.shrsi %add3A_306, %shift_right_arithmetic3A_309 : vector<16xi32>
        %and3A_311 = arith.constant 1 : i32
        %and3A_312 = vector.broadcast %and3A_311 : i32 to vector<16xi32>
        %and3A_313 = arith.andi %add3A_306, %and3A_312 : vector<16xi32>
        %shift_left3A_314 = arith.constant 6 : i32
        %shift_left3A_315 = vector.broadcast %shift_left3A_314 : i32 to vector<16xi32>
        %shift_left3A_316 = arith.shli %and3A_313, %shift_left3A_315 : vector<16xi32>
        %add3A_317 = arith.addi %shift_left3A_316, %add3A_289 : vector<16xi32>
        tpu.vector_store_idx %arg6[%shift_right_arithmetic3A_310, %add3A_317], %gather3A_307 : memref<64x128xf32, #tpu.memory_space<vmem>>[vector<16xi32>, vector<16xi32>], vector<16xf32>,
        %add3A_318 = arith.constant 32 : i32
        %add3A_319 = vector.broadcast %add3A_318 : i32 to vector<16xi32>
        %add3A_320 = arith.addi %add3A_319, %iota3A : vector<16xi32>
        %gather3A_321 = tpu.vector_load_idx %arg4[%add3A_289, %add3A_320] : memref<64x128xf32, #tpu.memory_space<vmem>>[vector<16xi32>, vector<16xi32>], vector<16xf32>,
        %shift_right_arithmetic3A_322 = arith.constant 1 : i32
        %shift_right_arithmetic3A_323 = vector.broadcast %shift_right_arithmetic3A_322 : i32 to vector<16xi32>
        %shift_right_arithmetic3A_324 = arith.shrsi %add3A_320, %shift_right_arithmetic3A_323 : vector<16xi32>
        %and3A_325 = arith.constant 1 : i32
        %and3A_326 = vector.broadcast %and3A_325 : i32 to vector<16xi32>
        %and3A_327 = arith.andi %add3A_320, %and3A_326 : vector<16xi32>
        %shift_left3A_328 = arith.constant 6 : i32
        %shift_left3A_329 = vector.broadcast %shift_left3A_328 : i32 to vector<16xi32>
        %shift_left3A_330 = arith.shli %and3A_327, %shift_left3A_329 : vector<16xi32>
        %add3A_331 = arith.addi %shift_left3A_330, %add3A_289 : vector<16xi32>
        tpu.vector_store_idx %arg6[%shift_right_arithmetic3A_324, %add3A_331], %gather3A_321 : memref<64x128xf32, #tpu.memory_space<vmem>>[vector<16xi32>, vector<16xi32>], vector<16xf32>,
        %add3A_332 = arith.constant 48 : i32
        %add3A_333 = vector.broadcast %add3A_332 : i32 to vector<16xi32>
        %add3A_334 = arith.addi %add3A_333, %iota3A : vector<16xi32>
        %gather3A_335 = tpu.vector_load_idx %arg4[%add3A_289, %add3A_334] : memref<64x128xf32, #tpu.memory_space<vmem>>[vector<16xi32>, vector<16xi32>], vector<16xf32>,
        %shift_right_arithmetic3A_336 = arith.constant 1 : i32
        %shift_right_arithmetic3A_337 = vector.broadcast %shift_right_arithmetic3A_336 : i32 to vector<16xi32>
        %shift_right_arithmetic3A_338 = arith.shrsi %add3A_334, %shift_right_arithmetic3A_337 : vector<16xi32>
        %and3A_339 = arith.constant 1 : i32
        %and3A_340 = vector.broadcast %and3A_339 : i32 to vector<16xi32>
        %and3A_341 = arith.andi %add3A_334, %and3A_340 : vector<16xi32>
        %shift_left3A_342 = arith.constant 6 : i32
        %shift_left3A_343 = vector.broadcast %shift_left3A_342 : i32 to vector<16xi32>
        %shift_left3A_344 = arith.shli %and3A_341, %shift_left3A_343 : vector<16xi32>
        %add3A_345 = arith.addi %shift_left3A_344, %add3A_289 : vector<16xi32>
        tpu.vector_store_idx %arg6[%shift_right_arithmetic3A_338, %add3A_345], %gather3A_335 : memref<64x128xf32, #tpu.memory_space<vmem>>[vector<16xi32>, vector<16xi32>], vector<16xf32>,
        %add3A_346 = arith.constant 64 : i32
        %add3A_347 = vector.broadcast %add3A_346 : i32 to vector<16xi32>
        %add3A_348 = arith.addi %add3A_347, %iota3A : vector<16xi32>
        %gather3A_349 = tpu.vector_load_idx %arg4[%add3A_289, %add3A_348] : memref<64x128xf32, #tpu.memory_space<vmem>>[vector<16xi32>, vector<16xi32>], vector<16xf32>,
        %shift_right_arithmetic3A_350 = arith.constant 1 : i32
        %shift_right_arithmetic3A_351 = vector.broadcast %shift_right_arithmetic3A_350 : i32 to vector<16xi32>
        %shift_right_arithmetic3A_352 = arith.shrsi %add3A_348, %shift_right_arithmetic3A_351 : vector<16xi32>
        %and3A_353 = arith.constant 1 : i32
        %and3A_354 = vector.broadcast %and3A_353 : i32 to vector<16xi32>
        %and3A_355 = arith.andi %add3A_348, %and3A_354 : vector<16xi32>
        %shift_left3A_356 = arith.constant 6 : i32
        %shift_left3A_357 = vector.broadcast %shift_left3A_356 : i32 to vector<16xi32>
        %shift_left3A_358 = arith.shli %and3A_355, %shift_left3A_357 : vector<16xi32>
        %add3A_359 = arith.addi %shift_left3A_358, %add3A_289 : vector<16xi32>
        tpu.vector_store_idx %arg6[%shift_right_arithmetic3A_352, %add3A_359], %gather3A_349 : memref<64x128xf32, #tpu.memory_space<vmem>>[vector<16xi32>, vector<16xi32>], vector<16xf32>,
        %add3A_360 = arith.constant 80 : i32
        %add3A_361 = vector.broadcast %add3A_360 : i32 to vector<16xi32>
        %add3A_362 = arith.addi %add3A_361, %iota3A : vector<16xi32>
        %gather3A_363 = tpu.vector_load_idx %arg4[%add3A_289, %add3A_362] : memref<64x128xf32, #tpu.memory_space<vmem>>[vector<16xi32>, vector<16xi32>], vector<16xf32>,
        %shift_right_arithmetic3A_364 = arith.constant 1 : i32
        %shift_right_arithmetic3A_365 = vector.broadcast %shift_right_arithmetic3A_364 : i32 to vector<16xi32>
        %shift_right_arithmetic3A_366 = arith.shrsi %add3A_362, %shift_right_arithmetic3A_365 : vector<16xi32>
        %and3A_367 = arith.constant 1 : i32
        %and3A_368 = vector.broadcast %and3A_367 : i32 to vector<16xi32>
        %and3A_369 = arith.andi %add3A_362, %and3A_368 : vector<16xi32>
        %shift_left3A_370 = arith.constant 6 : i32
        %shift_left3A_371 = vector.broadcast %shift_left3A_370 : i32 to vector<16xi32>
        %shift_left3A_372 = arith.shli %and3A_369, %shift_left3A_371 : vector<16xi32>
        %add3A_373 = arith.addi %shift_left3A_372, %add3A_289 : vector<16xi32>
        tpu.vector_store_idx %arg6[%shift_right_arithmetic3A_366, %add3A_373], %gather3A_363 : memref<64x128xf32, #tpu.memory_space<vmem>>[vector<16xi32>, vector<16xi32>], vector<16xf32>,
        %add3A_374 = arith.constant 96 : i32
        %add3A_375 = vector.broadcast %add3A_374 : i32 to vector<16xi32>
        %add3A_376 = arith.addi %add3A_375, %iota3A : vector<16xi32>
        %gather3A_377 = tpu.vector_load_idx %arg4[%add3A_289, %add3A_376] : memref<64x128xf32, #tpu.memory_space<vmem>>[vector<16xi32>, vector<16xi32>], vector<16xf32>,
        %shift_right_arithmetic3A_378 = arith.constant 1 : i32
        %shift_right_arithmetic3A_379 = vector.broadcast %shift_right_arithmetic3A_378 : i32 to vector<16xi32>
        %shift_right_arithmetic3A_380 = arith.shrsi %add3A_376, %shift_right_arithmetic3A_379 : vector<16xi32>
        %and3A_381 = arith.constant 1 : i32
        %and3A_382 = vector.broadcast %and3A_381 : i32 to vector<16xi32>
        %and3A_383 = arith.andi %add3A_376, %and3A_382 : vector<16xi32>
        %shift_left3A_384 = arith.constant 6 : i32
        %shift_left3A_385 = vector.broadcast %shift_left3A_384 : i32 to vector<16xi32>
        %shift_left3A_386 = arith.shli %and3A_383, %shift_left3A_385 : vector<16xi32>
        %add3A_387 = arith.addi %shift_left3A_386, %add3A_289 : vector<16xi32>
        tpu.vector_store_idx %arg6[%shift_right_arithmetic3A_380, %add3A_387], %gather3A_377 : memref<64x128xf32, #tpu.memory_space<vmem>>[vector<16xi32>, vector<16xi32>], vector<16xf32>,
        %add3A_388 = arith.constant 112 : i32
        %add3A_389 = vector.broadcast %add3A_388 : i32 to vector<16xi32>
        %add3A_390 = arith.addi %add3A_389, %iota3A : vector<16xi32>
        %gather3A_391 = tpu.vector_load_idx %arg4[%add3A_289, %add3A_390] : memref<64x128xf32, #tpu.memory_space<vmem>>[vector<16xi32>, vector<16xi32>], vector<16xf32>,
        %shift_right_arithmetic3A_392 = arith.constant 1 : i32
        %shift_right_arithmetic3A_393 = vector.broadcast %shift_right_arithmetic3A_392 : i32 to vector<16xi32>
        %shift_right_arithmetic3A_394 = arith.shrsi %add3A_390, %shift_right_arithmetic3A_393 : vector<16xi32>
        %and3A_395 = arith.constant 1 : i32
        %and3A_396 = vector.broadcast %and3A_395 : i32 to vector<16xi32>
        %and3A_397 = arith.andi %add3A_390, %and3A_396 : vector<16xi32>
        %shift_left3A_398 = arith.constant 6 : i32
        %shift_left3A_399 = vector.broadcast %shift_left3A_398 : i32 to vector<16xi32>
        %shift_left3A_400 = arith.shli %and3A_397, %shift_left3A_399 : vector<16xi32>
        %add3A_401 = arith.addi %shift_left3A_400, %add3A_289 : vector<16xi32>
        tpu.vector_store_idx %arg6[%shift_right_arithmetic3A_394, %add3A_401], %gather3A_391 : memref<64x128xf32, #tpu.memory_space<vmem>>[vector<16xi32>, vector<16xi32>], vector<16xf32>,
        %add3A_402 = arith.constant 48 : i32
        %add3A_403 = vector.broadcast %add3A_402 : i32 to vector<16xi32>
        %add3A_404 = arith.addi %add3A_403, %and3A_59 : vector<16xi32>
        %add3A_405 = arith.constant 0 : i32
        %add3A_406 = vector.broadcast %add3A_405 : i32 to vector<16xi32>
        %add3A_407 = arith.addi %add3A_406, %iota3A : vector<16xi32>
        %gather3A_408 = tpu.vector_load_idx %arg4[%add3A_404, %add3A_407] : memref<64x128xf32, #tpu.memory_space<vmem>>[vector<16xi32>, vector<16xi32>], vector<16xf32>,
        %shift_right_arithmetic3A_409 = arith.constant 1 : i32
        %shift_right_arithmetic3A_410 = vector.broadcast %shift_right_arithmetic3A_409 : i32 to vector<16xi32>
        %shift_right_arithmetic3A_411 = arith.shrsi %add3A_407, %shift_right_arithmetic3A_410 : vector<16xi32>
        %and3A_412 = arith.constant 1 : i32
        %and3A_413 = vector.broadcast %and3A_412 : i32 to vector<16xi32>
        %and3A_414 = arith.andi %add3A_407, %and3A_413 : vector<16xi32>
        %shift_left3A_415 = arith.constant 6 : i32
        %shift_left3A_416 = vector.broadcast %shift_left3A_415 : i32 to vector<16xi32>
        %shift_left3A_417 = arith.shli %and3A_414, %shift_left3A_416 : vector<16xi32>
        %add3A_418 = arith.addi %shift_left3A_417, %add3A_404 : vector<16xi32>
        tpu.vector_store_idx %arg6[%shift_right_arithmetic3A_411, %add3A_418], %gather3A_408 : memref<64x128xf32, #tpu.memory_space<vmem>>[vector<16xi32>, vector<16xi32>], vector<16xf32>,
        %add3A_419 = arith.constant 16 : i32
        %add3A_420 = vector.broadcast %add3A_419 : i32 to vector<16xi32>
        %add3A_421 = arith.addi %add3A_420, %iota3A : vector<16xi32>
        %gather3A_422 = tpu.vector_load_idx %arg4[%add3A_404, %add3A_421] : memref<64x128xf32, #tpu.memory_space<vmem>>[vector<16xi32>, vector<16xi32>], vector<16xf32>,
        %shift_right_arithmetic3A_423 = arith.constant 1 : i32
        %shift_right_arithmetic3A_424 = vector.broadcast %shift_right_arithmetic3A_423 : i32 to vector<16xi32>
        %shift_right_arithmetic3A_425 = arith.shrsi %add3A_421, %shift_right_arithmetic3A_424 : vector<16xi32>
        %and3A_426 = arith.constant 1 : i32
        %and3A_427 = vector.broadcast %and3A_426 : i32 to vector<16xi32>
        %and3A_428 = arith.andi %add3A_421, %and3A_427 : vector<16xi32>
        %shift_left3A_429 = arith.constant 6 : i32
        %shift_left3A_430 = vector.broadcast %shift_left3A_429 : i32 to vector<16xi32>
        %shift_left3A_431 = arith.shli %and3A_428, %shift_left3A_430 : vector<16xi32>
        %add3A_432 = arith.addi %shift_left3A_431, %add3A_404 : vector<16xi32>
        tpu.vector_store_idx %arg6[%shift_right_arithmetic3A_425, %add3A_432], %gather3A_422 : memref<64x128xf32, #tpu.memory_space<vmem>>[vector<16xi32>, vector<16xi32>], vector<16xf32>,
        %add3A_433 = arith.constant 32 : i32
        %add3A_434 = vector.broadcast %add3A_433 : i32 to vector<16xi32>
        %add3A_435 = arith.addi %add3A_434, %iota3A : vector<16xi32>
        %gather3A_436 = tpu.vector_load_idx %arg4[%add3A_404, %add3A_435] : memref<64x128xf32, #tpu.memory_space<vmem>>[vector<16xi32>, vector<16xi32>], vector<16xf32>,
        %shift_right_arithmetic3A_437 = arith.constant 1 : i32
        %shift_right_arithmetic3A_438 = vector.broadcast %shift_right_arithmetic3A_437 : i32 to vector<16xi32>
        %shift_right_arithmetic3A_439 = arith.shrsi %add3A_435, %shift_right_arithmetic3A_438 : vector<16xi32>
        %and3A_440 = arith.constant 1 : i32
        %and3A_441 = vector.broadcast %and3A_440 : i32 to vector<16xi32>
        %and3A_442 = arith.andi %add3A_435, %and3A_441 : vector<16xi32>
        %shift_left3A_443 = arith.constant 6 : i32
        %shift_left3A_444 = vector.broadcast %shift_left3A_443 : i32 to vector<16xi32>
        %shift_left3A_445 = arith.shli %and3A_442, %shift_left3A_444 : vector<16xi32>
        %add3A_446 = arith.addi %shift_left3A_445, %add3A_404 : vector<16xi32>
        tpu.vector_store_idx %arg6[%shift_right_arithmetic3A_439, %add3A_446], %gather3A_436 : memref<64x128xf32, #tpu.memory_space<vmem>>[vector<16xi32>, vector<16xi32>], vector<16xf32>,
        %add3A_447 = arith.constant 48 : i32
        %add3A_448 = vector.broadcast %add3A_447 : i32 to vector<16xi32>
        %add3A_449 = arith.addi %add3A_448, %iota3A : vector<16xi32>
        %gather3A_450 = tpu.vector_load_idx %arg4[%add3A_404, %add3A_449] : memref<64x128xf32, #tpu.memory_space<vmem>>[vector<16xi32>, vector<16xi32>], vector<16xf32>,
        %shift_right_arithmetic3A_451 = arith.constant 1 : i32
        %shift_right_arithmetic3A_452 = vector.broadcast %shift_right_arithmetic3A_451 : i32 to vector<16xi32>
        %shift_right_arithmetic3A_453 = arith.shrsi %add3A_449, %shift_right_arithmetic3A_452 : vector<16xi32>
        %and3A_454 = arith.constant 1 : i32
        %and3A_455 = vector.broadcast %and3A_454 : i32 to vector<16xi32>
        %and3A_456 = arith.andi %add3A_449, %and3A_455 : vector<16xi32>
        %shift_left3A_457 = arith.constant 6 : i32
        %shift_left3A_458 = vector.broadcast %shift_left3A_457 : i32 to vector<16xi32>
        %shift_left3A_459 = arith.shli %and3A_456, %shift_left3A_458 : vector<16xi32>
        %add3A_460 = arith.addi %shift_left3A_459, %add3A_404 : vector<16xi32>
        tpu.vector_store_idx %arg6[%shift_right_arithmetic3A_453, %add3A_460], %gather3A_450 : memref<64x128xf32, #tpu.memory_space<vmem>>[vector<16xi32>, vector<16xi32>], vector<16xf32>,
        %add3A_461 = arith.constant 64 : i32
        %add3A_462 = vector.broadcast %add3A_461 : i32 to vector<16xi32>
        %add3A_463 = arith.addi %add3A_462, %iota3A : vector<16xi32>
        %gather3A_464 = tpu.vector_load_idx %arg4[%add3A_404, %add3A_463] : memref<64x128xf32, #tpu.memory_space<vmem>>[vector<16xi32>, vector<16xi32>], vector<16xf32>,
        %shift_right_arithmetic3A_465 = arith.constant 1 : i32
        %shift_right_arithmetic3A_466 = vector.broadcast %shift_right_arithmetic3A_465 : i32 to vector<16xi32>
        %shift_right_arithmetic3A_467 = arith.shrsi %add3A_463, %shift_right_arithmetic3A_466 : vector<16xi32>
        %and3A_468 = arith.constant 1 : i32
        %and3A_469 = vector.broadcast %and3A_468 : i32 to vector<16xi32>
        %and3A_470 = arith.andi %add3A_463, %and3A_469 : vector<16xi32>
        %shift_left3A_471 = arith.constant 6 : i32
        %shift_left3A_472 = vector.broadcast %shift_left3A_471 : i32 to vector<16xi32>
        %shift_left3A_473 = arith.shli %and3A_470, %shift_left3A_472 : vector<16xi32>
        %add3A_474 = arith.addi %shift_left3A_473, %add3A_404 : vector<16xi32>
        tpu.vector_store_idx %arg6[%shift_right_arithmetic3A_467, %add3A_474], %gather3A_464 : memref<64x128xf32, #tpu.memory_space<vmem>>[vector<16xi32>, vector<16xi32>], vector<16xf32>,
        %add3A_475 = arith.constant 80 : i32
        %add3A_476 = vector.broadcast %add3A_475 : i32 to vector<16xi32>
        %add3A_477 = arith.addi %add3A_476, %iota3A : vector<16xi32>
        %gather3A_478 = tpu.vector_load_idx %arg4[%add3A_404, %add3A_477] : memref<64x128xf32, #tpu.memory_space<vmem>>[vector<16xi32>, vector<16xi32>], vector<16xf32>,
        %shift_right_arithmetic3A_479 = arith.constant 1 : i32
        %shift_right_arithmetic3A_480 = vector.broadcast %shift_right_arithmetic3A_479 : i32 to vector<16xi32>
        %shift_right_arithmetic3A_481 = arith.shrsi %add3A_477, %shift_right_arithmetic3A_480 : vector<16xi32>
        %and3A_482 = arith.constant 1 : i32
        %and3A_483 = vector.broadcast %and3A_482 : i32 to vector<16xi32>
        %and3A_484 = arith.andi %add3A_477, %and3A_483 : vector<16xi32>
        %shift_left3A_485 = arith.constant 6 : i32
        %shift_left3A_486 = vector.broadcast %shift_left3A_485 : i32 to vector<16xi32>
        %shift_left3A_487 = arith.shli %and3A_484, %shift_left3A_486 : vector<16xi32>
        %add3A_488 = arith.addi %shift_left3A_487, %add3A_404 : vector<16xi32>
        tpu.vector_store_idx %arg6[%shift_right_arithmetic3A_481, %add3A_488], %gather3A_478 : memref<64x128xf32, #tpu.memory_space<vmem>>[vector<16xi32>, vector<16xi32>], vector<16xf32>,
        %add3A_489 = arith.constant 96 : i32
        %add3A_490 = vector.broadcast %add3A_489 : i32 to vector<16xi32>
        %add3A_491 = arith.addi %add3A_490, %iota3A : vector<16xi32>
        %gather3A_492 = tpu.vector_load_idx %arg4[%add3A_404, %add3A_491] : memref<64x128xf32, #tpu.memory_space<vmem>>[vector<16xi32>, vector<16xi32>], vector<16xf32>,
        %shift_right_arithmetic3A_493 = arith.constant 1 : i32
        %shift_right_arithmetic3A_494 = vector.broadcast %shift_right_arithmetic3A_493 : i32 to vector<16xi32>
        %shift_right_arithmetic3A_495 = arith.shrsi %add3A_491, %shift_right_arithmetic3A_494 : vector<16xi32>
        %and3A_496 = arith.constant 1 : i32
        %and3A_497 = vector.broadcast %and3A_496 : i32 to vector<16xi32>
        %and3A_498 = arith.andi %add3A_491, %and3A_497 : vector<16xi32>
        %shift_left3A_499 = arith.constant 6 : i32
        %shift_left3A_500 = vector.broadcast %shift_left3A_499 : i32 to vector<16xi32>
        %shift_left3A_501 = arith.shli %and3A_498, %shift_left3A_500 : vector<16xi32>
        %add3A_502 = arith.addi %shift_left3A_501, %add3A_404 : vector<16xi32>
        tpu.vector_store_idx %arg6[%shift_right_arithmetic3A_495, %add3A_502], %gather3A_492 : memref<64x128xf32, #tpu.memory_space<vmem>>[vector<16xi32>, vector<16xi32>], vector<16xf32>,
        %add3A_503 = arith.constant 112 : i32
        %add3A_504 = vector.broadcast %add3A_503 : i32 to vector<16xi32>
        %add3A_505 = arith.addi %add3A_504, %iota3A : vector<16xi32>
        %gather3A_506 = tpu.vector_load_idx %arg4[%add3A_404, %add3A_505] : memref<64x128xf32, #tpu.memory_space<vmem>>[vector<16xi32>, vector<16xi32>], vector<16xf32>,
        %shift_right_arithmetic3A_507 = arith.constant 1 : i32
        %shift_right_arithmetic3A_508 = vector.broadcast %shift_right_arithmetic3A_507 : i32 to vector<16xi32>
        %shift_right_arithmetic3A_509 = arith.shrsi %add3A_505, %shift_right_arithmetic3A_508 : vector<16xi32>
        %and3A_510 = arith.constant 1 : i32
        %and3A_511 = vector.broadcast %and3A_510 : i32 to vector<16xi32>
        %and3A_512 = arith.andi %add3A_505, %and3A_511 : vector<16xi32>
        %shift_left3A_513 = arith.constant 6 : i32
        %shift_left3A_514 = vector.broadcast %shift_left3A_513 : i32 to vector<16xi32>
        %shift_left3A_515 = arith.shli %and3A_512, %shift_left3A_514 : vector<16xi32>
        %add3A_516 = arith.addi %shift_left3A_515, %add3A_404 : vector<16xi32>
        tpu.vector_store_idx %arg6[%shift_right_arithmetic3A_509, %add3A_516], %gather3A_506 : memref<64x128xf32, #tpu.memory_space<vmem>>[vector<16xi32>, vector<16xi32>], vector<16xf32>,
      }
      %scan3A_52 = arith.constant 16 : i32
      %mul3A_53 = arith.constant 64 : i32
      %mul3A_54 = arith.muli %add3A_44, %mul3A_53 : i32
      "tpu.region"() ({
        %run_scoped3A = tpu.sem_alloc : memref<!tpu.dma_semaphore, #tpu.memory_space<semaphore_mem>>
        %dma_start3A_55 = arith.constant 0 : i32
        %dma_start3A_56 = tpu.memref_slice %arg3[%mul3A_54, %dma_start3A_55] : memref<500000x128xf32, #tpu.memory_space<hbm>> -> memref<64x128xf32, #tpu.memory_space<hbm>>
        %dma_start3A_57 = arith.constant 0 : i32
        %dma_start3A_58 = tpu.memref_slice %arg3[%mul3A_54, %dma_start3A_57] : memref<500000x128xf32, #tpu.memory_space<hbm>> -> memref<64x128xf32, #tpu.memory_space<hbm>>
        tpu.enqueue_dma source(%arg6 : memref<64x128xf32, #tpu.memory_space<vmem>>) target(%dma_start3A_58 : memref<64x128xf32, #tpu.memory_space<hbm>>) target_semaphore(%run_scoped3A : memref<!tpu.dma_semaphore, #tpu.memory_space<semaphore_mem>>)
        %dma_wait3A_59 = arith.constant 0 : i32
        %dma_wait3A_60 = tpu.memref_slice %arg3[%mul3A_54, %dma_wait3A_59] : memref<500000x128xf32, #tpu.memory_space<hbm>> -> memref<64x128xf32, #tpu.memory_space<hbm>>
        %dma_wait3A_61 = arith.constant 0 : i32
        %dma_wait3A_62 = tpu.memref_slice %arg3[%mul3A_54, %dma_wait3A_61] : memref<500000x128xf32, #tpu.memory_space<hbm>> -> memref<64x128xf32, #tpu.memory_space<hbm>>
        tpu.wait_dma2 semaphore(%run_scoped3A : memref<!tpu.dma_semaphore, #tpu.memory_space<semaphore_mem>>) src(%arg6 : memref<64x128xf32, #tpu.memory_space<vmem>>) dst(%dma_wait3A_62 : memref<64x128xf32, #tpu.memory_space<hbm>>)
        tpu.yield
      }) : () -> ()
    } else {
    }
    %eq3A = arith.constant 4 : i32
    %eq3A_39 = arith.cmpi eq, %add3A, %eq3A : i32
    %convert_element_type3A_40 = arith.extui %eq3A_39 : i1 to i32
    %cond3A_41 = arith.constant 0 : i32
    %cond3A_42 = arith.cmpi ne, %convert_element_type3A_40, %cond3A_41 : i32
    scf.if %cond3A_42 {
      "tpu.region"() ({
        %run_scoped3A = tpu.sem_alloc : memref<!tpu.dma_semaphore, #tpu.memory_space<semaphore_mem>>
        %dma_start3A_49 = arith.constant 0 : i32
        %dma_start3A_50 = arith.constant 999936 : i32
        %dma_start3A_51 = tpu.memref_slice %arg2[%dma_start3A_49, %dma_start3A_50] : memref<64x1000000xf32, #tpu.memory_space<hbm>> -> memref<64x64xf32, #tpu.memory_space<hbm>>
        %dma_start3A_52 = arith.constant 0 : i32
        %dma_start3A_53 = arith.constant 999936 : i32
        %dma_start3A_54 = tpu.memref_slice %arg2[%dma_start3A_52, %dma_start3A_53] : memref<64x1000000xf32, #tpu.memory_space<hbm>> -> memref<64x64xf32, #tpu.memory_space<hbm>>
        tpu.enqueue_dma source(%dma_start3A_54 : memref<64x64xf32, #tpu.memory_space<hbm>>) target(%arg8 : memref<64x64xf32, #tpu.memory_space<vmem>>) target_semaphore(%run_scoped3A : memref<!tpu.dma_semaphore, #tpu.memory_space<semaphore_mem>>)
        %dma_wait3A_55 = arith.constant 0 : i32
        %dma_wait3A_56 = arith.constant 999936 : i32
        %dma_wait3A_57 = tpu.memref_slice %arg2[%dma_wait3A_55, %dma_wait3A_56] : memref<64x1000000xf32, #tpu.memory_space<hbm>> -> memref<64x64xf32, #tpu.memory_space<hbm>>
        %dma_wait3A_58 = arith.constant 0 : i32
        %dma_wait3A_59 = arith.constant 999936 : i32
        %dma_wait3A_60 = tpu.memref_slice %arg2[%dma_wait3A_58, %dma_wait3A_59] : memref<64x1000000xf32, #tpu.memory_space<hbm>> -> memref<64x64xf32, #tpu.memory_space<hbm>>
        tpu.wait_dma2 semaphore(%run_scoped3A : memref<!tpu.dma_semaphore, #tpu.memory_space<semaphore_mem>>) src(%dma_wait3A_60 : memref<64x64xf32, #tpu.memory_space<hbm>>) dst(%arg8 : memref<64x64xf32, #tpu.memory_space<vmem>>)
        tpu.yield
      }) : () -> ()
      %scan3A_43 = arith.constant 0 : i32
      %scan3A_44 = arith.constant 0 : i32
      %scan3A_45 = arith.constant 16 : i32
      %scan3A_46 = arith.addi %scan3A_44, %scan3A_45 : i32
      %scan3A_47 = arith.constant 1 : i32
      scf.for %scan3A_49 = %scan3A_44 to %scan3A_46 step %scan3A_47  : i32 {
        %add3A_50 = vector.broadcast %scan3A_49 : i32 to vector<16xi32>
        %add3A_51 = arith.addi %iota3A, %add3A_50 : vector<16xi32>
        %and3A = arith.constant 15 : i32
        %and3A_52 = vector.broadcast %and3A : i32 to vector<16xi32>
        %and3A_53 = arith.andi %add3A_51, %and3A_52 : vector<16xi32>
        %add3A_54 = arith.constant 0 : i32
        %add3A_55 = vector.broadcast %add3A_54 : i32 to vector<16xi32>
        %add3A_56 = arith.addi %add3A_55, %and3A_53 : vector<16xi32>
        %add3A_57 = arith.constant 0 : i32
        %add3A_58 = vector.broadcast %add3A_57 : i32 to vector<16xi32>
        %add3A_59 = arith.addi %add3A_58, %iota3A : vector<16xi32>
        %gather3A = tpu.vector_load_idx %arg8[%add3A_56, %add3A_59] : memref<64x64xf32, #tpu.memory_space<vmem>>[vector<16xi32>, vector<16xi32>], vector<16xf32>,
        %shift_right_arithmetic3A = arith.constant 1 : i32
        %shift_right_arithmetic3A_60 = vector.broadcast %shift_right_arithmetic3A : i32 to vector<16xi32>
        %shift_right_arithmetic3A_61 = arith.shrsi %add3A_59, %shift_right_arithmetic3A_60 : vector<16xi32>
        %and3A_62 = arith.constant 1 : i32
        %and3A_63 = vector.broadcast %and3A_62 : i32 to vector<16xi32>
        %and3A_64 = arith.andi %add3A_59, %and3A_63 : vector<16xi32>
        %shift_left3A = arith.constant 6 : i32
        %shift_left3A_65 = vector.broadcast %shift_left3A : i32 to vector<16xi32>
        %shift_left3A_66 = arith.shli %and3A_64, %shift_left3A_65 : vector<16xi32>
        %add3A_67 = arith.addi %shift_left3A_66, %add3A_56 : vector<16xi32>
        tpu.vector_store_idx %arg9[%shift_right_arithmetic3A_61, %add3A_67], %gather3A : memref<32x128xf32, #tpu.memory_space<vmem>>[vector<16xi32>, vector<16xi32>], vector<16xf32>,
        %add3A_68 = arith.constant 16 : i32
        %add3A_69 = vector.broadcast %add3A_68 : i32 to vector<16xi32>
        %add3A_70 = arith.addi %add3A_69, %iota3A : vector<16xi32>
        %gather3A_71 = tpu.vector_load_idx %arg8[%add3A_56, %add3A_70] : memref<64x64xf32, #tpu.memory_space<vmem>>[vector<16xi32>, vector<16xi32>], vector<16xf32>,
        %shift_right_arithmetic3A_72 = arith.constant 1 : i32
        %shift_right_arithmetic3A_73 = vector.broadcast %shift_right_arithmetic3A_72 : i32 to vector<16xi32>
        %shift_right_arithmetic3A_74 = arith.shrsi %add3A_70, %shift_right_arithmetic3A_73 : vector<16xi32>
        %and3A_75 = arith.constant 1 : i32
        %and3A_76 = vector.broadcast %and3A_75 : i32 to vector<16xi32>
        %and3A_77 = arith.andi %add3A_70, %and3A_76 : vector<16xi32>
        %shift_left3A_78 = arith.constant 6 : i32
        %shift_left3A_79 = vector.broadcast %shift_left3A_78 : i32 to vector<16xi32>
        %shift_left3A_80 = arith.shli %and3A_77, %shift_left3A_79 : vector<16xi32>
        %add3A_81 = arith.addi %shift_left3A_80, %add3A_56 : vector<16xi32>
        tpu.vector_store_idx %arg9[%shift_right_arithmetic3A_74, %add3A_81], %gather3A_71 : memref<32x128xf32, #tpu.memory_space<vmem>>[vector<16xi32>, vector<16xi32>], vector<16xf32>,
        %add3A_82 = arith.constant 32 : i32
        %add3A_83 = vector.broadcast %add3A_82 : i32 to vector<16xi32>
        %add3A_84 = arith.addi %add3A_83, %iota3A : vector<16xi32>
        %gather3A_85 = tpu.vector_load_idx %arg8[%add3A_56, %add3A_84] : memref<64x64xf32, #tpu.memory_space<vmem>>[vector<16xi32>, vector<16xi32>], vector<16xf32>,
        %shift_right_arithmetic3A_86 = arith.constant 1 : i32
        %shift_right_arithmetic3A_87 = vector.broadcast %shift_right_arithmetic3A_86 : i32 to vector<16xi32>
        %shift_right_arithmetic3A_88 = arith.shrsi %add3A_84, %shift_right_arithmetic3A_87 : vector<16xi32>
        %and3A_89 = arith.constant 1 : i32
        %and3A_90 = vector.broadcast %and3A_89 : i32 to vector<16xi32>
        %and3A_91 = arith.andi %add3A_84, %and3A_90 : vector<16xi32>
        %shift_left3A_92 = arith.constant 6 : i32
        %shift_left3A_93 = vector.broadcast %shift_left3A_92 : i32 to vector<16xi32>
        %shift_left3A_94 = arith.shli %and3A_91, %shift_left3A_93 : vector<16xi32>
        %add3A_95 = arith.addi %shift_left3A_94, %add3A_56 : vector<16xi32>
        tpu.vector_store_idx %arg9[%shift_right_arithmetic3A_88, %add3A_95], %gather3A_85 : memref<32x128xf32, #tpu.memory_space<vmem>>[vector<16xi32>, vector<16xi32>], vector<16xf32>,
        %add3A_96 = arith.constant 48 : i32
        %add3A_97 = vector.broadcast %add3A_96 : i32 to vector<16xi32>
        %add3A_98 = arith.addi %add3A_97, %iota3A : vector<16xi32>
        %gather3A_99 = tpu.vector_load_idx %arg8[%add3A_56, %add3A_98] : memref<64x64xf32, #tpu.memory_space<vmem>>[vector<16xi32>, vector<16xi32>], vector<16xf32>,
        %shift_right_arithmetic3A_100 = arith.constant 1 : i32
        %shift_right_arithmetic3A_101 = vector.broadcast %shift_right_arithmetic3A_100 : i32 to vector<16xi32>
        %shift_right_arithmetic3A_102 = arith.shrsi %add3A_98, %shift_right_arithmetic3A_101 : vector<16xi32>
        %and3A_103 = arith.constant 1 : i32
        %and3A_104 = vector.broadcast %and3A_103 : i32 to vector<16xi32>
        %and3A_105 = arith.andi %add3A_98, %and3A_104 : vector<16xi32>
        %shift_left3A_106 = arith.constant 6 : i32
        %shift_left3A_107 = vector.broadcast %shift_left3A_106 : i32 to vector<16xi32>
        %shift_left3A_108 = arith.shli %and3A_105, %shift_left3A_107 : vector<16xi32>
        %add3A_109 = arith.addi %shift_left3A_108, %add3A_56 : vector<16xi32>
        tpu.vector_store_idx %arg9[%shift_right_arithmetic3A_102, %add3A_109], %gather3A_99 : memref<32x128xf32, #tpu.memory_space<vmem>>[vector<16xi32>, vector<16xi32>], vector<16xf32>,
        %add3A_110 = arith.constant 16 : i32
        %add3A_111 = vector.broadcast %add3A_110 : i32 to vector<16xi32>
        %add3A_112 = arith.addi %add3A_111, %and3A_53 : vector<16xi32>
        %add3A_113 = arith.constant 0 : i32
        %add3A_114 = vector.broadcast %add3A_113 : i32 to vector<16xi32>
        %add3A_115 = arith.addi %add3A_114, %iota3A : vector<16xi32>
        %gather3A_116 = tpu.vector_load_idx %arg8[%add3A_112, %add3A_115] : memref<64x64xf32, #tpu.memory_space<vmem>>[vector<16xi32>, vector<16xi32>], vector<16xf32>,
        %shift_right_arithmetic3A_117 = arith.constant 1 : i32
        %shift_right_arithmetic3A_118 = vector.broadcast %shift_right_arithmetic3A_117 : i32 to vector<16xi32>
        %shift_right_arithmetic3A_119 = arith.shrsi %add3A_115, %shift_right_arithmetic3A_118 : vector<16xi32>
        %and3A_120 = arith.constant 1 : i32
        %and3A_121 = vector.broadcast %and3A_120 : i32 to vector<16xi32>
        %and3A_122 = arith.andi %add3A_115, %and3A_121 : vector<16xi32>
        %shift_left3A_123 = arith.constant 6 : i32
        %shift_left3A_124 = vector.broadcast %shift_left3A_123 : i32 to vector<16xi32>
        %shift_left3A_125 = arith.shli %and3A_122, %shift_left3A_124 : vector<16xi32>
        %add3A_126 = arith.addi %shift_left3A_125, %add3A_112 : vector<16xi32>
        tpu.vector_store_idx %arg9[%shift_right_arithmetic3A_119, %add3A_126], %gather3A_116 : memref<32x128xf32, #tpu.memory_space<vmem>>[vector<16xi32>, vector<16xi32>], vector<16xf32>,
        %add3A_127 = arith.constant 16 : i32
        %add3A_128 = vector.broadcast %add3A_127 : i32 to vector<16xi32>
        %add3A_129 = arith.addi %add3A_128, %iota3A : vector<16xi32>
        %gather3A_130 = tpu.vector_load_idx %arg8[%add3A_112, %add3A_129] : memref<64x64xf32, #tpu.memory_space<vmem>>[vector<16xi32>, vector<16xi32>], vector<16xf32>,
        %shift_right_arithmetic3A_131 = arith.constant 1 : i32
        %shift_right_arithmetic3A_132 = vector.broadcast %shift_right_arithmetic3A_131 : i32 to vector<16xi32>
        %shift_right_arithmetic3A_133 = arith.shrsi %add3A_129, %shift_right_arithmetic3A_132 : vector<16xi32>
        %and3A_134 = arith.constant 1 : i32
        %and3A_135 = vector.broadcast %and3A_134 : i32 to vector<16xi32>
        %and3A_136 = arith.andi %add3A_129, %and3A_135 : vector<16xi32>
        %shift_left3A_137 = arith.constant 6 : i32
        %shift_left3A_138 = vector.broadcast %shift_left3A_137 : i32 to vector<16xi32>
        %shift_left3A_139 = arith.shli %and3A_136, %shift_left3A_138 : vector<16xi32>
        %add3A_140 = arith.addi %shift_left3A_139, %add3A_112 : vector<16xi32>
        tpu.vector_store_idx %arg9[%shift_right_arithmetic3A_133, %add3A_140], %gather3A_130 : memref<32x128xf32, #tpu.memory_space<vmem>>[vector<16xi32>, vector<16xi32>], vector<16xf32>,
        %add3A_141 = arith.constant 32 : i32
        %add3A_142 = vector.broadcast %add3A_141 : i32 to vector<16xi32>
        %add3A_143 = arith.addi %add3A_142, %iota3A : vector<16xi32>
        %gather3A_144 = tpu.vector_load_idx %arg8[%add3A_112, %add3A_143] : memref<64x64xf32, #tpu.memory_space<vmem>>[vector<16xi32>, vector<16xi32>], vector<16xf32>,
        %shift_right_arithmetic3A_145 = arith.constant 1 : i32
        %shift_right_arithmetic3A_146 = vector.broadcast %shift_right_arithmetic3A_145 : i32 to vector<16xi32>
        %shift_right_arithmetic3A_147 = arith.shrsi %add3A_143, %shift_right_arithmetic3A_146 : vector<16xi32>
        %and3A_148 = arith.constant 1 : i32
        %and3A_149 = vector.broadcast %and3A_148 : i32 to vector<16xi32>
        %and3A_150 = arith.andi %add3A_143, %and3A_149 : vector<16xi32>
        %shift_left3A_151 = arith.constant 6 : i32
        %shift_left3A_152 = vector.broadcast %shift_left3A_151 : i32 to vector<16xi32>
        %shift_left3A_153 = arith.shli %and3A_150, %shift_left3A_152 : vector<16xi32>
        %add3A_154 = arith.addi %shift_left3A_153, %add3A_112 : vector<16xi32>
        tpu.vector_store_idx %arg9[%shift_right_arithmetic3A_147, %add3A_154], %gather3A_144 : memref<32x128xf32, #tpu.memory_space<vmem>>[vector<16xi32>, vector<16xi32>], vector<16xf32>,
        %add3A_155 = arith.constant 48 : i32
        %add3A_156 = vector.broadcast %add3A_155 : i32 to vector<16xi32>
        %add3A_157 = arith.addi %add3A_156, %iota3A : vector<16xi32>
        %gather3A_158 = tpu.vector_load_idx %arg8[%add3A_112, %add3A_157] : memref<64x64xf32, #tpu.memory_space<vmem>>[vector<16xi32>, vector<16xi32>], vector<16xf32>,
        %shift_right_arithmetic3A_159 = arith.constant 1 : i32
        %shift_right_arithmetic3A_160 = vector.broadcast %shift_right_arithmetic3A_159 : i32 to vector<16xi32>
        %shift_right_arithmetic3A_161 = arith.shrsi %add3A_157, %shift_right_arithmetic3A_160 : vector<16xi32>
        %and3A_162 = arith.constant 1 : i32
        %and3A_163 = vector.broadcast %and3A_162 : i32 to vector<16xi32>
        %and3A_164 = arith.andi %add3A_157, %and3A_163 : vector<16xi32>
        %shift_left3A_165 = arith.constant 6 : i32
        %shift_left3A_166 = vector.broadcast %shift_left3A_165 : i32 to vector<16xi32>
        %shift_left3A_167 = arith.shli %and3A_164, %shift_left3A_166 : vector<16xi32>
        %add3A_168 = arith.addi %shift_left3A_167, %add3A_112 : vector<16xi32>
        tpu.vector_store_idx %arg9[%shift_right_arithmetic3A_161, %add3A_168], %gather3A_158 : memref<32x128xf32, #tpu.memory_space<vmem>>[vector<16xi32>, vector<16xi32>], vector<16xf32>,
        %add3A_169 = arith.constant 32 : i32
        %add3A_170 = vector.broadcast %add3A_169 : i32 to vector<16xi32>
        %add3A_171 = arith.addi %add3A_170, %and3A_53 : vector<16xi32>
        %add3A_172 = arith.constant 0 : i32
        %add3A_173 = vector.broadcast %add3A_172 : i32 to vector<16xi32>
        %add3A_174 = arith.addi %add3A_173, %iota3A : vector<16xi32>
        %gather3A_175 = tpu.vector_load_idx %arg8[%add3A_171, %add3A_174] : memref<64x64xf32, #tpu.memory_space<vmem>>[vector<16xi32>, vector<16xi32>], vector<16xf32>,
        %shift_right_arithmetic3A_176 = arith.constant 1 : i32
        %shift_right_arithmetic3A_177 = vector.broadcast %shift_right_arithmetic3A_176 : i32 to vector<16xi32>
        %shift_right_arithmetic3A_178 = arith.shrsi %add3A_174, %shift_right_arithmetic3A_177 : vector<16xi32>
        %and3A_179 = arith.constant 1 : i32
        %and3A_180 = vector.broadcast %and3A_179 : i32 to vector<16xi32>
        %and3A_181 = arith.andi %add3A_174, %and3A_180 : vector<16xi32>
        %shift_left3A_182 = arith.constant 6 : i32
        %shift_left3A_183 = vector.broadcast %shift_left3A_182 : i32 to vector<16xi32>
        %shift_left3A_184 = arith.shli %and3A_181, %shift_left3A_183 : vector<16xi32>
        %add3A_185 = arith.addi %shift_left3A_184, %add3A_171 : vector<16xi32>
        tpu.vector_store_idx %arg9[%shift_right_arithmetic3A_178, %add3A_185], %gather3A_175 : memref<32x128xf32, #tpu.memory_space<vmem>>[vector<16xi32>, vector<16xi32>], vector<16xf32>,
        %add3A_186 = arith.constant 16 : i32
        %add3A_187 = vector.broadcast %add3A_186 : i32 to vector<16xi32>
        %add3A_188 = arith.addi %add3A_187, %iota3A : vector<16xi32>
        %gather3A_189 = tpu.vector_load_idx %arg8[%add3A_171, %add3A_188] : memref<64x64xf32, #tpu.memory_space<vmem>>[vector<16xi32>, vector<16xi32>], vector<16xf32>,
        %shift_right_arithmetic3A_190 = arith.constant 1 : i32
        %shift_right_arithmetic3A_191 = vector.broadcast %shift_right_arithmetic3A_190 : i32 to vector<16xi32>
        %shift_right_arithmetic3A_192 = arith.shrsi %add3A_188, %shift_right_arithmetic3A_191 : vector<16xi32>
        %and3A_193 = arith.constant 1 : i32
        %and3A_194 = vector.broadcast %and3A_193 : i32 to vector<16xi32>
        %and3A_195 = arith.andi %add3A_188, %and3A_194 : vector<16xi32>
        %shift_left3A_196 = arith.constant 6 : i32
        %shift_left3A_197 = vector.broadcast %shift_left3A_196 : i32 to vector<16xi32>
        %shift_left3A_198 = arith.shli %and3A_195, %shift_left3A_197 : vector<16xi32>
        %add3A_199 = arith.addi %shift_left3A_198, %add3A_171 : vector<16xi32>
        tpu.vector_store_idx %arg9[%shift_right_arithmetic3A_192, %add3A_199], %gather3A_189 : memref<32x128xf32, #tpu.memory_space<vmem>>[vector<16xi32>, vector<16xi32>], vector<16xf32>,
        %add3A_200 = arith.constant 32 : i32
        %add3A_201 = vector.broadcast %add3A_200 : i32 to vector<16xi32>
        %add3A_202 = arith.addi %add3A_201, %iota3A : vector<16xi32>
        %gather3A_203 = tpu.vector_load_idx %arg8[%add3A_171, %add3A_202] : memref<64x64xf32, #tpu.memory_space<vmem>>[vector<16xi32>, vector<16xi32>], vector<16xf32>,
        %shift_right_arithmetic3A_204 = arith.constant 1 : i32
        %shift_right_arithmetic3A_205 = vector.broadcast %shift_right_arithmetic3A_204 : i32 to vector<16xi32>
        %shift_right_arithmetic3A_206 = arith.shrsi %add3A_202, %shift_right_arithmetic3A_205 : vector<16xi32>
        %and3A_207 = arith.constant 1 : i32
        %and3A_208 = vector.broadcast %and3A_207 : i32 to vector<16xi32>
        %and3A_209 = arith.andi %add3A_202, %and3A_208 : vector<16xi32>
        %shift_left3A_210 = arith.constant 6 : i32
        %shift_left3A_211 = vector.broadcast %shift_left3A_210 : i32 to vector<16xi32>
        %shift_left3A_212 = arith.shli %and3A_209, %shift_left3A_211 : vector<16xi32>
        %add3A_213 = arith.addi %shift_left3A_212, %add3A_171 : vector<16xi32>
        tpu.vector_store_idx %arg9[%shift_right_arithmetic3A_206, %add3A_213], %gather3A_203 : memref<32x128xf32, #tpu.memory_space<vmem>>[vector<16xi32>, vector<16xi32>], vector<16xf32>,
        %add3A_214 = arith.constant 48 : i32
        %add3A_215 = vector.broadcast %add3A_214 : i32 to vector<16xi32>
        %add3A_216 = arith.addi %add3A_215, %iota3A : vector<16xi32>
        %gather3A_217 = tpu.vector_load_idx %arg8[%add3A_171, %add3A_216] : memref<64x64xf32, #tpu.memory_space<vmem>>[vector<16xi32>, vector<16xi32>], vector<16xf32>,
        %shift_right_arithmetic3A_218 = arith.constant 1 : i32
        %shift_right_arithmetic3A_219 = vector.broadcast %shift_right_arithmetic3A_218 : i32 to vector<16xi32>
        %shift_right_arithmetic3A_220 = arith.shrsi %add3A_216, %shift_right_arithmetic3A_219 : vector<16xi32>
        %and3A_221 = arith.constant 1 : i32
        %and3A_222 = vector.broadcast %and3A_221 : i32 to vector<16xi32>
        %and3A_223 = arith.andi %add3A_216, %and3A_222 : vector<16xi32>
        %shift_left3A_224 = arith.constant 6 : i32
        %shift_left3A_225 = vector.broadcast %shift_left3A_224 : i32 to vector<16xi32>
        %shift_left3A_226 = arith.shli %and3A_223, %shift_left3A_225 : vector<16xi32>
        %add3A_227 = arith.addi %shift_left3A_226, %add3A_171 : vector<16xi32>
        tpu.vector_store_idx %arg9[%shift_right_arithmetic3A_220, %add3A_227], %gather3A_217 : memref<32x128xf32, #tpu.memory_space<vmem>>[vector<16xi32>, vector<16xi32>], vector<16xf32>,
        %add3A_228 = arith.constant 48 : i32
        %add3A_229 = vector.broadcast %add3A_228 : i32 to vector<16xi32>
        %add3A_230 = arith.addi %add3A_229, %and3A_53 : vector<16xi32>
        %add3A_231 = arith.constant 0 : i32
        %add3A_232 = vector.broadcast %add3A_231 : i32 to vector<16xi32>
        %add3A_233 = arith.addi %add3A_232, %iota3A : vector<16xi32>
        %gather3A_234 = tpu.vector_load_idx %arg8[%add3A_230, %add3A_233] : memref<64x64xf32, #tpu.memory_space<vmem>>[vector<16xi32>, vector<16xi32>], vector<16xf32>,
        %shift_right_arithmetic3A_235 = arith.constant 1 : i32
        %shift_right_arithmetic3A_236 = vector.broadcast %shift_right_arithmetic3A_235 : i32 to vector<16xi32>
        %shift_right_arithmetic3A_237 = arith.shrsi %add3A_233, %shift_right_arithmetic3A_236 : vector<16xi32>
        %and3A_238 = arith.constant 1 : i32
        %and3A_239 = vector.broadcast %and3A_238 : i32 to vector<16xi32>
        %and3A_240 = arith.andi %add3A_233, %and3A_239 : vector<16xi32>
        %shift_left3A_241 = arith.constant 6 : i32
        %shift_left3A_242 = vector.broadcast %shift_left3A_241 : i32 to vector<16xi32>
        %shift_left3A_243 = arith.shli %and3A_240, %shift_left3A_242 : vector<16xi32>
        %add3A_244 = arith.addi %shift_left3A_243, %add3A_230 : vector<16xi32>
        tpu.vector_store_idx %arg9[%shift_right_arithmetic3A_237, %add3A_244], %gather3A_234 : memref<32x128xf32, #tpu.memory_space<vmem>>[vector<16xi32>, vector<16xi32>], vector<16xf32>,
        %add3A_245 = arith.constant 16 : i32
        %add3A_246 = vector.broadcast %add3A_245 : i32 to vector<16xi32>
        %add3A_247 = arith.addi %add3A_246, %iota3A : vector<16xi32>
        %gather3A_248 = tpu.vector_load_idx %arg8[%add3A_230, %add3A_247] : memref<64x64xf32, #tpu.memory_space<vmem>>[vector<16xi32>, vector<16xi32>], vector<16xf32>,
        %shift_right_arithmetic3A_249 = arith.constant 1 : i32
        %shift_right_arithmetic3A_250 = vector.broadcast %shift_right_arithmetic3A_249 : i32 to vector<16xi32>
        %shift_right_arithmetic3A_251 = arith.shrsi %add3A_247, %shift_right_arithmetic3A_250 : vector<16xi32>
        %and3A_252 = arith.constant 1 : i32
        %and3A_253 = vector.broadcast %and3A_252 : i32 to vector<16xi32>
        %and3A_254 = arith.andi %add3A_247, %and3A_253 : vector<16xi32>
        %shift_left3A_255 = arith.constant 6 : i32
        %shift_left3A_256 = vector.broadcast %shift_left3A_255 : i32 to vector<16xi32>
        %shift_left3A_257 = arith.shli %and3A_254, %shift_left3A_256 : vector<16xi32>
        %add3A_258 = arith.addi %shift_left3A_257, %add3A_230 : vector<16xi32>
        tpu.vector_store_idx %arg9[%shift_right_arithmetic3A_251, %add3A_258], %gather3A_248 : memref<32x128xf32, #tpu.memory_space<vmem>>[vector<16xi32>, vector<16xi32>], vector<16xf32>,
        %add3A_259 = arith.constant 32 : i32
        %add3A_260 = vector.broadcast %add3A_259 : i32 to vector<16xi32>
        %add3A_261 = arith.addi %add3A_260, %iota3A : vector<16xi32>
        %gather3A_262 = tpu.vector_load_idx %arg8[%add3A_230, %add3A_261] : memref<64x64xf32, #tpu.memory_space<vmem>>[vector<16xi32>, vector<16xi32>], vector<16xf32>,
        %shift_right_arithmetic3A_263 = arith.constant 1 : i32
        %shift_right_arithmetic3A_264 = vector.broadcast %shift_right_arithmetic3A_263 : i32 to vector<16xi32>
        %shift_right_arithmetic3A_265 = arith.shrsi %add3A_261, %shift_right_arithmetic3A_264 : vector<16xi32>
        %and3A_266 = arith.constant 1 : i32
        %and3A_267 = vector.broadcast %and3A_266 : i32 to vector<16xi32>
        %and3A_268 = arith.andi %add3A_261, %and3A_267 : vector<16xi32>
        %shift_left3A_269 = arith.constant 6 : i32
        %shift_left3A_270 = vector.broadcast %shift_left3A_269 : i32 to vector<16xi32>
        %shift_left3A_271 = arith.shli %and3A_268, %shift_left3A_270 : vector<16xi32>
        %add3A_272 = arith.addi %shift_left3A_271, %add3A_230 : vector<16xi32>
        tpu.vector_store_idx %arg9[%shift_right_arithmetic3A_265, %add3A_272], %gather3A_262 : memref<32x128xf32, #tpu.memory_space<vmem>>[vector<16xi32>, vector<16xi32>], vector<16xf32>,
        %add3A_273 = arith.constant 48 : i32
        %add3A_274 = vector.broadcast %add3A_273 : i32 to vector<16xi32>
        %add3A_275 = arith.addi %add3A_274, %iota3A : vector<16xi32>
        %gather3A_276 = tpu.vector_load_idx %arg8[%add3A_230, %add3A_275] : memref<64x64xf32, #tpu.memory_space<vmem>>[vector<16xi32>, vector<16xi32>], vector<16xf32>,
        %shift_right_arithmetic3A_277 = arith.constant 1 : i32
        %shift_right_arithmetic3A_278 = vector.broadcast %shift_right_arithmetic3A_277 : i32 to vector<16xi32>
        %shift_right_arithmetic3A_279 = arith.shrsi %add3A_275, %shift_right_arithmetic3A_278 : vector<16xi32>
        %and3A_280 = arith.constant 1 : i32
        %and3A_281 = vector.broadcast %and3A_280 : i32 to vector<16xi32>
        %and3A_282 = arith.andi %add3A_275, %and3A_281 : vector<16xi32>
        %shift_left3A_283 = arith.constant 6 : i32
        %shift_left3A_284 = vector.broadcast %shift_left3A_283 : i32 to vector<16xi32>
        %shift_left3A_285 = arith.shli %and3A_282, %shift_left3A_284 : vector<16xi32>
        %add3A_286 = arith.addi %shift_left3A_285, %add3A_230 : vector<16xi32>
        tpu.vector_store_idx %arg9[%shift_right_arithmetic3A_279, %add3A_286], %gather3A_276 : memref<32x128xf32, #tpu.memory_space<vmem>>[vector<16xi32>, vector<16xi32>], vector<16xf32>,
      }
      %scan3A_48 = arith.constant 16 : i32
      "tpu.region"() ({
        %run_scoped3A = tpu.sem_alloc : memref<!tpu.dma_semaphore, #tpu.memory_space<semaphore_mem>>
        %dma_start3A_49 = arith.constant 499968 : i32
        %dma_start3A_50 = arith.constant 0 : i32
        %dma_start3A_51 = tpu.memref_slice %arg3[%dma_start3A_49, %dma_start3A_50] : memref<500000x128xf32, #tpu.memory_space<hbm>> -> memref<32x128xf32, #tpu.memory_space<hbm>>
        %dma_start3A_52 = arith.constant 499968 : i32
        %dma_start3A_53 = arith.constant 0 : i32
        %dma_start3A_54 = tpu.memref_slice %arg3[%dma_start3A_52, %dma_start3A_53] : memref<500000x128xf32, #tpu.memory_space<hbm>> -> memref<32x128xf32, #tpu.memory_space<hbm>>
        tpu.enqueue_dma source(%arg9 : memref<32x128xf32, #tpu.memory_space<vmem>>) target(%dma_start3A_54 : memref<32x128xf32, #tpu.memory_space<hbm>>) target_semaphore(%run_scoped3A : memref<!tpu.dma_semaphore, #tpu.memory_space<semaphore_mem>>)
        %dma_wait3A_55 = arith.constant 499968 : i32
        %dma_wait3A_56 = arith.constant 0 : i32
        %dma_wait3A_57 = tpu.memref_slice %arg3[%dma_wait3A_55, %dma_wait3A_56] : memref<500000x128xf32, #tpu.memory_space<hbm>> -> memref<32x128xf32, #tpu.memory_space<hbm>>
        %dma_wait3A_58 = arith.constant 499968 : i32
        %dma_wait3A_59 = arith.constant 0 : i32
        %dma_wait3A_60 = tpu.memref_slice %arg3[%dma_wait3A_58, %dma_wait3A_59] : memref<500000x128xf32, #tpu.memory_space<hbm>> -> memref<32x128xf32, #tpu.memory_space<hbm>>
        tpu.wait_dma2 semaphore(%run_scoped3A : memref<!tpu.dma_semaphore, #tpu.memory_space<semaphore_mem>>) src(%arg9 : memref<32x128xf32, #tpu.memory_space<vmem>>) dst(%dma_wait3A_60 : memref<32x128xf32, #tpu.memory_space<hbm>>)
        tpu.yield
      }) : () -> ()
    } else {
    }
    return
  }
}

#map = affine_map<(d0, d1) -> (0, 0)>
#map1 = affine_map<(d0, d1) -> (0, 0, 0, 0)>
module attributes {stable_mosaic.version = 14 : i64} {
  func.func @gather_kernel(%arg0: i32, %arg1: i32, %arg2: memref<1000000x64xf32, #tpu.memory_space<hbm>>, %arg3: memref<50x16384xi32, #tpu.memory_space<hbm>>, %arg4: memref<50x8x128x1024xf32, #tpu.memory_space<hbm>>, %arg5: memref<50x512xi32, #tpu.memory_space<vmem>>, %arg6: memref<128x64xf32, #tpu.memory_space<vmem>>, %arg7: memref<128x64xf32, #tpu.memory_space<vmem>>, %arg8: memref<8x1024xf32, #tpu.memory_space<vmem>>, %arg9: memref<8x1024xf32, #tpu.memory_space<vmem>>, %arg10: memref<!tpu.dma_semaphore, #tpu.memory_space<semaphore_mem>>, %arg11: memref<!tpu.dma_semaphore, #tpu.memory_space<semaphore_mem>>, %arg12: memref<!tpu.dma_semaphore, #tpu.memory_space<semaphore_mem>>, %arg13: memref<!tpu.dma_semaphore, #tpu.memory_space<semaphore_mem>>) attributes {dimension_semantics = [#tpu.dimension_semantics<core_parallel>, #tpu.dimension_semantics<subcore_parallel>], iteration_bounds = array<i64: 2, 16>, scalar_prefetch = 0 : i64, scratch_operands = 9 : i64, tpu.core_type = #tpu.core_type<sc_vector_subcore>, window_params = [{transform_indices = #map}, {transform_indices = #map}, {transform_indices = #map1}]} {
    %mul3A = arith.constant 2 : i32
    %mul3A_0 = arith.muli %arg1, %mul3A : i32
    %add3A = arith.addi %mul3A_0, %arg0 : i32
    %mul3A_1 = arith.constant 512 : i32
    %mul3A_2 = arith.muli %add3A, %mul3A_1 : i32
    "tpu.region"() ({
      %run_scoped3A = tpu.sem_alloc : memref<!tpu.dma_semaphore, #tpu.memory_space<semaphore_mem>>
      %dma_start3A_46 = arith.constant 0 : i32
      %dma_start3A_47 = tpu.memref_slice %arg3[%dma_start3A_46, %mul3A_2] : memref<50x16384xi32, #tpu.memory_space<hbm>> -> memref<50x512xi32, #tpu.memory_space<hbm>>
      %dma_start3A_48 = arith.constant 0 : i32
      %dma_start3A_49 = tpu.memref_slice %arg3[%dma_start3A_48, %mul3A_2] : memref<50x16384xi32, #tpu.memory_space<hbm>> -> memref<50x512xi32, #tpu.memory_space<hbm>>
      tpu.enqueue_dma source(%dma_start3A_49 : memref<50x512xi32, #tpu.memory_space<hbm>>) target(%arg5 : memref<50x512xi32, #tpu.memory_space<vmem>>) target_semaphore(%run_scoped3A : memref<!tpu.dma_semaphore, #tpu.memory_space<semaphore_mem>>)
      %dma_wait3A_50 = arith.constant 0 : i32
      %dma_wait3A_51 = tpu.memref_slice %arg3[%dma_wait3A_50, %mul3A_2] : memref<50x16384xi32, #tpu.memory_space<hbm>> -> memref<50x512xi32, #tpu.memory_space<hbm>>
      %dma_wait3A_52 = arith.constant 0 : i32
      %dma_wait3A_53 = tpu.memref_slice %arg3[%dma_wait3A_52, %mul3A_2] : memref<50x16384xi32, #tpu.memory_space<hbm>> -> memref<50x512xi32, #tpu.memory_space<hbm>>
      tpu.wait_dma2 semaphore(%run_scoped3A : memref<!tpu.dma_semaphore, #tpu.memory_space<semaphore_mem>>) src(%dma_wait3A_53 : memref<50x512xi32, #tpu.memory_space<hbm>>) dst(%arg5 : memref<50x512xi32, #tpu.memory_space<vmem>>)
      tpu.yield
    }) : () -> ()
    %iota3A = tpu.iota {dimensions = array<i32: 0>} : vector<16xi32>
    %dma_start3A = arith.constant 0 : i32
    %dma_start3A_3 = arith.constant 0 : i32
    %dma_start3A_4 = tpu.memref_slice %arg5[%dma_start3A, %dma_start3A_3] : memref<50x512xi32, #tpu.memory_space<vmem>> -> memref<1x128xi32, #tpu.memory_space<vmem>>
    %dma_start3A_5 = tpu.memref_squeeze %dma_start3A_4 : memref<1x128xi32, #tpu.memory_space<vmem>> -> memref<128xi32, #tpu.memory_space<vmem>>
    %dma_start3A_6 = arith.constant 0 : i32
    %dma_start3A_7 = arith.constant 0 : i32
    %dma_start3A_8 = tpu.memref_slice %arg2[%dma_start3A_6, %dma_start3A_7] : memref<1000000x64xf32, #tpu.memory_space<hbm>> -> memref<1000000x64xf32, #tpu.memory_space<hbm>>
    tpu.enqueue_indirect_dma source(%dma_start3A_8 : memref<1000000x64xf32, #tpu.memory_space<hbm>>) target(%arg6 : memref<128x64xf32, #tpu.memory_space<vmem>>) offsets(%dma_start3A_5 : memref<128xi32, #tpu.memory_space<vmem>>) semaphore(%arg10 : memref<!tpu.dma_semaphore, #tpu.memory_space<semaphore_mem>>)
    %scan3A = arith.constant 0 : i32
    %scan3A_9 = arith.constant 0 : i32
    %scan3A_10 = arith.constant 100 : i32
    %scan3A_11 = arith.addi %scan3A_9, %scan3A_10 : i32
    %scan3A_12 = arith.constant 1 : i32
    scf.for %scan3A_46 = %scan3A_9 to %scan3A_11 step %scan3A_12  : i32 {
      %mul3A_47 = arith.constant 2 : i32
      %mul3A_48 = arith.muli %scan3A_46, %mul3A_47 : i32
      %add3A_49 = arith.constant 0 : i32
      %add3A_50 = arith.addi %mul3A_48, %add3A_49 : i32
      %add3A_51 = arith.constant 1 : i32
      %add3A_52 = arith.addi %add3A_50, %add3A_51 : i32
      %min3A = arith.constant 199 : i32
      %min3A_53 = arith.minsi %add3A_52, %min3A : i32
      %jit3A = arith.constant 4 : i32
      %div3A = arith.divsi %min3A_53, %jit3A : i32
      %sign3A = arith.constant 0 : i32
      %sign3A_54 = arith.cmpi sgt, %min3A_53, %sign3A : i32
      %sign3A_55 = arith.extui %sign3A_54 : i1 to i32
      %sign3A_56 = arith.constant 0 : i32
      %sign3A_57 = arith.cmpi slt, %min3A_53, %sign3A_56 : i32
      %sign3A_58 = arith.extui %sign3A_57 : i1 to i32
      %sign3A_59 = arith.subi %sign3A_55, %sign3A_58 : i32
      %sign3A_60 = arith.constant 0 : i32
      %sign3A_61 = arith.cmpi sgt, %jit3A, %sign3A_60 : i32
      %sign3A_62 = arith.extui %sign3A_61 : i1 to i32
      %sign3A_63 = arith.constant 0 : i32
      %sign3A_64 = arith.cmpi slt, %jit3A, %sign3A_63 : i32
      %sign3A_65 = arith.extui %sign3A_64 : i1 to i32
      %sign3A_66 = arith.subi %sign3A_62, %sign3A_65 : i32
      %ne3A = arith.cmpi ne, %sign3A_59, %sign3A_66 : i32
      %rem3A = arith.remsi %min3A_53, %jit3A : i32
      %ne3A_67 = arith.constant 0 : i32
      %ne3A_68 = arith.cmpi ne, %rem3A, %ne3A_67 : i32
      %and3A = arith.andi %ne3A, %ne3A_68 : i1
      %sub3A = arith.constant 1 : i32
      %sub3A_69 = arith.subi %div3A, %sub3A : i32
      %select_n3A = arith.select %and3A, %sub3A_69, %div3A : i32
      %jit3A_70 = arith.constant 4 : i32
      %eq3A = arith.constant 0 : i32
      %eq3A_71 = arith.cmpi eq, %jit3A_70, %eq3A : i32
      %jit3A_72 = arith.constant 1 : i32
      %select_n3A_73 = arith.select %eq3A_71, %jit3A_72, %jit3A_70 : i32
      %rem3A_74 = arith.remsi %min3A_53, %select_n3A_73 : i32
      %ne3A_75 = arith.constant 0 : i32
      %ne3A_76 = arith.cmpi ne, %rem3A_74, %ne3A_75 : i32
      %lt3A = arith.constant 0 : i32
      %lt3A_77 = arith.cmpi slt, %rem3A_74, %lt3A : i32
      %lt3A_78 = arith.constant 0 : i32
      %lt3A_79 = arith.cmpi slt, %select_n3A_73, %lt3A_78 : i32
      %ne3A_80 = arith.xori %lt3A_77, %lt3A_79 : i1
      %and3A_81 = arith.andi %ne3A_80, %ne3A_76 : i1
      %add3A_82 = arith.addi %rem3A_74, %select_n3A_73 : i32
      %select_n3A_83 = arith.select %and3A_81, %add3A_82, %rem3A_74 : i32
      %mul3A_84 = arith.constant 128 : i32
      %mul3A_85 = arith.muli %select_n3A_83, %mul3A_84 : i32
      %dma_start3A_86 = tpu.memref_slice %arg5[%select_n3A, %mul3A_85] : memref<50x512xi32, #tpu.memory_space<vmem>> -> memref<1x128xi32, #tpu.memory_space<vmem>>
      %dma_start3A_87 = tpu.memref_squeeze %dma_start3A_86 : memref<1x128xi32, #tpu.memory_space<vmem>> -> memref<128xi32, #tpu.memory_space<vmem>>
      %dma_start3A_88 = arith.constant 0 : i32
      %dma_start3A_89 = arith.constant 0 : i32
      %dma_start3A_90 = tpu.memref_slice %arg2[%dma_start3A_88, %dma_start3A_89] : memref<1000000x64xf32, #tpu.memory_space<hbm>> -> memref<1000000x64xf32, #tpu.memory_space<hbm>>
      tpu.enqueue_indirect_dma source(%dma_start3A_90 : memref<1000000x64xf32, #tpu.memory_space<hbm>>) target(%arg7 : memref<128x64xf32, #tpu.memory_space<vmem>>) offsets(%dma_start3A_87 : memref<128xi32, #tpu.memory_space<vmem>>) semaphore(%arg11 : memref<!tpu.dma_semaphore, #tpu.memory_space<semaphore_mem>>)
      %jit3A_91 = arith.constant 4 : i32
      %div3A_92 = arith.divsi %add3A_50, %jit3A_91 : i32
      %sign3A_93 = arith.constant 0 : i32
      %sign3A_94 = arith.cmpi sgt, %add3A_50, %sign3A_93 : i32
      %sign3A_95 = arith.extui %sign3A_94 : i1 to i32
      %sign3A_96 = arith.constant 0 : i32
      %sign3A_97 = arith.cmpi slt, %add3A_50, %sign3A_96 : i32
      %sign3A_98 = arith.extui %sign3A_97 : i1 to i32
      %sign3A_99 = arith.subi %sign3A_95, %sign3A_98 : i32
      %sign3A_100 = arith.constant 0 : i32
      %sign3A_101 = arith.cmpi sgt, %jit3A_91, %sign3A_100 : i32
      %sign3A_102 = arith.extui %sign3A_101 : i1 to i32
      %sign3A_103 = arith.constant 0 : i32
      %sign3A_104 = arith.cmpi slt, %jit3A_91, %sign3A_103 : i32
      %sign3A_105 = arith.extui %sign3A_104 : i1 to i32
      %sign3A_106 = arith.subi %sign3A_102, %sign3A_105 : i32
      %ne3A_107 = arith.cmpi ne, %sign3A_99, %sign3A_106 : i32
      %rem3A_108 = arith.remsi %add3A_50, %jit3A_91 : i32
      %ne3A_109 = arith.constant 0 : i32
      %ne3A_110 = arith.cmpi ne, %rem3A_108, %ne3A_109 : i32
      %and3A_111 = arith.andi %ne3A_107, %ne3A_110 : i1
      %sub3A_112 = arith.constant 1 : i32
      %sub3A_113 = arith.subi %div3A_92, %sub3A_112 : i32
      %select_n3A_114 = arith.select %and3A_111, %sub3A_113, %div3A_92 : i32
      %jit3A_115 = arith.constant 4 : i32
      %eq3A_116 = arith.constant 0 : i32
      %eq3A_117 = arith.cmpi eq, %jit3A_115, %eq3A_116 : i32
      %jit3A_118 = arith.constant 1 : i32
      %select_n3A_119 = arith.select %eq3A_117, %jit3A_118, %jit3A_115 : i32
      %rem3A_120 = arith.remsi %add3A_50, %select_n3A_119 : i32
      %ne3A_121 = arith.constant 0 : i32
      %ne3A_122 = arith.cmpi ne, %rem3A_120, %ne3A_121 : i32
      %lt3A_123 = arith.constant 0 : i32
      %lt3A_124 = arith.cmpi slt, %rem3A_120, %lt3A_123 : i32
      %lt3A_125 = arith.constant 0 : i32
      %lt3A_126 = arith.cmpi slt, %select_n3A_119, %lt3A_125 : i32
      %ne3A_127 = arith.xori %lt3A_124, %lt3A_126 : i1
      %and3A_128 = arith.andi %ne3A_127, %ne3A_122 : i1
      %add3A_129 = arith.addi %rem3A_120, %select_n3A_119 : i32
      %select_n3A_130 = arith.select %and3A_128, %add3A_129, %rem3A_120 : i32
      %mul3A_131 = arith.constant 128 : i32
      %mul3A_132 = arith.muli %select_n3A_130, %mul3A_131 : i32
      %dma_wait3A_133 = tpu.memref_slice %arg5[%select_n3A_114, %mul3A_132] : memref<50x512xi32, #tpu.memory_space<vmem>> -> memref<1x128xi32, #tpu.memory_space<vmem>>
      %dma_wait3A_134 = tpu.memref_squeeze %dma_wait3A_133 : memref<1x128xi32, #tpu.memory_space<vmem>> -> memref<128xi32, #tpu.memory_space<vmem>>
      %dma_wait3A_135 = arith.constant 0 : i32
      %dma_wait3A_136 = arith.constant 0 : i32
      %dma_wait3A_137 = tpu.memref_slice %arg2[%dma_wait3A_135, %dma_wait3A_136] : memref<1000000x64xf32, #tpu.memory_space<hbm>> -> memref<1000000x64xf32, #tpu.memory_space<hbm>>
      tpu.wait_indirect_dma semaphore(%arg10 : memref<!tpu.dma_semaphore, #tpu.memory_space<semaphore_mem>>) src(%dma_wait3A_137 : memref<1000000x64xf32, #tpu.memory_space<hbm>>) dst(%arg6 : memref<128x64xf32, #tpu.memory_space<vmem>>)
      %ge3A = arith.constant 2 : i32
      %ge3A_138 = arith.cmpi sge, %add3A_50, %ge3A : i32
      %convert_element_type3A = arith.extui %ge3A_138 : i1 to i32
      %cond3A = arith.constant 0 : i32
      %cond3A_139 = arith.cmpi ne, %convert_element_type3A, %cond3A : i32
      scf.if %cond3A_139 {
        %sub3A_361 = arith.constant 2 : i32
        %sub3A_362 = arith.subi %add3A_50, %sub3A_361 : i32
        %jit3A_363 = arith.constant 4 : i32
        %div3A_364 = arith.divsi %sub3A_362, %jit3A_363 : i32
        %sign3A_365 = arith.constant 0 : i32
        %sign3A_366 = arith.cmpi sgt, %sub3A_362, %sign3A_365 : i32
        %sign3A_367 = arith.extui %sign3A_366 : i1 to i32
        %sign3A_368 = arith.constant 0 : i32
        %sign3A_369 = arith.cmpi slt, %sub3A_362, %sign3A_368 : i32
        %sign3A_370 = arith.extui %sign3A_369 : i1 to i32
        %sign3A_371 = arith.subi %sign3A_367, %sign3A_370 : i32
        %sign3A_372 = arith.constant 0 : i32
        %sign3A_373 = arith.cmpi sgt, %jit3A_363, %sign3A_372 : i32
        %sign3A_374 = arith.extui %sign3A_373 : i1 to i32
        %sign3A_375 = arith.constant 0 : i32
        %sign3A_376 = arith.cmpi slt, %jit3A_363, %sign3A_375 : i32
        %sign3A_377 = arith.extui %sign3A_376 : i1 to i32
        %sign3A_378 = arith.subi %sign3A_374, %sign3A_377 : i32
        %ne3A_379 = arith.cmpi ne, %sign3A_371, %sign3A_378 : i32
        %rem3A_380 = arith.remsi %sub3A_362, %jit3A_363 : i32
        %ne3A_381 = arith.constant 0 : i32
        %ne3A_382 = arith.cmpi ne, %rem3A_380, %ne3A_381 : i32
        %and3A_383 = arith.andi %ne3A_379, %ne3A_382 : i1
        %sub3A_384 = arith.constant 1 : i32
        %sub3A_385 = arith.subi %div3A_364, %sub3A_384 : i32
        %select_n3A_386 = arith.select %and3A_383, %sub3A_385, %div3A_364 : i32
        %jit3A_387 = arith.constant 4 : i32
        %eq3A_388 = arith.constant 0 : i32
        %eq3A_389 = arith.cmpi eq, %jit3A_387, %eq3A_388 : i32
        %jit3A_390 = arith.constant 1 : i32
        %select_n3A_391 = arith.select %eq3A_389, %jit3A_390, %jit3A_387 : i32
        %rem3A_392 = arith.remsi %sub3A_362, %select_n3A_391 : i32
        %ne3A_393 = arith.constant 0 : i32
        %ne3A_394 = arith.cmpi ne, %rem3A_392, %ne3A_393 : i32
        %lt3A_395 = arith.constant 0 : i32
        %lt3A_396 = arith.cmpi slt, %rem3A_392, %lt3A_395 : i32
        %lt3A_397 = arith.constant 0 : i32
        %lt3A_398 = arith.cmpi slt, %select_n3A_391, %lt3A_397 : i32
        %ne3A_399 = arith.xori %lt3A_396, %lt3A_398 : i1
        %and3A_400 = arith.andi %ne3A_399, %ne3A_394 : i1
        %add3A_401 = arith.addi %rem3A_392, %select_n3A_391 : i32
        %select_n3A_402 = arith.select %and3A_400, %add3A_401, %rem3A_392 : i32
        %mul3A_403 = arith.constant 4 : i32
        %mul3A_404 = arith.muli %add3A, %mul3A_403 : i32
        %add3A_405 = arith.addi %mul3A_404, %select_n3A_402 : i32
        %dma_wait3A_406 = arith.constant 0 : i32
        %dma_wait3A_407 = arith.constant 0 : i32
        %dma_wait3A_408 = tpu.memref_slice %arg4[%select_n3A_386, %dma_wait3A_406, %add3A_405, %dma_wait3A_407] : memref<50x8x128x1024xf32, #tpu.memory_space<hbm>> -> memref<1x8x1x1024xf32, #tpu.memory_space<hbm>>
        %dma_wait3A_409 = tpu.memref_squeeze %dma_wait3A_408 : memref<1x8x1x1024xf32, #tpu.memory_space<hbm>> -> memref<8x1024xf32, #tpu.memory_space<hbm>>
        %dma_wait3A_410 = arith.constant 0 : i32
        %dma_wait3A_411 = arith.constant 0 : i32
        %dma_wait3A_412 = tpu.memref_slice %arg4[%select_n3A_386, %dma_wait3A_410, %add3A_405, %dma_wait3A_411] : memref<50x8x128x1024xf32, #tpu.memory_space<hbm>> -> memref<1x8x1x1024xf32, #tpu.memory_space<hbm>>
        %dma_wait3A_413 = tpu.memref_squeeze %dma_wait3A_412 : memref<1x8x1x1024xf32, #tpu.memory_space<hbm>> -> memref<8x1024xf32, #tpu.memory_space<hbm>>
        tpu.wait_dma2 semaphore(%arg12 : memref<!tpu.dma_semaphore, #tpu.memory_space<semaphore_mem>>) src(%arg8 : memref<8x1024xf32, #tpu.memory_space<vmem>>) dst(%dma_wait3A_413 : memref<8x1024xf32, #tpu.memory_space<hbm>>)
      } else {
      }
      %scan3A_140 = arith.constant 0 : i32
      %scan3A_141 = arith.constant 0 : i32
      %scan3A_142 = arith.constant 16 : i32
      %scan3A_143 = arith.addi %scan3A_141, %scan3A_142 : i32
      %scan3A_144 = arith.constant 1 : i32
      scf.for %scan3A_361 = %scan3A_141 to %scan3A_143 step %scan3A_144  : i32 {
        %add3A_362 = vector.broadcast %scan3A_361 : i32 to vector<16xi32>
        %add3A_363 = arith.addi %iota3A, %add3A_362 : vector<16xi32>
        %and3A_364 = arith.constant 15 : i32
        %and3A_365 = vector.broadcast %and3A_364 : i32 to vector<16xi32>
        %and3A_366 = arith.andi %add3A_363, %and3A_365 : vector<16xi32>
        %and3A_367 = arith.constant 7 : i32
        %and3A_368 = vector.broadcast %and3A_367 : i32 to vector<16xi32>
        %and3A_369 = arith.andi %and3A_366, %and3A_368 : vector<16xi32>
        %mul3A_370 = arith.constant 128 : i32
        %mul3A_371 = vector.broadcast %mul3A_370 : i32 to vector<16xi32>
        %mul3A_372 = arith.muli %and3A_369, %mul3A_371 : vector<16xi32>
        %add3A_373 = arith.addi %mul3A_372, %iota3A : vector<16xi32>
        %shift_right_arithmetic3A = arith.constant 3 : i32
        %shift_right_arithmetic3A_374 = vector.broadcast %shift_right_arithmetic3A : i32 to vector<16xi32>
        %shift_right_arithmetic3A_375 = arith.shrsi %and3A_366, %shift_right_arithmetic3A_374 : vector<16xi32>
        %add3A_376 = arith.constant 0 : i32
        %add3A_377 = vector.broadcast %add3A_376 : i32 to vector<16xi32>
        %add3A_378 = arith.addi %and3A_366, %add3A_377 : vector<16xi32>
        %add3A_379 = arith.constant 0 : i32
        %add3A_380 = vector.broadcast %add3A_379 : i32 to vector<16xi32>
        %add3A_381 = arith.addi %shift_right_arithmetic3A_375, %add3A_380 : vector<16xi32>
        %add3A_382 = arith.constant 0 : i32
        %add3A_383 = vector.broadcast %add3A_382 : i32 to vector<16xi32>
        %add3A_384 = arith.addi %add3A_383, %iota3A : vector<16xi32>
        %gather3A = tpu.vector_load_idx %arg6[%add3A_384, %add3A_378] : memref<128x64xf32, #tpu.memory_space<vmem>>[vector<16xi32>, vector<16xi32>], vector<16xf32>,
        %add3A_385 = arith.constant 0 : i32
        %add3A_386 = vector.broadcast %add3A_385 : i32 to vector<16xi32>
        %add3A_387 = arith.addi %add3A_373, %add3A_386 : vector<16xi32>
        tpu.vector_store_idx %arg8[%add3A_381, %add3A_387], %gather3A : memref<8x1024xf32, #tpu.memory_space<vmem>>[vector<16xi32>, vector<16xi32>], vector<16xf32>,
        %add3A_388 = arith.constant 16 : i32
        %add3A_389 = vector.broadcast %add3A_388 : i32 to vector<16xi32>
        %add3A_390 = arith.addi %add3A_389, %iota3A : vector<16xi32>
        %gather3A_391 = tpu.vector_load_idx %arg6[%add3A_390, %add3A_378] : memref<128x64xf32, #tpu.memory_space<vmem>>[vector<16xi32>, vector<16xi32>], vector<16xf32>,
        %add3A_392 = arith.constant 16 : i32
        %add3A_393 = vector.broadcast %add3A_392 : i32 to vector<16xi32>
        %add3A_394 = arith.addi %add3A_373, %add3A_393 : vector<16xi32>
        tpu.vector_store_idx %arg8[%add3A_381, %add3A_394], %gather3A_391 : memref<8x1024xf32, #tpu.memory_space<vmem>>[vector<16xi32>, vector<16xi32>], vector<16xf32>,
        %add3A_395 = arith.constant 32 : i32
        %add3A_396 = vector.broadcast %add3A_395 : i32 to vector<16xi32>
        %add3A_397 = arith.addi %add3A_396, %iota3A : vector<16xi32>
        %gather3A_398 = tpu.vector_load_idx %arg6[%add3A_397, %add3A_378] : memref<128x64xf32, #tpu.memory_space<vmem>>[vector<16xi32>, vector<16xi32>], vector<16xf32>,
        %add3A_399 = arith.constant 32 : i32
        %add3A_400 = vector.broadcast %add3A_399 : i32 to vector<16xi32>
        %add3A_401 = arith.addi %add3A_373, %add3A_400 : vector<16xi32>
        tpu.vector_store_idx %arg8[%add3A_381, %add3A_401], %gather3A_398 : memref<8x1024xf32, #tpu.memory_space<vmem>>[vector<16xi32>, vector<16xi32>], vector<16xf32>,
        %add3A_402 = arith.constant 48 : i32
        %add3A_403 = vector.broadcast %add3A_402 : i32 to vector<16xi32>
        %add3A_404 = arith.addi %add3A_403, %iota3A : vector<16xi32>
        %gather3A_405 = tpu.vector_load_idx %arg6[%add3A_404, %add3A_378] : memref<128x64xf32, #tpu.memory_space<vmem>>[vector<16xi32>, vector<16xi32>], vector<16xf32>,
        %add3A_406 = arith.constant 48 : i32
        %add3A_407 = vector.broadcast %add3A_406 : i32 to vector<16xi32>
        %add3A_408 = arith.addi %add3A_373, %add3A_407 : vector<16xi32>
        tpu.vector_store_idx %arg8[%add3A_381, %add3A_408], %gather3A_405 : memref<8x1024xf32, #tpu.memory_space<vmem>>[vector<16xi32>, vector<16xi32>], vector<16xf32>,
        %add3A_409 = arith.constant 64 : i32
        %add3A_410 = vector.broadcast %add3A_409 : i32 to vector<16xi32>
        %add3A_411 = arith.addi %add3A_410, %iota3A : vector<16xi32>
        %gather3A_412 = tpu.vector_load_idx %arg6[%add3A_411, %add3A_378] : memref<128x64xf32, #tpu.memory_space<vmem>>[vector<16xi32>, vector<16xi32>], vector<16xf32>,
        %add3A_413 = arith.constant 64 : i32
        %add3A_414 = vector.broadcast %add3A_413 : i32 to vector<16xi32>
        %add3A_415 = arith.addi %add3A_373, %add3A_414 : vector<16xi32>
        tpu.vector_store_idx %arg8[%add3A_381, %add3A_415], %gather3A_412 : memref<8x1024xf32, #tpu.memory_space<vmem>>[vector<16xi32>, vector<16xi32>], vector<16xf32>,
        %add3A_416 = arith.constant 80 : i32
        %add3A_417 = vector.broadcast %add3A_416 : i32 to vector<16xi32>
        %add3A_418 = arith.addi %add3A_417, %iota3A : vector<16xi32>
        %gather3A_419 = tpu.vector_load_idx %arg6[%add3A_418, %add3A_378] : memref<128x64xf32, #tpu.memory_space<vmem>>[vector<16xi32>, vector<16xi32>], vector<16xf32>,
        %add3A_420 = arith.constant 80 : i32
        %add3A_421 = vector.broadcast %add3A_420 : i32 to vector<16xi32>
        %add3A_422 = arith.addi %add3A_373, %add3A_421 : vector<16xi32>
        tpu.vector_store_idx %arg8[%add3A_381, %add3A_422], %gather3A_419 : memref<8x1024xf32, #tpu.memory_space<vmem>>[vector<16xi32>, vector<16xi32>], vector<16xf32>,
        %add3A_423 = arith.constant 96 : i32
        %add3A_424 = vector.broadcast %add3A_423 : i32 to vector<16xi32>
        %add3A_425 = arith.addi %add3A_424, %iota3A : vector<16xi32>
        %gather3A_426 = tpu.vector_load_idx %arg6[%add3A_425, %add3A_378] : memref<128x64xf32, #tpu.memory_space<vmem>>[vector<16xi32>, vector<16xi32>], vector<16xf32>,
        %add3A_427 = arith.constant 96 : i32
        %add3A_428 = vector.broadcast %add3A_427 : i32 to vector<16xi32>
        %add3A_429 = arith.addi %add3A_373, %add3A_428 : vector<16xi32>
        tpu.vector_store_idx %arg8[%add3A_381, %add3A_429], %gather3A_426 : memref<8x1024xf32, #tpu.memory_space<vmem>>[vector<16xi32>, vector<16xi32>], vector<16xf32>,
        %add3A_430 = arith.constant 112 : i32
        %add3A_431 = vector.broadcast %add3A_430 : i32 to vector<16xi32>
        %add3A_432 = arith.addi %add3A_431, %iota3A : vector<16xi32>
        %gather3A_433 = tpu.vector_load_idx %arg6[%add3A_432, %add3A_378] : memref<128x64xf32, #tpu.memory_space<vmem>>[vector<16xi32>, vector<16xi32>], vector<16xf32>,
        %add3A_434 = arith.constant 112 : i32
        %add3A_435 = vector.broadcast %add3A_434 : i32 to vector<16xi32>
        %add3A_436 = arith.addi %add3A_373, %add3A_435 : vector<16xi32>
        tpu.vector_store_idx %arg8[%add3A_381, %add3A_436], %gather3A_433 : memref<8x1024xf32, #tpu.memory_space<vmem>>[vector<16xi32>, vector<16xi32>], vector<16xf32>,
        %add3A_437 = arith.constant 16 : i32
        %add3A_438 = vector.broadcast %add3A_437 : i32 to vector<16xi32>
        %add3A_439 = arith.addi %and3A_366, %add3A_438 : vector<16xi32>
        %add3A_440 = arith.constant 2 : i32
        %add3A_441 = vector.broadcast %add3A_440 : i32 to vector<16xi32>
        %add3A_442 = arith.addi %shift_right_arithmetic3A_375, %add3A_441 : vector<16xi32>
        %add3A_443 = arith.constant 0 : i32
        %add3A_444 = vector.broadcast %add3A_443 : i32 to vector<16xi32>
        %add3A_445 = arith.addi %add3A_444, %iota3A : vector<16xi32>
        %gather3A_446 = tpu.vector_load_idx %arg6[%add3A_445, %add3A_439] : memref<128x64xf32, #tpu.memory_space<vmem>>[vector<16xi32>, vector<16xi32>], vector<16xf32>,
        %add3A_447 = arith.constant 0 : i32
        %add3A_448 = vector.broadcast %add3A_447 : i32 to vector<16xi32>
        %add3A_449 = arith.addi %add3A_373, %add3A_448 : vector<16xi32>
        tpu.vector_store_idx %arg8[%add3A_442, %add3A_449], %gather3A_446 : memref<8x1024xf32, #tpu.memory_space<vmem>>[vector<16xi32>, vector<16xi32>], vector<16xf32>,
        %add3A_450 = arith.constant 16 : i32
        %add3A_451 = vector.broadcast %add3A_450 : i32 to vector<16xi32>
        %add3A_452 = arith.addi %add3A_451, %iota3A : vector<16xi32>
        %gather3A_453 = tpu.vector_load_idx %arg6[%add3A_452, %add3A_439] : memref<128x64xf32, #tpu.memory_space<vmem>>[vector<16xi32>, vector<16xi32>], vector<16xf32>,
        %add3A_454 = arith.constant 16 : i32
        %add3A_455 = vector.broadcast %add3A_454 : i32 to vector<16xi32>
        %add3A_456 = arith.addi %add3A_373, %add3A_455 : vector<16xi32>
        tpu.vector_store_idx %arg8[%add3A_442, %add3A_456], %gather3A_453 : memref<8x1024xf32, #tpu.memory_space<vmem>>[vector<16xi32>, vector<16xi32>], vector<16xf32>,
        %add3A_457 = arith.constant 32 : i32
        %add3A_458 = vector.broadcast %add3A_457 : i32 to vector<16xi32>
        %add3A_459 = arith.addi %add3A_458, %iota3A : vector<16xi32>
        %gather3A_460 = tpu.vector_load_idx %arg6[%add3A_459, %add3A_439] : memref<128x64xf32, #tpu.memory_space<vmem>>[vector<16xi32>, vector<16xi32>], vector<16xf32>,
        %add3A_461 = arith.constant 32 : i32
        %add3A_462 = vector.broadcast %add3A_461 : i32 to vector<16xi32>
        %add3A_463 = arith.addi %add3A_373, %add3A_462 : vector<16xi32>
        tpu.vector_store_idx %arg8[%add3A_442, %add3A_463], %gather3A_460 : memref<8x1024xf32, #tpu.memory_space<vmem>>[vector<16xi32>, vector<16xi32>], vector<16xf32>,
        %add3A_464 = arith.constant 48 : i32
        %add3A_465 = vector.broadcast %add3A_464 : i32 to vector<16xi32>
        %add3A_466 = arith.addi %add3A_465, %iota3A : vector<16xi32>
        %gather3A_467 = tpu.vector_load_idx %arg6[%add3A_466, %add3A_439] : memref<128x64xf32, #tpu.memory_space<vmem>>[vector<16xi32>, vector<16xi32>], vector<16xf32>,
        %add3A_468 = arith.constant 48 : i32
        %add3A_469 = vector.broadcast %add3A_468 : i32 to vector<16xi32>
        %add3A_470 = arith.addi %add3A_373, %add3A_469 : vector<16xi32>
        tpu.vector_store_idx %arg8[%add3A_442, %add3A_470], %gather3A_467 : memref<8x1024xf32, #tpu.memory_space<vmem>>[vector<16xi32>, vector<16xi32>], vector<16xf32>,
        %add3A_471 = arith.constant 64 : i32
        %add3A_472 = vector.broadcast %add3A_471 : i32 to vector<16xi32>
        %add3A_473 = arith.addi %add3A_472, %iota3A : vector<16xi32>
        %gather3A_474 = tpu.vector_load_idx %arg6[%add3A_473, %add3A_439] : memref<128x64xf32, #tpu.memory_space<vmem>>[vector<16xi32>, vector<16xi32>], vector<16xf32>,
        %add3A_475 = arith.constant 64 : i32
        %add3A_476 = vector.broadcast %add3A_475 : i32 to vector<16xi32>
        %add3A_477 = arith.addi %add3A_373, %add3A_476 : vector<16xi32>
        tpu.vector_store_idx %arg8[%add3A_442, %add3A_477], %gather3A_474 : memref<8x1024xf32, #tpu.memory_space<vmem>>[vector<16xi32>, vector<16xi32>], vector<16xf32>,
        %add3A_478 = arith.constant 80 : i32
        %add3A_479 = vector.broadcast %add3A_478 : i32 to vector<16xi32>
        %add3A_480 = arith.addi %add3A_479, %iota3A : vector<16xi32>
        %gather3A_481 = tpu.vector_load_idx %arg6[%add3A_480, %add3A_439] : memref<128x64xf32, #tpu.memory_space<vmem>>[vector<16xi32>, vector<16xi32>], vector<16xf32>,
        %add3A_482 = arith.constant 80 : i32
        %add3A_483 = vector.broadcast %add3A_482 : i32 to vector<16xi32>
        %add3A_484 = arith.addi %add3A_373, %add3A_483 : vector<16xi32>
        tpu.vector_store_idx %arg8[%add3A_442, %add3A_484], %gather3A_481 : memref<8x1024xf32, #tpu.memory_space<vmem>>[vector<16xi32>, vector<16xi32>], vector<16xf32>,
        %add3A_485 = arith.constant 96 : i32
        %add3A_486 = vector.broadcast %add3A_485 : i32 to vector<16xi32>
        %add3A_487 = arith.addi %add3A_486, %iota3A : vector<16xi32>
        %gather3A_488 = tpu.vector_load_idx %arg6[%add3A_487, %add3A_439] : memref<128x64xf32, #tpu.memory_space<vmem>>[vector<16xi32>, vector<16xi32>], vector<16xf32>,
        %add3A_489 = arith.constant 96 : i32
        %add3A_490 = vector.broadcast %add3A_489 : i32 to vector<16xi32>
        %add3A_491 = arith.addi %add3A_373, %add3A_490 : vector<16xi32>
        tpu.vector_store_idx %arg8[%add3A_442, %add3A_491], %gather3A_488 : memref<8x1024xf32, #tpu.memory_space<vmem>>[vector<16xi32>, vector<16xi32>], vector<16xf32>,
        %add3A_492 = arith.constant 112 : i32
        %add3A_493 = vector.broadcast %add3A_492 : i32 to vector<16xi32>
        %add3A_494 = arith.addi %add3A_493, %iota3A : vector<16xi32>
        %gather3A_495 = tpu.vector_load_idx %arg6[%add3A_494, %add3A_439] : memref<128x64xf32, #tpu.memory_space<vmem>>[vector<16xi32>, vector<16xi32>], vector<16xf32>,
        %add3A_496 = arith.constant 112 : i32
        %add3A_497 = vector.broadcast %add3A_496 : i32 to vector<16xi32>
        %add3A_498 = arith.addi %add3A_373, %add3A_497 : vector<16xi32>
        tpu.vector_store_idx %arg8[%add3A_442, %add3A_498], %gather3A_495 : memref<8x1024xf32, #tpu.memory_space<vmem>>[vector<16xi32>, vector<16xi32>], vector<16xf32>,
        %add3A_499 = arith.constant 32 : i32
        %add3A_500 = vector.broadcast %add3A_499 : i32 to vector<16xi32>
        %add3A_501 = arith.addi %and3A_366, %add3A_500 : vector<16xi32>
        %add3A_502 = arith.constant 4 : i32
        %add3A_503 = vector.broadcast %add3A_502 : i32 to vector<16xi32>
        %add3A_504 = arith.addi %shift_right_arithmetic3A_375, %add3A_503 : vector<16xi32>
        %add3A_505 = arith.constant 0 : i32
        %add3A_506 = vector.broadcast %add3A_505 : i32 to vector<16xi32>
        %add3A_507 = arith.addi %add3A_506, %iota3A : vector<16xi32>
        %gather3A_508 = tpu.vector_load_idx %arg6[%add3A_507, %add3A_501] : memref<128x64xf32, #tpu.memory_space<vmem>>[vector<16xi32>, vector<16xi32>], vector<16xf32>,
        %add3A_509 = arith.constant 0 : i32
        %add3A_510 = vector.broadcast %add3A_509 : i32 to vector<16xi32>
        %add3A_511 = arith.addi %add3A_373, %add3A_510 : vector<16xi32>
        tpu.vector_store_idx %arg8[%add3A_504, %add3A_511], %gather3A_508 : memref<8x1024xf32, #tpu.memory_space<vmem>>[vector<16xi32>, vector<16xi32>], vector<16xf32>,
        %add3A_512 = arith.constant 16 : i32
        %add3A_513 = vector.broadcast %add3A_512 : i32 to vector<16xi32>
        %add3A_514 = arith.addi %add3A_513, %iota3A : vector<16xi32>
        %gather3A_515 = tpu.vector_load_idx %arg6[%add3A_514, %add3A_501] : memref<128x64xf32, #tpu.memory_space<vmem>>[vector<16xi32>, vector<16xi32>], vector<16xf32>,
        %add3A_516 = arith.constant 16 : i32
        %add3A_517 = vector.broadcast %add3A_516 : i32 to vector<16xi32>
        %add3A_518 = arith.addi %add3A_373, %add3A_517 : vector<16xi32>
        tpu.vector_store_idx %arg8[%add3A_504, %add3A_518], %gather3A_515 : memref<8x1024xf32, #tpu.memory_space<vmem>>[vector<16xi32>, vector<16xi32>], vector<16xf32>,
        %add3A_519 = arith.constant 32 : i32
        %add3A_520 = vector.broadcast %add3A_519 : i32 to vector<16xi32>
        %add3A_521 = arith.addi %add3A_520, %iota3A : vector<16xi32>
        %gather3A_522 = tpu.vector_load_idx %arg6[%add3A_521, %add3A_501] : memref<128x64xf32, #tpu.memory_space<vmem>>[vector<16xi32>, vector<16xi32>], vector<16xf32>,
        %add3A_523 = arith.constant 32 : i32
        %add3A_524 = vector.broadcast %add3A_523 : i32 to vector<16xi32>
        %add3A_525 = arith.addi %add3A_373, %add3A_524 : vector<16xi32>
        tpu.vector_store_idx %arg8[%add3A_504, %add3A_525], %gather3A_522 : memref<8x1024xf32, #tpu.memory_space<vmem>>[vector<16xi32>, vector<16xi32>], vector<16xf32>,
        %add3A_526 = arith.constant 48 : i32
        %add3A_527 = vector.broadcast %add3A_526 : i32 to vector<16xi32>
        %add3A_528 = arith.addi %add3A_527, %iota3A : vector<16xi32>
        %gather3A_529 = tpu.vector_load_idx %arg6[%add3A_528, %add3A_501] : memref<128x64xf32, #tpu.memory_space<vmem>>[vector<16xi32>, vector<16xi32>], vector<16xf32>,
        %add3A_530 = arith.constant 48 : i32
        %add3A_531 = vector.broadcast %add3A_530 : i32 to vector<16xi32>
        %add3A_532 = arith.addi %add3A_373, %add3A_531 : vector<16xi32>
        tpu.vector_store_idx %arg8[%add3A_504, %add3A_532], %gather3A_529 : memref<8x1024xf32, #tpu.memory_space<vmem>>[vector<16xi32>, vector<16xi32>], vector<16xf32>,
        %add3A_533 = arith.constant 64 : i32
        %add3A_534 = vector.broadcast %add3A_533 : i32 to vector<16xi32>
        %add3A_535 = arith.addi %add3A_534, %iota3A : vector<16xi32>
        %gather3A_536 = tpu.vector_load_idx %arg6[%add3A_535, %add3A_501] : memref<128x64xf32, #tpu.memory_space<vmem>>[vector<16xi32>, vector<16xi32>], vector<16xf32>,
        %add3A_537 = arith.constant 64 : i32
        %add3A_538 = vector.broadcast %add3A_537 : i32 to vector<16xi32>
        %add3A_539 = arith.addi %add3A_373, %add3A_538 : vector<16xi32>
        tpu.vector_store_idx %arg8[%add3A_504, %add3A_539], %gather3A_536 : memref<8x1024xf32, #tpu.memory_space<vmem>>[vector<16xi32>, vector<16xi32>], vector<16xf32>,
        %add3A_540 = arith.constant 80 : i32
        %add3A_541 = vector.broadcast %add3A_540 : i32 to vector<16xi32>
        %add3A_542 = arith.addi %add3A_541, %iota3A : vector<16xi32>
        %gather3A_543 = tpu.vector_load_idx %arg6[%add3A_542, %add3A_501] : memref<128x64xf32, #tpu.memory_space<vmem>>[vector<16xi32>, vector<16xi32>], vector<16xf32>,
        %add3A_544 = arith.constant 80 : i32
        %add3A_545 = vector.broadcast %add3A_544 : i32 to vector<16xi32>
        %add3A_546 = arith.addi %add3A_373, %add3A_545 : vector<16xi32>
        tpu.vector_store_idx %arg8[%add3A_504, %add3A_546], %gather3A_543 : memref<8x1024xf32, #tpu.memory_space<vmem>>[vector<16xi32>, vector<16xi32>], vector<16xf32>,
        %add3A_547 = arith.constant 96 : i32
        %add3A_548 = vector.broadcast %add3A_547 : i32 to vector<16xi32>
        %add3A_549 = arith.addi %add3A_548, %iota3A : vector<16xi32>
        %gather3A_550 = tpu.vector_load_idx %arg6[%add3A_549, %add3A_501] : memref<128x64xf32, #tpu.memory_space<vmem>>[vector<16xi32>, vector<16xi32>], vector<16xf32>,
        %add3A_551 = arith.constant 96 : i32
        %add3A_552 = vector.broadcast %add3A_551 : i32 to vector<16xi32>
        %add3A_553 = arith.addi %add3A_373, %add3A_552 : vector<16xi32>
        tpu.vector_store_idx %arg8[%add3A_504, %add3A_553], %gather3A_550 : memref<8x1024xf32, #tpu.memory_space<vmem>>[vector<16xi32>, vector<16xi32>], vector<16xf32>,
        %add3A_554 = arith.constant 112 : i32
        %add3A_555 = vector.broadcast %add3A_554 : i32 to vector<16xi32>
        %add3A_556 = arith.addi %add3A_555, %iota3A : vector<16xi32>
        %gather3A_557 = tpu.vector_load_idx %arg6[%add3A_556, %add3A_501] : memref<128x64xf32, #tpu.memory_space<vmem>>[vector<16xi32>, vector<16xi32>], vector<16xf32>,
        %add3A_558 = arith.constant 112 : i32
        %add3A_559 = vector.broadcast %add3A_558 : i32 to vector<16xi32>
        %add3A_560 = arith.addi %add3A_373, %add3A_559 : vector<16xi32>
        tpu.vector_store_idx %arg8[%add3A_504, %add3A_560], %gather3A_557 : memref<8x1024xf32, #tpu.memory_space<vmem>>[vector<16xi32>, vector<16xi32>], vector<16xf32>,
        %add3A_561 = arith.constant 48 : i32
        %add3A_562 = vector.broadcast %add3A_561 : i32 to vector<16xi32>
        %add3A_563 = arith.addi %and3A_366, %add3A_562 : vector<16xi32>
        %add3A_564 = arith.constant 6 : i32
        %add3A_565 = vector.broadcast %add3A_564 : i32 to vector<16xi32>
        %add3A_566 = arith.addi %shift_right_arithmetic3A_375, %add3A_565 : vector<16xi32>
        %add3A_567 = arith.constant 0 : i32
        %add3A_568 = vector.broadcast %add3A_567 : i32 to vector<16xi32>
        %add3A_569 = arith.addi %add3A_568, %iota3A : vector<16xi32>
        %gather3A_570 = tpu.vector_load_idx %arg6[%add3A_569, %add3A_563] : memref<128x64xf32, #tpu.memory_space<vmem>>[vector<16xi32>, vector<16xi32>], vector<16xf32>,
        %add3A_571 = arith.constant 0 : i32
        %add3A_572 = vector.broadcast %add3A_571 : i32 to vector<16xi32>
        %add3A_573 = arith.addi %add3A_373, %add3A_572 : vector<16xi32>
        tpu.vector_store_idx %arg8[%add3A_566, %add3A_573], %gather3A_570 : memref<8x1024xf32, #tpu.memory_space<vmem>>[vector<16xi32>, vector<16xi32>], vector<16xf32>,
        %add3A_574 = arith.constant 16 : i32
        %add3A_575 = vector.broadcast %add3A_574 : i32 to vector<16xi32>
        %add3A_576 = arith.addi %add3A_575, %iota3A : vector<16xi32>
        %gather3A_577 = tpu.vector_load_idx %arg6[%add3A_576, %add3A_563] : memref<128x64xf32, #tpu.memory_space<vmem>>[vector<16xi32>, vector<16xi32>], vector<16xf32>,
        %add3A_578 = arith.constant 16 : i32
        %add3A_579 = vector.broadcast %add3A_578 : i32 to vector<16xi32>
        %add3A_580 = arith.addi %add3A_373, %add3A_579 : vector<16xi32>
        tpu.vector_store_idx %arg8[%add3A_566, %add3A_580], %gather3A_577 : memref<8x1024xf32, #tpu.memory_space<vmem>>[vector<16xi32>, vector<16xi32>], vector<16xf32>,
        %add3A_581 = arith.constant 32 : i32
        %add3A_582 = vector.broadcast %add3A_581 : i32 to vector<16xi32>
        %add3A_583 = arith.addi %add3A_582, %iota3A : vector<16xi32>
        %gather3A_584 = tpu.vector_load_idx %arg6[%add3A_583, %add3A_563] : memref<128x64xf32, #tpu.memory_space<vmem>>[vector<16xi32>, vector<16xi32>], vector<16xf32>,
        %add3A_585 = arith.constant 32 : i32
        %add3A_586 = vector.broadcast %add3A_585 : i32 to vector<16xi32>
        %add3A_587 = arith.addi %add3A_373, %add3A_586 : vector<16xi32>
        tpu.vector_store_idx %arg8[%add3A_566, %add3A_587], %gather3A_584 : memref<8x1024xf32, #tpu.memory_space<vmem>>[vector<16xi32>, vector<16xi32>], vector<16xf32>,
        %add3A_588 = arith.constant 48 : i32
        %add3A_589 = vector.broadcast %add3A_588 : i32 to vector<16xi32>
        %add3A_590 = arith.addi %add3A_589, %iota3A : vector<16xi32>
        %gather3A_591 = tpu.vector_load_idx %arg6[%add3A_590, %add3A_563] : memref<128x64xf32, #tpu.memory_space<vmem>>[vector<16xi32>, vector<16xi32>], vector<16xf32>,
        %add3A_592 = arith.constant 48 : i32
        %add3A_593 = vector.broadcast %add3A_592 : i32 to vector<16xi32>
        %add3A_594 = arith.addi %add3A_373, %add3A_593 : vector<16xi32>
        tpu.vector_store_idx %arg8[%add3A_566, %add3A_594], %gather3A_591 : memref<8x1024xf32, #tpu.memory_space<vmem>>[vector<16xi32>, vector<16xi32>], vector<16xf32>,
        %add3A_595 = arith.constant 64 : i32
        %add3A_596 = vector.broadcast %add3A_595 : i32 to vector<16xi32>
        %add3A_597 = arith.addi %add3A_596, %iota3A : vector<16xi32>
        %gather3A_598 = tpu.vector_load_idx %arg6[%add3A_597, %add3A_563] : memref<128x64xf32, #tpu.memory_space<vmem>>[vector<16xi32>, vector<16xi32>], vector<16xf32>,
        %add3A_599 = arith.constant 64 : i32
        %add3A_600 = vector.broadcast %add3A_599 : i32 to vector<16xi32>
        %add3A_601 = arith.addi %add3A_373, %add3A_600 : vector<16xi32>
        tpu.vector_store_idx %arg8[%add3A_566, %add3A_601], %gather3A_598 : memref<8x1024xf32, #tpu.memory_space<vmem>>[vector<16xi32>, vector<16xi32>], vector<16xf32>,
        %add3A_602 = arith.constant 80 : i32
        %add3A_603 = vector.broadcast %add3A_602 : i32 to vector<16xi32>
        %add3A_604 = arith.addi %add3A_603, %iota3A : vector<16xi32>
        %gather3A_605 = tpu.vector_load_idx %arg6[%add3A_604, %add3A_563] : memref<128x64xf32, #tpu.memory_space<vmem>>[vector<16xi32>, vector<16xi32>], vector<16xf32>,
        %add3A_606 = arith.constant 80 : i32
        %add3A_607 = vector.broadcast %add3A_606 : i32 to vector<16xi32>
        %add3A_608 = arith.addi %add3A_373, %add3A_607 : vector<16xi32>
        tpu.vector_store_idx %arg8[%add3A_566, %add3A_608], %gather3A_605 : memref<8x1024xf32, #tpu.memory_space<vmem>>[vector<16xi32>, vector<16xi32>], vector<16xf32>,
        %add3A_609 = arith.constant 96 : i32
        %add3A_610 = vector.broadcast %add3A_609 : i32 to vector<16xi32>
        %add3A_611 = arith.addi %add3A_610, %iota3A : vector<16xi32>
        %gather3A_612 = tpu.vector_load_idx %arg6[%add3A_611, %add3A_563] : memref<128x64xf32, #tpu.memory_space<vmem>>[vector<16xi32>, vector<16xi32>], vector<16xf32>,
        %add3A_613 = arith.constant 96 : i32
        %add3A_614 = vector.broadcast %add3A_613 : i32 to vector<16xi32>
        %add3A_615 = arith.addi %add3A_373, %add3A_614 : vector<16xi32>
        tpu.vector_store_idx %arg8[%add3A_566, %add3A_615], %gather3A_612 : memref<8x1024xf32, #tpu.memory_space<vmem>>[vector<16xi32>, vector<16xi32>], vector<16xf32>,
        %add3A_616 = arith.constant 112 : i32
        %add3A_617 = vector.broadcast %add3A_616 : i32 to vector<16xi32>
        %add3A_618 = arith.addi %add3A_617, %iota3A : vector<16xi32>
        %gather3A_619 = tpu.vector_load_idx %arg6[%add3A_618, %add3A_563] : memref<128x64xf32, #tpu.memory_space<vmem>>[vector<16xi32>, vector<16xi32>], vector<16xf32>,
        %add3A_620 = arith.constant 112 : i32
        %add3A_621 = vector.broadcast %add3A_620 : i32 to vector<16xi32>
        %add3A_622 = arith.addi %add3A_373, %add3A_621 : vector<16xi32>
        tpu.vector_store_idx %arg8[%add3A_566, %add3A_622], %gather3A_619 : memref<8x1024xf32, #tpu.memory_space<vmem>>[vector<16xi32>, vector<16xi32>], vector<16xf32>,
      }
      %scan3A_145 = arith.constant 16 : i32
      %jit3A_146 = arith.constant 4 : i32
      %div3A_147 = arith.divsi %add3A_50, %jit3A_146 : i32
      %sign3A_148 = arith.constant 0 : i32
      %sign3A_149 = arith.cmpi sgt, %add3A_50, %sign3A_148 : i32
      %sign3A_150 = arith.extui %sign3A_149 : i1 to i32
      %sign3A_151 = arith.constant 0 : i32
      %sign3A_152 = arith.cmpi slt, %add3A_50, %sign3A_151 : i32
      %sign3A_153 = arith.extui %sign3A_152 : i1 to i32
      %sign3A_154 = arith.subi %sign3A_150, %sign3A_153 : i32
      %sign3A_155 = arith.constant 0 : i32
      %sign3A_156 = arith.cmpi sgt, %jit3A_146, %sign3A_155 : i32
      %sign3A_157 = arith.extui %sign3A_156 : i1 to i32
      %sign3A_158 = arith.constant 0 : i32
      %sign3A_159 = arith.cmpi slt, %jit3A_146, %sign3A_158 : i32
      %sign3A_160 = arith.extui %sign3A_159 : i1 to i32
      %sign3A_161 = arith.subi %sign3A_157, %sign3A_160 : i32
      %ne3A_162 = arith.cmpi ne, %sign3A_154, %sign3A_161 : i32
      %rem3A_163 = arith.remsi %add3A_50, %jit3A_146 : i32
      %ne3A_164 = arith.constant 0 : i32
      %ne3A_165 = arith.cmpi ne, %rem3A_163, %ne3A_164 : i32
      %and3A_166 = arith.andi %ne3A_162, %ne3A_165 : i1
      %sub3A_167 = arith.constant 1 : i32
      %sub3A_168 = arith.subi %div3A_147, %sub3A_167 : i32
      %select_n3A_169 = arith.select %and3A_166, %sub3A_168, %div3A_147 : i32
      %jit3A_170 = arith.constant 4 : i32
      %eq3A_171 = arith.constant 0 : i32
      %eq3A_172 = arith.cmpi eq, %jit3A_170, %eq3A_171 : i32
      %jit3A_173 = arith.constant 1 : i32
      %select_n3A_174 = arith.select %eq3A_172, %jit3A_173, %jit3A_170 : i32
      %rem3A_175 = arith.remsi %add3A_50, %select_n3A_174 : i32
      %ne3A_176 = arith.constant 0 : i32
      %ne3A_177 = arith.cmpi ne, %rem3A_175, %ne3A_176 : i32
      %lt3A_178 = arith.constant 0 : i32
      %lt3A_179 = arith.cmpi slt, %rem3A_175, %lt3A_178 : i32
      %lt3A_180 = arith.constant 0 : i32
      %lt3A_181 = arith.cmpi slt, %select_n3A_174, %lt3A_180 : i32
      %ne3A_182 = arith.xori %lt3A_179, %lt3A_181 : i1
      %and3A_183 = arith.andi %ne3A_182, %ne3A_177 : i1
      %add3A_184 = arith.addi %rem3A_175, %select_n3A_174 : i32
      %select_n3A_185 = arith.select %and3A_183, %add3A_184, %rem3A_175 : i32
      %mul3A_186 = arith.constant 4 : i32
      %mul3A_187 = arith.muli %add3A, %mul3A_186 : i32
      %add3A_188 = arith.addi %mul3A_187, %select_n3A_185 : i32
      %dma_start3A_189 = arith.constant 0 : i32
      %dma_start3A_190 = arith.constant 0 : i32
      %dma_start3A_191 = tpu.memref_slice %arg4[%select_n3A_169, %dma_start3A_189, %add3A_188, %dma_start3A_190] : memref<50x8x128x1024xf32, #tpu.memory_space<hbm>> -> memref<1x8x1x1024xf32, #tpu.memory_space<hbm>>
      %dma_start3A_192 = tpu.memref_squeeze %dma_start3A_191 : memref<1x8x1x1024xf32, #tpu.memory_space<hbm>> -> memref<8x1024xf32, #tpu.memory_space<hbm>>
      %dma_start3A_193 = arith.constant 0 : i32
      %dma_start3A_194 = arith.constant 0 : i32
      %dma_start3A_195 = tpu.memref_slice %arg4[%select_n3A_169, %dma_start3A_193, %add3A_188, %dma_start3A_194] : memref<50x8x128x1024xf32, #tpu.memory_space<hbm>> -> memref<1x8x1x1024xf32, #tpu.memory_space<hbm>>
      %dma_start3A_196 = tpu.memref_squeeze %dma_start3A_195 : memref<1x8x1x1024xf32, #tpu.memory_space<hbm>> -> memref<8x1024xf32, #tpu.memory_space<hbm>>
      tpu.enqueue_dma source(%arg8 : memref<8x1024xf32, #tpu.memory_space<vmem>>) target(%dma_start3A_196 : memref<8x1024xf32, #tpu.memory_space<hbm>>) target_semaphore(%arg12 : memref<!tpu.dma_semaphore, #tpu.memory_space<semaphore_mem>>)
      %mul3A_197 = arith.constant 2 : i32
      %mul3A_198 = arith.muli %scan3A_46, %mul3A_197 : i32
      %add3A_199 = arith.constant 1 : i32
      %add3A_200 = arith.addi %mul3A_198, %add3A_199 : i32
      %add3A_201 = arith.constant 1 : i32
      %add3A_202 = arith.addi %add3A_200, %add3A_201 : i32
      %min3A_203 = arith.constant 199 : i32
      %min3A_204 = arith.minsi %add3A_202, %min3A_203 : i32
      %jit3A_205 = arith.constant 4 : i32
      %div3A_206 = arith.divsi %min3A_204, %jit3A_205 : i32
      %sign3A_207 = arith.constant 0 : i32
      %sign3A_208 = arith.cmpi sgt, %min3A_204, %sign3A_207 : i32
      %sign3A_209 = arith.extui %sign3A_208 : i1 to i32
      %sign3A_210 = arith.constant 0 : i32
      %sign3A_211 = arith.cmpi slt, %min3A_204, %sign3A_210 : i32
      %sign3A_212 = arith.extui %sign3A_211 : i1 to i32
      %sign3A_213 = arith.subi %sign3A_209, %sign3A_212 : i32
      %sign3A_214 = arith.constant 0 : i32
      %sign3A_215 = arith.cmpi sgt, %jit3A_205, %sign3A_214 : i32
      %sign3A_216 = arith.extui %sign3A_215 : i1 to i32
      %sign3A_217 = arith.constant 0 : i32
      %sign3A_218 = arith.cmpi slt, %jit3A_205, %sign3A_217 : i32
      %sign3A_219 = arith.extui %sign3A_218 : i1 to i32
      %sign3A_220 = arith.subi %sign3A_216, %sign3A_219 : i32
      %ne3A_221 = arith.cmpi ne, %sign3A_213, %sign3A_220 : i32
      %rem3A_222 = arith.remsi %min3A_204, %jit3A_205 : i32
      %ne3A_223 = arith.constant 0 : i32
      %ne3A_224 = arith.cmpi ne, %rem3A_222, %ne3A_223 : i32
      %and3A_225 = arith.andi %ne3A_221, %ne3A_224 : i1
      %sub3A_226 = arith.constant 1 : i32
      %sub3A_227 = arith.subi %div3A_206, %sub3A_226 : i32
      %select_n3A_228 = arith.select %and3A_225, %sub3A_227, %div3A_206 : i32
      %jit3A_229 = arith.constant 4 : i32
      %eq3A_230 = arith.constant 0 : i32
      %eq3A_231 = arith.cmpi eq, %jit3A_229, %eq3A_230 : i32
      %jit3A_232 = arith.constant 1 : i32
      %select_n3A_233 = arith.select %eq3A_231, %jit3A_232, %jit3A_229 : i32
      %rem3A_234 = arith.remsi %min3A_204, %select_n3A_233 : i32
      %ne3A_235 = arith.constant 0 : i32
      %ne3A_236 = arith.cmpi ne, %rem3A_234, %ne3A_235 : i32
      %lt3A_237 = arith.constant 0 : i32
      %lt3A_238 = arith.cmpi slt, %rem3A_234, %lt3A_237 : i32
      %lt3A_239 = arith.constant 0 : i32
      %lt3A_240 = arith.cmpi slt, %select_n3A_233, %lt3A_239 : i32
      %ne3A_241 = arith.xori %lt3A_238, %lt3A_240 : i1
      %and3A_242 = arith.andi %ne3A_241, %ne3A_236 : i1
      %add3A_243 = arith.addi %rem3A_234, %select_n3A_233 : i32
      %select_n3A_244 = arith.select %and3A_242, %add3A_243, %rem3A_234 : i32
      %mul3A_245 = arith.constant 128 : i32
      %mul3A_246 = arith.muli %select_n3A_244, %mul3A_245 : i32
      %dma_start3A_247 = tpu.memref_slice %arg5[%select_n3A_228, %mul3A_246] : memref<50x512xi32, #tpu.memory_space<vmem>> -> memref<1x128xi32, #tpu.memory_space<vmem>>
      %dma_start3A_248 = tpu.memref_squeeze %dma_start3A_247 : memref<1x128xi32, #tpu.memory_space<vmem>> -> memref<128xi32, #tpu.memory_space<vmem>>
      %dma_start3A_249 = arith.constant 0 : i32
      %dma_start3A_250 = arith.constant 0 : i32
      %dma_start3A_251 = tpu.memref_slice %arg2[%dma_start3A_249, %dma_start3A_250] : memref<1000000x64xf32, #tpu.memory_space<hbm>> -> memref<1000000x64xf32, #tpu.memory_space<hbm>>
      tpu.enqueue_indirect_dma source(%dma_start3A_251 : memref<1000000x64xf32, #tpu.memory_space<hbm>>) target(%arg6 : memref<128x64xf32, #tpu.memory_space<vmem>>) offsets(%dma_start3A_248 : memref<128xi32, #tpu.memory_space<vmem>>) semaphore(%arg10 : memref<!tpu.dma_semaphore, #tpu.memory_space<semaphore_mem>>)
      %jit3A_252 = arith.constant 4 : i32
      %div3A_253 = arith.divsi %add3A_200, %jit3A_252 : i32
      %sign3A_254 = arith.constant 0 : i32
      %sign3A_255 = arith.cmpi sgt, %add3A_200, %sign3A_254 : i32
      %sign3A_256 = arith.extui %sign3A_255 : i1 to i32
      %sign3A_257 = arith.constant 0 : i32
      %sign3A_258 = arith.cmpi slt, %add3A_200, %sign3A_257 : i32
      %sign3A_259 = arith.extui %sign3A_258 : i1 to i32
      %sign3A_260 = arith.subi %sign3A_256, %sign3A_259 : i32
      %sign3A_261 = arith.constant 0 : i32
      %sign3A_262 = arith.cmpi sgt, %jit3A_252, %sign3A_261 : i32
      %sign3A_263 = arith.extui %sign3A_262 : i1 to i32
      %sign3A_264 = arith.constant 0 : i32
      %sign3A_265 = arith.cmpi slt, %jit3A_252, %sign3A_264 : i32
      %sign3A_266 = arith.extui %sign3A_265 : i1 to i32
      %sign3A_267 = arith.subi %sign3A_263, %sign3A_266 : i32
      %ne3A_268 = arith.cmpi ne, %sign3A_260, %sign3A_267 : i32
      %rem3A_269 = arith.remsi %add3A_200, %jit3A_252 : i32
      %ne3A_270 = arith.constant 0 : i32
      %ne3A_271 = arith.cmpi ne, %rem3A_269, %ne3A_270 : i32
      %and3A_272 = arith.andi %ne3A_268, %ne3A_271 : i1
      %sub3A_273 = arith.constant 1 : i32
      %sub3A_274 = arith.subi %div3A_253, %sub3A_273 : i32
      %select_n3A_275 = arith.select %and3A_272, %sub3A_274, %div3A_253 : i32
      %jit3A_276 = arith.constant 4 : i32
      %eq3A_277 = arith.constant 0 : i32
      %eq3A_278 = arith.cmpi eq, %jit3A_276, %eq3A_277 : i32
      %jit3A_279 = arith.constant 1 : i32
      %select_n3A_280 = arith.select %eq3A_278, %jit3A_279, %jit3A_276 : i32
      %rem3A_281 = arith.remsi %add3A_200, %select_n3A_280 : i32
      %ne3A_282 = arith.constant 0 : i32
      %ne3A_283 = arith.cmpi ne, %rem3A_281, %ne3A_282 : i32
      %lt3A_284 = arith.constant 0 : i32
      %lt3A_285 = arith.cmpi slt, %rem3A_281, %lt3A_284 : i32
      %lt3A_286 = arith.constant 0 : i32
      %lt3A_287 = arith.cmpi slt, %select_n3A_280, %lt3A_286 : i32
      %ne3A_288 = arith.xori %lt3A_285, %lt3A_287 : i1
      %and3A_289 = arith.andi %ne3A_288, %ne3A_283 : i1
      %add3A_290 = arith.addi %rem3A_281, %select_n3A_280 : i32
      %select_n3A_291 = arith.select %and3A_289, %add3A_290, %rem3A_281 : i32
      %mul3A_292 = arith.constant 128 : i32
      %mul3A_293 = arith.muli %select_n3A_291, %mul3A_292 : i32
      %dma_wait3A_294 = tpu.memref_slice %arg5[%select_n3A_275, %mul3A_293] : memref<50x512xi32, #tpu.memory_space<vmem>> -> memref<1x128xi32, #tpu.memory_space<vmem>>
      %dma_wait3A_295 = tpu.memref_squeeze %dma_wait3A_294 : memref<1x128xi32, #tpu.memory_space<vmem>> -> memref<128xi32, #tpu.memory_space<vmem>>
      %dma_wait3A_296 = arith.constant 0 : i32
      %dma_wait3A_297 = arith.constant 0 : i32
      %dma_wait3A_298 = tpu.memref_slice %arg2[%dma_wait3A_296, %dma_wait3A_297] : memref<1000000x64xf32, #tpu.memory_space<hbm>> -> memref<1000000x64xf32, #tpu.memory_space<hbm>>
      tpu.wait_indirect_dma semaphore(%arg11 : memref<!tpu.dma_semaphore, #tpu.memory_space<semaphore_mem>>) src(%dma_wait3A_298 : memref<1000000x64xf32, #tpu.memory_space<hbm>>) dst(%arg7 : memref<128x64xf32, #tpu.memory_space<vmem>>)
      %ge3A_299 = arith.constant 2 : i32
      %ge3A_300 = arith.cmpi sge, %add3A_200, %ge3A_299 : i32
      %convert_element_type3A_301 = arith.extui %ge3A_300 : i1 to i32
      %cond3A_302 = arith.constant 0 : i32
      %cond3A_303 = arith.cmpi ne, %convert_element_type3A_301, %cond3A_302 : i32
      scf.if %cond3A_303 {
        %sub3A_361 = arith.constant 2 : i32
        %sub3A_362 = arith.subi %add3A_200, %sub3A_361 : i32
        %jit3A_363 = arith.constant 4 : i32
        %div3A_364 = arith.divsi %sub3A_362, %jit3A_363 : i32
        %sign3A_365 = arith.constant 0 : i32
        %sign3A_366 = arith.cmpi sgt, %sub3A_362, %sign3A_365 : i32
        %sign3A_367 = arith.extui %sign3A_366 : i1 to i32
        %sign3A_368 = arith.constant 0 : i32
        %sign3A_369 = arith.cmpi slt, %sub3A_362, %sign3A_368 : i32
        %sign3A_370 = arith.extui %sign3A_369 : i1 to i32
        %sign3A_371 = arith.subi %sign3A_367, %sign3A_370 : i32
        %sign3A_372 = arith.constant 0 : i32
        %sign3A_373 = arith.cmpi sgt, %jit3A_363, %sign3A_372 : i32
        %sign3A_374 = arith.extui %sign3A_373 : i1 to i32
        %sign3A_375 = arith.constant 0 : i32
        %sign3A_376 = arith.cmpi slt, %jit3A_363, %sign3A_375 : i32
        %sign3A_377 = arith.extui %sign3A_376 : i1 to i32
        %sign3A_378 = arith.subi %sign3A_374, %sign3A_377 : i32
        %ne3A_379 = arith.cmpi ne, %sign3A_371, %sign3A_378 : i32
        %rem3A_380 = arith.remsi %sub3A_362, %jit3A_363 : i32
        %ne3A_381 = arith.constant 0 : i32
        %ne3A_382 = arith.cmpi ne, %rem3A_380, %ne3A_381 : i32
        %and3A_383 = arith.andi %ne3A_379, %ne3A_382 : i1
        %sub3A_384 = arith.constant 1 : i32
        %sub3A_385 = arith.subi %div3A_364, %sub3A_384 : i32
        %select_n3A_386 = arith.select %and3A_383, %sub3A_385, %div3A_364 : i32
        %jit3A_387 = arith.constant 4 : i32
        %eq3A_388 = arith.constant 0 : i32
        %eq3A_389 = arith.cmpi eq, %jit3A_387, %eq3A_388 : i32
        %jit3A_390 = arith.constant 1 : i32
        %select_n3A_391 = arith.select %eq3A_389, %jit3A_390, %jit3A_387 : i32
        %rem3A_392 = arith.remsi %sub3A_362, %select_n3A_391 : i32
        %ne3A_393 = arith.constant 0 : i32
        %ne3A_394 = arith.cmpi ne, %rem3A_392, %ne3A_393 : i32
        %lt3A_395 = arith.constant 0 : i32
        %lt3A_396 = arith.cmpi slt, %rem3A_392, %lt3A_395 : i32
        %lt3A_397 = arith.constant 0 : i32
        %lt3A_398 = arith.cmpi slt, %select_n3A_391, %lt3A_397 : i32
        %ne3A_399 = arith.xori %lt3A_396, %lt3A_398 : i1
        %and3A_400 = arith.andi %ne3A_399, %ne3A_394 : i1
        %add3A_401 = arith.addi %rem3A_392, %select_n3A_391 : i32
        %select_n3A_402 = arith.select %and3A_400, %add3A_401, %rem3A_392 : i32
        %mul3A_403 = arith.constant 4 : i32
        %mul3A_404 = arith.muli %add3A, %mul3A_403 : i32
        %add3A_405 = arith.addi %mul3A_404, %select_n3A_402 : i32
        %dma_wait3A_406 = arith.constant 0 : i32
        %dma_wait3A_407 = arith.constant 0 : i32
        %dma_wait3A_408 = tpu.memref_slice %arg4[%select_n3A_386, %dma_wait3A_406, %add3A_405, %dma_wait3A_407] : memref<50x8x128x1024xf32, #tpu.memory_space<hbm>> -> memref<1x8x1x1024xf32, #tpu.memory_space<hbm>>
        %dma_wait3A_409 = tpu.memref_squeeze %dma_wait3A_408 : memref<1x8x1x1024xf32, #tpu.memory_space<hbm>> -> memref<8x1024xf32, #tpu.memory_space<hbm>>
        %dma_wait3A_410 = arith.constant 0 : i32
        %dma_wait3A_411 = arith.constant 0 : i32
        %dma_wait3A_412 = tpu.memref_slice %arg4[%select_n3A_386, %dma_wait3A_410, %add3A_405, %dma_wait3A_411] : memref<50x8x128x1024xf32, #tpu.memory_space<hbm>> -> memref<1x8x1x1024xf32, #tpu.memory_space<hbm>>
        %dma_wait3A_413 = tpu.memref_squeeze %dma_wait3A_412 : memref<1x8x1x1024xf32, #tpu.memory_space<hbm>> -> memref<8x1024xf32, #tpu.memory_space<hbm>>
        tpu.wait_dma2 semaphore(%arg13 : memref<!tpu.dma_semaphore, #tpu.memory_space<semaphore_mem>>) src(%arg9 : memref<8x1024xf32, #tpu.memory_space<vmem>>) dst(%dma_wait3A_413 : memref<8x1024xf32, #tpu.memory_space<hbm>>)
      } else {
      }
      %scan3A_304 = arith.constant 0 : i32
      %scan3A_305 = arith.constant 0 : i32
      %scan3A_306 = arith.constant 16 : i32
      %scan3A_307 = arith.addi %scan3A_305, %scan3A_306 : i32
      %scan3A_308 = arith.constant 1 : i32
      scf.for %scan3A_361 = %scan3A_305 to %scan3A_307 step %scan3A_308  : i32 {
        %add3A_362 = vector.broadcast %scan3A_361 : i32 to vector<16xi32>
        %add3A_363 = arith.addi %iota3A, %add3A_362 : vector<16xi32>
        %and3A_364 = arith.constant 15 : i32
        %and3A_365 = vector.broadcast %and3A_364 : i32 to vector<16xi32>
        %and3A_366 = arith.andi %add3A_363, %and3A_365 : vector<16xi32>
        %and3A_367 = arith.constant 7 : i32
        %and3A_368 = vector.broadcast %and3A_367 : i32 to vector<16xi32>
        %and3A_369 = arith.andi %and3A_366, %and3A_368 : vector<16xi32>
        %mul3A_370 = arith.constant 128 : i32
        %mul3A_371 = vector.broadcast %mul3A_370 : i32 to vector<16xi32>
        %mul3A_372 = arith.muli %and3A_369, %mul3A_371 : vector<16xi32>
        %add3A_373 = arith.addi %mul3A_372, %iota3A : vector<16xi32>
        %shift_right_arithmetic3A = arith.constant 3 : i32
        %shift_right_arithmetic3A_374 = vector.broadcast %shift_right_arithmetic3A : i32 to vector<16xi32>
        %shift_right_arithmetic3A_375 = arith.shrsi %and3A_366, %shift_right_arithmetic3A_374 : vector<16xi32>
        %add3A_376 = arith.constant 0 : i32
        %add3A_377 = vector.broadcast %add3A_376 : i32 to vector<16xi32>
        %add3A_378 = arith.addi %and3A_366, %add3A_377 : vector<16xi32>
        %add3A_379 = arith.constant 0 : i32
        %add3A_380 = vector.broadcast %add3A_379 : i32 to vector<16xi32>
        %add3A_381 = arith.addi %shift_right_arithmetic3A_375, %add3A_380 : vector<16xi32>
        %add3A_382 = arith.constant 0 : i32
        %add3A_383 = vector.broadcast %add3A_382 : i32 to vector<16xi32>
        %add3A_384 = arith.addi %add3A_383, %iota3A : vector<16xi32>
        %gather3A = tpu.vector_load_idx %arg7[%add3A_384, %add3A_378] : memref<128x64xf32, #tpu.memory_space<vmem>>[vector<16xi32>, vector<16xi32>], vector<16xf32>,
        %add3A_385 = arith.constant 0 : i32
        %add3A_386 = vector.broadcast %add3A_385 : i32 to vector<16xi32>
        %add3A_387 = arith.addi %add3A_373, %add3A_386 : vector<16xi32>
        tpu.vector_store_idx %arg9[%add3A_381, %add3A_387], %gather3A : memref<8x1024xf32, #tpu.memory_space<vmem>>[vector<16xi32>, vector<16xi32>], vector<16xf32>,
        %add3A_388 = arith.constant 16 : i32
        %add3A_389 = vector.broadcast %add3A_388 : i32 to vector<16xi32>
        %add3A_390 = arith.addi %add3A_389, %iota3A : vector<16xi32>
        %gather3A_391 = tpu.vector_load_idx %arg7[%add3A_390, %add3A_378] : memref<128x64xf32, #tpu.memory_space<vmem>>[vector<16xi32>, vector<16xi32>], vector<16xf32>,
        %add3A_392 = arith.constant 16 : i32
        %add3A_393 = vector.broadcast %add3A_392 : i32 to vector<16xi32>
        %add3A_394 = arith.addi %add3A_373, %add3A_393 : vector<16xi32>
        tpu.vector_store_idx %arg9[%add3A_381, %add3A_394], %gather3A_391 : memref<8x1024xf32, #tpu.memory_space<vmem>>[vector<16xi32>, vector<16xi32>], vector<16xf32>,
        %add3A_395 = arith.constant 32 : i32
        %add3A_396 = vector.broadcast %add3A_395 : i32 to vector<16xi32>
        %add3A_397 = arith.addi %add3A_396, %iota3A : vector<16xi32>
        %gather3A_398 = tpu.vector_load_idx %arg7[%add3A_397, %add3A_378] : memref<128x64xf32, #tpu.memory_space<vmem>>[vector<16xi32>, vector<16xi32>], vector<16xf32>,
        %add3A_399 = arith.constant 32 : i32
        %add3A_400 = vector.broadcast %add3A_399 : i32 to vector<16xi32>
        %add3A_401 = arith.addi %add3A_373, %add3A_400 : vector<16xi32>
        tpu.vector_store_idx %arg9[%add3A_381, %add3A_401], %gather3A_398 : memref<8x1024xf32, #tpu.memory_space<vmem>>[vector<16xi32>, vector<16xi32>], vector<16xf32>,
        %add3A_402 = arith.constant 48 : i32
        %add3A_403 = vector.broadcast %add3A_402 : i32 to vector<16xi32>
        %add3A_404 = arith.addi %add3A_403, %iota3A : vector<16xi32>
        %gather3A_405 = tpu.vector_load_idx %arg7[%add3A_404, %add3A_378] : memref<128x64xf32, #tpu.memory_space<vmem>>[vector<16xi32>, vector<16xi32>], vector<16xf32>,
        %add3A_406 = arith.constant 48 : i32
        %add3A_407 = vector.broadcast %add3A_406 : i32 to vector<16xi32>
        %add3A_408 = arith.addi %add3A_373, %add3A_407 : vector<16xi32>
        tpu.vector_store_idx %arg9[%add3A_381, %add3A_408], %gather3A_405 : memref<8x1024xf32, #tpu.memory_space<vmem>>[vector<16xi32>, vector<16xi32>], vector<16xf32>,
        %add3A_409 = arith.constant 64 : i32
        %add3A_410 = vector.broadcast %add3A_409 : i32 to vector<16xi32>
        %add3A_411 = arith.addi %add3A_410, %iota3A : vector<16xi32>
        %gather3A_412 = tpu.vector_load_idx %arg7[%add3A_411, %add3A_378] : memref<128x64xf32, #tpu.memory_space<vmem>>[vector<16xi32>, vector<16xi32>], vector<16xf32>,
        %add3A_413 = arith.constant 64 : i32
        %add3A_414 = vector.broadcast %add3A_413 : i32 to vector<16xi32>
        %add3A_415 = arith.addi %add3A_373, %add3A_414 : vector<16xi32>
        tpu.vector_store_idx %arg9[%add3A_381, %add3A_415], %gather3A_412 : memref<8x1024xf32, #tpu.memory_space<vmem>>[vector<16xi32>, vector<16xi32>], vector<16xf32>,
        %add3A_416 = arith.constant 80 : i32
        %add3A_417 = vector.broadcast %add3A_416 : i32 to vector<16xi32>
        %add3A_418 = arith.addi %add3A_417, %iota3A : vector<16xi32>
        %gather3A_419 = tpu.vector_load_idx %arg7[%add3A_418, %add3A_378] : memref<128x64xf32, #tpu.memory_space<vmem>>[vector<16xi32>, vector<16xi32>], vector<16xf32>,
        %add3A_420 = arith.constant 80 : i32
        %add3A_421 = vector.broadcast %add3A_420 : i32 to vector<16xi32>
        %add3A_422 = arith.addi %add3A_373, %add3A_421 : vector<16xi32>
        tpu.vector_store_idx %arg9[%add3A_381, %add3A_422], %gather3A_419 : memref<8x1024xf32, #tpu.memory_space<vmem>>[vector<16xi32>, vector<16xi32>], vector<16xf32>,
        %add3A_423 = arith.constant 96 : i32
        %add3A_424 = vector.broadcast %add3A_423 : i32 to vector<16xi32>
        %add3A_425 = arith.addi %add3A_424, %iota3A : vector<16xi32>
        %gather3A_426 = tpu.vector_load_idx %arg7[%add3A_425, %add3A_378] : memref<128x64xf32, #tpu.memory_space<vmem>>[vector<16xi32>, vector<16xi32>], vector<16xf32>,
        %add3A_427 = arith.constant 96 : i32
        %add3A_428 = vector.broadcast %add3A_427 : i32 to vector<16xi32>
        %add3A_429 = arith.addi %add3A_373, %add3A_428 : vector<16xi32>
        tpu.vector_store_idx %arg9[%add3A_381, %add3A_429], %gather3A_426 : memref<8x1024xf32, #tpu.memory_space<vmem>>[vector<16xi32>, vector<16xi32>], vector<16xf32>,
        %add3A_430 = arith.constant 112 : i32
        %add3A_431 = vector.broadcast %add3A_430 : i32 to vector<16xi32>
        %add3A_432 = arith.addi %add3A_431, %iota3A : vector<16xi32>
        %gather3A_433 = tpu.vector_load_idx %arg7[%add3A_432, %add3A_378] : memref<128x64xf32, #tpu.memory_space<vmem>>[vector<16xi32>, vector<16xi32>], vector<16xf32>,
        %add3A_434 = arith.constant 112 : i32
        %add3A_435 = vector.broadcast %add3A_434 : i32 to vector<16xi32>
        %add3A_436 = arith.addi %add3A_373, %add3A_435 : vector<16xi32>
        tpu.vector_store_idx %arg9[%add3A_381, %add3A_436], %gather3A_433 : memref<8x1024xf32, #tpu.memory_space<vmem>>[vector<16xi32>, vector<16xi32>], vector<16xf32>,
        %add3A_437 = arith.constant 16 : i32
        %add3A_438 = vector.broadcast %add3A_437 : i32 to vector<16xi32>
        %add3A_439 = arith.addi %and3A_366, %add3A_438 : vector<16xi32>
        %add3A_440 = arith.constant 2 : i32
        %add3A_441 = vector.broadcast %add3A_440 : i32 to vector<16xi32>
        %add3A_442 = arith.addi %shift_right_arithmetic3A_375, %add3A_441 : vector<16xi32>
        %add3A_443 = arith.constant 0 : i32
        %add3A_444 = vector.broadcast %add3A_443 : i32 to vector<16xi32>
        %add3A_445 = arith.addi %add3A_444, %iota3A : vector<16xi32>
        %gather3A_446 = tpu.vector_load_idx %arg7[%add3A_445, %add3A_439] : memref<128x64xf32, #tpu.memory_space<vmem>>[vector<16xi32>, vector<16xi32>], vector<16xf32>,
        %add3A_447 = arith.constant 0 : i32
        %add3A_448 = vector.broadcast %add3A_447 : i32 to vector<16xi32>
        %add3A_449 = arith.addi %add3A_373, %add3A_448 : vector<16xi32>
        tpu.vector_store_idx %arg9[%add3A_442, %add3A_449], %gather3A_446 : memref<8x1024xf32, #tpu.memory_space<vmem>>[vector<16xi32>, vector<16xi32>], vector<16xf32>,
        %add3A_450 = arith.constant 16 : i32
        %add3A_451 = vector.broadcast %add3A_450 : i32 to vector<16xi32>
        %add3A_452 = arith.addi %add3A_451, %iota3A : vector<16xi32>
        %gather3A_453 = tpu.vector_load_idx %arg7[%add3A_452, %add3A_439] : memref<128x64xf32, #tpu.memory_space<vmem>>[vector<16xi32>, vector<16xi32>], vector<16xf32>,
        %add3A_454 = arith.constant 16 : i32
        %add3A_455 = vector.broadcast %add3A_454 : i32 to vector<16xi32>
        %add3A_456 = arith.addi %add3A_373, %add3A_455 : vector<16xi32>
        tpu.vector_store_idx %arg9[%add3A_442, %add3A_456], %gather3A_453 : memref<8x1024xf32, #tpu.memory_space<vmem>>[vector<16xi32>, vector<16xi32>], vector<16xf32>,
        %add3A_457 = arith.constant 32 : i32
        %add3A_458 = vector.broadcast %add3A_457 : i32 to vector<16xi32>
        %add3A_459 = arith.addi %add3A_458, %iota3A : vector<16xi32>
        %gather3A_460 = tpu.vector_load_idx %arg7[%add3A_459, %add3A_439] : memref<128x64xf32, #tpu.memory_space<vmem>>[vector<16xi32>, vector<16xi32>], vector<16xf32>,
        %add3A_461 = arith.constant 32 : i32
        %add3A_462 = vector.broadcast %add3A_461 : i32 to vector<16xi32>
        %add3A_463 = arith.addi %add3A_373, %add3A_462 : vector<16xi32>
        tpu.vector_store_idx %arg9[%add3A_442, %add3A_463], %gather3A_460 : memref<8x1024xf32, #tpu.memory_space<vmem>>[vector<16xi32>, vector<16xi32>], vector<16xf32>,
        %add3A_464 = arith.constant 48 : i32
        %add3A_465 = vector.broadcast %add3A_464 : i32 to vector<16xi32>
        %add3A_466 = arith.addi %add3A_465, %iota3A : vector<16xi32>
        %gather3A_467 = tpu.vector_load_idx %arg7[%add3A_466, %add3A_439] : memref<128x64xf32, #tpu.memory_space<vmem>>[vector<16xi32>, vector<16xi32>], vector<16xf32>,
        %add3A_468 = arith.constant 48 : i32
        %add3A_469 = vector.broadcast %add3A_468 : i32 to vector<16xi32>
        %add3A_470 = arith.addi %add3A_373, %add3A_469 : vector<16xi32>
        tpu.vector_store_idx %arg9[%add3A_442, %add3A_470], %gather3A_467 : memref<8x1024xf32, #tpu.memory_space<vmem>>[vector<16xi32>, vector<16xi32>], vector<16xf32>,
        %add3A_471 = arith.constant 64 : i32
        %add3A_472 = vector.broadcast %add3A_471 : i32 to vector<16xi32>
        %add3A_473 = arith.addi %add3A_472, %iota3A : vector<16xi32>
        %gather3A_474 = tpu.vector_load_idx %arg7[%add3A_473, %add3A_439] : memref<128x64xf32, #tpu.memory_space<vmem>>[vector<16xi32>, vector<16xi32>], vector<16xf32>,
        %add3A_475 = arith.constant 64 : i32
        %add3A_476 = vector.broadcast %add3A_475 : i32 to vector<16xi32>
        %add3A_477 = arith.addi %add3A_373, %add3A_476 : vector<16xi32>
        tpu.vector_store_idx %arg9[%add3A_442, %add3A_477], %gather3A_474 : memref<8x1024xf32, #tpu.memory_space<vmem>>[vector<16xi32>, vector<16xi32>], vector<16xf32>,
        %add3A_478 = arith.constant 80 : i32
        %add3A_479 = vector.broadcast %add3A_478 : i32 to vector<16xi32>
        %add3A_480 = arith.addi %add3A_479, %iota3A : vector<16xi32>
        %gather3A_481 = tpu.vector_load_idx %arg7[%add3A_480, %add3A_439] : memref<128x64xf32, #tpu.memory_space<vmem>>[vector<16xi32>, vector<16xi32>], vector<16xf32>,
        %add3A_482 = arith.constant 80 : i32
        %add3A_483 = vector.broadcast %add3A_482 : i32 to vector<16xi32>
        %add3A_484 = arith.addi %add3A_373, %add3A_483 : vector<16xi32>
        tpu.vector_store_idx %arg9[%add3A_442, %add3A_484], %gather3A_481 : memref<8x1024xf32, #tpu.memory_space<vmem>>[vector<16xi32>, vector<16xi32>], vector<16xf32>,
        %add3A_485 = arith.constant 96 : i32
        %add3A_486 = vector.broadcast %add3A_485 : i32 to vector<16xi32>
        %add3A_487 = arith.addi %add3A_486, %iota3A : vector<16xi32>
        %gather3A_488 = tpu.vector_load_idx %arg7[%add3A_487, %add3A_439] : memref<128x64xf32, #tpu.memory_space<vmem>>[vector<16xi32>, vector<16xi32>], vector<16xf32>,
        %add3A_489 = arith.constant 96 : i32
        %add3A_490 = vector.broadcast %add3A_489 : i32 to vector<16xi32>
        %add3A_491 = arith.addi %add3A_373, %add3A_490 : vector<16xi32>
        tpu.vector_store_idx %arg9[%add3A_442, %add3A_491], %gather3A_488 : memref<8x1024xf32, #tpu.memory_space<vmem>>[vector<16xi32>, vector<16xi32>], vector<16xf32>,
        %add3A_492 = arith.constant 112 : i32
        %add3A_493 = vector.broadcast %add3A_492 : i32 to vector<16xi32>
        %add3A_494 = arith.addi %add3A_493, %iota3A : vector<16xi32>
        %gather3A_495 = tpu.vector_load_idx %arg7[%add3A_494, %add3A_439] : memref<128x64xf32, #tpu.memory_space<vmem>>[vector<16xi32>, vector<16xi32>], vector<16xf32>,
        %add3A_496 = arith.constant 112 : i32
        %add3A_497 = vector.broadcast %add3A_496 : i32 to vector<16xi32>
        %add3A_498 = arith.addi %add3A_373, %add3A_497 : vector<16xi32>
        tpu.vector_store_idx %arg9[%add3A_442, %add3A_498], %gather3A_495 : memref<8x1024xf32, #tpu.memory_space<vmem>>[vector<16xi32>, vector<16xi32>], vector<16xf32>,
        %add3A_499 = arith.constant 32 : i32
        %add3A_500 = vector.broadcast %add3A_499 : i32 to vector<16xi32>
        %add3A_501 = arith.addi %and3A_366, %add3A_500 : vector<16xi32>
        %add3A_502 = arith.constant 4 : i32
        %add3A_503 = vector.broadcast %add3A_502 : i32 to vector<16xi32>
        %add3A_504 = arith.addi %shift_right_arithmetic3A_375, %add3A_503 : vector<16xi32>
        %add3A_505 = arith.constant 0 : i32
        %add3A_506 = vector.broadcast %add3A_505 : i32 to vector<16xi32>
        %add3A_507 = arith.addi %add3A_506, %iota3A : vector<16xi32>
        %gather3A_508 = tpu.vector_load_idx %arg7[%add3A_507, %add3A_501] : memref<128x64xf32, #tpu.memory_space<vmem>>[vector<16xi32>, vector<16xi32>], vector<16xf32>,
        %add3A_509 = arith.constant 0 : i32
        %add3A_510 = vector.broadcast %add3A_509 : i32 to vector<16xi32>
        %add3A_511 = arith.addi %add3A_373, %add3A_510 : vector<16xi32>
        tpu.vector_store_idx %arg9[%add3A_504, %add3A_511], %gather3A_508 : memref<8x1024xf32, #tpu.memory_space<vmem>>[vector<16xi32>, vector<16xi32>], vector<16xf32>,
        %add3A_512 = arith.constant 16 : i32
        %add3A_513 = vector.broadcast %add3A_512 : i32 to vector<16xi32>
        %add3A_514 = arith.addi %add3A_513, %iota3A : vector<16xi32>
        %gather3A_515 = tpu.vector_load_idx %arg7[%add3A_514, %add3A_501] : memref<128x64xf32, #tpu.memory_space<vmem>>[vector<16xi32>, vector<16xi32>], vector<16xf32>,
        %add3A_516 = arith.constant 16 : i32
        %add3A_517 = vector.broadcast %add3A_516 : i32 to vector<16xi32>
        %add3A_518 = arith.addi %add3A_373, %add3A_517 : vector<16xi32>
        tpu.vector_store_idx %arg9[%add3A_504, %add3A_518], %gather3A_515 : memref<8x1024xf32, #tpu.memory_space<vmem>>[vector<16xi32>, vector<16xi32>], vector<16xf32>,
        %add3A_519 = arith.constant 32 : i32
        %add3A_520 = vector.broadcast %add3A_519 : i32 to vector<16xi32>
        %add3A_521 = arith.addi %add3A_520, %iota3A : vector<16xi32>
        %gather3A_522 = tpu.vector_load_idx %arg7[%add3A_521, %add3A_501] : memref<128x64xf32, #tpu.memory_space<vmem>>[vector<16xi32>, vector<16xi32>], vector<16xf32>,
        %add3A_523 = arith.constant 32 : i32
        %add3A_524 = vector.broadcast %add3A_523 : i32 to vector<16xi32>
        %add3A_525 = arith.addi %add3A_373, %add3A_524 : vector<16xi32>
        tpu.vector_store_idx %arg9[%add3A_504, %add3A_525], %gather3A_522 : memref<8x1024xf32, #tpu.memory_space<vmem>>[vector<16xi32>, vector<16xi32>], vector<16xf32>,
        %add3A_526 = arith.constant 48 : i32
        %add3A_527 = vector.broadcast %add3A_526 : i32 to vector<16xi32>
        %add3A_528 = arith.addi %add3A_527, %iota3A : vector<16xi32>
        %gather3A_529 = tpu.vector_load_idx %arg7[%add3A_528, %add3A_501] : memref<128x64xf32, #tpu.memory_space<vmem>>[vector<16xi32>, vector<16xi32>], vector<16xf32>,
        %add3A_530 = arith.constant 48 : i32
        %add3A_531 = vector.broadcast %add3A_530 : i32 to vector<16xi32>
        %add3A_532 = arith.addi %add3A_373, %add3A_531 : vector<16xi32>
        tpu.vector_store_idx %arg9[%add3A_504, %add3A_532], %gather3A_529 : memref<8x1024xf32, #tpu.memory_space<vmem>>[vector<16xi32>, vector<16xi32>], vector<16xf32>,
        %add3A_533 = arith.constant 64 : i32
        %add3A_534 = vector.broadcast %add3A_533 : i32 to vector<16xi32>
        %add3A_535 = arith.addi %add3A_534, %iota3A : vector<16xi32>
        %gather3A_536 = tpu.vector_load_idx %arg7[%add3A_535, %add3A_501] : memref<128x64xf32, #tpu.memory_space<vmem>>[vector<16xi32>, vector<16xi32>], vector<16xf32>,
        %add3A_537 = arith.constant 64 : i32
        %add3A_538 = vector.broadcast %add3A_537 : i32 to vector<16xi32>
        %add3A_539 = arith.addi %add3A_373, %add3A_538 : vector<16xi32>
        tpu.vector_store_idx %arg9[%add3A_504, %add3A_539], %gather3A_536 : memref<8x1024xf32, #tpu.memory_space<vmem>>[vector<16xi32>, vector<16xi32>], vector<16xf32>,
        %add3A_540 = arith.constant 80 : i32
        %add3A_541 = vector.broadcast %add3A_540 : i32 to vector<16xi32>
        %add3A_542 = arith.addi %add3A_541, %iota3A : vector<16xi32>
        %gather3A_543 = tpu.vector_load_idx %arg7[%add3A_542, %add3A_501] : memref<128x64xf32, #tpu.memory_space<vmem>>[vector<16xi32>, vector<16xi32>], vector<16xf32>,
        %add3A_544 = arith.constant 80 : i32
        %add3A_545 = vector.broadcast %add3A_544 : i32 to vector<16xi32>
        %add3A_546 = arith.addi %add3A_373, %add3A_545 : vector<16xi32>
        tpu.vector_store_idx %arg9[%add3A_504, %add3A_546], %gather3A_543 : memref<8x1024xf32, #tpu.memory_space<vmem>>[vector<16xi32>, vector<16xi32>], vector<16xf32>,
        %add3A_547 = arith.constant 96 : i32
        %add3A_548 = vector.broadcast %add3A_547 : i32 to vector<16xi32>
        %add3A_549 = arith.addi %add3A_548, %iota3A : vector<16xi32>
        %gather3A_550 = tpu.vector_load_idx %arg7[%add3A_549, %add3A_501] : memref<128x64xf32, #tpu.memory_space<vmem>>[vector<16xi32>, vector<16xi32>], vector<16xf32>,
        %add3A_551 = arith.constant 96 : i32
        %add3A_552 = vector.broadcast %add3A_551 : i32 to vector<16xi32>
        %add3A_553 = arith.addi %add3A_373, %add3A_552 : vector<16xi32>
        tpu.vector_store_idx %arg9[%add3A_504, %add3A_553], %gather3A_550 : memref<8x1024xf32, #tpu.memory_space<vmem>>[vector<16xi32>, vector<16xi32>], vector<16xf32>,
        %add3A_554 = arith.constant 112 : i32
        %add3A_555 = vector.broadcast %add3A_554 : i32 to vector<16xi32>
        %add3A_556 = arith.addi %add3A_555, %iota3A : vector<16xi32>
        %gather3A_557 = tpu.vector_load_idx %arg7[%add3A_556, %add3A_501] : memref<128x64xf32, #tpu.memory_space<vmem>>[vector<16xi32>, vector<16xi32>], vector<16xf32>,
        %add3A_558 = arith.constant 112 : i32
        %add3A_559 = vector.broadcast %add3A_558 : i32 to vector<16xi32>
        %add3A_560 = arith.addi %add3A_373, %add3A_559 : vector<16xi32>
        tpu.vector_store_idx %arg9[%add3A_504, %add3A_560], %gather3A_557 : memref<8x1024xf32, #tpu.memory_space<vmem>>[vector<16xi32>, vector<16xi32>], vector<16xf32>,
        %add3A_561 = arith.constant 48 : i32
        %add3A_562 = vector.broadcast %add3A_561 : i32 to vector<16xi32>
        %add3A_563 = arith.addi %and3A_366, %add3A_562 : vector<16xi32>
        %add3A_564 = arith.constant 6 : i32
        %add3A_565 = vector.broadcast %add3A_564 : i32 to vector<16xi32>
        %add3A_566 = arith.addi %shift_right_arithmetic3A_375, %add3A_565 : vector<16xi32>
        %add3A_567 = arith.constant 0 : i32
        %add3A_568 = vector.broadcast %add3A_567 : i32 to vector<16xi32>
        %add3A_569 = arith.addi %add3A_568, %iota3A : vector<16xi32>
        %gather3A_570 = tpu.vector_load_idx %arg7[%add3A_569, %add3A_563] : memref<128x64xf32, #tpu.memory_space<vmem>>[vector<16xi32>, vector<16xi32>], vector<16xf32>,
        %add3A_571 = arith.constant 0 : i32
        %add3A_572 = vector.broadcast %add3A_571 : i32 to vector<16xi32>
        %add3A_573 = arith.addi %add3A_373, %add3A_572 : vector<16xi32>
        tpu.vector_store_idx %arg9[%add3A_566, %add3A_573], %gather3A_570 : memref<8x1024xf32, #tpu.memory_space<vmem>>[vector<16xi32>, vector<16xi32>], vector<16xf32>,
        %add3A_574 = arith.constant 16 : i32
        %add3A_575 = vector.broadcast %add3A_574 : i32 to vector<16xi32>
        %add3A_576 = arith.addi %add3A_575, %iota3A : vector<16xi32>
        %gather3A_577 = tpu.vector_load_idx %arg7[%add3A_576, %add3A_563] : memref<128x64xf32, #tpu.memory_space<vmem>>[vector<16xi32>, vector<16xi32>], vector<16xf32>,
        %add3A_578 = arith.constant 16 : i32
        %add3A_579 = vector.broadcast %add3A_578 : i32 to vector<16xi32>
        %add3A_580 = arith.addi %add3A_373, %add3A_579 : vector<16xi32>
        tpu.vector_store_idx %arg9[%add3A_566, %add3A_580], %gather3A_577 : memref<8x1024xf32, #tpu.memory_space<vmem>>[vector<16xi32>, vector<16xi32>], vector<16xf32>,
        %add3A_581 = arith.constant 32 : i32
        %add3A_582 = vector.broadcast %add3A_581 : i32 to vector<16xi32>
        %add3A_583 = arith.addi %add3A_582, %iota3A : vector<16xi32>
        %gather3A_584 = tpu.vector_load_idx %arg7[%add3A_583, %add3A_563] : memref<128x64xf32, #tpu.memory_space<vmem>>[vector<16xi32>, vector<16xi32>], vector<16xf32>,
        %add3A_585 = arith.constant 32 : i32
        %add3A_586 = vector.broadcast %add3A_585 : i32 to vector<16xi32>
        %add3A_587 = arith.addi %add3A_373, %add3A_586 : vector<16xi32>
        tpu.vector_store_idx %arg9[%add3A_566, %add3A_587], %gather3A_584 : memref<8x1024xf32, #tpu.memory_space<vmem>>[vector<16xi32>, vector<16xi32>], vector<16xf32>,
        %add3A_588 = arith.constant 48 : i32
        %add3A_589 = vector.broadcast %add3A_588 : i32 to vector<16xi32>
        %add3A_590 = arith.addi %add3A_589, %iota3A : vector<16xi32>
        %gather3A_591 = tpu.vector_load_idx %arg7[%add3A_590, %add3A_563] : memref<128x64xf32, #tpu.memory_space<vmem>>[vector<16xi32>, vector<16xi32>], vector<16xf32>,
        %add3A_592 = arith.constant 48 : i32
        %add3A_593 = vector.broadcast %add3A_592 : i32 to vector<16xi32>
        %add3A_594 = arith.addi %add3A_373, %add3A_593 : vector<16xi32>
        tpu.vector_store_idx %arg9[%add3A_566, %add3A_594], %gather3A_591 : memref<8x1024xf32, #tpu.memory_space<vmem>>[vector<16xi32>, vector<16xi32>], vector<16xf32>,
        %add3A_595 = arith.constant 64 : i32
        %add3A_596 = vector.broadcast %add3A_595 : i32 to vector<16xi32>
        %add3A_597 = arith.addi %add3A_596, %iota3A : vector<16xi32>
        %gather3A_598 = tpu.vector_load_idx %arg7[%add3A_597, %add3A_563] : memref<128x64xf32, #tpu.memory_space<vmem>>[vector<16xi32>, vector<16xi32>], vector<16xf32>,
        %add3A_599 = arith.constant 64 : i32
        %add3A_600 = vector.broadcast %add3A_599 : i32 to vector<16xi32>
        %add3A_601 = arith.addi %add3A_373, %add3A_600 : vector<16xi32>
        tpu.vector_store_idx %arg9[%add3A_566, %add3A_601], %gather3A_598 : memref<8x1024xf32, #tpu.memory_space<vmem>>[vector<16xi32>, vector<16xi32>], vector<16xf32>,
        %add3A_602 = arith.constant 80 : i32
        %add3A_603 = vector.broadcast %add3A_602 : i32 to vector<16xi32>
        %add3A_604 = arith.addi %add3A_603, %iota3A : vector<16xi32>
        %gather3A_605 = tpu.vector_load_idx %arg7[%add3A_604, %add3A_563] : memref<128x64xf32, #tpu.memory_space<vmem>>[vector<16xi32>, vector<16xi32>], vector<16xf32>,
        %add3A_606 = arith.constant 80 : i32
        %add3A_607 = vector.broadcast %add3A_606 : i32 to vector<16xi32>
        %add3A_608 = arith.addi %add3A_373, %add3A_607 : vector<16xi32>
        tpu.vector_store_idx %arg9[%add3A_566, %add3A_608], %gather3A_605 : memref<8x1024xf32, #tpu.memory_space<vmem>>[vector<16xi32>, vector<16xi32>], vector<16xf32>,
        %add3A_609 = arith.constant 96 : i32
        %add3A_610 = vector.broadcast %add3A_609 : i32 to vector<16xi32>
        %add3A_611 = arith.addi %add3A_610, %iota3A : vector<16xi32>
        %gather3A_612 = tpu.vector_load_idx %arg7[%add3A_611, %add3A_563] : memref<128x64xf32, #tpu.memory_space<vmem>>[vector<16xi32>, vector<16xi32>], vector<16xf32>,
        %add3A_613 = arith.constant 96 : i32
        %add3A_614 = vector.broadcast %add3A_613 : i32 to vector<16xi32>
        %add3A_615 = arith.addi %add3A_373, %add3A_614 : vector<16xi32>
        tpu.vector_store_idx %arg9[%add3A_566, %add3A_615], %gather3A_612 : memref<8x1024xf32, #tpu.memory_space<vmem>>[vector<16xi32>, vector<16xi32>], vector<16xf32>,
        %add3A_616 = arith.constant 112 : i32
        %add3A_617 = vector.broadcast %add3A_616 : i32 to vector<16xi32>
        %add3A_618 = arith.addi %add3A_617, %iota3A : vector<16xi32>
        %gather3A_619 = tpu.vector_load_idx %arg7[%add3A_618, %add3A_563] : memref<128x64xf32, #tpu.memory_space<vmem>>[vector<16xi32>, vector<16xi32>], vector<16xf32>,
        %add3A_620 = arith.constant 112 : i32
        %add3A_621 = vector.broadcast %add3A_620 : i32 to vector<16xi32>
        %add3A_622 = arith.addi %add3A_373, %add3A_621 : vector<16xi32>
        tpu.vector_store_idx %arg9[%add3A_566, %add3A_622], %gather3A_619 : memref<8x1024xf32, #tpu.memory_space<vmem>>[vector<16xi32>, vector<16xi32>], vector<16xf32>,
      }
      %scan3A_309 = arith.constant 16 : i32
      %jit3A_310 = arith.constant 4 : i32
      %div3A_311 = arith.divsi %add3A_200, %jit3A_310 : i32
      %sign3A_312 = arith.constant 0 : i32
      %sign3A_313 = arith.cmpi sgt, %add3A_200, %sign3A_312 : i32
      %sign3A_314 = arith.extui %sign3A_313 : i1 to i32
      %sign3A_315 = arith.constant 0 : i32
      %sign3A_316 = arith.cmpi slt, %add3A_200, %sign3A_315 : i32
      %sign3A_317 = arith.extui %sign3A_316 : i1 to i32
      %sign3A_318 = arith.subi %sign3A_314, %sign3A_317 : i32
      %sign3A_319 = arith.constant 0 : i32
      %sign3A_320 = arith.cmpi sgt, %jit3A_310, %sign3A_319 : i32
      %sign3A_321 = arith.extui %sign3A_320 : i1 to i32
      %sign3A_322 = arith.constant 0 : i32
      %sign3A_323 = arith.cmpi slt, %jit3A_310, %sign3A_322 : i32
      %sign3A_324 = arith.extui %sign3A_323 : i1 to i32
      %sign3A_325 = arith.subi %sign3A_321, %sign3A_324 : i32
      %ne3A_326 = arith.cmpi ne, %sign3A_318, %sign3A_325 : i32
      %rem3A_327 = arith.remsi %add3A_200, %jit3A_310 : i32
      %ne3A_328 = arith.constant 0 : i32
      %ne3A_329 = arith.cmpi ne, %rem3A_327, %ne3A_328 : i32
      %and3A_330 = arith.andi %ne3A_326, %ne3A_329 : i1
      %sub3A_331 = arith.constant 1 : i32
      %sub3A_332 = arith.subi %div3A_311, %sub3A_331 : i32
      %select_n3A_333 = arith.select %and3A_330, %sub3A_332, %div3A_311 : i32
      %jit3A_334 = arith.constant 4 : i32
      %eq3A_335 = arith.constant 0 : i32
      %eq3A_336 = arith.cmpi eq, %jit3A_334, %eq3A_335 : i32
      %jit3A_337 = arith.constant 1 : i32
      %select_n3A_338 = arith.select %eq3A_336, %jit3A_337, %jit3A_334 : i32
      %rem3A_339 = arith.remsi %add3A_200, %select_n3A_338 : i32
      %ne3A_340 = arith.constant 0 : i32
      %ne3A_341 = arith.cmpi ne, %rem3A_339, %ne3A_340 : i32
      %lt3A_342 = arith.constant 0 : i32
      %lt3A_343 = arith.cmpi slt, %rem3A_339, %lt3A_342 : i32
      %lt3A_344 = arith.constant 0 : i32
      %lt3A_345 = arith.cmpi slt, %select_n3A_338, %lt3A_344 : i32
      %ne3A_346 = arith.xori %lt3A_343, %lt3A_345 : i1
      %and3A_347 = arith.andi %ne3A_346, %ne3A_341 : i1
      %add3A_348 = arith.addi %rem3A_339, %select_n3A_338 : i32
      %select_n3A_349 = arith.select %and3A_347, %add3A_348, %rem3A_339 : i32
      %mul3A_350 = arith.constant 4 : i32
      %mul3A_351 = arith.muli %add3A, %mul3A_350 : i32
      %add3A_352 = arith.addi %mul3A_351, %select_n3A_349 : i32
      %dma_start3A_353 = arith.constant 0 : i32
      %dma_start3A_354 = arith.constant 0 : i32
      %dma_start3A_355 = tpu.memref_slice %arg4[%select_n3A_333, %dma_start3A_353, %add3A_352, %dma_start3A_354] : memref<50x8x128x1024xf32, #tpu.memory_space<hbm>> -> memref<1x8x1x1024xf32, #tpu.memory_space<hbm>>
      %dma_start3A_356 = tpu.memref_squeeze %dma_start3A_355 : memref<1x8x1x1024xf32, #tpu.memory_space<hbm>> -> memref<8x1024xf32, #tpu.memory_space<hbm>>
      %dma_start3A_357 = arith.constant 0 : i32
      %dma_start3A_358 = arith.constant 0 : i32
      %dma_start3A_359 = tpu.memref_slice %arg4[%select_n3A_333, %dma_start3A_357, %add3A_352, %dma_start3A_358] : memref<50x8x128x1024xf32, #tpu.memory_space<hbm>> -> memref<1x8x1x1024xf32, #tpu.memory_space<hbm>>
      %dma_start3A_360 = tpu.memref_squeeze %dma_start3A_359 : memref<1x8x1x1024xf32, #tpu.memory_space<hbm>> -> memref<8x1024xf32, #tpu.memory_space<hbm>>
      tpu.enqueue_dma source(%arg9 : memref<8x1024xf32, #tpu.memory_space<vmem>>) target(%dma_start3A_360 : memref<8x1024xf32, #tpu.memory_space<hbm>>) target_semaphore(%arg13 : memref<!tpu.dma_semaphore, #tpu.memory_space<semaphore_mem>>)
    }
    %scan3A_13 = arith.constant 100 : i32
    %dma_wait3A = arith.constant 49 : i32
    %dma_wait3A_14 = arith.constant 384 : i32
    %dma_wait3A_15 = tpu.memref_slice %arg5[%dma_wait3A, %dma_wait3A_14] : memref<50x512xi32, #tpu.memory_space<vmem>> -> memref<1x128xi32, #tpu.memory_space<vmem>>
    %dma_wait3A_16 = tpu.memref_squeeze %dma_wait3A_15 : memref<1x128xi32, #tpu.memory_space<vmem>> -> memref<128xi32, #tpu.memory_space<vmem>>
    %dma_wait3A_17 = arith.constant 0 : i32
    %dma_wait3A_18 = arith.constant 0 : i32
    %dma_wait3A_19 = tpu.memref_slice %arg2[%dma_wait3A_17, %dma_wait3A_18] : memref<1000000x64xf32, #tpu.memory_space<hbm>> -> memref<1000000x64xf32, #tpu.memory_space<hbm>>
    tpu.wait_indirect_dma semaphore(%arg10 : memref<!tpu.dma_semaphore, #tpu.memory_space<semaphore_mem>>) src(%dma_wait3A_19 : memref<1000000x64xf32, #tpu.memory_space<hbm>>) dst(%arg6 : memref<128x64xf32, #tpu.memory_space<vmem>>)
    %mul3A_20 = arith.constant 4 : i32
    %mul3A_21 = arith.muli %add3A, %mul3A_20 : i32
    %add3A_22 = arith.constant 2 : i32
    %add3A_23 = arith.addi %mul3A_21, %add3A_22 : i32
    %dma_wait3A_24 = arith.constant 49 : i32
    %dma_wait3A_25 = arith.constant 0 : i32
    %dma_wait3A_26 = arith.constant 0 : i32
    %dma_wait3A_27 = tpu.memref_slice %arg4[%dma_wait3A_24, %dma_wait3A_25, %add3A_23, %dma_wait3A_26] : memref<50x8x128x1024xf32, #tpu.memory_space<hbm>> -> memref<1x8x1x1024xf32, #tpu.memory_space<hbm>>
    %dma_wait3A_28 = tpu.memref_squeeze %dma_wait3A_27 : memref<1x8x1x1024xf32, #tpu.memory_space<hbm>> -> memref<8x1024xf32, #tpu.memory_space<hbm>>
    %dma_wait3A_29 = arith.constant 0 : i32
    %dma_wait3A_30 = arith.constant 0 : i32
    %dma_wait3A_31 = tpu.memref_slice %arg4[%dma_wait3A_24, %dma_wait3A_29, %add3A_23, %dma_wait3A_30] : memref<50x8x128x1024xf32, #tpu.memory_space<hbm>> -> memref<1x8x1x1024xf32, #tpu.memory_space<hbm>>
    %dma_wait3A_32 = tpu.memref_squeeze %dma_wait3A_31 : memref<1x8x1x1024xf32, #tpu.memory_space<hbm>> -> memref<8x1024xf32, #tpu.memory_space<hbm>>
    tpu.wait_dma2 semaphore(%arg12 : memref<!tpu.dma_semaphore, #tpu.memory_space<semaphore_mem>>) src(%arg8 : memref<8x1024xf32, #tpu.memory_space<vmem>>) dst(%dma_wait3A_32 : memref<8x1024xf32, #tpu.memory_space<hbm>>)
    %mul3A_33 = arith.constant 4 : i32
    %mul3A_34 = arith.muli %add3A, %mul3A_33 : i32
    %add3A_35 = arith.constant 3 : i32
    %add3A_36 = arith.addi %mul3A_34, %add3A_35 : i32
    %dma_wait3A_37 = arith.constant 49 : i32
    %dma_wait3A_38 = arith.constant 0 : i32
    %dma_wait3A_39 = arith.constant 0 : i32
    %dma_wait3A_40 = tpu.memref_slice %arg4[%dma_wait3A_37, %dma_wait3A_38, %add3A_36, %dma_wait3A_39] : memref<50x8x128x1024xf32, #tpu.memory_space<hbm>> -> memref<1x8x1x1024xf32, #tpu.memory_space<hbm>>
    %dma_wait3A_41 = tpu.memref_squeeze %dma_wait3A_40 : memref<1x8x1x1024xf32, #tpu.memory_space<hbm>> -> memref<8x1024xf32, #tpu.memory_space<hbm>>
    %dma_wait3A_42 = arith.constant 0 : i32
    %dma_wait3A_43 = arith.constant 0 : i32
    %dma_wait3A_44 = tpu.memref_slice %arg4[%dma_wait3A_37, %dma_wait3A_42, %add3A_36, %dma_wait3A_43] : memref<50x8x128x1024xf32, #tpu.memory_space<hbm>> -> memref<1x8x1x1024xf32, #tpu.memory_space<hbm>>
    %dma_wait3A_45 = tpu.memref_squeeze %dma_wait3A_44 : memref<1x8x1x1024xf32, #tpu.memory_space<hbm>> -> memref<8x1024xf32, #tpu.memory_space<hbm>>
    tpu.wait_dma2 semaphore(%arg13 : memref<!tpu.dma_semaphore, #tpu.memory_space<semaphore_mem>>) src(%arg9 : memref<8x1024xf32, #tpu.memory_space<vmem>>) dst(%dma_wait3A_45 : memref<8x1024xf32, #tpu.memory_space<hbm>>)
    return
  }
}

</mosaic_0001>

<sc_bundles>
// kernel: kernel.4.cloned.1.call-start
scs
__scs_entry_jumppad:
0x0: {  	(pc) =	sbr.rel $0x88, $3  }
0x1: {  	(tag) =	ssettag $0x0;
	lr =	simm.s32 $0x1  }
0x2: {  	[smem:$0x3F9F] =	sst lr;
	_ =	strace $0xD0000000  }
0x3: {  	_ = 	snop  }
0x4: {  	_ = 	snop  }
0x5: {  	_ = 	snop  }
0x6: {  	_ = 	snop  }
0x7: {  	_ = 	snop  }
__scs_overlays_trampoline_lowered:
0x8: {  	[smem:$0x3FAE] =	sst s0  }
0x9: {  	[smem:$0x3FAF] =	sst s1  }
0xa: {  	[smem:$0x3FB0] =	sst s2  }
0xb: {  	[smem:$0x3FB1] =	sst s3  }
0xc: {  	[smem:$0x3FB2] =	sst s4  }
0xd: {  	[smem:$0x3FB3] =	sst s5  }
0xe: {  	[smem:$0x3FB4] =	sst s6  }
0xf: {  	[smem:$0x3FB5] =	sst s7  }
0x10: {  	[smem:$0x3FB6] =	sst s8  }
0x11: {  	[smem:$0x3FB7] =	sst s9;
	s0 =	simm.s32 @!p0 $0x0  }
0x12: {  	s1 =	sld [smem:$0x3F9D];
	s0 =	simm.s32 @p0 $0x1  }
0x13: {  	[smem:$0x3FB8] =	sst s0;
	s0 =	simm.s32 @!p1 $0x0  }
0x14: {  	s2 =	sld [smem:$0x3F9C];
	s0 =	simm.s32 @p1 $0x1  }
0x15: {  	[smem:$0x3FB9] =	sst s0;
	s0 =	simm.s32 @!p2 $0x0  }
0x16: {  	s3 =	sld [smem:$0x3FDB];
	s0 =	simm.s32 @p2 $0x1  }
0x17: {  	s4 =	simm.s32 $0x1BF5;
	[smem:$0x3FBB] =	sst s0  }
0x18: {  	s0 =	sld [smem:$0x3F9E];
	_ =	swait.ge [sflag:s4], $0x0  }
0x19: {  	s7 =	sld [smem:$0x3F9F]  }
0x1a: {  	s8 =	sadd.s32 $0xFFFFE003, lr  }
0x1b: {  	s9 =	sadd.s32 $0xFFFFFEF7, lr;
	s5 =	simm.s32 $0xFFFFFFFF;
	p2 =	slt.u32 s8, $0xFFFFF086  }
0x1c: {  	p1 =	slt.u32 s9, $0xF7A;
	s5 =	simm.s32 @!p2 $0x0  }
0x1d: {  	s5 =	simm.s32 @p1 $0x1;
	p0 =	seq.s32 s7, s2  }
0x1e: {  	s7 =	smul.u32 @!p0 $0xF7A, s2;
	p2 =	seq.s32 @!p0 s5, $0x0  }
0x1f: {  	s9 =	smul.u32 $0xF7A, s1;
	s8 =	simm.s32 @!p0 $0x1BF5;
	p2 =	por !p2, p0  }
0x20: {  	[sflag:s8] =	ssyncset.s32 @!p0 $0xFFFFF086;
	s6 =	sadd.s32 @!p0 s3, s7;
	s7 =	simm.s32 @!p0 $0x108  }
0x21: {  	s3 =	sadd.s32 s3, s9;
	s6 =	sadd.s32 @!p0 $0x88, s6;
	s7 =	simm.s32 @p2 $0x1082  }
0x22: {  	[simem:s7], [sflag:s8] =	dma.local @!p0 [hbm:s6], $0xF7A  }
0x23: {  	s9 =	sor.u32 $0xD0000000, s2;
	s6 =	simm.s32 $0x108;
	_ =	swait.ge @!p0 [sflag:s8], $0x0  }
0x24: {  	s3 =	sadd.s32 $0x88, s3;
	s6 =	simm.s32 @!p1 $0x1082;
	[sflag:s4] =	ssyncset.s32 $0xFFFFF086  }
0x25: {  	[simem:s6], [sflag:s4] =	dma.local [hbm:s3], $0xF7A  }
0x26: {  	[smem:$0x3F9F] =	sst s1;
	(tag) =	ssettag s2;
	_ =	strace s9  }
0x27: {  	s1 =	sld [smem:$0x3FAF]  }
0x28: {  	s2 =	sld [smem:$0x3FB0]  }
0x29: {  	s4 =	sld [smem:$0x3FB2]  }
0x2a: {  	p0 =	seq.s32 s5, $0x0;
	s5 =	sld [smem:$0x3FB3]  }
0x2b: {  	s6 =	sld [smem:$0x3FB4]  }
0x2c: {  	s7 =	sld [smem:$0x3FB5]  }
0x2d: {  	s3 =	simm.s32 $0x108;
	s8 =	sld [smem:$0x3FB6]  }
0x2e: {  	s3 =	simm.s32 @!p0 $0x1082;
	s9 =	sld [smem:$0x3FB7]  }
0x2f: {  	lr =	sadd.s32 s0, s3;
	s0 =	sld [smem:$0x3FAE]  }
0x30: {  	s3 =	sld [smem:$0x3FB1]  }
0x31: {  	[smem:$0x3FBA] =	sst s10  }
0x32: {  	s10 =	sld [smem:$0x3FB8];
	_ =	sdelay $0x3  }
0x33: {  	p0 =	seq.s32 s10, $0x1;
	s10 =	sld [smem:$0x3FBA];
	_ =	sdelay $0x3  }
0x34: {  	[smem:$0x3FBA] =	sst s10  }
0x35: {  	s10 =	sld [smem:$0x3FB9];
	_ =	sdelay $0x3  }
0x36: {  	p1 =	seq.s32 s10, $0x1;
	s10 =	sld [smem:$0x3FBA];
	_ =	sdelay $0x3  }
0x37: {  	[smem:$0x3FBA] =	sst s10  }
0x38: {  	s10 =	sld [smem:$0x3FBB]  }
0x39: {  	_ = 	snop;
	(pc) =	sbr.ind lr, $3  }
0x3a: {  	_ = 	snop  }
0x3b: {  	_ = 	snop  }
0x3c: {  	p2 =	seq.s32 s10, $0x1;
	s10 =	sld [smem:$0x3FBA]  }
0x3d: {  	_ =	shalt  }
0x3e: {  	_ =	shalt  }
0x3f: {  	_ =	shalt  }
0x40: {  	_ =	shalt  }
0x41: {  	_ =	shalt  }
0x42: {  	_ =	shalt  }
0x43: {  	_ =	shalt  }
0x44: {  	_ =	shalt  }
0x45: {  	_ =	shalt  }
0x46: {  	_ =	shalt  }
0x47: {  	_ =	shalt  }
0x48: {  	_ =	shalt  }
0x49: {  	_ =	shalt  }
0x4a: {  	_ =	shalt  }
0x4b: {  	_ =	shalt  }
0x4c: {  	_ =	shalt  }
0x4d: {  	_ =	shalt  }
0x4e: {  	_ =	shalt  }
0x4f: {  	_ =	shalt  }
0x50: {  	_ =	shalt  }
0x51: {  	_ =	shalt  }
0x52: {  	_ =	shalt  }
0x53: {  	_ =	shalt  }
0x54: {  	_ =	shalt  }
0x55: {  	_ =	shalt  }
0x56: {  	_ =	shalt  }
0x57: {  	_ =	shalt  }
0x58: {  	_ =	shalt  }
0x59: {  	_ =	shalt  }
0x5a: {  	_ =	shalt  }
0x5b: {  	_ =	shalt  }
0x5c: {  	_ =	shalt  }
0x5d: {  	_ =	shalt  }
0x5e: {  	_ =	shalt  }
0x5f: {  	_ =	shalt  }
0x60: {  	_ =	shalt  }
0x61: {  	_ =	shalt  }
0x62: {  	_ =	shalt  }
0x63: {  	_ =	shalt  }
0x64: {  	_ =	shalt  }
0x65: {  	_ =	shalt  }
0x66: {  	_ =	shalt  }
0x67: {  	_ =	shalt  }
0x68: {  	_ =	shalt  }
0x69: {  	_ =	shalt  }
0x6a: {  	_ =	shalt  }
0x6b: {  	_ =	shalt  }
0x6c: {  	_ =	shalt  }
0x6d: {  	_ =	shalt  }
0x6e: {  	_ =	shalt  }
0x6f: {  	_ =	shalt  }
0x70: {  	_ =	shalt  }
0x71: {  	_ =	shalt  }
0x72: {  	_ =	shalt  }
0x73: {  	_ =	shalt  }
0x74: {  	_ =	shalt  }
0x75: {  	_ =	shalt  }
0x76: {  	_ =	shalt  }
0x77: {  	_ =	shalt  }
0x78: {  	_ =	shalt  }
0x79: {  	_ =	shalt  }
0x7a: {  	_ =	shalt  }
0x7b: {  	_ =	shalt  }
0x7c: {  	_ =	shalt  }
0x7d: {  	_ =	shalt  }
0x7e: {  	_ =	shalt  }
0x7f: {  	_ =	shalt  }
0x80: {  	_ =	shalt  }
0x81: {  	_ =	shalt  }
0x82: {  	_ =	shalt  }
0x83: {  	_ =	shalt  }
0x84: {  	_ =	shalt  }
0x85: {  	_ =	shalt  }
0x86: {  	_ =	shalt  }
0x87: {  	_ =	shalt  }
.Lfunc_end0:
.L_simem_size_0:
called_computation_lowered:
.L_overlay_start_0:
0x88: {  	s2 =	sld [smem:$0x3FD9]  }
0x89: {  	s3 =	sld [smem:$0x3FFE];
	_ =	sdelay $0x1  }
0x8a: {  	s1 =	srdreg.scid  }
0x8b: {  	s0 =	sand.u32 $0x1, s1  }
0x8c: {  	s17 =	sshll.u32 s0, $0xA;
	s2 =	sadd.s32 s3, s2  }
0x8d: {  	s2 =	sadd.s32 s2, s17  }
0x8e: {  	[smem:$0x3FC6] =	sst s2  }
0x8f: {  	_ = 	snop  }
0x90: {  	s2 =	sld [smem:$0x3FC8];
	(tm) =	ssettm $0x1  }
0x91: {  	s18 =	sld [smem:$0x3FFB];
	_ =	sdelay $0x3  }
0x92: {  	_ =	strace s18  }
0x93: {  	s3 =	sld [smem:$0x3FFC];
	_ =	sdelay $0x3  }
0x94: {  	_ =	strace s3  }
0x95: {  	s3 =	sld [smem:$0x3FFD];
	_ =	sdelay $0x3  }
0x96: {  	_ =	strace s3  }
0x97: {  	_ =	strace $0x8FFFFFFF  }
0x98: {  	s19 =	sld [smem:$0x3FDB];
	_ =	sdelay $0x1  }
0x99: {  	s4 =	simm.s32 $_scs_section_size  }
0x9a: {  	s5 =	simm.s32 $_size__tile_overlayer_lowered;
	s6 =	simm.s32 $_tile_overlayer_lowered  }
0x9b: {  	s22 =	simm.s32 $0x1BFF;
	s21 =	sshll.u32 s6, $0x1;
	s3 =	sadd.s32 s4, s19  }
0x9c: {  	s7 =	simm.s32 $0x0;
	s20 =	sshll.u32 s5, $0x1;
	s5 =	sadd.s32 s21, s3  }
0x9d: {  	[timem:s7], [sflag:s22] =	dma.local [hbm:s5], s20  }
0x9e: {  	_ =	swait.ge [sflag:s22], s20  }
0x9f: {  	s4 =	ssub.s32 $0x0, s20;
	[sflag:s22] =	ssyncset.done $0x0  }
0xa0: {  	[sflag:s22] =	ssyncadd.s32 s4;
	_ =	sdelay $0x1  }
0xa1: {  	s23 =	simm.s32 $0x1B8B  }
0xa2: {  	_ =	swait.ge [sflag:s23], $0x1  }
0xa3: {  	[sflag:s23] =	ssyncset.done $0x0  }
0xa4: {  	s25 =	simm.s32 $0x1B8E;
	s24 =	sld [smem:$0x3FFE];
	[sflag:s23] =	ssyncadd.s32 $0xFFFFFFFF  }
0xa5: {  	s26 =	simm.s32 $execute0_lowered;
	[smem:$0x3FD2] =	sst s25  }
0xa6: {  	s5 =	sshll.u32 s26, $0x1;
	_ =	strace $0x80000046;
	[dreg:$0x1] =	wrdreg $0xFFFFFFFF  }
0xa7: {  	s28 =	simm.s32 $_size_execute0_lowered;
	s3 =	sadd.s32 s3, s5;
	[dreg:$0x0] =	wrdreg $0x0  }
0xa8: {  	s5 =	sshll.u32 s28, $0x1;
	[dreg:$0x2] =	wrdreg s3  }
0xa9: {  	[dreg:$0x3] =	wrdreg s5  }
0xaa: {  	[dreg:$0x4] =	wrdreg $0xC0  }
0xab: {  	_ =	task [dreg:s7], $0x5FFFF  }
0xac: {  	[dreg:$0x1] =	wrdreg $0xFFFFFFFF  }
0xad: {  	[dreg:$0x0] =	wrdreg $0x60  }
0xae: {  	[dreg:$0x2] =	wrdreg s2  }
0xaf: {  	[dreg:$0x3] =	wrdreg s24  }
0xb0: {  	[dreg:$0x4] =	wrdreg $0x9  }
0xb1: {  	_ =	task.clear_ibuf [dreg:s7], $0x5FFFF;
	_ =	strace $0x90000046  }
0xb2: {  	s29 =	simm.s32 $0x9;
	_ =	strace $0x80000048  }
0xb3: {  	_ =	swait.ge [sflag:s29], $0x1  }
0xb4: {  	[sflag:s29] =	ssyncadd.s32 $0xFFFFFFFF  }
0xb5: {  	_ =	strace $0x90000048  }
0xb6: {  	_ =	sfence  }
0xb7: {  	s30 =	sld [smem:$0x0];
	_ =	sdelay $0x2  }
0xb8: {  	s31 =	sshll.u32 s1, $0xD;
	s1 =	sshrl.u32 s1, $0x2  }
0xb9: {  	s3 =	sand.u32 $0x4000, s31;
	s1 =	sadd.s32 s1, s30  }
0xba: {  	s0 =	sor.u32 s3, s0;
	s1 =	sshll.u32 s1, $0x11  }
0xbb: {  	s0 =	sor.u32 s1, s0  }
0xbc: {  	s0 =	sadd.s32 $0x8F2B, s0  }
0xbd: {  	[sflag:s0] =	ssyncadd.remote.s32 $0x1  }
0xbe: {  	_ =	sfence.sel $0xFFFF  }
0xbf: {  	[dreg:$0x0] =	wrdreg $0xFFFFFFFF;
	(pc) =	sbr.abs _section_cstart, $3  }
0xc0: {  	[dreg:$0x1] =	wrdreg $0xFFFFFFFF  }
0xc1: {  	_ =	task.clear_ibuf [dreg:s7], $0x2FFFF;
	_ =	strace $0x9FFFFFFF  }
0xc2: {  	(tm) =	ssettm $0x7FFFFFFF  }
0xc3: {  	_ =	shalt  }
tec
execute0_lowered:
.L_overlay_start_1:
0x0: {  	(tag) =	ssettag $0x1  }
0x1: {  	v1 =	vlaneseq.u32  }
0x2: {  	v0 =	vor.u32 $0x10, v1  }
0x3: {  	v7 =	vor.u32 $0x20, v1;
	[tilespmem:$0x1FC10] =	vst v0  }
0x4: {  	v9 =	vor.u32 $0x30, v1;
	[tilespmem:$0x1FC30] =	vst v7  }
0x5: {  	v3 =	vor.u32 $0x800, v1;
	[tilespmem:$0x1FC50] =	vst v9  }
0x6: {  	v39 =	vor.u32 $0x810, v1;
	[tilespmem:$0x1FC70] =	vst v3  }
0x7: {  	v2 =	vmul.u32 $0x40, v1;
	v41 =	vor.u32 $0x820, v1;
	[tilespmem:$0x1FC90] =	vst v39  }
0x8: {  	v43 =	vor.u32 $0x830, v1;
	[tilespmem:$0x1FCB0] =	vst v41  }
0x9: {  	[tilespmem:$0x1FCD0] =	vst v43;
	v6 =	vor.u32 $0x400, v2  }
0xa: {  	v8 =	vor.u32 $0x800, v2;
	[tilespmem:$0x1FC20] =	vst v6  }
0xb: {  	v10 =	vor.u32 $0xC00, v2;
	[tilespmem:$0x1FC40] =	vst v8  }
0xc: {  	v38 =	vor.u32 $0x10, v2;
	[tilespmem:$0x1FC60] =	vst v10  }
0xd: {  	v40 =	vor.u32 $0x410, v2;
	[tilespmem:$0x1FC80] =	vst v38  }
0xe: {  	s0 =	rddreg [dreg:$0x0];
	v42 =	vor.u32 $0x810, v2;
	[tilespmem:$0x1FCA0] =	vst v40  }
0xf: {  	s11 =	rddreg [dreg:$0x1];
	s2 =	simm.s32 $0x0;
	v44 =	vor.u32 $0xC10, v2;
	[tilespmem:$0x1FCC0] =	vst v42  }
0x10: {  	[smem:$0x7FF] =	sst s2;
	v45 =	vor.u32 $0x1000, v1;
	[tilespmem:$0x1FCE0] =	vst v44  }
0x11: {  	s1 =	rddreg [dreg:$0x2];
	v46 =	vor.u32 $0x20, v2;
	_ =	strace $0x80000047;
	[tilespmem:$0x1FCF0] =	vst v45  }
0x12: {  	v47 =	vor.u32 $0x1010, v1;
	[tilespmem:$0x1FD00] =	vst v46  }
0x13: {  	v48 =	vor.u32 $0x420, v2;
	[tilespmem:$0x1FD10] =	vst v47  }
0x14: {  	v49 =	vor.u32 $0x1020, v1;
	[tilespmem:$0x1FD20] =	vst v48  }
0x15: {  	v50 =	vor.u32 $0x820, v2;
	[tilespmem:$0x1FD30] =	vst v49  }
0x16: {  	v51 =	vor.u32 $0x1030, v1;
	[tilespmem:$0x1FD40] =	vst v50  }
0x17: {  	v52 =	vor.u32 $0xC20, v2;
	[tilespmem:$0x1FD50] =	vst v51  }
0x18: {  	v53 =	vor.u32 $0x1800, v1;
	[tilespmem:$0x1FD60] =	vst v52  }
0x19: {  	v54 =	vor.u32 $0x30, v2;
	[tilespmem:$0x1FD70] =	vst v53  }
0x1a: {  	v55 =	vor.u32 $0x1810, v1;
	[tilespmem:$0x1FD80] =	vst v54  }
0x1b: {  	v56 =	vor.u32 $0x430, v2;
	[tilespmem:$0x1FD90] =	vst v55  }
0x1c: {  	v60 =	vor.u32 $0x1820, v1;
	[tilespmem:$0x1FDA0] =	vst v56  }
0x1d: {  	v61 =	vor.u32 $0x830, v2;
	[tilespmem:$0x1FDB0] =	vst v60  }
0x1e: {  	v62 =	vor.u32 $0x1830, v1;
	[tilespmem:$0x1FDC0] =	vst v61  }
0x1f: {  	v63 =	vor.u32 $0xC30, v2;
	[tilespmem:$0x1FDD0] =	vst v62  }
0x20: {  	[tilespmem:$0x1FDE0] =	vst v63  }
0x21: {  	v4 =	vor.u32 $0x40, v1;
	[tilespmem:$0x1FDF0] =	vst v2  }
0x22: {  	v5 =	vor.u32 $0x1000, v2;
	[tilespmem:$0x1FE00] =	vst v4  }
0x23: {  	v11 =	vor.u32 $0x50, v1;
	[tilespmem:$0x1FE10] =	vst v5  }
0x24: {  	v25 =	vor.u32 $0x1400, v2;
	[tilespmem:$0x1FE20] =	vst v11  }
0x25: {  	v26 =	vor.u32 $0x60, v1;
	[tilespmem:$0x1FE30] =	vst v25  }
0x26: {  	v27 =	vor.u32 $0x1800, v2;
	[tilespmem:$0x1FE40] =	vst v26  }
0x27: {  	v16 =	vor.u32 $0x70, v1;
	[tilespmem:$0x1FE50] =	vst v27  }
0x28: {  	v28 =	vor.u32 $0x1C00, v2;
	[tilespmem:$0x1FE60] =	vst v16  }
0x29: {  	v30 =	vor.u32 $0x840, v1;
	[tilespmem:$0x1FE70] =	vst v28  }
0x2a: {  	v19 =	vor.u32 $0x1010, v2;
	[tilespmem:$0x1FE80] =	vst v30  }
0x2b: {  	v22 =	vor.u32 $0x850, v1;
	[tilespmem:$0x1FE90] =	vst v19  }
0x2c: {  	v41 =	vor.u32 $0x1410, v2;
	[tilespmem:$0x1FEA0] =	vst v22  }
0x2d: {  	v32 =	vor.u32 $0x860, v1;
	[tilespmem:$0x1FEB0] =	vst v41  }
0x2e: {  	v42 =	vor.u32 $0x1810, v2;
	[tilespmem:$0x1FEC0] =	vst v32  }
0x2f: {  	v33 =	vor.u32 $0x870, v1;
	[tilespmem:$0x1FED0] =	vst v42  }
0x30: {  	v44 =	vor.u32 $0x1C10, v2;
	[tilespmem:$0x1FEE0] =	vst v33  }
0x31: {  	v36 =	vor.u32 $0x1040, v1;
	[tilespmem:$0x1FEF0] =	vst v44  }
0x32: {  	v37 =	vor.u32 $0x1020, v2;
	[tilespmem:$0x1FF00] =	vst v36  }
0x33: {  	v38 =	vor.u32 $0x1050, v1;
	[tilespmem:$0x1FF10] =	vst v37  }
0x34: {  	v57 =	vor.u32 $0x1420, v2;
	[tilespmem:$0x1FF20] =	vst v38  }
0x35: {  	v58 =	vor.u32 $0x1820, v2;
	[tilespmem:$0x1FF30] =	vst v57  }
0x36: {  	s4 =	srdreg.scid;
	s3 =	stileid.u32;
	s12 =	simm.s32 $0x400;
	v59 =	vor.u32 $0x1070, v1;
	[tilespmem:$0x1FF50] =	vst v58  }
0x37: {  	s14 =	simm.s32 $0x7A1400;
	s15 =	simm.s32 $0x2000;
	s16 =	simm.s32 $0x1;
	v15 =	vor.u32 $0x1860, v1;
	[tilespmem:$0x1FF60] =	vst v59  }
0x38: {  	s17 =	simm.s32 $0x4000;
	s18 =	simm.s32 $0x2;
	s19 =	simm.s32 $0x6000;
	v43 =	vor.u32 $0x1870, v1;
	[tilespmem:$0x1FF70] =	vst v15  }
0x39: {  	s20 =	simm.s32 $0x3;
	s21 =	simm.s32 $0x4;
	s22 =	simm.s32 $0x5;
	v12 =	vor.u32 $0x1030, v2;
	[tilespmem:$0x1FF80] =	vst v43  }
0x3a: {  	s23 =	simm.s32 $0x8000;
	s24 =	simm.s32 $0xA000;
	s25 =	simm.s32 $0x0;
	v13 =	vor.u32 $0x1850, v1;
	[tilespmem:$0x1FFC0] =	vst v12  }
0x3b: {  	s5 =	sand.u32 $0x1, s4;
	s7 =	sshll.u32 s3, $0x1;
	s4 =	sadd.s32 $0xA00, s11;
	v48 =	vor.u32 $0x1060, v1;
	[tilespmem:$0x1FFE0] =	vst v13  }
0x3c: {  	s11 =	sadd.s32 $0x7A1A00, s11;
	p0 =	sgt.u32 s3, $0x1;
	s6 =	ssub.s32 $0x2, s5;
	v45 =	vor.u32 $0x1C30, v2;
	[tilespmem:$0x1FF40] =	vst v48  }
.Ltmp0:
0x3d: {  	s5 =	sor.u32 s5, s7;
	s8 =	sshrl.u32 s6, $0x1;
	v52 =	vor.u32 $0x1830, v2;
	[tilespmem:$0x1FF90] =	vst v45;
	(pc) =	sbr.rel .LBB2_1-.Ltmp0, $4  }
0x3e: {  	s30 =	sshll.u32 s5, $0x7;
	s9 =	sor.u32 $0x1E80, s5;
	s7 =	sor.u32 $0x1E60, s5;
	v49 =	vor.u32 $0x1C20, v2;
	[tilespmem:$0x1FFA0] =	vst v52  }
0x3f: {  	p1 =	sne.s32 s5, $0x4;
	s13 =	ssub.s32 s6, s8;
	s6 =	sadd.s32 s0, s30;
	v62 =	vor.u32 $0x1840, v1;
	[tilespmem:$0x1FFB0] =	vst v49  }
0x40: {  	s31 =	sshll.u32 s9, $0x7;
	s10 =	sshll.u32 s9, $0xA;
	s9 =	sadd.s32 $0xF4200, s0;
	v53 =	vor.u32 $0x1430, v2;
	[tilespmem:$0x1FFD0] =	vst v62  }
0x41: {  	s8 =	sadd.s32 s0, s31;
	s10 =	sadd.s32 s4, s10;
	s13 =	smax.u32 s13, $0x1;
	[tilespmem:$0x1FFF0] =	vst v53  }
.LBB2_15:
0x42: {  	v25 =	vld [tilespmem:$0x1FE30]  }
0x43: {  	v26 =	vld [tilespmem:$0x1FE40]  }
0x44: {  	v27 =	vld [tilespmem:$0x1FE50]  }
0x45: {  	v16 =	vld [tilespmem:$0x1FE60]  }
0x46: {  	v28 =	vld [tilespmem:$0x1FE70]  }
0x47: {  	v30 =	vld [tilespmem:$0x1FE80]  }
0x48: {  	v19 =	vld [tilespmem:$0x1FE90]  }
0x49: {  	v22 =	vld [tilespmem:$0x1FEA0]  }
0x4a: {  	v41 =	vld [tilespmem:$0x1FEB0]  }
0x4b: {  	v32 =	vld [tilespmem:$0x1FEC0]  }
0x4c: {  	v42 =	vld [tilespmem:$0x1FED0]  }
0x4d: {  	v33 =	vld [tilespmem:$0x1FEE0]  }
0x4e: {  	v44 =	vld [tilespmem:$0x1FEF0]  }
0x4f: {  	v36 =	vld [tilespmem:$0x1FF00]  }
0x50: {  	s25 =	sadd.s32 $0x1, s25;
	v37 =	vld [tilespmem:$0x1FF10]  }
0x51: {  	v38 =	vld [tilespmem:$0x1FF20];
	p2 =	sne.s32 s25, s13  }
.Ltmp1:
0x52: {  	v57 =	vld [tilespmem:$0x1FF30];
	(pc) =	sbr.rel @!p2 .LBB2_16-.Ltmp1, $4  }
0x53: {  	v48 =	vld [tilespmem:$0x1FF40]  }
0x54: {  	v58 =	vld [tilespmem:$0x1FF50]  }
0x55: {  	v59 =	vld [tilespmem:$0x1FF60]  }
0x56: {  	v15 =	vld [tilespmem:$0x1FF70]  }
.LBB2_1:
0x57: {  	v6 =	vld [tilespmem:$0x1FC30]  }
0x58: {  	v7 =	vld [tilespmem:$0x1FC40]  }
0x59: {  	v5 =	vld [tilespmem:$0x1FC50]  }
0x5a: {  	v24 =	vld [tilespmem:$0x1FC60]  }
0x5b: {  	v17 =	vld [tilespmem:$0x1FC70]  }
0x5c: {  	v18 =	vld [tilespmem:$0x1FC80]  }
0x5d: {  	v29 =	vld [tilespmem:$0x1FC90]  }
0x5e: {  	v20 =	vld [tilespmem:$0x1FCA0]  }
0x5f: {  	v21 =	vld [tilespmem:$0x1FCB0]  }
0x60: {  	v31 =	vld [tilespmem:$0x1FCC0]  }
0x61: {  	v23 =	vld [tilespmem:$0x1FCD0]  }
0x62: {  	v40 =	vld [tilespmem:$0x1FCE0]  }
0x63: {  	v2 =	vmov v43;
	v43 =	vld [tilespmem:$0x1FCF0]  }
0x64: {  	v34 =	vld [tilespmem:$0x1FD00]  }
0x65: {  	v35 =	vld [tilespmem:$0x1FD10]  }
0x66: {  	v45 =	vld [tilespmem:$0x1FD20]  }
0x67: {  	v46 =	vld [tilespmem:$0x1FD30]  }
0x68: {  	v47 =	vld [tilespmem:$0x1FD40]  }
0x69: {  	v39 =	vld [tilespmem:$0x1FD50]  }
0x6a: {  	v56 =	vld [tilespmem:$0x1FD60]  }
0x6b: {  	v60 =	vld [tilespmem:$0x1FD70]  }
0x6c: {  	v50 =	vld [tilespmem:$0x1FD80]  }
0x6d: {  	v51 =	vld [tilespmem:$0x1FD90]  }
0x6e: {  	v61 =	vld [tilespmem:$0x1FDA0]  }
0x6f: {  	v63 =	vld [tilespmem:$0x1FDB0]  }
0x70: {  	v54 =	vld [tilespmem:$0x1FDC0]  }
0x71: {  	[tilespmem:s2], [sflag:$0x1] =	stream.strided.gather [hbm4b:s6+s12], $0x2000, s14, s12, $0x38;
	v55 =	vld [tilespmem:$0x1FDD0]  }
0x72: {  	s26 =	simm.s32 $0x0;
	v1 =	vld [tilespmem:$0x1FDE0]  }
.LBB2_2:
0x73: {  	s28 =	sshll.u32 s26, $0x6  }
0x74: {  	s28 =	sor.u32 s5, s28  }
0x75: {  	s29 =	sor.u32 $0x20, s28  }
0x76: {  	s29 =	smin.u32 s29, s7  }
0x77: {  	s29 =	smin.u32 s29, $0x1E83  }
0x78: {  	s29 =	sshll.u32 s29, $0x7  }
0x79: {  	s30 =	simm.s32 $0x0;
	s29 =	sadd.s32 s0, s29  }
0x7a: {  	v3 =	vlaneseq.u32;
	[tilespmem:s15], [sflag:$0x2] =	stream.strided.gather [hbm4b:s29+s12], $0x2000, s14, s12, $0x38;
	[tilespmem:$0xB000] =	vst v63  }
0x7b: {  	v8 =	vadd.s32 s30, v3;
	_ =	swait.ge [sflag:s16], $0x2000  }
0x7c: {  	p2 =	seq.s32 s26, $0x0;
	v10 =	vand.u32 $0xF, v8;
	[sflag:s16] =	ssyncset.done $0x0  }
0x7d: {  	v9 =	vshll.u32 v10, $0x7;
	s29 =	simm.s32 @!p2 $0x3;
	[sflag:s16] =	ssyncadd.s32 $0xFFFFE000  }
0x7e: {  	v11 =	vor.u32 v3, v9;
	_ =	swait.ge @!p2 [sflag:s29], $0x2000  }
0x7f: {  	v0 =	vld [tilespmem:$0x1FDF0];
	_ =	sdelay $0x1  }
0x80: {  	[sflag:s29] =	ssyncset.done @!p2 $0x0  }
0x81: {  	[sflag:s29] =	ssyncadd.s32 @!p2 $0xFFFFE000  }
0x82: {  	v4 =	vld.idx.msk [tilespmem:v11+s2+$0x0], $0xffff  }
0x83: {  	v11 =	vor.u32 v0, v10;
	v0 =	vld [tilespmem:$0x1FC10];
	_ =	sdelay $0x4  }
0x84: {  	v0 =	vor.u32 v0, v9;
	_ =	sdelay $0x3  }
0x85: {  	[tilespmem:v11+s17+$0x0] =	vst.idx.msk $0xffff, v4  }
0x86: {  	v4 =	vld.idx.msk [tilespmem:v0+s2+$0x0], $0xffff  }
0x87: {  	v0 =	vld [tilespmem:$0x1FC20];
	_ =	sdelay $0x4  }
0x88: {  	v11 =	vor.u32 v0, v10  }
0x89: {  	v0 =	vor.u32 v6, v9;
	_ =	sdelay $0x3  }
0x8a: {  	[tilespmem:v11+s17+$0x0] =	vst.idx.msk $0xffff, v4  }
0x8b: {  	v11 =	vor.u32 v7, v10;
	v0 =	vld.idx.msk [tilespmem:v0+s2+$0x0], $0xffff;
	_ =	sdelay $0x3  }
0x8c: {  	v4 =	vor.u32 v5, v9  }
0x8d: {  	[tilespmem:v11+s17+$0x0] =	vst.idx.msk $0xffff, v0;
	v0 =	vld [tilespmem:$0x1FE00];
	_ =	sdelay $0x3  }
0x8e: {  	v11 =	vor.u32 v24, v10;
	v4 =	vld.idx.msk [tilespmem:v4+s2+$0x0], $0xffff  }
0x8f: {  	v0 =	vor.u32 v0, v9;
	_ =	sdelay $0x3  }
0x90: {  	[tilespmem:v11+s17+$0x0] =	vst.idx.msk $0xffff, v4  }
0x91: {  	v4 =	vld.idx.msk [tilespmem:v0+s2+$0x0], $0xffff  }
0x92: {  	v0 =	vld [tilespmem:$0x1FE10];
	_ =	sdelay $0x4  }
0x93: {  	v11 =	vor.u32 v0, v10;
	v0 =	vld [tilespmem:$0x1FE20];
	_ =	sdelay $0x4  }
0x94: {  	v0 =	vor.u32 v0, v9;
	_ =	sdelay $0x3  }
0x95: {  	[tilespmem:v11+s17+$0x0] =	vst.idx.msk $0xffff, v4  }
0x96: {  	v11 =	vor.u32 v25, v10;
	v0 =	vld.idx.msk [tilespmem:v0+s2+$0x0], $0xffff  }
0x97: {  	v4 =	vor.u32 v26, v9;
	_ =	sdelay $0x3  }
0x98: {  	[tilespmem:v11+s17+$0x0] =	vst.idx.msk $0xffff, v0  }
0x99: {  	v11 =	vor.u32 v27, v10;
	v0 =	vld.idx.msk [tilespmem:v4+s2+$0x0], $0xffff  }
0x9a: {  	v4 =	vor.u32 v16, v9;
	_ =	sdelay $0x3  }
0x9b: {  	[tilespmem:v11+s17+$0x0] =	vst.idx.msk $0xffff, v0  }
0x9c: {  	v11 =	vor.u32 v28, v10;
	v0 =	vld.idx.msk [tilespmem:v4+s2+$0x0], $0xffff  }
0x9d: {  	v4 =	vor.u32 v17, v9;
	_ =	sdelay $0x3  }
0x9e: {  	[tilespmem:v11+s17+$0x0] =	vst.idx.msk $0xffff, v0  }
0x9f: {  	v11 =	vor.u32 v18, v8;
	v0 =	vld.idx.msk [tilespmem:v4+s2+$0x0], $0xffff  }
0xa0: {  	v4 =	vor.u32 v29, v9;
	_ =	sdelay $0x3  }
0xa1: {  	[tilespmem:v11+s17+$0x0] =	vst.idx.msk $0xffff, v0  }
0xa2: {  	v11 =	vor.u32 v20, v8;
	v0 =	vld.idx.msk [tilespmem:v4+s2+$0x0], $0xffff  }
0xa3: {  	v4 =	vor.u32 v21, v9;
	_ =	sdelay $0x3  }
0xa4: {  	[tilespmem:v11+s17+$0x0] =	vst.idx.msk $0xffff, v0  }
0xa5: {  	v11 =	vor.u32 v31, v8;
	v0 =	vld.idx.msk [tilespmem:v4+s2+$0x0], $0xffff  }
0xa6: {  	v4 =	vor.u32 v23, v9;
	_ =	sdelay $0x3  }
0xa7: {  	[tilespmem:v11+s17+$0x0] =	vst.idx.msk $0xffff, v0  }
0xa8: {  	v11 =	vor.u32 v40, v8;
	v0 =	vld.idx.msk [tilespmem:v4+s2+$0x0], $0xffff  }
0xa9: {  	v4 =	vor.u32 v30, v9;
	_ =	sdelay $0x3  }
0xaa: {  	[tilespmem:v11+s17+$0x0] =	vst.idx.msk $0xffff, v0  }
0xab: {  	v11 =	vor.u32 v19, v8;
	v0 =	vld.idx.msk [tilespmem:v4+s2+$0x0], $0xffff  }
0xac: {  	v4 =	vor.u32 v22, v9;
	_ =	sdelay $0x3  }
0xad: {  	[tilespmem:v11+s17+$0x0] =	vst.idx.msk $0xffff, v0  }
0xae: {  	v11 =	vor.u32 v41, v8;
	v0 =	vld.idx.msk [tilespmem:v4+s2+$0x0], $0xffff  }
0xaf: {  	v4 =	vor.u32 v32, v9;
	_ =	sdelay $0x3  }
0xb0: {  	[tilespmem:v11+s17+$0x0] =	vst.idx.msk $0xffff, v0  }
0xb1: {  	v11 =	vor.u32 v42, v8;
	v0 =	vld.idx.msk [tilespmem:v4+s2+$0x0], $0xffff  }
0xb2: {  	v4 =	vor.u32 v33, v9;
	_ =	sdelay $0x3  }
0xb3: {  	[tilespmem:v11+s17+$0x0] =	vst.idx.msk $0xffff, v0  }
0xb4: {  	v11 =	vor.u32 v44, v8;
	v0 =	vld.idx.msk [tilespmem:v4+s2+$0x0], $0xffff  }
0xb5: {  	v4 =	vor.u32 v43, v9;
	_ =	sdelay $0x3  }
0xb6: {  	[tilespmem:v11+s17+$0x0] =	vst.idx.msk $0xffff, v0  }
0xb7: {  	v11 =	vor.u32 v34, v10;
	v0 =	vld.idx.msk [tilespmem:v4+s2+$0x0], $0xffff  }
0xb8: {  	v4 =	vor.u32 v35, v9;
	_ =	sdelay $0x3  }
0xb9: {  	[tilespmem:v11+s17+$0x0] =	vst.idx.msk $0xffff, v0  }
0xba: {  	v11 =	vor.u32 v45, v10;
	v0 =	vld.idx.msk [tilespmem:v4+s2+$0x0], $0xffff  }
0xbb: {  	v4 =	vor.u32 v46, v9;
	_ =	sdelay $0x3  }
0xbc: {  	[tilespmem:v11+s17+$0x0] =	vst.idx.msk $0xffff, v0  }
0xbd: {  	v11 =	vor.u32 v47, v10;
	v0 =	vld.idx.msk [tilespmem:v4+s2+$0x0], $0xffff  }
0xbe: {  	v4 =	vor.u32 v39, v9;
	_ =	sdelay $0x3  }
0xbf: {  	[tilespmem:v11+s17+$0x0] =	vst.idx.msk $0xffff, v0  }
0xc0: {  	v11 =	vor.u32 v56, v10;
	v0 =	vld.idx.msk [tilespmem:v4+s2+$0x0], $0xffff  }
0xc1: {  	v4 =	vor.u32 v36, v9;
	_ =	sdelay $0x3  }
0xc2: {  	[tilespmem:v11+s17+$0x0] =	vst.idx.msk $0xffff, v0  }
0xc3: {  	v11 =	vor.u32 v37, v10;
	v0 =	vld.idx.msk [tilespmem:v4+s2+$0x0], $0xffff  }
0xc4: {  	v4 =	vor.u32 v38, v9;
	_ =	sdelay $0x3  }
0xc5: {  	[tilespmem:v11+s17+$0x0] =	vst.idx.msk $0xffff, v0  }
0xc6: {  	v11 =	vor.u32 v57, v10;
	v0 =	vld.idx.msk [tilespmem:v4+s2+$0x0], $0xffff  }
0xc7: {  	v4 =	vor.u32 v48, v9;
	_ =	sdelay $0x3  }
0xc8: {  	[tilespmem:v11+s17+$0x0] =	vst.idx.msk $0xffff, v0  }
0xc9: {  	v11 =	vor.u32 v58, v10;
	v0 =	vld.idx.msk [tilespmem:v4+s2+$0x0], $0xffff  }
0xca: {  	v4 =	vor.u32 v59, v9;
	_ =	sdelay $0x3  }
0xcb: {  	[tilespmem:v11+s17+$0x0] =	vst.idx.msk $0xffff, v0  }
0xcc: {  	v10 =	vor.u32 v49, v10;
	v0 =	vld.idx.msk [tilespmem:v4+s2+$0x0], $0xffff  }
0xcd: {  	v11 =	vor.u32 v60, v9;
	_ =	sdelay $0x3  }
0xce: {  	[tilespmem:v10+s17+$0x0] =	vst.idx.msk $0xffff, v0  }
0xcf: {  	v0 =	vld.idx.msk [tilespmem:v11+s2+$0x0], $0xffff;
	v11 =	vor.u32 v50, v8  }
0xd0: {  	v10 =	vor.u32 v51, v9;
	_ =	sdelay $0x3  }
0xd1: {  	[tilespmem:v11+s17+$0x0] =	vst.idx.msk $0xffff, v0  }
0xd2: {  	v11 =	vor.u32 v61, v8;
	v0 =	vld.idx.msk [tilespmem:v10+s2+$0x0], $0xffff  }
0xd3: {  	v10 =	vor.u32 v63, v9;
	_ =	sdelay $0x3  }
0xd4: {  	[tilespmem:v11+s17+$0x0] =	vst.idx.msk $0xffff, v0  }
0xd5: {  	v11 =	vor.u32 v54, v8;
	v0 =	vld.idx.msk [tilespmem:v10+s2+$0x0], $0xffff  }
0xd6: {  	v10 =	vor.u32 v55, v9;
	_ =	sdelay $0x3  }
0xd7: {  	[tilespmem:v11+s17+$0x0] =	vst.idx.msk $0xffff, v0  }
0xd8: {  	v11 =	vor.u32 v1, v8;
	v0 =	vld.idx.msk [tilespmem:v10+s2+$0x0], $0xffff  }
0xd9: {  	v10 =	vor.u32 v62, v9;
	_ =	sdelay $0x3  }
0xda: {  	[tilespmem:v11+s17+$0x0] =	vst.idx.msk $0xffff, v0  }
0xdb: {  	v11 =	vor.u32 v12, v8;
	v0 =	vld.idx.msk [tilespmem:v10+s2+$0x0], $0xffff  }
0xdc: {  	v10 =	vor.u32 v13, v9;
	_ =	sdelay $0x3  }
0xdd: {  	[tilespmem:v11+s17+$0x0] =	vst.idx.msk $0xffff, v0  }
0xde: {  	v11 =	vor.u32 v53, v8;
	v0 =	vld.idx.msk [tilespmem:v10+s2+$0x0], $0xffff  }
0xdf: {  	v10 =	vor.u32 v15, v9;
	_ =	sdelay $0x3  }
0xe0: {  	[tilespmem:v11+s17+$0x0] =	vst.idx.msk $0xffff, v0  }
0xe1: {  	v11 =	vor.u32 v52, v8;
	v10 =	vld.idx.msk [tilespmem:v10+s2+$0x0], $0xffff;
	_ =	sdelay $0x3  }
0xe2: {  	v14 =	vmov v53;
	s29 =	simm.s32 $0x1;
	v53 =	vmov v13  }
0xe3: {  	v9 =	vor.u32 v2, v9;
	v0 =	vmovc v52;
	v52 =	vmov v12;
	[tilespmem:v11+s17+$0x0] =	vst.idx.msk $0xffff, v10;
	v11 =	vadd.s32 s29, v3;
	s29 =	simm.s32 $0x2;
	v3 =	vld [tilespmem:$0x1FF90]  }
.LBB2_3:
0xe4: {  	_ =	sdelay $0x3  }
0xe5: {  	v12 =	vld.idx.msk [tilespmem:v9+s2+$0x0], $0xffff;
	v13 =	vor.u32 v3, v8;
	_ =	sdelay $0x2  }
0xe6: {  	v10 =	vand.u32 $0xF, v11  }
0xe7: {  	v4 =	vlaneseq.u32;
	v9 =	vshll.u32 v10, $0x7  }
0xe8: {  	v8 =	vmov v11;
	v11 =	vor.u32 v4, v9;
	[tilespmem:v13+s17+$0x0] =	vst.idx.msk $0xffff, v12;
	v12 =	vld [tilespmem:$0x1FDF0];
	_ =	sdelay $0x3  }
0xe9: {  	v13 =	vld [tilespmem:$0x1FC10]  }
0xea: {  	v11 =	vld.idx.msk [tilespmem:v11+s2+$0x0], $0xffff;
	v12 =	vor.u32 v12, v10;
	_ =	sdelay $0x4  }
0xeb: {  	v13 =	vor.u32 v13, v9;
	[tilespmem:v12+s17+$0x0] =	vst.idx.msk $0xffff, v11;
	v12 =	vld [tilespmem:$0x1FC20];
	_ =	sdelay $0x4  }
0xec: {  	v11 =	vld.idx.msk [tilespmem:v13+s2+$0x0], $0xffff;
	v12 =	vor.u32 v12, v10  }
0xed: {  	v13 =	vor.u32 v6, v9;
	_ =	sdelay $0x3  }
0xee: {  	[tilespmem:v12+s17+$0x0] =	vst.idx.msk $0xffff, v11  }
0xef: {  	v12 =	vor.u32 v7, v10;
	v11 =	vld.idx.msk [tilespmem:v13+s2+$0x0], $0xffff  }
0xf0: {  	v13 =	vor.u32 v5, v9;
	_ =	sdelay $0x3  }
0xf1: {  	[tilespmem:v12+s17+$0x0] =	vst.idx.msk $0xffff, v11  }
0xf2: {  	v11 =	vld.idx.msk [tilespmem:v13+s2+$0x0], $0xffff  }
0xf3: {  	v13 =	vld [tilespmem:$0x1FE00];
	_ =	sdelay $0x3  }
0xf4: {  	v12 =	vor.u32 v24, v10  }
0xf5: {  	v13 =	vor.u32 v13, v9;
	_ =	sdelay $0x3  }
0xf6: {  	[tilespmem:v12+s17+$0x0] =	vst.idx.msk $0xffff, v11;
	v12 =	vld [tilespmem:$0x1FE10]  }
0xf7: {  	v11 =	vld.idx.msk [tilespmem:v13+s2+$0x0], $0xffff  }
0xf8: {  	v13 =	vld [tilespmem:$0x1FE20];
	_ =	sdelay $0x3  }
0xf9: {  	v12 =	vor.u32 v12, v10  }
0xfa: {  	v13 =	vor.u32 v13, v9;
	_ =	sdelay $0x3  }
0xfb: {  	[tilespmem:v12+s17+$0x0] =	vst.idx.msk $0xffff, v11  }
0xfc: {  	v12 =	vor.u32 v25, v10;
	v11 =	vld.idx.msk [tilespmem:v13+s2+$0x0], $0xffff  }
0xfd: {  	v13 =	vor.u32 v26, v9;
	_ =	sdelay $0x3  }
0xfe: {  	[tilespmem:v12+s17+$0x0] =	vst.idx.msk $0xffff, v11  }
0xff: {  	v12 =	vor.u32 v27, v10;
	v11 =	vld.idx.msk [tilespmem:v13+s2+$0x0], $0xffff  }
0x100: {  	v13 =	vor.u32 v16, v9;
	_ =	sdelay $0x3  }
0x101: {  	[tilespmem:v12+s17+$0x0] =	vst.idx.msk $0xffff, v11  }
0x102: {  	v12 =	vor.u32 v28, v10;
	v11 =	vld.idx.msk [tilespmem:v13+s2+$0x0], $0xffff  }
0x103: {  	v13 =	vor.u32 v17, v9;
	_ =	sdelay $0x3  }
0x104: {  	[tilespmem:v12+s17+$0x0] =	vst.idx.msk $0xffff, v11  }
0x105: {  	v12 =	vor.u32 v18, v8;
	v11 =	vld.idx.msk [tilespmem:v13+s2+$0x0], $0xffff  }
0x106: {  	v13 =	vor.u32 v29, v9;
	_ =	sdelay $0x3  }
0x107: {  	[tilespmem:v12+s17+$0x0] =	vst.idx.msk $0xffff, v11  }
0x108: {  	v12 =	vor.u32 v20, v8;
	v11 =	vld.idx.msk [tilespmem:v13+s2+$0x0], $0xffff  }
0x109: {  	v13 =	vor.u32 v21, v9;
	_ =	sdelay $0x3  }
0x10a: {  	[tilespmem:v12+s17+$0x0] =	vst.idx.msk $0xffff, v11  }
0x10b: {  	v12 =	vor.u32 v31, v8;
	v11 =	vld.idx.msk [tilespmem:v13+s2+$0x0], $0xffff  }
0x10c: {  	v13 =	vor.u32 v23, v9;
	_ =	sdelay $0x3  }
0x10d: {  	[tilespmem:v12+s17+$0x0] =	vst.idx.msk $0xffff, v11  }
0x10e: {  	v12 =	vor.u32 v40, v8;
	v11 =	vld.idx.msk [tilespmem:v13+s2+$0x0], $0xffff  }
0x10f: {  	v13 =	vor.u32 v30, v9;
	_ =	sdelay $0x3  }
0x110: {  	[tilespmem:v12+s17+$0x0] =	vst.idx.msk $0xffff, v11  }
0x111: {  	v12 =	vor.u32 v19, v8;
	v11 =	vld.idx.msk [tilespmem:v13+s2+$0x0], $0xffff  }
0x112: {  	v13 =	vor.u32 v22, v9;
	_ =	sdelay $0x3  }
0x113: {  	[tilespmem:v12+s17+$0x0] =	vst.idx.msk $0xffff, v11  }
0x114: {  	v12 =	vor.u32 v41, v8;
	v11 =	vld.idx.msk [tilespmem:v13+s2+$0x0], $0xffff  }
0x115: {  	v13 =	vor.u32 v32, v9;
	_ =	sdelay $0x3  }
0x116: {  	[tilespmem:v12+s17+$0x0] =	vst.idx.msk $0xffff, v11  }
0x117: {  	v12 =	vor.u32 v42, v8;
	v11 =	vld.idx.msk [tilespmem:v13+s2+$0x0], $0xffff  }
0x118: {  	v13 =	vor.u32 v33, v9;
	_ =	sdelay $0x3  }
0x119: {  	[tilespmem:v12+s17+$0x0] =	vst.idx.msk $0xffff, v11  }
0x11a: {  	v12 =	vor.u32 v44, v8;
	v11 =	vld.idx.msk [tilespmem:v13+s2+$0x0], $0xffff  }
0x11b: {  	v13 =	vor.u32 v43, v9;
	_ =	sdelay $0x3  }
0x11c: {  	[tilespmem:v12+s17+$0x0] =	vst.idx.msk $0xffff, v11  }
0x11d: {  	v12 =	vor.u32 v34, v10;
	v11 =	vld.idx.msk [tilespmem:v13+s2+$0x0], $0xffff  }
0x11e: {  	v13 =	vor.u32 v35, v9;
	_ =	sdelay $0x3  }
0x11f: {  	[tilespmem:v12+s17+$0x0] =	vst.idx.msk $0xffff, v11  }
0x120: {  	v12 =	vor.u32 v45, v10;
	v11 =	vld.idx.msk [tilespmem:v13+s2+$0x0], $0xffff  }
0x121: {  	v13 =	vor.u32 v46, v9;
	_ =	sdelay $0x3  }
0x122: {  	[tilespmem:v12+s17+$0x0] =	vst.idx.msk $0xffff, v11  }
0x123: {  	v12 =	vor.u32 v47, v10;
	v11 =	vld.idx.msk [tilespmem:v13+s2+$0x0], $0xffff  }
0x124: {  	v13 =	vor.u32 v39, v9;
	_ =	sdelay $0x3  }
0x125: {  	[tilespmem:v12+s17+$0x0] =	vst.idx.msk $0xffff, v11  }
0x126: {  	v12 =	vor.u32 v56, v10;
	v11 =	vld.idx.msk [tilespmem:v13+s2+$0x0], $0xffff  }
0x127: {  	v13 =	vor.u32 v36, v9;
	_ =	sdelay $0x3  }
0x128: {  	[tilespmem:v12+s17+$0x0] =	vst.idx.msk $0xffff, v11  }
0x129: {  	v12 =	vor.u32 v37, v10;
	v11 =	vld.idx.msk [tilespmem:v13+s2+$0x0], $0xffff  }
0x12a: {  	v13 =	vor.u32 v38, v9;
	_ =	sdelay $0x3  }
0x12b: {  	[tilespmem:v12+s17+$0x0] =	vst.idx.msk $0xffff, v11  }
0x12c: {  	v12 =	vor.u32 v57, v10;
	v11 =	vld.idx.msk [tilespmem:v13+s2+$0x0], $0xffff  }
0x12d: {  	v13 =	vor.u32 v48, v9;
	_ =	sdelay $0x3  }
0x12e: {  	[tilespmem:v12+s17+$0x0] =	vst.idx.msk $0xffff, v11  }
0x12f: {  	v12 =	vor.u32 v58, v10;
	v11 =	vld.idx.msk [tilespmem:v13+s2+$0x0], $0xffff  }
0x130: {  	v13 =	vor.u32 v59, v9;
	_ =	sdelay $0x3  }
0x131: {  	[tilespmem:v12+s17+$0x0] =	vst.idx.msk $0xffff, v11  }
0x132: {  	v10 =	vor.u32 v49, v10;
	v11 =	vld.idx.msk [tilespmem:v13+s2+$0x0], $0xffff  }
0x133: {  	v12 =	vor.u32 v60, v9;
	_ =	sdelay $0x3  }
0x134: {  	[tilespmem:v10+s17+$0x0] =	vst.idx.msk $0xffff, v11  }
0x135: {  	v11 =	vor.u32 v50, v8;
	v10 =	vld.idx.msk [tilespmem:v12+s2+$0x0], $0xffff  }
0x136: {  	v12 =	vor.u32 v51, v9;
	_ =	sdelay $0x3  }
0x137: {  	[tilespmem:v11+s17+$0x0] =	vst.idx.msk $0xffff, v10  }
0x138: {  	v11 =	vor.u32 v61, v8;
	v10 =	vld.idx.msk [tilespmem:v12+s2+$0x0], $0xffff  }
0x139: {  	v12 =	vor.u32 v63, v9;
	_ =	sdelay $0x3  }
0x13a: {  	[tilespmem:v11+s17+$0x0] =	vst.idx.msk $0xffff, v10  }
0x13b: {  	v11 =	vor.u32 v54, v8;
	v10 =	vld.idx.msk [tilespmem:v12+s2+$0x0], $0xffff  }
0x13c: {  	v12 =	vor.u32 v55, v9;
	_ =	sdelay $0x3  }
0x13d: {  	[tilespmem:v11+s17+$0x0] =	vst.idx.msk $0xffff, v10  }
0x13e: {  	v11 =	vor.u32 v1, v8;
	v10 =	vld.idx.msk [tilespmem:v12+s2+$0x0], $0xffff  }
0x13f: {  	v12 =	vor.u32 v62, v9;
	_ =	sdelay $0x3  }
0x140: {  	[tilespmem:v11+s17+$0x0] =	vst.idx.msk $0xffff, v10  }
0x141: {  	v11 =	vor.u32 v52, v8;
	v10 =	vld.idx.msk [tilespmem:v12+s2+$0x0], $0xffff  }
0x142: {  	v12 =	vor.u32 v53, v9;
	_ =	sdelay $0x3  }
0x143: {  	[tilespmem:v11+s17+$0x0] =	vst.idx.msk $0xffff, v10  }
0x144: {  	v11 =	vor.u32 v14, v8;
	v10 =	vld.idx.msk [tilespmem:v12+s2+$0x0], $0xffff  }
0x145: {  	v12 =	vor.u32 v15, v9;
	_ =	sdelay $0x3  }
0x146: {  	[tilespmem:v11+s17+$0x0] =	vst.idx.msk $0xffff, v10  }
0x147: {  	p3 =	sne.s32 s29, $0xF;
	v10 =	vld.idx.msk [tilespmem:v12+s2+$0x0], $0xffff;
	v12 =	vor.u32 v0, v8  }
.Ltmp2:
0x148: {  	_ = 	snop;
	(pc) =	sbr.rel @p3 .LBB2_3-.Ltmp2, $2  }
0x149: {  	_ =	sdelay $0x2  }
0x14a: {  	v9 =	vor.u32 v2, v9;
	v11 =	vadd.s32 s29, v4;
	s29 =	sadd.s32 $0x1, s29;
	[tilespmem:v12+s17+$0x0] =	vst.idx.msk $0xffff, v10  }
0x14b: {  	_ =	sdelay $0x2  }
0x14c: {  	v10 =	vand.u32 $0xF, v11  }
0x14d: {  	v9 =	vld.idx.msk [tilespmem:v9+s2+$0x0], $0xffff;
	v4 =	vlaneseq.u32;
	v12 =	vshll.u32 v10, $0x7  }
0x14e: {  	v8 =	vor.u32 v3, v8;
	v13 =	vor.u32 v4, v12;
	v4 =	vld [tilespmem:$0x1FDF0];
	_ =	sdelay $0x4  }
0x14f: {  	[tilespmem:v8+s17+$0x0] =	vst.idx.msk $0xffff, v9;
	v9 =	vor.u32 v4, v10;
	v4 =	vld [tilespmem:$0x1FC10];
	_ =	sdelay $0x3  }
0x150: {  	v8 =	vld.idx.msk [tilespmem:v13+s2+$0x0], $0xffff  }
0x151: {  	v13 =	vor.u32 v4, v12;
	v4 =	vld [tilespmem:$0x1FC20];
	_ =	sdelay $0x3  }
0x152: {  	[tilespmem:v9+s17+$0x0] =	vst.idx.msk $0xffff, v8  }
0x153: {  	v8 =	vld.idx.msk [tilespmem:v13+s2+$0x0], $0xffff;
	v9 =	vor.u32 v4, v10  }
0x154: {  	v13 =	vor.u32 v6, v12;
	_ =	sdelay $0x3  }
0x155: {  	[tilespmem:v9+s17+$0x0] =	vst.idx.msk $0xffff, v8  }
0x156: {  	v9 =	vor.u32 v7, v10;
	v8 =	vld.idx.msk [tilespmem:v13+s2+$0x0], $0xffff  }
0x157: {  	v13 =	vor.u32 v5, v12  }
0x158: {  	v4 =	vld [tilespmem:$0x1FE00];
	_ =	sdelay $0x2  }
0x159: {  	[tilespmem:v9+s17+$0x0] =	vst.idx.msk $0xffff, v8  }
0x15a: {  	v8 =	vld.idx.msk [tilespmem:v13+s2+$0x0], $0xffff  }
0x15b: {  	v9 =	vor.u32 v24, v10;
	v13 =	vor.u32 v4, v12;
	v4 =	vld [tilespmem:$0x1FE10];
	_ =	sdelay $0x4  }
0x15c: {  	[tilespmem:v9+s17+$0x0] =	vst.idx.msk $0xffff, v8;
	v9 =	vor.u32 v4, v10;
	v4 =	vld [tilespmem:$0x1FE20];
	_ =	sdelay $0x3  }
0x15d: {  	v8 =	vld.idx.msk [tilespmem:v13+s2+$0x0], $0xffff  }
0x15e: {  	v13 =	vor.u32 v4, v12;
	_ =	sdelay $0x3  }
0x15f: {  	[tilespmem:v9+s17+$0x0] =	vst.idx.msk $0xffff, v8  }
0x160: {  	v9 =	vor.u32 v25, v10;
	v8 =	vld.idx.msk [tilespmem:v13+s2+$0x0], $0xffff  }
0x161: {  	v13 =	vor.u32 v26, v12;
	_ =	sdelay $0x3  }
0x162: {  	[tilespmem:v9+s17+$0x0] =	vst.idx.msk $0xffff, v8  }
0x163: {  	v9 =	vor.u32 v27, v10;
	v8 =	vld.idx.msk [tilespmem:v13+s2+$0x0], $0xffff  }
0x164: {  	v13 =	vor.u32 v16, v12;
	_ =	sdelay $0x3  }
0x165: {  	[tilespmem:v9+s17+$0x0] =	vst.idx.msk $0xffff, v8  }
0x166: {  	v9 =	vor.u32 v28, v10;
	v8 =	vld.idx.msk [tilespmem:v13+s2+$0x0], $0xffff  }
0x167: {  	v13 =	vor.u32 v17, v12;
	_ =	sdelay $0x3  }
0x168: {  	[tilespmem:v9+s17+$0x0] =	vst.idx.msk $0xffff, v8  }
0x169: {  	v9 =	vor.u32 v18, v11;
	v8 =	vld.idx.msk [tilespmem:v13+s2+$0x0], $0xffff  }
0x16a: {  	v13 =	vor.u32 v29, v12;
	_ =	sdelay $0x3  }
0x16b: {  	[tilespmem:v9+s17+$0x0] =	vst.idx.msk $0xffff, v8  }
0x16c: {  	v9 =	vor.u32 v20, v11;
	v8 =	vld.idx.msk [tilespmem:v13+s2+$0x0], $0xffff  }
0x16d: {  	v13 =	vor.u32 v21, v12;
	_ =	sdelay $0x3  }
0x16e: {  	[tilespmem:v9+s17+$0x0] =	vst.idx.msk $0xffff, v8  }
0x16f: {  	v9 =	vor.u32 v31, v11;
	v8 =	vld.idx.msk [tilespmem:v13+s2+$0x0], $0xffff  }
0x170: {  	v13 =	vor.u32 v23, v12;
	_ =	sdelay $0x3  }
0x171: {  	[tilespmem:v9+s17+$0x0] =	vst.idx.msk $0xffff, v8  }
0x172: {  	v9 =	vor.u32 v40, v11;
	v8 =	vld.idx.msk [tilespmem:v13+s2+$0x0], $0xffff  }
0x173: {  	v13 =	vor.u32 v30, v12;
	_ =	sdelay $0x3  }
0x174: {  	[tilespmem:v9+s17+$0x0] =	vst.idx.msk $0xffff, v8  }
0x175: {  	v9 =	vor.u32 v19, v11;
	v8 =	vld.idx.msk [tilespmem:v13+s2+$0x0], $0xffff  }
0x176: {  	v13 =	vor.u32 v22, v12;
	_ =	sdelay $0x3  }
0x177: {  	[tilespmem:v9+s17+$0x0] =	vst.idx.msk $0xffff, v8  }
0x178: {  	v9 =	vor.u32 v41, v11;
	v8 =	vld.idx.msk [tilespmem:v13+s2+$0x0], $0xffff  }
0x179: {  	v13 =	vor.u32 v32, v12;
	_ =	sdelay $0x3  }
0x17a: {  	[tilespmem:v9+s17+$0x0] =	vst.idx.msk $0xffff, v8  }
0x17b: {  	v9 =	vor.u32 v42, v11;
	v8 =	vld.idx.msk [tilespmem:v13+s2+$0x0], $0xffff  }
0x17c: {  	v13 =	vor.u32 v33, v12;
	_ =	sdelay $0x3  }
0x17d: {  	[tilespmem:v9+s17+$0x0] =	vst.idx.msk $0xffff, v8  }
0x17e: {  	v9 =	vor.u32 v44, v11;
	v8 =	vld.idx.msk [tilespmem:v13+s2+$0x0], $0xffff  }
0x17f: {  	v13 =	vor.u32 v43, v12;
	_ =	sdelay $0x3  }
0x180: {  	[tilespmem:v9+s17+$0x0] =	vst.idx.msk $0xffff, v8  }
0x181: {  	v9 =	vor.u32 v34, v10;
	v8 =	vld.idx.msk [tilespmem:v13+s2+$0x0], $0xffff  }
0x182: {  	v13 =	vor.u32 v35, v12;
	_ =	sdelay $0x3  }
0x183: {  	[tilespmem:v9+s17+$0x0] =	vst.idx.msk $0xffff, v8  }
0x184: {  	v9 =	vor.u32 v45, v10;
	v8 =	vld.idx.msk [tilespmem:v13+s2+$0x0], $0xffff  }
0x185: {  	v13 =	vor.u32 v46, v12;
	_ =	sdelay $0x3  }
0x186: {  	[tilespmem:v9+s17+$0x0] =	vst.idx.msk $0xffff, v8  }
0x187: {  	v9 =	vor.u32 v47, v10;
	v8 =	vld.idx.msk [tilespmem:v13+s2+$0x0], $0xffff  }
0x188: {  	v13 =	vor.u32 v39, v12;
	_ =	sdelay $0x3  }
0x189: {  	[tilespmem:v9+s17+$0x0] =	vst.idx.msk $0xffff, v8  }
0x18a: {  	v9 =	vor.u32 v56, v10;
	v8 =	vld.idx.msk [tilespmem:v13+s2+$0x0], $0xffff  }
0x18b: {  	v13 =	vor.u32 v36, v12;
	_ =	sdelay $0x3  }
0x18c: {  	[tilespmem:v9+s17+$0x0] =	vst.idx.msk $0xffff, v8  }
0x18d: {  	v9 =	vor.u32 v37, v10;
	v8 =	vld.idx.msk [tilespmem:v13+s2+$0x0], $0xffff  }
0x18e: {  	v13 =	vor.u32 v38, v12;
	_ =	sdelay $0x3  }
0x18f: {  	[tilespmem:v9+s17+$0x0] =	vst.idx.msk $0xffff, v8  }
0x190: {  	v9 =	vor.u32 v57, v10;
	v8 =	vld.idx.msk [tilespmem:v13+s2+$0x0], $0xffff  }
0x191: {  	v13 =	vor.u32 v48, v12;
	_ =	sdelay $0x3  }
0x192: {  	[tilespmem:v9+s17+$0x0] =	vst.idx.msk $0xffff, v8  }
0x193: {  	v9 =	vor.u32 v58, v10;
	v8 =	vld.idx.msk [tilespmem:v13+s2+$0x0], $0xffff  }
0x194: {  	v13 =	vor.u32 v59, v12;
	_ =	sdelay $0x3  }
0x195: {  	[tilespmem:v9+s17+$0x0] =	vst.idx.msk $0xffff, v8  }
0x196: {  	v9 =	vor.u32 v49, v10;
	v8 =	vld.idx.msk [tilespmem:v13+s2+$0x0], $0xffff  }
0x197: {  	v10 =	vor.u32 v60, v12;
	_ =	sdelay $0x3  }
0x198: {  	[tilespmem:v9+s17+$0x0] =	vst.idx.msk $0xffff, v8  }
0x199: {  	v9 =	vor.u32 v50, v11;
	v8 =	vld.idx.msk [tilespmem:v10+s2+$0x0], $0xffff  }
0x19a: {  	v10 =	vor.u32 v51, v12;
	_ =	sdelay $0x3  }
0x19b: {  	[tilespmem:v9+s17+$0x0] =	vst.idx.msk $0xffff, v8  }
0x19c: {  	v9 =	vor.u32 v61, v11;
	v8 =	vld.idx.msk [tilespmem:v10+s2+$0x0], $0xffff  }
0x19d: {  	v10 =	vor.u32 v63, v12;
	_ =	sdelay $0x3  }
0x19e: {  	[tilespmem:v9+s17+$0x0] =	vst.idx.msk $0xffff, v8  }
0x19f: {  	v9 =	vor.u32 v54, v11;
	v8 =	vld.idx.msk [tilespmem:v10+s2+$0x0], $0xffff  }
0x1a0: {  	v10 =	vor.u32 v55, v12;
	_ =	sdelay $0x3  }
0x1a1: {  	[tilespmem:v9+s17+$0x0] =	vst.idx.msk $0xffff, v8  }
0x1a2: {  	v9 =	vor.u32 v1, v11;
	v8 =	vld.idx.msk [tilespmem:v10+s2+$0x0], $0xffff  }
0x1a3: {  	v10 =	vor.u32 v62, v12;
	_ =	sdelay $0x3  }
0x1a4: {  	[tilespmem:v9+s17+$0x0] =	vst.idx.msk $0xffff, v8  }
0x1a5: {  	v9 =	vor.u32 v52, v11;
	v8 =	vld.idx.msk [tilespmem:v10+s2+$0x0], $0xffff  }
0x1a6: {  	v10 =	vor.u32 v53, v12;
	_ =	sdelay $0x3  }
0x1a7: {  	[tilespmem:v9+s17+$0x0] =	vst.idx.msk $0xffff, v8  }
0x1a8: {  	v9 =	vor.u32 v14, v11;
	v8 =	vld.idx.msk [tilespmem:v10+s2+$0x0], $0xffff  }
0x1a9: {  	v10 =	vor.u32 v15, v12;
	_ =	sdelay $0x3  }
0x1aa: {  	[tilespmem:v9+s17+$0x0] =	vst.idx.msk $0xffff, v8  }
0x1ab: {  	v9 =	vor.u32 v0, v11;
	v8 =	vld.idx.msk [tilespmem:v10+s2+$0x0], $0xffff  }
0x1ac: {  	v10 =	vor.u32 v2, v12;
	_ =	sdelay $0x3  }
0x1ad: {  	[tilespmem:v9+s17+$0x0] =	vst.idx.msk $0xffff, v8  }
0x1ae: {  	v9 =	vor.u32 v3, v11;
	v8 =	vld.idx.msk [tilespmem:v10+s2+$0x0], $0xffff;
	_ =	sdelay $0x1  }
0x1af: {  	s29 =	sshll.u32 s28, $0xA;
	s28 =	sadd.s32 $0x40, s28  }
0x1b0: {  	s28 =	smin.u32 s28, s7  }
0x1b1: {  	s28 =	smin.u32 s28, $0x1E83  }
0x1b2: {  	s30 =	sadd.s32 s4, s29;
	s28 =	sshll.u32 s28, $0x7;
	[tilespmem:v9+s17+$0x0] =	vst.idx.msk $0xffff, v8  }
0x1b3: {  	[hbm4b:s30+s2] =	stream.linear.scatter [tilespmem:s17], [sflag:$0x3], $0x2000, $0x38;
	[tilespmem:$0xB000] =	vst v63  }
0x1b4: {  	s28 =	sadd.s32 s0, s28  }
0x1b5: {  	[tilespmem:s2], [sflag:$0x1] =	stream.strided.gather [hbm4b:s28+s12], $0x2000, s14, s12, $0x38;
	[tilespmem:$0xB000] =	vst v63  }
0x1b6: {  	_ =	swait.ge [sflag:s18], $0x2000  }
0x1b7: {  	[sflag:s18] =	ssyncset.done $0x0  }
0x1b8: {  	s28 =	simm.s32 @!p2 $0x4;
	[sflag:s18] =	ssyncadd.s32 $0xFFFFE000  }
0x1b9: {  	_ =	swait.ge @!p2 [sflag:s28], $0x2000  }
0x1ba: {  	s31 =	simm.s32 $0x0;
	v11 =	vlaneseq.u32;
	v4 =	vld [tilespmem:$0x1FDF0]  }
0x1bb: {  	v8 =	vadd.s32 s31, v11  }
0x1bc: {  	v10 =	vand.u32 $0xF, v8  }
0x1bd: {  	v9 =	vshll.u32 v10, $0x7  }
0x1be: {  	v11 =	vor.u32 v11, v9  }
0x1bf: {  	v12 =	vor.u32 v4, v10;
	v4 =	vld [tilespmem:$0x1FC10];
	_ =	sdelay $0x1  }
0x1c0: {  	[sflag:s28] =	ssyncset.done @!p2 $0x0  }
0x1c1: {  	[sflag:s28] =	ssyncadd.s32 @!p2 $0xFFFFE000  }
0x1c2: {  	v11 =	vld.idx.msk [tilespmem:v11+s15+$0x0], $0xffff  }
0x1c3: {  	v13 =	vor.u32 v4, v9;
	v4 =	vld [tilespmem:$0x1FC20];
	_ =	sdelay $0x4  }
0x1c4: {  	[tilespmem:v12+s19+$0x0] =	vst.idx.msk $0xffff, v11;
	v12 =	vor.u32 v4, v10;
	v4 =	vld [tilespmem:$0x1FC30];
	_ =	sdelay $0x3  }
0x1c5: {  	v11 =	vld.idx.msk [tilespmem:v13+s15+$0x0], $0xffff  }
0x1c6: {  	v13 =	vor.u32 v4, v9;
	v4 =	vld [tilespmem:$0x1FC40];
	_ =	sdelay $0x4  }
0x1c7: {  	[tilespmem:v12+s19+$0x0] =	vst.idx.msk $0xffff, v11;
	v12 =	vor.u32 v4, v10;
	v4 =	vld [tilespmem:$0x1FC50];
	_ =	sdelay $0x3  }
0x1c8: {  	v11 =	vld.idx.msk [tilespmem:v13+s15+$0x0], $0xffff  }
0x1c9: {  	v13 =	vor.u32 v4, v9  }
0x1ca: {  	v4 =	vld [tilespmem:$0x1FE00];
	_ =	sdelay $0x2  }
0x1cb: {  	[tilespmem:v12+s19+$0x0] =	vst.idx.msk $0xffff, v11  }
0x1cc: {  	v11 =	vld.idx.msk [tilespmem:v13+s15+$0x0], $0xffff  }
0x1cd: {  	v12 =	vor.u32 v24, v10;
	v13 =	vor.u32 v4, v9;
	v4 =	vld [tilespmem:$0x1FE10];
	_ =	sdelay $0x4  }
0x1ce: {  	[tilespmem:v12+s19+$0x0] =	vst.idx.msk $0xffff, v11;
	v12 =	vor.u32 v4, v10;
	v4 =	vld [tilespmem:$0x1FE20];
	_ =	sdelay $0x3  }
0x1cf: {  	v11 =	vld.idx.msk [tilespmem:v13+s15+$0x0], $0xffff  }
0x1d0: {  	v13 =	vor.u32 v4, v9;
	_ =	sdelay $0x3  }
0x1d1: {  	[tilespmem:v12+s19+$0x0] =	vst.idx.msk $0xffff, v11  }
0x1d2: {  	v12 =	vor.u32 v25, v10;
	v11 =	vld.idx.msk [tilespmem:v13+s15+$0x0], $0xffff  }
0x1d3: {  	v13 =	vor.u32 v26, v9;
	_ =	sdelay $0x3  }
0x1d4: {  	[tilespmem:v12+s19+$0x0] =	vst.idx.msk $0xffff, v11  }
0x1d5: {  	v12 =	vor.u32 v27, v10;
	v11 =	vld.idx.msk [tilespmem:v13+s15+$0x0], $0xffff  }
0x1d6: {  	v13 =	vor.u32 v16, v9;
	_ =	sdelay $0x3  }
0x1d7: {  	[tilespmem:v12+s19+$0x0] =	vst.idx.msk $0xffff, v11  }
0x1d8: {  	v12 =	vor.u32 v28, v10;
	v11 =	vld.idx.msk [tilespmem:v13+s15+$0x0], $0xffff  }
0x1d9: {  	v13 =	vor.u32 v17, v9;
	_ =	sdelay $0x3  }
0x1da: {  	[tilespmem:v12+s19+$0x0] =	vst.idx.msk $0xffff, v11  }
0x1db: {  	v12 =	vor.u32 v18, v8;
	v11 =	vld.idx.msk [tilespmem:v13+s15+$0x0], $0xffff  }
0x1dc: {  	v13 =	vor.u32 v29, v9;
	_ =	sdelay $0x3  }
0x1dd: {  	[tilespmem:v12+s19+$0x0] =	vst.idx.msk $0xffff, v11  }
0x1de: {  	v12 =	vor.u32 v20, v8;
	v11 =	vld.idx.msk [tilespmem:v13+s15+$0x0], $0xffff  }
0x1df: {  	v13 =	vor.u32 v21, v9;
	_ =	sdelay $0x3  }
0x1e0: {  	[tilespmem:v12+s19+$0x0] =	vst.idx.msk $0xffff, v11  }
0x1e1: {  	v12 =	vor.u32 v31, v8;
	v11 =	vld.idx.msk [tilespmem:v13+s15+$0x0], $0xffff  }
0x1e2: {  	v13 =	vor.u32 v23, v9;
	_ =	sdelay $0x3  }
0x1e3: {  	[tilespmem:v12+s19+$0x0] =	vst.idx.msk $0xffff, v11  }
0x1e4: {  	v12 =	vor.u32 v40, v8;
	v11 =	vld.idx.msk [tilespmem:v13+s15+$0x0], $0xffff  }
0x1e5: {  	v13 =	vor.u32 v30, v9;
	_ =	sdelay $0x3  }
0x1e6: {  	[tilespmem:v12+s19+$0x0] =	vst.idx.msk $0xffff, v11  }
0x1e7: {  	v12 =	vor.u32 v19, v8;
	v11 =	vld.idx.msk [tilespmem:v13+s15+$0x0], $0xffff  }
0x1e8: {  	v13 =	vor.u32 v22, v9;
	_ =	sdelay $0x3  }
0x1e9: {  	[tilespmem:v12+s19+$0x0] =	vst.idx.msk $0xffff, v11  }
0x1ea: {  	v12 =	vor.u32 v41, v8;
	v11 =	vld.idx.msk [tilespmem:v13+s15+$0x0], $0xffff  }
0x1eb: {  	v13 =	vor.u32 v32, v9;
	_ =	sdelay $0x3  }
0x1ec: {  	[tilespmem:v12+s19+$0x0] =	vst.idx.msk $0xffff, v11  }
0x1ed: {  	v12 =	vor.u32 v42, v8;
	v11 =	vld.idx.msk [tilespmem:v13+s15+$0x0], $0xffff  }
0x1ee: {  	v13 =	vor.u32 v33, v9;
	_ =	sdelay $0x3  }
0x1ef: {  	[tilespmem:v12+s19+$0x0] =	vst.idx.msk $0xffff, v11  }
0x1f0: {  	v12 =	vor.u32 v44, v8;
	v11 =	vld.idx.msk [tilespmem:v13+s15+$0x0], $0xffff  }
0x1f1: {  	v13 =	vor.u32 v43, v9;
	_ =	sdelay $0x3  }
0x1f2: {  	[tilespmem:v12+s19+$0x0] =	vst.idx.msk $0xffff, v11  }
0x1f3: {  	v12 =	vor.u32 v34, v10;
	v11 =	vld.idx.msk [tilespmem:v13+s15+$0x0], $0xffff  }
0x1f4: {  	v13 =	vor.u32 v35, v9;
	_ =	sdelay $0x3  }
0x1f5: {  	[tilespmem:v12+s19+$0x0] =	vst.idx.msk $0xffff, v11  }
0x1f6: {  	v12 =	vor.u32 v45, v10;
	v11 =	vld.idx.msk [tilespmem:v13+s15+$0x0], $0xffff  }
0x1f7: {  	v13 =	vor.u32 v46, v9;
	_ =	sdelay $0x3  }
0x1f8: {  	[tilespmem:v12+s19+$0x0] =	vst.idx.msk $0xffff, v11  }
0x1f9: {  	v12 =	vor.u32 v47, v10;
	v11 =	vld.idx.msk [tilespmem:v13+s15+$0x0], $0xffff  }
0x1fa: {  	v13 =	vor.u32 v39, v9;
	_ =	sdelay $0x3  }
0x1fb: {  	[tilespmem:v12+s19+$0x0] =	vst.idx.msk $0xffff, v11  }
0x1fc: {  	v12 =	vor.u32 v56, v10;
	v11 =	vld.idx.msk [tilespmem:v13+s15+$0x0], $0xffff  }
0x1fd: {  	v13 =	vor.u32 v36, v9;
	_ =	sdelay $0x3  }
0x1fe: {  	[tilespmem:v12+s19+$0x0] =	vst.idx.msk $0xffff, v11  }
0x1ff: {  	v12 =	vor.u32 v37, v10;
	v11 =	vld.idx.msk [tilespmem:v13+s15+$0x0], $0xffff  }
0x200: {  	v13 =	vor.u32 v38, v9;
	_ =	sdelay $0x3  }
0x201: {  	[tilespmem:v12+s19+$0x0] =	vst.idx.msk $0xffff, v11  }
0x202: {  	v12 =	vor.u32 v57, v10;
	v11 =	vld.idx.msk [tilespmem:v13+s15+$0x0], $0xffff  }
0x203: {  	v13 =	vor.u32 v48, v9;
	_ =	sdelay $0x3  }
0x204: {  	[tilespmem:v12+s19+$0x0] =	vst.idx.msk $0xffff, v11  }
0x205: {  	v12 =	vor.u32 v58, v10;
	v11 =	vld.idx.msk [tilespmem:v13+s15+$0x0], $0xffff  }
0x206: {  	v13 =	vor.u32 v59, v9;
	_ =	sdelay $0x3  }
0x207: {  	[tilespmem:v12+s19+$0x0] =	vst.idx.msk $0xffff, v11  }
0x208: {  	v10 =	vor.u32 v49, v10;
	v11 =	vld.idx.msk [tilespmem:v13+s15+$0x0], $0xffff  }
0x209: {  	v12 =	vor.u32 v60, v9;
	_ =	sdelay $0x3  }
0x20a: {  	[tilespmem:v10+s19+$0x0] =	vst.idx.msk $0xffff, v11  }
0x20b: {  	v11 =	vor.u32 v50, v8;
	v10 =	vld.idx.msk [tilespmem:v12+s15+$0x0], $0xffff  }
0x20c: {  	v12 =	vor.u32 v51, v9;
	_ =	sdelay $0x3  }
0x20d: {  	[tilespmem:v11+s19+$0x0] =	vst.idx.msk $0xffff, v10  }
0x20e: {  	v11 =	vor.u32 v61, v8;
	v10 =	vld.idx.msk [tilespmem:v12+s15+$0x0], $0xffff  }
0x20f: {  	v12 =	vor.u32 v63, v9;
	_ =	sdelay $0x3  }
0x210: {  	[tilespmem:v11+s19+$0x0] =	vst.idx.msk $0xffff, v10  }
0x211: {  	v11 =	vor.u32 v54, v8;
	v10 =	vld.idx.msk [tilespmem:v12+s15+$0x0], $0xffff  }
0x212: {  	v12 =	vor.u32 v55, v9;
	_ =	sdelay $0x3  }
0x213: {  	[tilespmem:v11+s19+$0x0] =	vst.idx.msk $0xffff, v10  }
0x214: {  	v11 =	vor.u32 v1, v8;
	v10 =	vld.idx.msk [tilespmem:v12+s15+$0x0], $0xffff  }
0x215: {  	v12 =	vor.u32 v62, v9;
	_ =	sdelay $0x3  }
0x216: {  	[tilespmem:v11+s19+$0x0] =	vst.idx.msk $0xffff, v10  }
0x217: {  	v11 =	vor.u32 v52, v8;
	v10 =	vld.idx.msk [tilespmem:v12+s15+$0x0], $0xffff  }
0x218: {  	v12 =	vor.u32 v53, v9;
	_ =	sdelay $0x3  }
0x219: {  	[tilespmem:v11+s19+$0x0] =	vst.idx.msk $0xffff, v10  }
0x21a: {  	v11 =	vor.u32 v14, v8;
	v10 =	vld.idx.msk [tilespmem:v12+s15+$0x0], $0xffff  }
0x21b: {  	v12 =	vor.u32 v15, v9;
	_ =	sdelay $0x3  }
0x21c: {  	[tilespmem:v11+s19+$0x0] =	vst.idx.msk $0xffff, v10  }
0x21d: {  	v11 =	vor.u32 v0, v8;
	v10 =	vld.idx.msk [tilespmem:v12+s15+$0x0], $0xffff;
	_ =	sdelay $0x3  }
0x21e: {  	s28 =	simm.s32 $0x1;
	v4 =	vlaneseq.u32  }
0x21f: {  	v9 =	vor.u32 v2, v9;
	[tilespmem:v11+s19+$0x0] =	vst.idx.msk $0xffff, v10;
	v11 =	vadd.s32 s28, v4;
	s28 =	simm.s32 $0x2  }
.LBB2_5:
0x220: {  	_ =	sdelay $0x3  }
0x221: {  	v12 =	vld.idx.msk [tilespmem:v9+s15+$0x0], $0xffff;
	v13 =	vor.u32 v3, v8;
	_ =	sdelay $0x2  }
0x222: {  	v10 =	vand.u32 $0xF, v11  }
0x223: {  	v4 =	vlaneseq.u32;
	v9 =	vshll.u32 v10, $0x7  }
0x224: {  	v8 =	vmov v11;
	v11 =	vor.u32 v4, v9;
	[tilespmem:v13+s19+$0x0] =	vst.idx.msk $0xffff, v12;
	v12 =	vld [tilespmem:$0x1FDF0];
	_ =	sdelay $0x3  }
0x225: {  	v13 =	vld [tilespmem:$0x1FC10]  }
0x226: {  	v11 =	vld.idx.msk [tilespmem:v11+s15+$0x0], $0xffff;
	v12 =	vor.u32 v12, v10;
	_ =	sdelay $0x4  }
0x227: {  	v13 =	vor.u32 v13, v9;
	[tilespmem:v12+s19+$0x0] =	vst.idx.msk $0xffff, v11;
	v12 =	vld [tilespmem:$0x1FC20];
	_ =	sdelay $0x4  }
0x228: {  	v11 =	vld.idx.msk [tilespmem:v13+s15+$0x0], $0xffff;
	v12 =	vor.u32 v12, v10  }
0x229: {  	v13 =	vor.u32 v6, v9;
	_ =	sdelay $0x3  }
0x22a: {  	[tilespmem:v12+s19+$0x0] =	vst.idx.msk $0xffff, v11  }
0x22b: {  	v12 =	vor.u32 v7, v10;
	v11 =	vld.idx.msk [tilespmem:v13+s15+$0x0], $0xffff  }
0x22c: {  	v13 =	vor.u32 v5, v9;
	_ =	sdelay $0x3  }
0x22d: {  	[tilespmem:v12+s19+$0x0] =	vst.idx.msk $0xffff, v11  }
0x22e: {  	v11 =	vld.idx.msk [tilespmem:v13+s15+$0x0], $0xffff  }
0x22f: {  	v13 =	vld [tilespmem:$0x1FE00];
	_ =	sdelay $0x3  }
0x230: {  	v12 =	vor.u32 v24, v10  }
0x231: {  	v13 =	vor.u32 v13, v9;
	_ =	sdelay $0x3  }
0x232: {  	[tilespmem:v12+s19+$0x0] =	vst.idx.msk $0xffff, v11;
	v12 =	vld [tilespmem:$0x1FE10]  }
0x233: {  	v11 =	vld.idx.msk [tilespmem:v13+s15+$0x0], $0xffff  }
0x234: {  	v13 =	vld [tilespmem:$0x1FE20];
	_ =	sdelay $0x3  }
0x235: {  	v12 =	vor.u32 v12, v10  }
0x236: {  	v13 =	vor.u32 v13, v9;
	_ =	sdelay $0x3  }
0x237: {  	[tilespmem:v12+s19+$0x0] =	vst.idx.msk $0xffff, v11  }
0x238: {  	v12 =	vor.u32 v25, v10;
	v11 =	vld.idx.msk [tilespmem:v13+s15+$0x0], $0xffff  }
0x239: {  	v13 =	vor.u32 v26, v9;
	_ =	sdelay $0x3  }
0x23a: {  	[tilespmem:v12+s19+$0x0] =	vst.idx.msk $0xffff, v11  }
0x23b: {  	v12 =	vor.u32 v27, v10;
	v11 =	vld.idx.msk [tilespmem:v13+s15+$0x0], $0xffff  }
0x23c: {  	v13 =	vor.u32 v16, v9;
	_ =	sdelay $0x3  }
0x23d: {  	[tilespmem:v12+s19+$0x0] =	vst.idx.msk $0xffff, v11  }
0x23e: {  	v12 =	vor.u32 v28, v10;
	v11 =	vld.idx.msk [tilespmem:v13+s15+$0x0], $0xffff  }
0x23f: {  	v13 =	vor.u32 v17, v9;
	_ =	sdelay $0x3  }
0x240: {  	[tilespmem:v12+s19+$0x0] =	vst.idx.msk $0xffff, v11  }
0x241: {  	v12 =	vor.u32 v18, v8;
	v11 =	vld.idx.msk [tilespmem:v13+s15+$0x0], $0xffff  }
0x242: {  	v13 =	vor.u32 v29, v9;
	_ =	sdelay $0x3  }
0x243: {  	[tilespmem:v12+s19+$0x0] =	vst.idx.msk $0xffff, v11  }
0x244: {  	v12 =	vor.u32 v20, v8;
	v11 =	vld.idx.msk [tilespmem:v13+s15+$0x0], $0xffff  }
0x245: {  	v13 =	vor.u32 v21, v9;
	_ =	sdelay $0x3  }
0x246: {  	[tilespmem:v12+s19+$0x0] =	vst.idx.msk $0xffff, v11  }
0x247: {  	v12 =	vor.u32 v31, v8;
	v11 =	vld.idx.msk [tilespmem:v13+s15+$0x0], $0xffff  }
0x248: {  	v13 =	vor.u32 v23, v9;
	_ =	sdelay $0x3  }
0x249: {  	[tilespmem:v12+s19+$0x0] =	vst.idx.msk $0xffff, v11  }
0x24a: {  	v12 =	vor.u32 v40, v8;
	v11 =	vld.idx.msk [tilespmem:v13+s15+$0x0], $0xffff  }
0x24b: {  	v13 =	vor.u32 v30, v9;
	_ =	sdelay $0x3  }
0x24c: {  	[tilespmem:v12+s19+$0x0] =	vst.idx.msk $0xffff, v11  }
0x24d: {  	v12 =	vor.u32 v19, v8;
	v11 =	vld.idx.msk [tilespmem:v13+s15+$0x0], $0xffff  }
0x24e: {  	v13 =	vor.u32 v22, v9;
	_ =	sdelay $0x3  }
0x24f: {  	[tilespmem:v12+s19+$0x0] =	vst.idx.msk $0xffff, v11  }
0x250: {  	v12 =	vor.u32 v41, v8;
	v11 =	vld.idx.msk [tilespmem:v13+s15+$0x0], $0xffff  }
0x251: {  	v13 =	vor.u32 v32, v9;
	_ =	sdelay $0x3  }
0x252: {  	[tilespmem:v12+s19+$0x0] =	vst.idx.msk $0xffff, v11  }
0x253: {  	v12 =	vor.u32 v42, v8;
	v11 =	vld.idx.msk [tilespmem:v13+s15+$0x0], $0xffff  }
0x254: {  	v13 =	vor.u32 v33, v9;
	_ =	sdelay $0x3  }
0x255: {  	[tilespmem:v12+s19+$0x0] =	vst.idx.msk $0xffff, v11  }
0x256: {  	v12 =	vor.u32 v44, v8;
	v11 =	vld.idx.msk [tilespmem:v13+s15+$0x0], $0xffff  }
0x257: {  	v13 =	vor.u32 v43, v9;
	_ =	sdelay $0x3  }
0x258: {  	[tilespmem:v12+s19+$0x0] =	vst.idx.msk $0xffff, v11  }
0x259: {  	v12 =	vor.u32 v34, v10;
	v11 =	vld.idx.msk [tilespmem:v13+s15+$0x0], $0xffff  }
0x25a: {  	v13 =	vor.u32 v35, v9;
	_ =	sdelay $0x3  }
0x25b: {  	[tilespmem:v12+s19+$0x0] =	vst.idx.msk $0xffff, v11  }
0x25c: {  	v12 =	vor.u32 v45, v10;
	v11 =	vld.idx.msk [tilespmem:v13+s15+$0x0], $0xffff  }
0x25d: {  	v13 =	vor.u32 v46, v9;
	_ =	sdelay $0x3  }
0x25e: {  	[tilespmem:v12+s19+$0x0] =	vst.idx.msk $0xffff, v11  }
0x25f: {  	v12 =	vor.u32 v47, v10;
	v11 =	vld.idx.msk [tilespmem:v13+s15+$0x0], $0xffff  }
0x260: {  	v13 =	vor.u32 v39, v9;
	_ =	sdelay $0x3  }
0x261: {  	[tilespmem:v12+s19+$0x0] =	vst.idx.msk $0xffff, v11  }
0x262: {  	v12 =	vor.u32 v56, v10;
	v11 =	vld.idx.msk [tilespmem:v13+s15+$0x0], $0xffff  }
0x263: {  	v13 =	vor.u32 v36, v9;
	_ =	sdelay $0x3  }
0x264: {  	[tilespmem:v12+s19+$0x0] =	vst.idx.msk $0xffff, v11  }
0x265: {  	v12 =	vor.u32 v37, v10;
	v11 =	vld.idx.msk [tilespmem:v13+s15+$0x0], $0xffff  }
0x266: {  	v13 =	vor.u32 v38, v9;
	_ =	sdelay $0x3  }
0x267: {  	[tilespmem:v12+s19+$0x0] =	vst.idx.msk $0xffff, v11  }
0x268: {  	v12 =	vor.u32 v57, v10;
	v11 =	vld.idx.msk [tilespmem:v13+s15+$0x0], $0xffff  }
0x269: {  	v13 =	vor.u32 v48, v9;
	_ =	sdelay $0x3  }
0x26a: {  	[tilespmem:v12+s19+$0x0] =	vst.idx.msk $0xffff, v11  }
0x26b: {  	v12 =	vor.u32 v58, v10;
	v11 =	vld.idx.msk [tilespmem:v13+s15+$0x0], $0xffff  }
0x26c: {  	v13 =	vor.u32 v59, v9;
	_ =	sdelay $0x3  }
0x26d: {  	[tilespmem:v12+s19+$0x0] =	vst.idx.msk $0xffff, v11  }
0x26e: {  	v10 =	vor.u32 v49, v10;
	v11 =	vld.idx.msk [tilespmem:v13+s15+$0x0], $0xffff  }
0x26f: {  	v12 =	vor.u32 v60, v9;
	_ =	sdelay $0x3  }
0x270: {  	[tilespmem:v10+s19+$0x0] =	vst.idx.msk $0xffff, v11  }
0x271: {  	v11 =	vor.u32 v50, v8;
	v10 =	vld.idx.msk [tilespmem:v12+s15+$0x0], $0xffff  }
0x272: {  	v12 =	vor.u32 v51, v9;
	_ =	sdelay $0x3  }
0x273: {  	[tilespmem:v11+s19+$0x0] =	vst.idx.msk $0xffff, v10  }
0x274: {  	v11 =	vor.u32 v61, v8;
	v10 =	vld.idx.msk [tilespmem:v12+s15+$0x0], $0xffff  }
0x275: {  	v12 =	vor.u32 v63, v9;
	_ =	sdelay $0x3  }
0x276: {  	[tilespmem:v11+s19+$0x0] =	vst.idx.msk $0xffff, v10  }
0x277: {  	v11 =	vor.u32 v54, v8;
	v10 =	vld.idx.msk [tilespmem:v12+s15+$0x0], $0xffff  }
0x278: {  	v12 =	vor.u32 v55, v9;
	_ =	sdelay $0x3  }
0x279: {  	[tilespmem:v11+s19+$0x0] =	vst.idx.msk $0xffff, v10  }
0x27a: {  	v11 =	vor.u32 v1, v8;
	v10 =	vld.idx.msk [tilespmem:v12+s15+$0x0], $0xffff  }
0x27b: {  	v12 =	vor.u32 v62, v9;
	_ =	sdelay $0x3  }
0x27c: {  	[tilespmem:v11+s19+$0x0] =	vst.idx.msk $0xffff, v10  }
0x27d: {  	v11 =	vor.u32 v52, v8;
	v10 =	vld.idx.msk [tilespmem:v12+s15+$0x0], $0xffff  }
0x27e: {  	v12 =	vor.u32 v53, v9;
	_ =	sdelay $0x3  }
0x27f: {  	[tilespmem:v11+s19+$0x0] =	vst.idx.msk $0xffff, v10  }
0x280: {  	v11 =	vor.u32 v14, v8;
	v10 =	vld.idx.msk [tilespmem:v12+s15+$0x0], $0xffff  }
0x281: {  	v12 =	vor.u32 v15, v9;
	_ =	sdelay $0x3  }
0x282: {  	[tilespmem:v11+s19+$0x0] =	vst.idx.msk $0xffff, v10  }
0x283: {  	p2 =	sne.s32 s28, $0xF;
	v10 =	vld.idx.msk [tilespmem:v12+s15+$0x0], $0xffff;
	v12 =	vor.u32 v0, v8  }
.Ltmp3:
0x284: {  	_ = 	snop;
	(pc) =	sbr.rel @p2 .LBB2_5-.Ltmp3, $2  }
0x285: {  	_ =	sdelay $0x2  }
0x286: {  	v13 =	vlaneseq.u32;
	v9 =	vor.u32 v2, v9;
	v11 =	vadd.s32 s28, v4;
	s28 =	sadd.s32 $0x1, s28;
	[tilespmem:v12+s19+$0x0] =	vst.idx.msk $0xffff, v10  }
0x287: {  	_ =	sdelay $0x3  }
0x288: {  	v9 =	vld.idx.msk [tilespmem:v9+s15+$0x0], $0xffff  }
0x289: {  	v8 =	vor.u32 v3, v8;
	v4 =	vld [tilespmem:$0x1FDF0];
	_ =	sdelay $0x1  }
0x28a: {  	v10 =	vand.u32 $0xF, v11  }
0x28b: {  	v12 =	vshll.u32 v10, $0x7  }
0x28c: {  	v13 =	vor.u32 v13, v12  }
0x28d: {  	[tilespmem:v8+s19+$0x0] =	vst.idx.msk $0xffff, v9;
	v9 =	vor.u32 v4, v10;
	v4 =	vld [tilespmem:$0x1FC10];
	_ =	sdelay $0x3  }
0x28e: {  	v8 =	vld.idx.msk [tilespmem:v13+s15+$0x0], $0xffff  }
0x28f: {  	v13 =	vor.u32 v4, v12;
	v4 =	vld [tilespmem:$0x1FC20];
	_ =	sdelay $0x3  }
0x290: {  	[tilespmem:v9+s19+$0x0] =	vst.idx.msk $0xffff, v8  }
0x291: {  	v8 =	vld.idx.msk [tilespmem:v13+s15+$0x0], $0xffff;
	v9 =	vor.u32 v4, v10  }
0x292: {  	v13 =	vor.u32 v6, v12;
	_ =	sdelay $0x3  }
0x293: {  	[tilespmem:v9+s19+$0x0] =	vst.idx.msk $0xffff, v8  }
0x294: {  	v9 =	vor.u32 v7, v10;
	v8 =	vld.idx.msk [tilespmem:v13+s15+$0x0], $0xffff  }
0x295: {  	v13 =	vor.u32 v5, v12;
	_ =	sdelay $0x3  }
0x296: {  	[tilespmem:v9+s19+$0x0] =	vst.idx.msk $0xffff, v8  }
0x297: {  	v8 =	vld.idx.msk [tilespmem:v13+s15+$0x0], $0xffff  }
0x298: {  	v13 =	vld [tilespmem:$0x1FE00];
	_ =	sdelay $0x3  }
0x299: {  	v9 =	vor.u32 v24, v10  }
0x29a: {  	v13 =	vor.u32 v13, v12;
	_ =	sdelay $0x3  }
0x29b: {  	[tilespmem:v9+s19+$0x0] =	vst.idx.msk $0xffff, v8;
	v9 =	vld [tilespmem:$0x1FE10]  }
0x29c: {  	v8 =	vld.idx.msk [tilespmem:v13+s15+$0x0], $0xffff  }
0x29d: {  	v13 =	vld [tilespmem:$0x1FE20];
	_ =	sdelay $0x3  }
0x29e: {  	v9 =	vor.u32 v9, v10  }
0x29f: {  	v13 =	vor.u32 v13, v12;
	_ =	sdelay $0x3  }
0x2a0: {  	[tilespmem:v9+s19+$0x0] =	vst.idx.msk $0xffff, v8  }
0x2a1: {  	v9 =	vor.u32 v25, v10;
	v8 =	vld.idx.msk [tilespmem:v13+s15+$0x0], $0xffff  }
0x2a2: {  	v13 =	vor.u32 v26, v12;
	_ =	sdelay $0x3  }
0x2a3: {  	[tilespmem:v9+s19+$0x0] =	vst.idx.msk $0xffff, v8  }
0x2a4: {  	v9 =	vor.u32 v27, v10;
	v8 =	vld.idx.msk [tilespmem:v13+s15+$0x0], $0xffff  }
0x2a5: {  	v13 =	vor.u32 v16, v12;
	_ =	sdelay $0x3  }
0x2a6: {  	[tilespmem:v9+s19+$0x0] =	vst.idx.msk $0xffff, v8  }
0x2a7: {  	v9 =	vor.u32 v28, v10;
	v8 =	vld.idx.msk [tilespmem:v13+s15+$0x0], $0xffff  }
0x2a8: {  	v13 =	vor.u32 v17, v12;
	_ =	sdelay $0x3  }
0x2a9: {  	[tilespmem:v9+s19+$0x0] =	vst.idx.msk $0xffff, v8  }
0x2aa: {  	v9 =	vor.u32 v18, v11;
	v8 =	vld.idx.msk [tilespmem:v13+s15+$0x0], $0xffff  }
0x2ab: {  	v13 =	vor.u32 v29, v12;
	_ =	sdelay $0x3  }
0x2ac: {  	[tilespmem:v9+s19+$0x0] =	vst.idx.msk $0xffff, v8  }
0x2ad: {  	v9 =	vor.u32 v20, v11;
	v8 =	vld.idx.msk [tilespmem:v13+s15+$0x0], $0xffff  }
0x2ae: {  	v13 =	vor.u32 v21, v12;
	_ =	sdelay $0x3  }
0x2af: {  	[tilespmem:v9+s19+$0x0] =	vst.idx.msk $0xffff, v8  }
0x2b0: {  	v9 =	vor.u32 v31, v11;
	v8 =	vld.idx.msk [tilespmem:v13+s15+$0x0], $0xffff  }
0x2b1: {  	v13 =	vor.u32 v23, v12;
	_ =	sdelay $0x3  }
0x2b2: {  	[tilespmem:v9+s19+$0x0] =	vst.idx.msk $0xffff, v8  }
0x2b3: {  	v9 =	vor.u32 v40, v11;
	v8 =	vld.idx.msk [tilespmem:v13+s15+$0x0], $0xffff  }
0x2b4: {  	v13 =	vor.u32 v30, v12;
	_ =	sdelay $0x3  }
0x2b5: {  	[tilespmem:v9+s19+$0x0] =	vst.idx.msk $0xffff, v8  }
0x2b6: {  	v9 =	vor.u32 v19, v11;
	v8 =	vld.idx.msk [tilespmem:v13+s15+$0x0], $0xffff  }
0x2b7: {  	v13 =	vor.u32 v22, v12;
	_ =	sdelay $0x3  }
0x2b8: {  	[tilespmem:v9+s19+$0x0] =	vst.idx.msk $0xffff, v8  }
0x2b9: {  	v9 =	vor.u32 v41, v11;
	v8 =	vld.idx.msk [tilespmem:v13+s15+$0x0], $0xffff  }
0x2ba: {  	v13 =	vor.u32 v32, v12;
	_ =	sdelay $0x3  }
0x2bb: {  	[tilespmem:v9+s19+$0x0] =	vst.idx.msk $0xffff, v8  }
0x2bc: {  	v9 =	vor.u32 v42, v11;
	v8 =	vld.idx.msk [tilespmem:v13+s15+$0x0], $0xffff  }
0x2bd: {  	v13 =	vor.u32 v33, v12;
	_ =	sdelay $0x3  }
0x2be: {  	[tilespmem:v9+s19+$0x0] =	vst.idx.msk $0xffff, v8  }
0x2bf: {  	v9 =	vor.u32 v44, v11;
	v8 =	vld.idx.msk [tilespmem:v13+s15+$0x0], $0xffff  }
0x2c0: {  	v13 =	vor.u32 v43, v12;
	_ =	sdelay $0x3  }
0x2c1: {  	[tilespmem:v9+s19+$0x0] =	vst.idx.msk $0xffff, v8  }
0x2c2: {  	v9 =	vor.u32 v34, v10;
	v8 =	vld.idx.msk [tilespmem:v13+s15+$0x0], $0xffff  }
0x2c3: {  	v13 =	vor.u32 v35, v12;
	_ =	sdelay $0x3  }
0x2c4: {  	[tilespmem:v9+s19+$0x0] =	vst.idx.msk $0xffff, v8  }
0x2c5: {  	v9 =	vor.u32 v45, v10;
	v8 =	vld.idx.msk [tilespmem:v13+s15+$0x0], $0xffff  }
0x2c6: {  	v13 =	vor.u32 v46, v12;
	_ =	sdelay $0x3  }
0x2c7: {  	[tilespmem:v9+s19+$0x0] =	vst.idx.msk $0xffff, v8  }
0x2c8: {  	v9 =	vor.u32 v47, v10;
	v8 =	vld.idx.msk [tilespmem:v13+s15+$0x0], $0xffff  }
0x2c9: {  	v13 =	vor.u32 v39, v12;
	_ =	sdelay $0x3  }
0x2ca: {  	[tilespmem:v9+s19+$0x0] =	vst.idx.msk $0xffff, v8  }
0x2cb: {  	v9 =	vor.u32 v56, v10;
	v8 =	vld.idx.msk [tilespmem:v13+s15+$0x0], $0xffff  }
0x2cc: {  	v13 =	vor.u32 v36, v12;
	_ =	sdelay $0x3  }
0x2cd: {  	[tilespmem:v9+s19+$0x0] =	vst.idx.msk $0xffff, v8  }
0x2ce: {  	v9 =	vor.u32 v37, v10;
	v8 =	vld.idx.msk [tilespmem:v13+s15+$0x0], $0xffff  }
0x2cf: {  	v13 =	vor.u32 v38, v12;
	_ =	sdelay $0x3  }
0x2d0: {  	[tilespmem:v9+s19+$0x0] =	vst.idx.msk $0xffff, v8  }
0x2d1: {  	v9 =	vor.u32 v57, v10;
	v8 =	vld.idx.msk [tilespmem:v13+s15+$0x0], $0xffff  }
0x2d2: {  	v13 =	vor.u32 v48, v12;
	_ =	sdelay $0x3  }
0x2d3: {  	[tilespmem:v9+s19+$0x0] =	vst.idx.msk $0xffff, v8  }
0x2d4: {  	v9 =	vor.u32 v58, v10;
	v8 =	vld.idx.msk [tilespmem:v13+s15+$0x0], $0xffff  }
0x2d5: {  	v13 =	vor.u32 v59, v12;
	_ =	sdelay $0x3  }
0x2d6: {  	[tilespmem:v9+s19+$0x0] =	vst.idx.msk $0xffff, v8  }
0x2d7: {  	v9 =	vor.u32 v49, v10;
	v8 =	vld.idx.msk [tilespmem:v13+s15+$0x0], $0xffff  }
0x2d8: {  	v10 =	vor.u32 v60, v12;
	_ =	sdelay $0x3  }
0x2d9: {  	[tilespmem:v9+s19+$0x0] =	vst.idx.msk $0xffff, v8  }
0x2da: {  	v9 =	vor.u32 v50, v11;
	v8 =	vld.idx.msk [tilespmem:v10+s15+$0x0], $0xffff  }
0x2db: {  	v10 =	vor.u32 v51, v12;
	_ =	sdelay $0x3  }
0x2dc: {  	[tilespmem:v9+s19+$0x0] =	vst.idx.msk $0xffff, v8  }
0x2dd: {  	v9 =	vor.u32 v61, v11;
	v8 =	vld.idx.msk [tilespmem:v10+s15+$0x0], $0xffff  }
0x2de: {  	v10 =	vor.u32 v63, v12;
	_ =	sdelay $0x3  }
0x2df: {  	[tilespmem:v9+s19+$0x0] =	vst.idx.msk $0xffff, v8  }
0x2e0: {  	v9 =	vor.u32 v54, v11;
	v8 =	vld.idx.msk [tilespmem:v10+s15+$0x0], $0xffff  }
0x2e1: {  	v10 =	vor.u32 v55, v12;
	_ =	sdelay $0x3  }
0x2e2: {  	[tilespmem:v9+s19+$0x0] =	vst.idx.msk $0xffff, v8  }
0x2e3: {  	v9 =	vor.u32 v1, v11;
	v8 =	vld.idx.msk [tilespmem:v10+s15+$0x0], $0xffff  }
0x2e4: {  	v10 =	vor.u32 v62, v12;
	_ =	sdelay $0x3  }
0x2e5: {  	[tilespmem:v9+s19+$0x0] =	vst.idx.msk $0xffff, v8  }
0x2e6: {  	v9 =	vor.u32 v52, v11;
	v8 =	vld.idx.msk [tilespmem:v10+s15+$0x0], $0xffff  }
0x2e7: {  	v10 =	vor.u32 v53, v12;
	_ =	sdelay $0x3  }
0x2e8: {  	[tilespmem:v9+s19+$0x0] =	vst.idx.msk $0xffff, v8  }
0x2e9: {  	v9 =	vor.u32 v14, v11;
	v8 =	vld.idx.msk [tilespmem:v10+s15+$0x0], $0xffff  }
0x2ea: {  	v10 =	vor.u32 v15, v12;
	_ =	sdelay $0x3  }
0x2eb: {  	[tilespmem:v9+s19+$0x0] =	vst.idx.msk $0xffff, v8  }
0x2ec: {  	v9 =	vor.u32 v0, v11;
	v8 =	vld.idx.msk [tilespmem:v10+s15+$0x0], $0xffff  }
0x2ed: {  	v10 =	vor.u32 v2, v12;
	_ =	sdelay $0x3  }
0x2ee: {  	[tilespmem:v9+s19+$0x0] =	vst.idx.msk $0xffff, v8  }
0x2ef: {  	s26 =	sadd.s32 $0x1, s26;
	v9 =	vor.u32 v3, v11;
	v8 =	vld.idx.msk [tilespmem:v10+s15+$0x0], $0xffff  }
0x2f0: {  	p2 =	sne.s32 s26, $0x7A  }
.Ltmp4:
0x2f1: {  	_ = 	snop;
	(pc) =	sbr.rel @p2 .LBB2_2-.Ltmp4, $4  }
0x2f2: {  	_ = 	snop  }
0x2f3: {  	s28 =	sadd.s32 s29, s4  }
0x2f4: {  	s28 =	sadd.s32 $0x8000, s28;
	[tilespmem:v9+s19+$0x0] =	vst.idx.msk $0xffff, v8  }
0x2f5: {  	v13 =	vmovc v53;
	v53 =	vmov v14;
	v12 =	vmov v52;
	v52 =	vmov v0;
	[hbm4b:s28+s2] =	stream.linear.scatter [tilespmem:s19], [sflag:$0x4], $0x2000, $0x38;
	[tilespmem:$0xB000] =	vst v63  }
0x2f6: {  	_ =	swait.ge [sflag:s16], $0x2000  }
0x2f7: {  	[sflag:s16] =	ssyncset.done $0x0  }
0x2f8: {  	[sflag:s16] =	ssyncadd.s32 $0xFFFFE000  }
0x2f9: {  	_ =	swait.ge [sflag:s20], $0x2000  }
.Ltmp5:
0x2fa: {  	[sflag:s20] =	ssyncset.done $0x0;
	(pc) =	sbr.rel @p0 .LBB2_11-.Ltmp5, $4  }
0x2fb: {  	[sflag:s20] =	ssyncadd.s32 $0xFFFFE000  }
0x2fc: {  	_ =	swait.ge [sflag:s21], $0x2000  }
0x2fd: {  	[sflag:s21] =	ssyncset.done $0x0  }
0x2fe: {  	[sflag:s21] =	ssyncadd.s32 $0xFFFFE000  }
0x2ff: {  	s26 =	simm.s32 $0x0;
	v0 =	vlaneseq.u32  }
0x300: {  	v8 =	vadd.s32 s26, v0  }
0x301: {  	[tilespmem:s26], [sflag:$0x5] =	stream.strided.gather [hbm4b:s8+s12], $0x2000, s14, s12, $0x38;
	v10 =	vand.u32 $0xF, v8;
	[tilespmem:$0xB000] =	vst v63  }
0x302: {  	_ =	swait.ge [sflag:s22], $0x2000;
	v9 =	vshll.u32 v10, $0x7  }
0x303: {  	v2 =	vld [tilespmem:$0x1FDF0];
	v11 =	vor.u32 v0, v9  }
0x304: {  	v3 =	vld [tilespmem:$0x1FC10];
	_ =	sdelay $0x1  }
0x305: {  	[sflag:s22] =	ssyncset.done $0x0  }
0x306: {  	[sflag:s22] =	ssyncadd.s32 $0xFFFFE000  }
0x307: {  	v0 =	vor.u32 v2, v10;
	v11 =	vld.idx.msk [tilespmem:v11+s2+$0x0], $0xffff  }
0x308: {  	v53 =	vmov v13;
	v4 =	vld [tilespmem:$0x1FC20];
	v13 =	vor.u32 v3, v9  }
0x309: {  	v5 =	vld [tilespmem:$0x1FC30];
	_ =	sdelay $0x2  }
0x30a: {  	[tilespmem:v0+s17+$0x0] =	vst.idx.msk $0xffff, v11  }
0x30b: {  	v52 =	vmov v62;
	v62 =	vmov v12;
	v12 =	vor.u32 v4, v10;
	v11 =	vld.idx.msk [tilespmem:v13+s2+$0x0], $0xffff  }
0x30c: {  	v6 =	vld [tilespmem:$0x1FC40];
	v13 =	vor.u32 v5, v9  }
0x30d: {  	v7 =	vld [tilespmem:$0x1FC50];
	_ =	sdelay $0x2  }
0x30e: {  	[tilespmem:v12+s17+$0x0] =	vst.idx.msk $0xffff, v11  }
0x30f: {  	v12 =	vor.u32 v6, v10;
	v11 =	vld.idx.msk [tilespmem:v13+s2+$0x0], $0xffff  }
0x310: {  	v24 =	vld [tilespmem:$0x1FC60];
	v13 =	vor.u32 v7, v9  }
0x311: {  	v14 =	vld [tilespmem:$0x1FE00];
	_ =	sdelay $0x2  }
0x312: {  	[tilespmem:v12+s17+$0x0] =	vst.idx.msk $0xffff, v11  }
0x313: {  	v12 =	vor.u32 v24, v10;
	v11 =	vld.idx.msk [tilespmem:v13+s2+$0x0], $0xffff  }
0x314: {  	v15 =	vld [tilespmem:$0x1FE10];
	v13 =	vor.u32 v14, v9  }
0x315: {  	v0 =	vld [tilespmem:$0x1FE20];
	_ =	sdelay $0x2  }
0x316: {  	[tilespmem:v12+s17+$0x0] =	vst.idx.msk $0xffff, v11  }
0x317: {  	v12 =	vor.u32 v15, v10;
	v11 =	vld.idx.msk [tilespmem:v13+s2+$0x0], $0xffff  }
0x318: {  	v25 =	vld [tilespmem:$0x1FE30];
	v13 =	vor.u32 v0, v9  }
0x319: {  	v26 =	vld [tilespmem:$0x1FE40];
	_ =	sdelay $0x2  }
0x31a: {  	[tilespmem:v12+s17+$0x0] =	vst.idx.msk $0xffff, v11  }
0x31b: {  	v12 =	vor.u32 v25, v10;
	v11 =	vld.idx.msk [tilespmem:v13+s2+$0x0], $0xffff  }
0x31c: {  	v27 =	vld [tilespmem:$0x1FE50];
	v13 =	vor.u32 v26, v9  }
0x31d: {  	v16 =	vld [tilespmem:$0x1FE60];
	_ =	sdelay $0x2  }
0x31e: {  	[tilespmem:v12+s17+$0x0] =	vst.idx.msk $0xffff, v11  }
0x31f: {  	v12 =	vor.u32 v27, v10;
	v11 =	vld.idx.msk [tilespmem:v13+s2+$0x0], $0xffff  }
0x320: {  	v28 =	vld [tilespmem:$0x1FE70];
	v13 =	vor.u32 v16, v9  }
0x321: {  	v17 =	vld [tilespmem:$0x1FC70];
	_ =	sdelay $0x2  }
0x322: {  	[tilespmem:v12+s17+$0x0] =	vst.idx.msk $0xffff, v11  }
0x323: {  	v12 =	vor.u32 v28, v10;
	v11 =	vld.idx.msk [tilespmem:v13+s2+$0x0], $0xffff  }
0x324: {  	v18 =	vld [tilespmem:$0x1FC80];
	v13 =	vor.u32 v17, v9  }
0x325: {  	v29 =	vld [tilespmem:$0x1FC90];
	_ =	sdelay $0x2  }
0x326: {  	[tilespmem:v12+s17+$0x0] =	vst.idx.msk $0xffff, v11  }
0x327: {  	v12 =	vor.u32 v18, v8;
	v11 =	vld.idx.msk [tilespmem:v13+s2+$0x0], $0xffff  }
0x328: {  	v20 =	vld [tilespmem:$0x1FCA0];
	v13 =	vor.u32 v29, v9  }
0x329: {  	v21 =	vld [tilespmem:$0x1FCB0];
	_ =	sdelay $0x2  }
0x32a: {  	[tilespmem:v12+s17+$0x0] =	vst.idx.msk $0xffff, v11  }
0x32b: {  	v12 =	vor.u32 v20, v8;
	v11 =	vld.idx.msk [tilespmem:v13+s2+$0x0], $0xffff  }
0x32c: {  	v31 =	vld [tilespmem:$0x1FCC0];
	v13 =	vor.u32 v21, v9  }
0x32d: {  	v23 =	vld [tilespmem:$0x1FCD0];
	_ =	sdelay $0x2  }
0x32e: {  	[tilespmem:v12+s17+$0x0] =	vst.idx.msk $0xffff, v11  }
0x32f: {  	v12 =	vor.u32 v31, v8;
	v11 =	vld.idx.msk [tilespmem:v13+s2+$0x0], $0xffff  }
0x330: {  	v40 =	vld [tilespmem:$0x1FCE0];
	v13 =	vor.u32 v23, v9  }
0x331: {  	v30 =	vld [tilespmem:$0x1FE80];
	_ =	sdelay $0x2  }
0x332: {  	[tilespmem:v12+s17+$0x0] =	vst.idx.msk $0xffff, v11  }
0x333: {  	v12 =	vor.u32 v40, v8;
	v11 =	vld.idx.msk [tilespmem:v13+s2+$0x0], $0xffff  }
0x334: {  	v19 =	vld [tilespmem:$0x1FE90];
	v13 =	vor.u32 v30, v9  }
0x335: {  	v22 =	vld [tilespmem:$0x1FEA0];
	_ =	sdelay $0x2  }
0x336: {  	[tilespmem:v12+s17+$0x0] =	vst.idx.msk $0xffff, v11  }
0x337: {  	v12 =	vor.u32 v19, v8;
	v11 =	vld.idx.msk [tilespmem:v13+s2+$0x0], $0xffff  }
0x338: {  	v41 =	vld [tilespmem:$0x1FEB0];
	v13 =	vor.u32 v22, v9  }
0x339: {  	v32 =	vld [tilespmem:$0x1FEC0];
	_ =	sdelay $0x2  }
0x33a: {  	[tilespmem:v12+s17+$0x0] =	vst.idx.msk $0xffff, v11  }
0x33b: {  	v12 =	vor.u32 v41, v8;
	v11 =	vld.idx.msk [tilespmem:v13+s2+$0x0], $0xffff  }
0x33c: {  	v42 =	vld [tilespmem:$0x1FED0];
	v13 =	vor.u32 v32, v9  }
0x33d: {  	v33 =	vld [tilespmem:$0x1FEE0];
	_ =	sdelay $0x2  }
0x33e: {  	[tilespmem:v12+s17+$0x0] =	vst.idx.msk $0xffff, v11  }
0x33f: {  	v12 =	vor.u32 v42, v8;
	v11 =	vld.idx.msk [tilespmem:v13+s2+$0x0], $0xffff  }
0x340: {  	v44 =	vld [tilespmem:$0x1FEF0];
	v13 =	vor.u32 v33, v9  }
0x341: {  	v43 =	vld [tilespmem:$0x1FCF0];
	_ =	sdelay $0x2  }
0x342: {  	[tilespmem:v12+s17+$0x0] =	vst.idx.msk $0xffff, v11  }
0x343: {  	v12 =	vor.u32 v44, v8;
	v11 =	vld.idx.msk [tilespmem:v13+s2+$0x0], $0xffff  }
0x344: {  	v34 =	vld [tilespmem:$0x1FD00];
	v13 =	vor.u32 v43, v9  }
0x345: {  	v35 =	vld [tilespmem:$0x1FD10];
	_ =	sdelay $0x2  }
0x346: {  	[tilespmem:v12+s17+$0x0] =	vst.idx.msk $0xffff, v11  }
0x347: {  	v12 =	vor.u32 v34, v10;
	v11 =	vld.idx.msk [tilespmem:v13+s2+$0x0], $0xffff  }
0x348: {  	v45 =	vld [tilespmem:$0x1FD20];
	v13 =	vor.u32 v35, v9  }
0x349: {  	v46 =	vld [tilespmem:$0x1FD30];
	_ =	sdelay $0x2  }
0x34a: {  	[tilespmem:v12+s17+$0x0] =	vst.idx.msk $0xffff, v11  }
0x34b: {  	v12 =	vor.u32 v45, v10;
	v11 =	vld.idx.msk [tilespmem:v13+s2+$0x0], $0xffff  }
0x34c: {  	v47 =	vld [tilespmem:$0x1FD40];
	v13 =	vor.u32 v46, v9  }
0x34d: {  	v39 =	vld [tilespmem:$0x1FD50];
	_ =	sdelay $0x2  }
0x34e: {  	[tilespmem:v12+s17+$0x0] =	vst.idx.msk $0xffff, v11  }
0x34f: {  	v12 =	vor.u32 v47, v10;
	v11 =	vld.idx.msk [tilespmem:v13+s2+$0x0], $0xffff  }
0x350: {  	v56 =	vld [tilespmem:$0x1FD60];
	v13 =	vor.u32 v39, v9  }
0x351: {  	v36 =	vld [tilespmem:$0x1FF00];
	_ =	sdelay $0x2  }
0x352: {  	[tilespmem:v12+s17+$0x0] =	vst.idx.msk $0xffff, v11  }
0x353: {  	v12 =	vor.u32 v56, v10;
	v11 =	vld.idx.msk [tilespmem:v13+s2+$0x0], $0xffff  }
0x354: {  	v37 =	vld [tilespmem:$0x1FF10];
	v13 =	vor.u32 v36, v9  }
0x355: {  	v38 =	vld [tilespmem:$0x1FF20];
	_ =	sdelay $0x2  }
0x356: {  	[tilespmem:v12+s17+$0x0] =	vst.idx.msk $0xffff, v11  }
0x357: {  	v12 =	vor.u32 v37, v10;
	v11 =	vld.idx.msk [tilespmem:v13+s2+$0x0], $0xffff  }
0x358: {  	v57 =	vld [tilespmem:$0x1FF30];
	v13 =	vor.u32 v38, v9  }
0x359: {  	v48 =	vld [tilespmem:$0x1FF40];
	_ =	sdelay $0x2  }
0x35a: {  	[tilespmem:v12+s17+$0x0] =	vst.idx.msk $0xffff, v11  }
0x35b: {  	v12 =	vor.u32 v57, v10;
	v11 =	vld.idx.msk [tilespmem:v13+s2+$0x0], $0xffff  }
0x35c: {  	v58 =	vld [tilespmem:$0x1FF50];
	v13 =	vor.u32 v48, v9  }
0x35d: {  	v59 =	vld [tilespmem:$0x1FF60];
	_ =	sdelay $0x2  }
0x35e: {  	[tilespmem:v12+s17+$0x0] =	vst.idx.msk $0xffff, v11  }
0x35f: {  	v12 =	vor.u32 v58, v10;
	v11 =	vld.idx.msk [tilespmem:v13+s2+$0x0], $0xffff  }
0x360: {  	v13 =	vor.u32 v59, v9  }
0x361: {  	v60 =	vld [tilespmem:$0x1FD70];
	_ =	sdelay $0x2  }
0x362: {  	[tilespmem:v12+s17+$0x0] =	vst.idx.msk $0xffff, v11  }
0x363: {  	v10 =	vor.u32 v49, v10;
	v11 =	vld.idx.msk [tilespmem:v13+s2+$0x0], $0xffff  }
0x364: {  	v50 =	vld [tilespmem:$0x1FD80];
	v12 =	vor.u32 v60, v9  }
0x365: {  	v51 =	vld [tilespmem:$0x1FD90];
	_ =	sdelay $0x2  }
0x366: {  	[tilespmem:v10+s17+$0x0] =	vst.idx.msk $0xffff, v11  }
0x367: {  	v11 =	vor.u32 v50, v8;
	v10 =	vld.idx.msk [tilespmem:v12+s2+$0x0], $0xffff  }
0x368: {  	v61 =	vld [tilespmem:$0x1FDA0];
	v12 =	vor.u32 v51, v9  }
0x369: {  	v63 =	vld [tilespmem:$0x1FDB0];
	_ =	sdelay $0x2  }
0x36a: {  	[tilespmem:v11+s17+$0x0] =	vst.idx.msk $0xffff, v10  }
0x36b: {  	v11 =	vor.u32 v61, v8;
	v10 =	vld.idx.msk [tilespmem:v12+s2+$0x0], $0xffff  }
0x36c: {  	v54 =	vld [tilespmem:$0x1FDC0];
	v12 =	vor.u32 v63, v9  }
0x36d: {  	v55 =	vld [tilespmem:$0x1FDD0];
	_ =	sdelay $0x2  }
0x36e: {  	[tilespmem:v11+s17+$0x0] =	vst.idx.msk $0xffff, v10  }
0x36f: {  	v11 =	vor.u32 v54, v8;
	v10 =	vld.idx.msk [tilespmem:v12+s2+$0x0], $0xffff  }
0x370: {  	v1 =	vld [tilespmem:$0x1FDE0];
	v12 =	vor.u32 v55, v9;
	_ =	sdelay $0x3  }
0x371: {  	[tilespmem:v11+s17+$0x0] =	vst.idx.msk $0xffff, v10  }
0x372: {  	v11 =	vor.u32 v1, v8;
	v10 =	vld.idx.msk [tilespmem:v12+s2+$0x0], $0xffff  }
0x373: {  	v12 =	vor.u32 v52, v9;
	_ =	sdelay $0x3  }
0x374: {  	[tilespmem:v11+s17+$0x0] =	vst.idx.msk $0xffff, v10  }
0x375: {  	v11 =	vor.u32 v62, v8;
	v10 =	vld.idx.msk [tilespmem:v12+s2+$0x0], $0xffff;
	_ =	sdelay $0x4  }
0x376: {  	v12 =	vor.u32 v53, v9;
	[tilespmem:v11+s17+$0x0] =	vst.idx.msk $0xffff, v10;
	v11 =	vld [tilespmem:$0x1FFF0];
	_ =	sdelay $0x3  }
0x377: {  	v49 =	vld [tilespmem:$0x1FF70]  }
0x378: {  	v10 =	vld.idx.msk [tilespmem:v12+s2+$0x0], $0xffff;
	v11 =	vor.u32 v11, v8;
	_ =	sdelay $0x4  }
0x379: {  	v12 =	vor.u32 v49, v9;
	[tilespmem:v11+s17+$0x0] =	vst.idx.msk $0xffff, v10;
	v11 =	vld [tilespmem:$0x1FFA0];
	_ =	sdelay $0x4  }
0x37a: {  	v10 =	vld.idx.msk [tilespmem:v12+s2+$0x0], $0xffff;
	v11 =	vor.u32 v11, v8  }
0x37b: {  	v52 =	vld [tilespmem:$0x1FF80];
	_ =	sdelay $0x3  }
0x37c: {  	s31 =	simm.s32 $0x1;
	[tilespmem:v11+s17+$0x0] =	vst.idx.msk $0xffff, v10;
	v10 =	vlaneseq.u32  }
0x37d: {  	s26 =	simm.s32 $0x2;
	v53 =	vld [tilespmem:$0x1FF90];
	v9 =	vor.u32 v52, v9;
	v11 =	vadd.s32 s31, v10  }
.LBB2_9:
0x37e: {  	_ =	sdelay $0x2  }
0x37f: {  	v10 =	vand.u32 $0xF, v11  }
0x380: {  	v12 =	vld.idx.msk [tilespmem:v9+s2+$0x0], $0xffff;
	v13 =	vor.u32 v53, v8;
	v62 =	vlaneseq.u32;
	v9 =	vshll.u32 v10, $0x7  }
0x381: {  	v8 =	vmov v11;
	v11 =	vor.u32 v62, v9;
	_ =	sdelay $0x3  }
0x382: {  	[tilespmem:v13+s17+$0x0] =	vst.idx.msk $0xffff, v12  }
0x383: {  	v12 =	vor.u32 v2, v10;
	v11 =	vld.idx.msk [tilespmem:v11+s2+$0x0], $0xffff  }
0x384: {  	v13 =	vor.u32 v3, v9;
	_ =	sdelay $0x3  }
0x385: {  	[tilespmem:v12+s17+$0x0] =	vst.idx.msk $0xffff, v11  }
0x386: {  	v12 =	vor.u32 v4, v10;
	v11 =	vld.idx.msk [tilespmem:v13+s2+$0x0], $0xffff  }
0x387: {  	v13 =	vor.u32 v5, v9;
	_ =	sdelay $0x3  }
0x388: {  	[tilespmem:v12+s17+$0x0] =	vst.idx.msk $0xffff, v11  }
0x389: {  	v12 =	vor.u32 v6, v10;
	v11 =	vld.idx.msk [tilespmem:v13+s2+$0x0], $0xffff  }
0x38a: {  	v13 =	vor.u32 v7, v9;
	_ =	sdelay $0x3  }
0x38b: {  	[tilespmem:v12+s17+$0x0] =	vst.idx.msk $0xffff, v11  }
0x38c: {  	v12 =	vor.u32 v24, v10;
	v11 =	vld.idx.msk [tilespmem:v13+s2+$0x0], $0xffff  }
0x38d: {  	v13 =	vor.u32 v14, v9;
	_ =	sdelay $0x3  }
0x38e: {  	[tilespmem:v12+s17+$0x0] =	vst.idx.msk $0xffff, v11  }
0x38f: {  	v12 =	vor.u32 v15, v10;
	v11 =	vld.idx.msk [tilespmem:v13+s2+$0x0], $0xffff  }
0x390: {  	v13 =	vor.u32 v0, v9;
	_ =	sdelay $0x3  }
0x391: {  	[tilespmem:v12+s17+$0x0] =	vst.idx.msk $0xffff, v11  }
0x392: {  	v12 =	vor.u32 v25, v10;
	v11 =	vld.idx.msk [tilespmem:v13+s2+$0x0], $0xffff  }
0x393: {  	v13 =	vor.u32 v26, v9;
	_ =	sdelay $0x3  }
0x394: {  	[tilespmem:v12+s17+$0x0] =	vst.idx.msk $0xffff, v11  }
0x395: {  	v12 =	vor.u32 v27, v10;
	v11 =	vld.idx.msk [tilespmem:v13+s2+$0x0], $0xffff  }
0x396: {  	v13 =	vor.u32 v16, v9;
	_ =	sdelay $0x3  }
0x397: {  	[tilespmem:v12+s17+$0x0] =	vst.idx.msk $0xffff, v11  }
0x398: {  	v12 =	vor.u32 v28, v10;
	v11 =	vld.idx.msk [tilespmem:v13+s2+$0x0], $0xffff  }
0x399: {  	v13 =	vor.u32 v17, v9;
	_ =	sdelay $0x3  }
0x39a: {  	[tilespmem:v12+s17+$0x0] =	vst.idx.msk $0xffff, v11  }
0x39b: {  	v12 =	vor.u32 v18, v8;
	v11 =	vld.idx.msk [tilespmem:v13+s2+$0x0], $0xffff  }
0x39c: {  	v13 =	vor.u32 v29, v9;
	_ =	sdelay $0x3  }
0x39d: {  	[tilespmem:v12+s17+$0x0] =	vst.idx.msk $0xffff, v11  }
0x39e: {  	v12 =	vor.u32 v20, v8;
	v11 =	vld.idx.msk [tilespmem:v13+s2+$0x0], $0xffff  }
0x39f: {  	v13 =	vor.u32 v21, v9;
	_ =	sdelay $0x3  }
0x3a0: {  	[tilespmem:v12+s17+$0x0] =	vst.idx.msk $0xffff, v11  }
0x3a1: {  	v12 =	vor.u32 v31, v8;
	v11 =	vld.idx.msk [tilespmem:v13+s2+$0x0], $0xffff  }
0x3a2: {  	v13 =	vor.u32 v23, v9;
	_ =	sdelay $0x3  }
0x3a3: {  	[tilespmem:v12+s17+$0x0] =	vst.idx.msk $0xffff, v11  }
0x3a4: {  	v12 =	vor.u32 v40, v8;
	v11 =	vld.idx.msk [tilespmem:v13+s2+$0x0], $0xffff  }
0x3a5: {  	v13 =	vor.u32 v30, v9;
	_ =	sdelay $0x3  }
0x3a6: {  	[tilespmem:v12+s17+$0x0] =	vst.idx.msk $0xffff, v11  }
0x3a7: {  	v12 =	vor.u32 v19, v8;
	v11 =	vld.idx.msk [tilespmem:v13+s2+$0x0], $0xffff  }
0x3a8: {  	v13 =	vor.u32 v22, v9;
	_ =	sdelay $0x3  }
0x3a9: {  	[tilespmem:v12+s17+$0x0] =	vst.idx.msk $0xffff, v11  }
0x3aa: {  	v12 =	vor.u32 v41, v8;
	v11 =	vld.idx.msk [tilespmem:v13+s2+$0x0], $0xffff  }
0x3ab: {  	v13 =	vor.u32 v32, v9;
	_ =	sdelay $0x3  }
0x3ac: {  	[tilespmem:v12+s17+$0x0] =	vst.idx.msk $0xffff, v11  }
0x3ad: {  	v12 =	vor.u32 v42, v8;
	v11 =	vld.idx.msk [tilespmem:v13+s2+$0x0], $0xffff  }
0x3ae: {  	v13 =	vor.u32 v33, v9;
	_ =	sdelay $0x3  }
0x3af: {  	[tilespmem:v12+s17+$0x0] =	vst.idx.msk $0xffff, v11  }
0x3b0: {  	v12 =	vor.u32 v44, v8;
	v11 =	vld.idx.msk [tilespmem:v13+s2+$0x0], $0xffff  }
0x3b1: {  	v13 =	vor.u32 v43, v9;
	_ =	sdelay $0x3  }
0x3b2: {  	[tilespmem:v12+s17+$0x0] =	vst.idx.msk $0xffff, v11  }
0x3b3: {  	v12 =	vor.u32 v34, v10;
	v11 =	vld.idx.msk [tilespmem:v13+s2+$0x0], $0xffff  }
0x3b4: {  	v13 =	vor.u32 v35, v9;
	_ =	sdelay $0x3  }
0x3b5: {  	[tilespmem:v12+s17+$0x0] =	vst.idx.msk $0xffff, v11  }
0x3b6: {  	v12 =	vor.u32 v45, v10;
	v11 =	vld.idx.msk [tilespmem:v13+s2+$0x0], $0xffff  }
0x3b7: {  	v13 =	vor.u32 v46, v9;
	_ =	sdelay $0x3  }
0x3b8: {  	[tilespmem:v12+s17+$0x0] =	vst.idx.msk $0xffff, v11  }
0x3b9: {  	v12 =	vor.u32 v47, v10;
	v11 =	vld.idx.msk [tilespmem:v13+s2+$0x0], $0xffff  }
0x3ba: {  	v13 =	vor.u32 v39, v9;
	_ =	sdelay $0x3  }
0x3bb: {  	[tilespmem:v12+s17+$0x0] =	vst.idx.msk $0xffff, v11  }
0x3bc: {  	v12 =	vor.u32 v56, v10;
	v11 =	vld.idx.msk [tilespmem:v13+s2+$0x0], $0xffff  }
0x3bd: {  	v13 =	vor.u32 v36, v9;
	_ =	sdelay $0x3  }
0x3be: {  	[tilespmem:v12+s17+$0x0] =	vst.idx.msk $0xffff, v11  }
0x3bf: {  	v12 =	vor.u32 v37, v10;
	v11 =	vld.idx.msk [tilespmem:v13+s2+$0x0], $0xffff  }
0x3c0: {  	v13 =	vor.u32 v38, v9;
	_ =	sdelay $0x3  }
0x3c1: {  	[tilespmem:v12+s17+$0x0] =	vst.idx.msk $0xffff, v11  }
0x3c2: {  	v12 =	vor.u32 v57, v10;
	v11 =	vld.idx.msk [tilespmem:v13+s2+$0x0], $0xffff  }
0x3c3: {  	v13 =	vor.u32 v48, v9;
	_ =	sdelay $0x3  }
0x3c4: {  	[tilespmem:v12+s17+$0x0] =	vst.idx.msk $0xffff, v11  }
0x3c5: {  	v12 =	vor.u32 v58, v10;
	v11 =	vld.idx.msk [tilespmem:v13+s2+$0x0], $0xffff;
	_ =	sdelay $0x4  }
0x3c6: {  	v13 =	vor.u32 v59, v9;
	[tilespmem:v12+s17+$0x0] =	vst.idx.msk $0xffff, v11;
	v12 =	vld [tilespmem:$0x1FFB0];
	_ =	sdelay $0x4  }
0x3c7: {  	v11 =	vld.idx.msk [tilespmem:v13+s2+$0x0], $0xffff;
	v10 =	vor.u32 v12, v10  }
0x3c8: {  	v12 =	vor.u32 v60, v9;
	_ =	sdelay $0x3  }
0x3c9: {  	[tilespmem:v10+s17+$0x0] =	vst.idx.msk $0xffff, v11  }
0x3ca: {  	v11 =	vor.u32 v50, v8;
	v10 =	vld.idx.msk [tilespmem:v12+s2+$0x0], $0xffff  }
0x3cb: {  	v12 =	vor.u32 v51, v9;
	_ =	sdelay $0x3  }
0x3cc: {  	[tilespmem:v11+s17+$0x0] =	vst.idx.msk $0xffff, v10  }
0x3cd: {  	v11 =	vor.u32 v61, v8;
	v10 =	vld.idx.msk [tilespmem:v12+s2+$0x0], $0xffff  }
0x3ce: {  	v12 =	vor.u32 v63, v9;
	_ =	sdelay $0x3  }
0x3cf: {  	[tilespmem:v11+s17+$0x0] =	vst.idx.msk $0xffff, v10  }
0x3d0: {  	v11 =	vor.u32 v54, v8;
	v10 =	vld.idx.msk [tilespmem:v12+s2+$0x0], $0xffff  }
0x3d1: {  	v12 =	vor.u32 v55, v9;
	_ =	sdelay $0x3  }
0x3d2: {  	[tilespmem:v11+s17+$0x0] =	vst.idx.msk $0xffff, v10  }
0x3d3: {  	v10 =	vld.idx.msk [tilespmem:v12+s2+$0x0], $0xffff  }
0x3d4: {  	v12 =	vld [tilespmem:$0x1FFD0]  }
0x3d5: {  	v11 =	vor.u32 v1, v8;
	_ =	sdelay $0x3  }
0x3d6: {  	v12 =	vor.u32 v12, v9  }
0x3d7: {  	[tilespmem:v11+s17+$0x0] =	vst.idx.msk $0xffff, v10;
	v11 =	vld [tilespmem:$0x1FFC0];
	_ =	sdelay $0x3  }
0x3d8: {  	v10 =	vld.idx.msk [tilespmem:v12+s2+$0x0], $0xffff  }
0x3d9: {  	v11 =	vor.u32 v11, v8;
	v12 =	vld [tilespmem:$0x1FFE0];
	_ =	sdelay $0x4  }
0x3da: {  	v12 =	vor.u32 v12, v9;
	[tilespmem:v11+s17+$0x0] =	vst.idx.msk $0xffff, v10;
	v11 =	vld [tilespmem:$0x1FFF0];
	_ =	sdelay $0x4  }
0x3db: {  	v10 =	vld.idx.msk [tilespmem:v12+s2+$0x0], $0xffff;
	v11 =	vor.u32 v11, v8;
	_ =	sdelay $0x4  }
0x3dc: {  	v12 =	vor.u32 v49, v9;
	[tilespmem:v11+s17+$0x0] =	vst.idx.msk $0xffff, v10;
	v11 =	vld [tilespmem:$0x1FFA0];
	_ =	sdelay $0x4  }
0x3dd: {  	p2 =	sne.s32 s26, $0xF;
	v10 =	vld.idx.msk [tilespmem:v12+s2+$0x0], $0xffff;
	v12 =	vor.u32 v11, v8  }
.Ltmp6:
0x3de: {  	_ = 	snop;
	(pc) =	sbr.rel @p2 .LBB2_9-.Ltmp6, $2  }
0x3df: {  	_ =	sdelay $0x2  }
0x3e0: {  	v13 =	vlaneseq.u32;
	v9 =	vor.u32 v52, v9;
	v11 =	vadd.s32 s26, v62;
	s26 =	sadd.s32 $0x1, s26;
	[tilespmem:v12+s17+$0x0] =	vst.idx.msk $0xffff, v10  }
0x3e1: {  	_ =	sdelay $0x2  }
0x3e2: {  	v10 =	vand.u32 $0xF, v11  }
0x3e3: {  	v9 =	vld.idx.msk [tilespmem:v9+s2+$0x0], $0xffff;
	v8 =	vor.u32 v53, v8;
	v12 =	vshll.u32 v10, $0x7  }
0x3e4: {  	v13 =	vor.u32 v13, v12;
	_ =	sdelay $0x3  }
0x3e5: {  	[tilespmem:v8+s17+$0x0] =	vst.idx.msk $0xffff, v9  }
0x3e6: {  	v62 =	vor.u32 v2, v10;
	v8 =	vld.idx.msk [tilespmem:v13+s2+$0x0], $0xffff  }
0x3e7: {  	v13 =	vor.u32 v3, v12;
	_ =	sdelay $0x3  }
0x3e8: {  	[tilespmem:v62+s17+$0x0] =	vst.idx.msk $0xffff, v8  }
0x3e9: {  	v2 =	vor.u32 v4, v10;
	v8 =	vld.idx.msk [tilespmem:v13+s2+$0x0], $0xffff  }
0x3ea: {  	v13 =	vor.u32 v5, v12;
	_ =	sdelay $0x3  }
0x3eb: {  	[tilespmem:v2+s17+$0x0] =	vst.idx.msk $0xffff, v8  }
0x3ec: {  	v3 =	vor.u32 v6, v10;
	v8 =	vld.idx.msk [tilespmem:v13+s2+$0x0], $0xffff  }
0x3ed: {  	v13 =	vor.u32 v7, v12;
	_ =	sdelay $0x3  }
0x3ee: {  	[tilespmem:v3+s17+$0x0] =	vst.idx.msk $0xffff, v8  }
0x3ef: {  	v4 =	vor.u32 v24, v10;
	v8 =	vld.idx.msk [tilespmem:v13+s2+$0x0], $0xffff  }
0x3f0: {  	v13 =	vor.u32 v14, v12;
	_ =	sdelay $0x3  }
0x3f1: {  	[tilespmem:v4+s17+$0x0] =	vst.idx.msk $0xffff, v8  }
0x3f2: {  	v5 =	vor.u32 v15, v10;
	v8 =	vld.idx.msk [tilespmem:v13+s2+$0x0], $0xffff  }
0x3f3: {  	v13 =	vor.u32 v0, v12;
	_ =	sdelay $0x3  }
0x3f4: {  	[tilespmem:v5+s17+$0x0] =	vst.idx.msk $0xffff, v8  }
0x3f5: {  	v6 =	vor.u32 v25, v10;
	v8 =	vld.idx.msk [tilespmem:v13+s2+$0x0], $0xffff  }
0x3f6: {  	v13 =	vor.u32 v26, v12;
	_ =	sdelay $0x3  }
0x3f7: {  	[tilespmem:v6+s17+$0x0] =	vst.idx.msk $0xffff, v8  }
0x3f8: {  	v7 =	vor.u32 v27, v10;
	v8 =	vld.idx.msk [tilespmem:v13+s2+$0x0], $0xffff  }
0x3f9: {  	v13 =	vor.u32 v16, v12;
	_ =	sdelay $0x3  }
0x3fa: {  	[tilespmem:v7+s17+$0x0] =	vst.idx.msk $0xffff, v8  }
0x3fb: {  	v16 =	vor.u32 v28, v10;
	v8 =	vld.idx.msk [tilespmem:v13+s2+$0x0], $0xffff  }
0x3fc: {  	v13 =	vor.u32 v17, v12;
	_ =	sdelay $0x3  }
0x3fd: {  	[tilespmem:v16+s17+$0x0] =	vst.idx.msk $0xffff, v8  }
0x3fe: {  	v18 =	vor.u32 v18, v11;
	v8 =	vld.idx.msk [tilespmem:v13+s2+$0x0], $0xffff  }
0x3ff: {  	v13 =	vor.u32 v29, v12;
	_ =	sdelay $0x3  }
0x400: {  	[tilespmem:v18+s17+$0x0] =	vst.idx.msk $0xffff, v8  }
0x401: {  	v20 =	vor.u32 v20, v11;
	v8 =	vld.idx.msk [tilespmem:v13+s2+$0x0], $0xffff  }
0x402: {  	v13 =	vor.u32 v21, v12;
	_ =	sdelay $0x3  }
0x403: {  	[tilespmem:v20+s17+$0x0] =	vst.idx.msk $0xffff, v8  }
0x404: {  	v21 =	vor.u32 v31, v11;
	v8 =	vld.idx.msk [tilespmem:v13+s2+$0x0], $0xffff  }
0x405: {  	v13 =	vor.u32 v23, v12;
	_ =	sdelay $0x3  }
0x406: {  	[tilespmem:v21+s17+$0x0] =	vst.idx.msk $0xffff, v8  }
0x407: {  	v24 =	vor.u32 v40, v11;
	v8 =	vld.idx.msk [tilespmem:v13+s2+$0x0], $0xffff  }
0x408: {  	v13 =	vor.u32 v30, v12;
	_ =	sdelay $0x3  }
0x409: {  	[tilespmem:v24+s17+$0x0] =	vst.idx.msk $0xffff, v8  }
0x40a: {  	v25 =	vor.u32 v19, v11;
	v8 =	vld.idx.msk [tilespmem:v13+s2+$0x0], $0xffff  }
0x40b: {  	v13 =	vor.u32 v22, v12;
	_ =	sdelay $0x3  }
0x40c: {  	[tilespmem:v25+s17+$0x0] =	vst.idx.msk $0xffff, v8  }
0x40d: {  	v26 =	vor.u32 v41, v11;
	v8 =	vld.idx.msk [tilespmem:v13+s2+$0x0], $0xffff  }
0x40e: {  	v13 =	vor.u32 v32, v12;
	_ =	sdelay $0x3  }
0x40f: {  	[tilespmem:v26+s17+$0x0] =	vst.idx.msk $0xffff, v8  }
0x410: {  	v27 =	vor.u32 v42, v11;
	v8 =	vld.idx.msk [tilespmem:v13+s2+$0x0], $0xffff  }
0x411: {  	v13 =	vor.u32 v33, v12;
	_ =	sdelay $0x3  }
0x412: {  	[tilespmem:v27+s17+$0x0] =	vst.idx.msk $0xffff, v8  }
0x413: {  	v28 =	vor.u32 v44, v11;
	v8 =	vld.idx.msk [tilespmem:v13+s2+$0x0], $0xffff  }
0x414: {  	v13 =	vor.u32 v43, v12;
	_ =	sdelay $0x3  }
0x415: {  	[tilespmem:v28+s17+$0x0] =	vst.idx.msk $0xffff, v8  }
0x416: {  	v29 =	vor.u32 v34, v10;
	v8 =	vld.idx.msk [tilespmem:v13+s2+$0x0], $0xffff  }
0x417: {  	v13 =	vor.u32 v35, v12;
	_ =	sdelay $0x3  }
0x418: {  	[tilespmem:v29+s17+$0x0] =	vst.idx.msk $0xffff, v8  }
0x419: {  	v30 =	vor.u32 v45, v10;
	v8 =	vld.idx.msk [tilespmem:v13+s2+$0x0], $0xffff  }
0x41a: {  	v13 =	vor.u32 v46, v12;
	_ =	sdelay $0x3  }
0x41b: {  	[tilespmem:v30+s17+$0x0] =	vst.idx.msk $0xffff, v8  }
0x41c: {  	v31 =	vor.u32 v47, v10;
	v8 =	vld.idx.msk [tilespmem:v13+s2+$0x0], $0xffff  }
0x41d: {  	v13 =	vor.u32 v39, v12;
	_ =	sdelay $0x3  }
0x41e: {  	[tilespmem:v31+s17+$0x0] =	vst.idx.msk $0xffff, v8  }
0x41f: {  	v32 =	vor.u32 v56, v10;
	v8 =	vld.idx.msk [tilespmem:v13+s2+$0x0], $0xffff  }
0x420: {  	v13 =	vor.u32 v36, v12;
	_ =	sdelay $0x3  }
0x421: {  	[tilespmem:v32+s17+$0x0] =	vst.idx.msk $0xffff, v8  }
0x422: {  	v33 =	vor.u32 v37, v10;
	v8 =	vld.idx.msk [tilespmem:v13+s2+$0x0], $0xffff  }
0x423: {  	v13 =	vor.u32 v38, v12;
	_ =	sdelay $0x3  }
0x424: {  	[tilespmem:v33+s17+$0x0] =	vst.idx.msk $0xffff, v8  }
0x425: {  	v34 =	vor.u32 v57, v10;
	v8 =	vld.idx.msk [tilespmem:v13+s2+$0x0], $0xffff  }
0x426: {  	v13 =	vor.u32 v48, v12;
	_ =	sdelay $0x3  }
0x427: {  	[tilespmem:v34+s17+$0x0] =	vst.idx.msk $0xffff, v8  }
0x428: {  	v35 =	vor.u32 v58, v10;
	v8 =	vld.idx.msk [tilespmem:v13+s2+$0x0], $0xffff  }
0x429: {  	v36 =	vld [tilespmem:$0x1FFB0];
	v13 =	vor.u32 v59, v12;
	_ =	sdelay $0x3  }
0x42a: {  	[tilespmem:v35+s17+$0x0] =	vst.idx.msk $0xffff, v8  }
0x42b: {  	v37 =	vor.u32 v36, v10;
	v8 =	vld.idx.msk [tilespmem:v13+s2+$0x0], $0xffff  }
0x42c: {  	v38 =	vor.u32 v60, v12;
	_ =	sdelay $0x3  }
0x42d: {  	[tilespmem:v37+s17+$0x0] =	vst.idx.msk $0xffff, v8  }
0x42e: {  	v39 =	vor.u32 v50, v11;
	v8 =	vld.idx.msk [tilespmem:v38+s2+$0x0], $0xffff  }
0x42f: {  	v40 =	vor.u32 v51, v12;
	_ =	sdelay $0x3  }
0x430: {  	[tilespmem:v39+s17+$0x0] =	vst.idx.msk $0xffff, v8  }
0x431: {  	v41 =	vor.u32 v61, v11;
	v8 =	vld.idx.msk [tilespmem:v40+s2+$0x0], $0xffff  }
0x432: {  	v42 =	vor.u32 v63, v12;
	_ =	sdelay $0x3  }
0x433: {  	[tilespmem:v41+s17+$0x0] =	vst.idx.msk $0xffff, v8  }
0x434: {  	v43 =	vor.u32 v54, v11;
	v8 =	vld.idx.msk [tilespmem:v42+s2+$0x0], $0xffff  }
0x435: {  	v44 =	vor.u32 v55, v12  }
0x436: {  	v62 =	vld [tilespmem:$0x1FFD0];
	_ =	sdelay $0x2  }
0x437: {  	[tilespmem:v43+s17+$0x0] =	vst.idx.msk $0xffff, v8  }
0x438: {  	v45 =	vor.u32 v1, v11;
	v8 =	vld.idx.msk [tilespmem:v44+s2+$0x0], $0xffff  }
0x439: {  	v47 =	vld [tilespmem:$0x1FFC0];
	v46 =	vor.u32 v62, v12  }
0x43a: {  	v13 =	vld [tilespmem:$0x1FFE0];
	_ =	sdelay $0x2  }
0x43b: {  	[tilespmem:v45+s17+$0x0] =	vst.idx.msk $0xffff, v8  }
0x43c: {  	v54 =	vor.u32 v47, v11;
	v8 =	vld.idx.msk [tilespmem:v46+s2+$0x0], $0xffff  }
0x43d: {  	v56 =	vld [tilespmem:$0x1FFF0];
	v55 =	vor.u32 v13, v12;
	_ =	sdelay $0x3  }
0x43e: {  	[tilespmem:v54+s17+$0x0] =	vst.idx.msk $0xffff, v8  }
0x43f: {  	v57 =	vor.u32 v56, v11;
	v8 =	vld.idx.msk [tilespmem:v55+s2+$0x0], $0xffff  }
0x440: {  	v58 =	vor.u32 v49, v12;
	v59 =	vld [tilespmem:$0x1FFA0];
	_ =	sdelay $0x3  }
0x441: {  	[tilespmem:v57+s17+$0x0] =	vst.idx.msk $0xffff, v8  }
0x442: {  	v60 =	vor.u32 v59, v11;
	v8 =	vld.idx.msk [tilespmem:v58+s2+$0x0], $0xffff  }
0x443: {  	v61 =	vor.u32 v52, v12;
	_ =	sdelay $0x3  }
0x444: {  	[tilespmem:v60+s17+$0x0] =	vst.idx.msk $0xffff, v8  }
0x445: {  	v63 =	vor.u32 v53, v11;
	v8 =	vld.idx.msk [tilespmem:v61+s2+$0x0], $0xffff;
	_ =	sdelay $0x4  }
0x446: {  	[tilespmem:v63+s17+$0x0] =	vst.idx.msk $0xffff, v8  }
0x447: {  	[hbm4b:s10+s2] =	stream.linear.scatter [tilespmem:s17], [sflag:$0x5], $0x2000, $0x38;
	[tilespmem:$0xB000] =	vst v63  }
0x448: {  	_ =	swait.ge [sflag:s22], $0x2000  }
0x449: {  	[sflag:s22] =	ssyncset.done $0x0  }
0x44a: {  	v53 =	vmovc v56;
	v49 =	vmov v36;
	v52 =	vmov v59;
	v12 =	vmov v47;
	[sflag:s22] =	ssyncadd.s32 $0xFFFFE000  }
.LBB2_11:
.Ltmp7:
0x44b: {  	(pc) =	sbr.rel @p1 .LBB2_15-.Ltmp7, $2  }
0x44c: {  	_ =	sdelay $0x2  }
0x44d: {  	v43 =	vld [tilespmem:$0x1FF80]  }
0x44e: {  	s26 =	simm.s32 $0x0;
	v0 =	vlaneseq.u32  }
0x44f: {  	v8 =	vadd.s32 s26, v0  }
0x450: {  	[tilespmem:s23], [sflag:$0x5] =	stream.strided.gather [hbm4b:s9+s12], $0x2000, s14, s12, $0x38;
	v9 =	vand.u32 $0xF, v8;
	[tilespmem:$0xB000] =	vst v63  }
0x451: {  	_ =	swait.ge [sflag:s22], $0x2000;
	v10 =	vshll.u32 v9, $0x7  }
0x452: {  	v1 =	vld [tilespmem:$0x1FDF0];
	v11 =	vor.u32 v0, v10  }
0x453: {  	v2 =	vld [tilespmem:$0x1FC10];
	_ =	sdelay $0x1  }
0x454: {  	[sflag:s22] =	ssyncset.done $0x0  }
0x455: {  	[sflag:s22] =	ssyncadd.s32 $0xFFFFE000  }
0x456: {  	v36 =	vmov v12;
	v12 =	vor.u32 v1, v9;
	v11 =	vld.idx.msk [tilespmem:v11+s23+$0x0], $0xffff  }
0x457: {  	v38 =	vmov v13;
	v3 =	vld [tilespmem:$0x1FC20];
	v13 =	vor.u32 v2, v10  }
0x458: {  	v4 =	vld [tilespmem:$0x1FC30];
	_ =	sdelay $0x2  }
0x459: {  	[tilespmem:v12+s24+$0x0] =	vst.idx.msk $0xffff, v11  }
0x45a: {  	v12 =	vor.u32 v3, v9;
	v11 =	vld.idx.msk [tilespmem:v13+s23+$0x0], $0xffff  }
0x45b: {  	v5 =	vld [tilespmem:$0x1FC40];
	v13 =	vor.u32 v4, v10  }
0x45c: {  	v6 =	vld [tilespmem:$0x1FC50];
	_ =	sdelay $0x2  }
0x45d: {  	[tilespmem:v12+s24+$0x0] =	vst.idx.msk $0xffff, v11  }
0x45e: {  	v12 =	vor.u32 v5, v9;
	v11 =	vld.idx.msk [tilespmem:v13+s23+$0x0], $0xffff  }
0x45f: {  	v7 =	vld [tilespmem:$0x1FC60];
	v13 =	vor.u32 v6, v10  }
0x460: {  	v14 =	vld [tilespmem:$0x1FC70];
	_ =	sdelay $0x2  }
0x461: {  	[tilespmem:v12+s24+$0x0] =	vst.idx.msk $0xffff, v11  }
0x462: {  	v12 =	vor.u32 v7, v9;
	v11 =	vld.idx.msk [tilespmem:v13+s23+$0x0], $0xffff  }
0x463: {  	v15 =	vld [tilespmem:$0x1FC80];
	v13 =	vor.u32 v14, v10  }
0x464: {  	v16 =	vld [tilespmem:$0x1FC90];
	_ =	sdelay $0x2  }
0x465: {  	[tilespmem:v12+s24+$0x0] =	vst.idx.msk $0xffff, v11  }
0x466: {  	v12 =	vor.u32 v15, v8;
	v11 =	vld.idx.msk [tilespmem:v13+s23+$0x0], $0xffff  }
0x467: {  	v17 =	vld [tilespmem:$0x1FCA0];
	v13 =	vor.u32 v16, v10  }
0x468: {  	v18 =	vld [tilespmem:$0x1FCB0];
	_ =	sdelay $0x2  }
0x469: {  	[tilespmem:v12+s24+$0x0] =	vst.idx.msk $0xffff, v11  }
0x46a: {  	v12 =	vor.u32 v17, v8;
	v11 =	vld.idx.msk [tilespmem:v13+s23+$0x0], $0xffff  }
0x46b: {  	v19 =	vld [tilespmem:$0x1FCC0];
	v13 =	vor.u32 v18, v10  }
0x46c: {  	v20 =	vld [tilespmem:$0x1FCD0];
	_ =	sdelay $0x2  }
0x46d: {  	[tilespmem:v12+s24+$0x0] =	vst.idx.msk $0xffff, v11  }
0x46e: {  	v12 =	vor.u32 v19, v8;
	v11 =	vld.idx.msk [tilespmem:v13+s23+$0x0], $0xffff  }
0x46f: {  	v21 =	vld [tilespmem:$0x1FCE0];
	v13 =	vor.u32 v20, v10  }
0x470: {  	v22 =	vld [tilespmem:$0x1FCF0];
	_ =	sdelay $0x2  }
0x471: {  	[tilespmem:v12+s24+$0x0] =	vst.idx.msk $0xffff, v11  }
0x472: {  	v12 =	vor.u32 v21, v8;
	v11 =	vld.idx.msk [tilespmem:v13+s23+$0x0], $0xffff  }
0x473: {  	v23 =	vld [tilespmem:$0x1FD00];
	v13 =	vor.u32 v22, v10  }
0x474: {  	v24 =	vld [tilespmem:$0x1FD10];
	_ =	sdelay $0x2  }
0x475: {  	[tilespmem:v12+s24+$0x0] =	vst.idx.msk $0xffff, v11  }
0x476: {  	v12 =	vor.u32 v23, v9;
	v11 =	vld.idx.msk [tilespmem:v13+s23+$0x0], $0xffff  }
0x477: {  	v25 =	vld [tilespmem:$0x1FD20];
	v13 =	vor.u32 v24, v10  }
0x478: {  	v26 =	vld [tilespmem:$0x1FD30];
	_ =	sdelay $0x2  }
0x479: {  	[tilespmem:v12+s24+$0x0] =	vst.idx.msk $0xffff, v11  }
0x47a: {  	v12 =	vor.u32 v25, v9;
	v11 =	vld.idx.msk [tilespmem:v13+s23+$0x0], $0xffff  }
0x47b: {  	v27 =	vld [tilespmem:$0x1FD40];
	v13 =	vor.u32 v26, v10  }
0x47c: {  	v28 =	vld [tilespmem:$0x1FD50];
	_ =	sdelay $0x2  }
0x47d: {  	[tilespmem:v12+s24+$0x0] =	vst.idx.msk $0xffff, v11  }
0x47e: {  	v12 =	vor.u32 v27, v9;
	v11 =	vld.idx.msk [tilespmem:v13+s23+$0x0], $0xffff  }
0x47f: {  	v29 =	vld [tilespmem:$0x1FD60];
	v13 =	vor.u32 v28, v10  }
0x480: {  	v30 =	vld [tilespmem:$0x1FD70];
	_ =	sdelay $0x2  }
0x481: {  	[tilespmem:v12+s24+$0x0] =	vst.idx.msk $0xffff, v11  }
0x482: {  	v9 =	vor.u32 v29, v9;
	v11 =	vld.idx.msk [tilespmem:v13+s23+$0x0], $0xffff  }
0x483: {  	v32 =	vld [tilespmem:$0x1FD80];
	v12 =	vor.u32 v30, v10  }
0x484: {  	v33 =	vld [tilespmem:$0x1FD90];
	_ =	sdelay $0x2  }
0x485: {  	[tilespmem:v9+s24+$0x0] =	vst.idx.msk $0xffff, v11  }
0x486: {  	v11 =	vor.u32 v32, v8;
	v9 =	vld.idx.msk [tilespmem:v12+s23+$0x0], $0xffff  }
0x487: {  	v34 =	vld [tilespmem:$0x1FDA0];
	v12 =	vor.u32 v33, v10  }
0x488: {  	v37 =	vld [tilespmem:$0x1FDB0];
	_ =	sdelay $0x2  }
0x489: {  	[tilespmem:v11+s24+$0x0] =	vst.idx.msk $0xffff, v9  }
0x48a: {  	v11 =	vor.u32 v34, v8;
	v9 =	vld.idx.msk [tilespmem:v12+s23+$0x0], $0xffff  }
0x48b: {  	v39 =	vld [tilespmem:$0x1FDC0];
	v12 =	vor.u32 v37, v10  }
0x48c: {  	v40 =	vld [tilespmem:$0x1FDD0];
	_ =	sdelay $0x2  }
0x48d: {  	[tilespmem:v11+s24+$0x0] =	vst.idx.msk $0xffff, v9  }
0x48e: {  	v13 =	vor.u32 v39, v8;
	v12 =	vld.idx.msk [tilespmem:v12+s23+$0x0], $0xffff  }
0x48f: {  	v9 =	vor.u32 v40, v10  }
0x490: {  	v41 =	vld [tilespmem:$0x1FDE0];
	_ =	sdelay $0x1  }
0x491: {  	s31 =	simm.s32 $0x1  }
0x492: {  	s26 =	simm.s32 $0x2;
	v11 =	vadd.s32 s31, v0;
	[tilespmem:v13+s24+$0x0] =	vst.idx.msk $0xffff, v12  }
.LBB2_13:
0x493: {  	p2 =	sne.s32 s26, $0xF;
	v10 =	vand.u32 $0xF, v11;
	v12 =	vld.idx.msk [tilespmem:v9+s23+$0x0], $0xffff  }
0x494: {  	v13 =	vor.u32 v41, v8;
	v8 =	vmov v11;
	v9 =	vshll.u32 v10, $0x7  }
0x495: {  	v11 =	vor.u32 v0, v9;
	_ =	sdelay $0x3  }
0x496: {  	[tilespmem:v13+s24+$0x0] =	vst.idx.msk $0xffff, v12  }
0x497: {  	v11 =	vld.idx.msk [tilespmem:v11+s23+$0x0], $0xffff  }
0x498: {  	v12 =	vor.u32 v1, v10  }
0x499: {  	v13 =	vor.u32 v2, v9;
	_ =	sdelay $0x3  }
0x49a: {  	[tilespmem:v12+s24+$0x0] =	vst.idx.msk $0xffff, v11  }
0x49b: {  	v11 =	vld.idx.msk [tilespmem:v13+s23+$0x0], $0xffff  }
0x49c: {  	v12 =	vor.u32 v3, v10  }
0x49d: {  	v13 =	vor.u32 v4, v9;
	_ =	sdelay $0x3  }
0x49e: {  	[tilespmem:v12+s24+$0x0] =	vst.idx.msk $0xffff, v11  }
0x49f: {  	v11 =	vld.idx.msk [tilespmem:v13+s23+$0x0], $0xffff  }
0x4a0: {  	v12 =	vor.u32 v5, v10  }
0x4a1: {  	v13 =	vor.u32 v6, v9;
	_ =	sdelay $0x3  }
0x4a2: {  	[tilespmem:v12+s24+$0x0] =	vst.idx.msk $0xffff, v11  }
0x4a3: {  	v11 =	vld.idx.msk [tilespmem:v13+s23+$0x0], $0xffff  }
0x4a4: {  	v12 =	vor.u32 v7, v10  }
0x4a5: {  	v13 =	vor.u32 v14, v9;
	_ =	sdelay $0x3  }
0x4a6: {  	[tilespmem:v12+s24+$0x0] =	vst.idx.msk $0xffff, v11  }
0x4a7: {  	v11 =	vld.idx.msk [tilespmem:v13+s23+$0x0], $0xffff  }
0x4a8: {  	v12 =	vor.u32 v15, v8  }
0x4a9: {  	v13 =	vor.u32 v16, v9;
	_ =	sdelay $0x3  }
0x4aa: {  	[tilespmem:v12+s24+$0x0] =	vst.idx.msk $0xffff, v11  }
0x4ab: {  	v11 =	vld.idx.msk [tilespmem:v13+s23+$0x0], $0xffff  }
0x4ac: {  	v12 =	vor.u32 v17, v8  }
0x4ad: {  	v13 =	vor.u32 v18, v9;
	_ =	sdelay $0x3  }
0x4ae: {  	[tilespmem:v12+s24+$0x0] =	vst.idx.msk $0xffff, v11  }
0x4af: {  	v11 =	vld.idx.msk [tilespmem:v13+s23+$0x0], $0xffff  }
0x4b0: {  	v12 =	vor.u32 v19, v8  }
0x4b1: {  	v13 =	vor.u32 v20, v9;
	_ =	sdelay $0x3  }
0x4b2: {  	[tilespmem:v12+s24+$0x0] =	vst.idx.msk $0xffff, v11  }
0x4b3: {  	v11 =	vld.idx.msk [tilespmem:v13+s23+$0x0], $0xffff  }
0x4b4: {  	v12 =	vor.u32 v21, v8  }
0x4b5: {  	v13 =	vor.u32 v22, v9;
	_ =	sdelay $0x3  }
0x4b6: {  	[tilespmem:v12+s24+$0x0] =	vst.idx.msk $0xffff, v11  }
0x4b7: {  	v11 =	vld.idx.msk [tilespmem:v13+s23+$0x0], $0xffff  }
0x4b8: {  	v12 =	vor.u32 v23, v10  }
0x4b9: {  	v13 =	vor.u32 v24, v9;
	_ =	sdelay $0x3  }
0x4ba: {  	[tilespmem:v12+s24+$0x0] =	vst.idx.msk $0xffff, v11  }
0x4bb: {  	v11 =	vld.idx.msk [tilespmem:v13+s23+$0x0], $0xffff  }
0x4bc: {  	v12 =	vor.u32 v25, v10  }
0x4bd: {  	v13 =	vor.u32 v26, v9;
	_ =	sdelay $0x3  }
0x4be: {  	[tilespmem:v12+s24+$0x0] =	vst.idx.msk $0xffff, v11  }
0x4bf: {  	v11 =	vld.idx.msk [tilespmem:v13+s23+$0x0], $0xffff  }
0x4c0: {  	v12 =	vor.u32 v27, v10  }
0x4c1: {  	v13 =	vor.u32 v28, v9;
	_ =	sdelay $0x3  }
0x4c2: {  	[tilespmem:v12+s24+$0x0] =	vst.idx.msk $0xffff, v11  }
0x4c3: {  	v11 =	vld.idx.msk [tilespmem:v13+s23+$0x0], $0xffff  }
0x4c4: {  	v10 =	vor.u32 v29, v10  }
0x4c5: {  	v12 =	vor.u32 v30, v9;
	_ =	sdelay $0x3  }
0x4c6: {  	[tilespmem:v10+s24+$0x0] =	vst.idx.msk $0xffff, v11  }
0x4c7: {  	v10 =	vld.idx.msk [tilespmem:v12+s23+$0x0], $0xffff  }
0x4c8: {  	v11 =	vor.u32 v32, v8  }
0x4c9: {  	v12 =	vor.u32 v33, v9;
	_ =	sdelay $0x3  }
0x4ca: {  	[tilespmem:v11+s24+$0x0] =	vst.idx.msk $0xffff, v10  }
0x4cb: {  	v10 =	vld.idx.msk [tilespmem:v12+s23+$0x0], $0xffff  }
0x4cc: {  	v11 =	vor.u32 v34, v8  }
0x4cd: {  	v12 =	vor.u32 v37, v9;
	_ =	sdelay $0x3  }
0x4ce: {  	[tilespmem:v11+s24+$0x0] =	vst.idx.msk $0xffff, v10  }
0x4cf: {  	v10 =	vld.idx.msk [tilespmem:v12+s23+$0x0], $0xffff  }
0x4d0: {  	v12 =	vor.u32 v39, v8  }
.Ltmp8:
0x4d1: {  	v9 =	vor.u32 v40, v9;
	(pc) =	sbr.rel @p2 .LBB2_13-.Ltmp8, $2  }
0x4d2: {  	_ =	sdelay $0x2  }
0x4d3: {  	v11 =	vadd.s32 s26, v0;
	s26 =	sadd.s32 $0x1, s26;
	[tilespmem:v12+s24+$0x0] =	vst.idx.msk $0xffff, v10  }
0x4d4: {  	_ =	sdelay $0x2  }
0x4d5: {  	v10 =	vand.u32 $0xF, v11  }
0x4d6: {  	v9 =	vld.idx.msk [tilespmem:v9+s23+$0x0], $0xffff;
	v8 =	vor.u32 v41, v8;
	v12 =	vshll.u32 v10, $0x7  }
0x4d7: {  	v13 =	vor.u32 v0, v12;
	_ =	sdelay $0x3  }
0x4d8: {  	[tilespmem:v8+s24+$0x0] =	vst.idx.msk $0xffff, v9  }
0x4d9: {  	v1 =	vor.u32 v1, v10;
	v8 =	vld.idx.msk [tilespmem:v13+s23+$0x0], $0xffff  }
0x4da: {  	v13 =	vor.u32 v2, v12;
	_ =	sdelay $0x3  }
0x4db: {  	[tilespmem:v1+s24+$0x0] =	vst.idx.msk $0xffff, v8  }
0x4dc: {  	v31 =	vor.u32 v3, v10;
	v8 =	vld.idx.msk [tilespmem:v13+s23+$0x0], $0xffff  }
0x4dd: {  	v13 =	vor.u32 v4, v12;
	_ =	sdelay $0x3  }
0x4de: {  	[tilespmem:v31+s24+$0x0] =	vst.idx.msk $0xffff, v8  }
0x4df: {  	v35 =	vor.u32 v5, v10;
	v8 =	vld.idx.msk [tilespmem:v13+s23+$0x0], $0xffff  }
0x4e0: {  	v13 =	vor.u32 v6, v12;
	_ =	sdelay $0x3  }
0x4e1: {  	[tilespmem:v35+s24+$0x0] =	vst.idx.msk $0xffff, v8  }
0x4e2: {  	v42 =	vor.u32 v7, v10;
	v8 =	vld.idx.msk [tilespmem:v13+s23+$0x0], $0xffff  }
0x4e3: {  	v13 =	vor.u32 v14, v12;
	_ =	sdelay $0x3  }
0x4e4: {  	[tilespmem:v42+s24+$0x0] =	vst.idx.msk $0xffff, v8  }
0x4e5: {  	v44 =	vor.u32 v15, v11;
	v8 =	vld.idx.msk [tilespmem:v13+s23+$0x0], $0xffff  }
0x4e6: {  	v13 =	vor.u32 v16, v12;
	_ =	sdelay $0x3  }
0x4e7: {  	[tilespmem:v44+s24+$0x0] =	vst.idx.msk $0xffff, v8  }
0x4e8: {  	v45 =	vor.u32 v17, v11;
	v8 =	vld.idx.msk [tilespmem:v13+s23+$0x0], $0xffff  }
0x4e9: {  	v13 =	vor.u32 v18, v12;
	_ =	sdelay $0x3  }
0x4ea: {  	[tilespmem:v45+s24+$0x0] =	vst.idx.msk $0xffff, v8  }
0x4eb: {  	v46 =	vor.u32 v19, v11;
	v8 =	vld.idx.msk [tilespmem:v13+s23+$0x0], $0xffff  }
0x4ec: {  	v13 =	vor.u32 v20, v12;
	_ =	sdelay $0x3  }
0x4ed: {  	[tilespmem:v46+s24+$0x0] =	vst.idx.msk $0xffff, v8  }
0x4ee: {  	v47 =	vor.u32 v21, v11;
	v8 =	vld.idx.msk [tilespmem:v13+s23+$0x0], $0xffff  }
0x4ef: {  	v13 =	vor.u32 v22, v12;
	_ =	sdelay $0x3  }
0x4f0: {  	[tilespmem:v47+s24+$0x0] =	vst.idx.msk $0xffff, v8  }
0x4f1: {  	v48 =	vor.u32 v23, v10;
	v8 =	vld.idx.msk [tilespmem:v13+s23+$0x0], $0xffff  }
0x4f2: {  	v13 =	vor.u32 v24, v12;
	_ =	sdelay $0x3  }
0x4f3: {  	[tilespmem:v48+s24+$0x0] =	vst.idx.msk $0xffff, v8  }
0x4f4: {  	v50 =	vor.u32 v25, v10;
	v8 =	vld.idx.msk [tilespmem:v13+s23+$0x0], $0xffff  }
0x4f5: {  	v13 =	vor.u32 v26, v12;
	_ =	sdelay $0x3  }
0x4f6: {  	[tilespmem:v50+s24+$0x0] =	vst.idx.msk $0xffff, v8  }
0x4f7: {  	v51 =	vor.u32 v27, v10;
	v8 =	vld.idx.msk [tilespmem:v13+s23+$0x0], $0xffff  }
0x4f8: {  	v13 =	vor.u32 v28, v12;
	_ =	sdelay $0x3  }
0x4f9: {  	[tilespmem:v51+s24+$0x0] =	vst.idx.msk $0xffff, v8  }
0x4fa: {  	v54 =	vor.u32 v29, v10;
	v8 =	vld.idx.msk [tilespmem:v13+s23+$0x0], $0xffff  }
0x4fb: {  	v55 =	vor.u32 v30, v12;
	_ =	sdelay $0x3  }
0x4fc: {  	[tilespmem:v54+s24+$0x0] =	vst.idx.msk $0xffff, v8  }
0x4fd: {  	v56 =	vor.u32 v32, v11;
	v8 =	vld.idx.msk [tilespmem:v55+s23+$0x0], $0xffff  }
0x4fe: {  	v57 =	vor.u32 v33, v12;
	_ =	sdelay $0x3  }
0x4ff: {  	[tilespmem:v56+s24+$0x0] =	vst.idx.msk $0xffff, v8  }
0x500: {  	v58 =	vor.u32 v34, v11;
	v8 =	vld.idx.msk [tilespmem:v57+s23+$0x0], $0xffff  }
0x501: {  	v59 =	vor.u32 v37, v12;
	_ =	sdelay $0x3  }
0x502: {  	[tilespmem:v58+s24+$0x0] =	vst.idx.msk $0xffff, v8  }
0x503: {  	v60 =	vor.u32 v39, v11;
	v8 =	vld.idx.msk [tilespmem:v59+s23+$0x0], $0xffff  }
0x504: {  	v61 =	vor.u32 v40, v12;
	_ =	sdelay $0x3  }
0x505: {  	[tilespmem:v60+s24+$0x0] =	vst.idx.msk $0xffff, v8  }
0x506: {  	v63 =	vor.u32 v41, v11;
	v8 =	vld.idx.msk [tilespmem:v61+s23+$0x0], $0xffff;
	_ =	sdelay $0x4  }
.Ltmp9:
0x507: {  	[tilespmem:v63+s24+$0x0] =	vst.idx.msk $0xffff, v8;
	(pc) =	sbr.rel .LBB2_15-.Ltmp9, $4  }
0x508: {  	[hbm4b:s11+s2] =	stream.linear.scatter [tilespmem:s24], [sflag:$0x5], $0x1000, $0x38;
	[tilespmem:$0xB000] =	vst v63  }
0x509: {  	_ =	swait.ge [sflag:s22], $0x1000  }
0x50a: {  	[sflag:s22] =	ssyncset.done $0x0  }
0x50b: {  	v12 =	vmov v36;
	v13 =	vmov v38;
	[sflag:s22] =	ssyncadd.s32 $0xFFFFF000  }
.LBB2_16:
0x50c: {  	_ =	sfence.sel $0x180000  }
0x50d: {  	[bflag:$0x0] =	sbarrier.arrive $0xFFFF  }
0x50e: {  	p0 =	sne.s32 s3, $0x0;
	_ =	strace $0x90000047  }
0x50f: {  	s0 =	sadd.s32 @!p0 $0x100000, s1;
	[bflag:$0x2] =	sbarrier.arrive $0xFFFF  }
0x510: {  	[sflag:s0] =	ssyncadd.tile.s32 @!p0 $0x1;
	_ =	shalt  }
.Lfunc_end2:
_tile_overlayer_lowered:
.L_overlay_start_2:
0x511: {  	(tag) =	ssettag $0x2  }
0x512: {  	s0 =	rddreg [dreg:$0x0];
	s2 =	stileid.u32  }
0x513: {  	s1 =	rddreg [dreg:$0x1];
	p0 =	sne.s32 s2, $0x0  }
0x514: {  	s3 =	rddreg [dreg:$0x2];
	[bflag:$0x3] =	sbarrier.arrive $0xFFFF;
	s2 =	simm.s32 @!p0 $0x1C05  }
0x515: {  	[timem:s3], [sflag:s2] =	dma.local @!p0 [hbm:s0], s1  }
0x516: {  	s0 =	simm.s32 @!p0 $0x5  }
0x517: {  	_ =	swait.ge @!p0 [sflag:s0], s1  }
0x518: {  	s1 =	ssub.s32 @!p0 $0x0, s1;
	[sflag:s0] =	ssyncset.done @!p0 $0x0  }
0x519: {  	[sflag:s0] =	ssyncadd.s32 @!p0 s1  }
0x51a: {  	[bflag:$0x3] =	sbarrier.arrive $0xFFFF  }
0x51b: {  	_ =	shalt  }

// kernel: kernel.7.cloned.1.call-start
scs
__scs_entry_jumppad:
0x0: {  	(pc) =	sbr.rel $0x88, $3  }
0x1: {  	(tag) =	ssettag $0x0;
	lr =	simm.s32 $0x1  }
0x2: {  	[smem:$0x3F9F] =	sst lr;
	_ =	strace $0xD0000000  }
0x3: {  	_ = 	snop  }
0x4: {  	_ = 	snop  }
0x5: {  	_ = 	snop  }
0x6: {  	_ = 	snop  }
0x7: {  	_ = 	snop  }
__scs_overlays_trampoline_lowered:
0x8: {  	[smem:$0x3FAE] =	sst s0  }
0x9: {  	[smem:$0x3FAF] =	sst s1  }
0xa: {  	[smem:$0x3FB0] =	sst s2  }
0xb: {  	[smem:$0x3FB1] =	sst s3  }
0xc: {  	[smem:$0x3FB2] =	sst s4  }
0xd: {  	[smem:$0x3FB3] =	sst s5  }
0xe: {  	[smem:$0x3FB4] =	sst s6  }
0xf: {  	[smem:$0x3FB5] =	sst s7  }
0x10: {  	[smem:$0x3FB6] =	sst s8  }
0x11: {  	[smem:$0x3FB7] =	sst s9;
	s0 =	simm.s32 @!p0 $0x0  }
0x12: {  	s1 =	sld [smem:$0x3F9D];
	s0 =	simm.s32 @p0 $0x1  }
0x13: {  	[smem:$0x3FB8] =	sst s0;
	s0 =	simm.s32 @!p1 $0x0  }
0x14: {  	s2 =	sld [smem:$0x3F9C];
	s0 =	simm.s32 @p1 $0x1  }
0x15: {  	[smem:$0x3FB9] =	sst s0;
	s0 =	simm.s32 @!p2 $0x0  }
0x16: {  	s3 =	sld [smem:$0x3FDB];
	s0 =	simm.s32 @p2 $0x1  }
0x17: {  	s4 =	simm.s32 $0x1BF5;
	[smem:$0x3FBB] =	sst s0  }
0x18: {  	s0 =	sld [smem:$0x3F9E];
	_ =	swait.ge [sflag:s4], $0x0  }
0x19: {  	s7 =	sld [smem:$0x3F9F]  }
0x1a: {  	s8 =	sadd.s32 $0xFFFFE003, lr  }
0x1b: {  	s9 =	sadd.s32 $0xFFFFFEF7, lr;
	s5 =	simm.s32 $0xFFFFFFFF;
	p2 =	slt.u32 s8, $0xFFFFF086  }
0x1c: {  	p1 =	slt.u32 s9, $0xF7A;
	s5 =	simm.s32 @!p2 $0x0  }
0x1d: {  	s5 =	simm.s32 @p1 $0x1;
	p0 =	seq.s32 s7, s2  }
0x1e: {  	s7 =	smul.u32 @!p0 $0xF7A, s2;
	p2 =	seq.s32 @!p0 s5, $0x0  }
0x1f: {  	s9 =	smul.u32 $0xF7A, s1;
	s8 =	simm.s32 @!p0 $0x1BF5;
	p2 =	por !p2, p0  }
0x20: {  	[sflag:s8] =	ssyncset.s32 @!p0 $0xFFFFF086;
	s6 =	sadd.s32 @!p0 s3, s7;
	s7 =	simm.s32 @!p0 $0x108  }
0x21: {  	s3 =	sadd.s32 s3, s9;
	s6 =	sadd.s32 @!p0 $0x88, s6;
	s7 =	simm.s32 @p2 $0x1082  }
0x22: {  	[simem:s7], [sflag:s8] =	dma.local @!p0 [hbm:s6], $0xF7A  }
0x23: {  	s9 =	sor.u32 $0xD0000000, s2;
	s6 =	simm.s32 $0x108;
	_ =	swait.ge @!p0 [sflag:s8], $0x0  }
0x24: {  	s3 =	sadd.s32 $0x88, s3;
	s6 =	simm.s32 @!p1 $0x1082;
	[sflag:s4] =	ssyncset.s32 $0xFFFFF086  }
0x25: {  	[simem:s6], [sflag:s4] =	dma.local [hbm:s3], $0xF7A  }
0x26: {  	[smem:$0x3F9F] =	sst s1;
	(tag) =	ssettag s2;
	_ =	strace s9  }
0x27: {  	s1 =	sld [smem:$0x3FAF]  }
0x28: {  	s2 =	sld [smem:$0x3FB0]  }
0x29: {  	s4 =	sld [smem:$0x3FB2]  }
0x2a: {  	p0 =	seq.s32 s5, $0x0;
	s5 =	sld [smem:$0x3FB3]  }
0x2b: {  	s6 =	sld [smem:$0x3FB4]  }
0x2c: {  	s7 =	sld [smem:$0x3FB5]  }
0x2d: {  	s3 =	simm.s32 $0x108;
	s8 =	sld [smem:$0x3FB6]  }
0x2e: {  	s3 =	simm.s32 @!p0 $0x1082;
	s9 =	sld [smem:$0x3FB7]  }
0x2f: {  	lr =	sadd.s32 s0, s3;
	s0 =	sld [smem:$0x3FAE]  }
0x30: {  	s3 =	sld [smem:$0x3FB1]  }
0x31: {  	[smem:$0x3FBA] =	sst s10  }
0x32: {  	s10 =	sld [smem:$0x3FB8];
	_ =	sdelay $0x3  }
0x33: {  	p0 =	seq.s32 s10, $0x1;
	s10 =	sld [smem:$0x3FBA];
	_ =	sdelay $0x3  }
0x34: {  	[smem:$0x3FBA] =	sst s10  }
0x35: {  	s10 =	sld [smem:$0x3FB9];
	_ =	sdelay $0x3  }
0x36: {  	p1 =	seq.s32 s10, $0x1;
	s10 =	sld [smem:$0x3FBA];
	_ =	sdelay $0x3  }
0x37: {  	[smem:$0x3FBA] =	sst s10  }
0x38: {  	s10 =	sld [smem:$0x3FBB]  }
0x39: {  	_ = 	snop;
	(pc) =	sbr.ind lr, $3  }
0x3a: {  	_ = 	snop  }
0x3b: {  	_ = 	snop  }
0x3c: {  	p2 =	seq.s32 s10, $0x1;
	s10 =	sld [smem:$0x3FBA]  }
0x3d: {  	_ =	shalt  }
0x3e: {  	_ =	shalt  }
0x3f: {  	_ =	shalt  }
0x40: {  	_ =	shalt  }
0x41: {  	_ =	shalt  }
0x42: {  	_ =	shalt  }
0x43: {  	_ =	shalt  }
0x44: {  	_ =	shalt  }
0x45: {  	_ =	shalt  }
0x46: {  	_ =	shalt  }
0x47: {  	_ =	shalt  }
0x48: {  	_ =	shalt  }
0x49: {  	_ =	shalt  }
0x4a: {  	_ =	shalt  }
0x4b: {  	_ =	shalt  }
0x4c: {  	_ =	shalt  }
0x4d: {  	_ =	shalt  }
0x4e: {  	_ =	shalt  }
0x4f: {  	_ =	shalt  }
0x50: {  	_ =	shalt  }
0x51: {  	_ =	shalt  }
0x52: {  	_ =	shalt  }
0x53: {  	_ =	shalt  }
0x54: {  	_ =	shalt  }
0x55: {  	_ =	shalt  }
0x56: {  	_ =	shalt  }
0x57: {  	_ =	shalt  }
0x58: {  	_ =	shalt  }
0x59: {  	_ =	shalt  }
0x5a: {  	_ =	shalt  }
0x5b: {  	_ =	shalt  }
0x5c: {  	_ =	shalt  }
0x5d: {  	_ =	shalt  }
0x5e: {  	_ =	shalt  }
0x5f: {  	_ =	shalt  }
0x60: {  	_ =	shalt  }
0x61: {  	_ =	shalt  }
0x62: {  	_ =	shalt  }
0x63: {  	_ =	shalt  }
0x64: {  	_ =	shalt  }
0x65: {  	_ =	shalt  }
0x66: {  	_ =	shalt  }
0x67: {  	_ =	shalt  }
0x68: {  	_ =	shalt  }
0x69: {  	_ =	shalt  }
0x6a: {  	_ =	shalt  }
0x6b: {  	_ =	shalt  }
0x6c: {  	_ =	shalt  }
0x6d: {  	_ =	shalt  }
0x6e: {  	_ =	shalt  }
0x6f: {  	_ =	shalt  }
0x70: {  	_ =	shalt  }
0x71: {  	_ =	shalt  }
0x72: {  	_ =	shalt  }
0x73: {  	_ =	shalt  }
0x74: {  	_ =	shalt  }
0x75: {  	_ =	shalt  }
0x76: {  	_ =	shalt  }
0x77: {  	_ =	shalt  }
0x78: {  	_ =	shalt  }
0x79: {  	_ =	shalt  }
0x7a: {  	_ =	shalt  }
0x7b: {  	_ =	shalt  }
0x7c: {  	_ =	shalt  }
0x7d: {  	_ =	shalt  }
0x7e: {  	_ =	shalt  }
0x7f: {  	_ =	shalt  }
0x80: {  	_ =	shalt  }
0x81: {  	_ =	shalt  }
0x82: {  	_ =	shalt  }
0x83: {  	_ =	shalt  }
0x84: {  	_ =	shalt  }
0x85: {  	_ =	shalt  }
0x86: {  	_ =	shalt  }
0x87: {  	_ =	shalt  }
.Lfunc_end0:
.L_simem_size_0:
called_computation.1_lowered:
.L_overlay_start_0:
0x88: {  	s2 =	sld [smem:$0x3FD9]  }
0x89: {  	s3 =	sld [smem:$0x3FFE];
	_ =	sdelay $0x1  }
0x8a: {  	s1 =	srdreg.scid  }
0x8b: {  	s0 =	sand.u32 $0x1, s1  }
0x8c: {  	s17 =	sshll.u32 s0, $0xA;
	s2 =	sadd.s32 s3, s2  }
0x8d: {  	s2 =	sadd.s32 s2, s17  }
0x8e: {  	[smem:$0x3FC6] =	sst s2  }
0x8f: {  	_ = 	snop  }
0x90: {  	s2 =	sld [smem:$0x3FD0];
	(tm) =	ssettm $0x1  }
0x91: {  	s18 =	sld [smem:$0x3FFB];
	_ =	sdelay $0x3  }
0x92: {  	_ =	strace s18  }
0x93: {  	s3 =	sld [smem:$0x3FFC];
	_ =	sdelay $0x3  }
0x94: {  	_ =	strace s3  }
0x95: {  	s3 =	sld [smem:$0x3FFD];
	_ =	sdelay $0x3  }
0x96: {  	_ =	strace s3  }
0x97: {  	_ =	strace $0x8FFFFFFF  }
0x98: {  	s19 =	sld [smem:$0x3FDB];
	_ =	sdelay $0x1  }
0x99: {  	s4 =	simm.s32 $_scs_section_size  }
0x9a: {  	s5 =	simm.s32 $_size__tile_overlayer_lowered;
	s6 =	simm.s32 $_tile_overlayer_lowered  }
0x9b: {  	s22 =	simm.s32 $0x1BFF;
	s21 =	sshll.u32 s6, $0x1;
	s3 =	sadd.s32 s4, s19  }
0x9c: {  	s7 =	simm.s32 $0x0;
	s20 =	sshll.u32 s5, $0x1;
	s5 =	sadd.s32 s21, s3  }
0x9d: {  	[timem:s7], [sflag:s22] =	dma.local [hbm:s5], s20  }
0x9e: {  	_ =	swait.ge [sflag:s22], s20  }
0x9f: {  	s4 =	ssub.s32 $0x0, s20;
	[sflag:s22] =	ssyncset.done $0x0  }
0xa0: {  	[sflag:s22] =	ssyncadd.s32 s4;
	_ =	sdelay $0x1  }
0xa1: {  	s23 =	simm.s32 $0x1B8B  }
0xa2: {  	_ =	swait.ge [sflag:s23], $0x1  }
0xa3: {  	[sflag:s23] =	ssyncset.done $0x0  }
0xa4: {  	s25 =	simm.s32 $0x1B8E;
	s24 =	sld [smem:$0x3FFE];
	[sflag:s23] =	ssyncadd.s32 $0xFFFFFFFF  }
0xa5: {  	s26 =	simm.s32 $execute0_lowered;
	[smem:$0x3FD2] =	sst s25  }
0xa6: {  	s5 =	sshll.u32 s26, $0x1;
	_ =	strace $0x80000049;
	[dreg:$0x1] =	wrdreg $0xFFFFFFFF  }
0xa7: {  	s28 =	simm.s32 $_size_execute0_lowered;
	s3 =	sadd.s32 s3, s5;
	[dreg:$0x0] =	wrdreg $0x0  }
0xa8: {  	s5 =	sshll.u32 s28, $0x1;
	[dreg:$0x2] =	wrdreg s3  }
0xa9: {  	[dreg:$0x3] =	wrdreg s5  }
0xaa: {  	[dreg:$0x4] =	wrdreg $0xC0  }
0xab: {  	_ =	task [dreg:s7], $0x5FFFF  }
0xac: {  	[dreg:$0x1] =	wrdreg $0xFFFFFFFF  }
0xad: {  	[dreg:$0x0] =	wrdreg $0x60  }
0xae: {  	[dreg:$0x2] =	wrdreg s24  }
0xaf: {  	[dreg:$0x3] =	wrdreg s2  }
0xb0: {  	[dreg:$0x4] =	wrdreg $0x9  }
0xb1: {  	_ =	task.clear_ibuf [dreg:s7], $0x5FFFF;
	_ =	strace $0x90000049  }
0xb2: {  	s29 =	simm.s32 $0x9;
	_ =	strace $0x8000004B  }
0xb3: {  	_ =	swait.ge [sflag:s29], $0x1  }
0xb4: {  	[sflag:s29] =	ssyncadd.s32 $0xFFFFFFFF  }
0xb5: {  	_ =	strace $0x9000004B  }
0xb6: {  	_ =	sfence  }
0xb7: {  	s30 =	sld [smem:$0x0];
	_ =	sdelay $0x2  }
0xb8: {  	s31 =	sshll.u32 s1, $0xD;
	s1 =	sshrl.u32 s1, $0x2  }
0xb9: {  	s3 =	sand.u32 $0x4000, s31;
	s1 =	sadd.s32 s1, s30  }
0xba: {  	s0 =	sor.u32 s3, s0;
	s1 =	sshll.u32 s1, $0x11  }
0xbb: {  	s0 =	sor.u32 s1, s0  }
0xbc: {  	s0 =	sadd.s32 $0x8F2B, s0  }
0xbd: {  	[sflag:s0] =	ssyncadd.remote.s32 $0x1  }
0xbe: {  	_ =	sfence.sel $0xFFFF  }
0xbf: {  	[dreg:$0x0] =	wrdreg $0xFFFFFFFF;
	(pc) =	sbr.abs _section_cstart, $3  }
0xc0: {  	[dreg:$0x1] =	wrdreg $0xFFFFFFFF  }
0xc1: {  	_ =	task.clear_ibuf [dreg:s7], $0x2FFFF;
	_ =	strace $0x9FFFFFFF  }
0xc2: {  	(tm) =	ssettm $0x7FFFFFFF  }
0xc3: {  	_ =	shalt  }
tec
execute0_lowered:
.L_overlay_start_1:
0x0: {  	(tag) =	ssettag $0x1  }
0x1: {  	v0 =	vlaneseq.u32  }
0x2: {  	v1 =	vmul.u32 $0x40, v0;
	v2 =	vshrl.u32 v0, $0x3;
	v3 =	vand.u32 $0x7, v0  }
0x3: {  	s5 =	rddreg [dreg:$0x0];
	v5 =	vor.u32 $0x10, v0;
	v7 =	vor.u32 $0x20, v0;
	v9 =	vor.u32 $0x30, v0  }
0x4: {  	s1 =	rddreg [dreg:$0x1];
	v11 =	vor.u32 $0x40, v0;
	v13 =	vor.u32 $0x50, v0;
	v15 =	vor.u32 $0x60, v0  }
0x5: {  	s0 =	rddreg [dreg:$0x2];
	v17 =	vor.u32 $0x70, v0;
	v2 =	vmul.u32 $0x8, v2;
	v19 =	vor.u32 $0x800, v3  }
0x6: {  	s4 =	srdreg.scid;
	s2 =	stileid.u32;
	v28 =	vor.u32 $0x1000, v3;
	v37 =	vor.u32 $0x1800, v3;
	v4 =	vor.u32 $0x400, v1  }
0x7: {  	s3 =	simm.s32 $0x0;
	s10 =	simm.s32 $0x5;
	s11 =	simm.s32 $0x80;
	v6 =	vor.u32 $0x800, v1;
	v8 =	vor.u32 $0xC00, v1;
	v10 =	vor.u32 $0x1000, v1  }
0x8: {  	s12 =	simm.s32 $0x6400;
	s13 =	simm.s32 $0x8400;
	s14 =	simm.s32 $0x1;
	v12 =	vor.u32 $0x1400, v1;
	v14 =	vor.u32 $0x1800, v1;
	v16 =	vor.u32 $0x1C00, v1  }
0x9: {  	s15 =	simm.s32 $0xA400;
	s16 =	simm.s32 $0x400;
	s17 =	simm.s32 $0x20000;
	v18 =	vor.u32 $0x10, v1;
	v20 =	vor.u32 $0x410, v1;
	v21 =	vor.u32 $0x810, v1  }
0xa: {  	s18 =	simm.s32 $0x2;
	s19 =	simm.s32 $0xC400;
	s20 =	simm.s32 $0x3;
	v22 =	vor.u32 $0xC10, v1;
	v23 =	vor.u32 $0x1010, v1;
	v24 =	vor.u32 $0x1410, v1  }
0xb: {  	s21 =	simm.s32 $0x4;
	s4 =	sand.u32 $0x1, s4;
	s6 =	sshll.u32 s2, $0x1;
	v25 =	vor.u32 $0x1810, v1;
	v26 =	vor.u32 $0x1C10, v1;
	v27 =	vor.u32 $0x20, v1  }
0xc: {  	s22 =	simm.s32 $0x0;
	[smem:$0x7FF] =	sst s3;
	s6 =	sor.u32 s4, s6;
	v29 =	vor.u32 $0x420, v1;
	v30 =	vor.u32 $0x820, v1;
	v31 =	vor.u32 $0xC20, v1  }
0xd: {  	s7 =	ssub.s32 $0x2, s4;
	_ =	strace $0x8000004A;
	s4 =	sadd.s32 $0xA00, s5;
	v32 =	vor.u32 $0x1020, v1;
	v33 =	vor.u32 $0x1420, v1;
	v34 =	vor.u32 $0x1820, v1  }
0xe: {  	s8 =	sshll.u32 s6, $0x6;
	s9 =	sshrl.u32 s7, $0x1;
	s6 =	sshll.u32 s6, $0x2;
	v35 =	vor.u32 $0x1C20, v1;
	v36 =	vor.u32 $0x30, v1;
	v38 =	vor.u32 $0x430, v1  }
0xf: {  	v39 =	vor.u32 $0x830, v1;
	v40 =	vor.u32 $0xC30, v1;
	v41 =	vor.u32 $0x1030, v1;
	s5 =	sadd.s32 s8, s5;
	s7 =	ssub.s32 s7, s9;
	s8 =	simm.s32 $0x200  }
0x10: {  	v42 =	vor.u32 $0x1430, v1;
	v43 =	vor.u32 $0x1830, v1;
	v44 =	vor.u32 $0x1C30, v1;
	s9 =	simm.s32 $0x4000;
	s5 =	sadd.s32 $0x7A1C00, s5;
	s7 =	smax.u32 s7, $0x1  }
.LBB2_1:
0x11: {  	[tilespmem:s3], [sflag:$0x5] =	stream.strided.gather [hbm4b:s5+s8], $0x6400, s9, s8, $0x38;
	[tilespmem:$0xE400] =	vst v63  }
0x12: {  	_ =	swait.ge [sflag:s10], $0x6400  }
0x13: {  	[sflag:s10] =	ssyncset.done $0x0  }
0x14: {  	s23 =	simm.s32 $0x0;
	[sflag:s10] =	ssyncadd.s32 $0xFFFF9C00  }
0x15: {  	[tilespmem:s12], [sflag:$0x1] =	stream.indirect.gather [hbm4b:s4+s11], $0x40, s3, s11, $0xb8;
	[tilespmem:$0xE400] =	vst v63  }
.LBB2_2:
0x16: {  	s24 =	sshllo.u32 s23, $0x1  }
0x17: {  	s26 =	sshll.u32 s23, $0x8;
	s25 =	sshll.u32 s24, $0x7  }
0x18: {  	s26 =	sand.u32 $0x7E00, s26;
	s25 =	sand.u32 $0x180, s25  }
0x19: {  	s30 =	simm.s32 $0x0;
	s25 =	sor.u32 s25, s26  }
0x1a: {  	v45 =	vadd.s32 s30, v0;
	[tilespmem:s13], [sflag:$0x2] =	stream.indirect.gather [hbm4b:s4+s11], $0x40, s25, s11, $0xb8;
	[tilespmem:$0xE400] =	vst v63  }
0x1b: {  	v46 =	vand.u32 $0xF, v45;
	_ =	swait.ge [sflag:s14], $0x2000  }
0x1c: {  	p0 =	seq.s32 s23, $0x0;
	v47 =	vor.u32 v1, v46;
	[sflag:s14] =	ssyncset.done $0x0  }
0x1d: {  	s25 =	simm.s32 @!p0 $0x3;
	[sflag:s14] =	ssyncadd.s32 $0xFFFFE000  }
0x1e: {  	v45 =	vshll.u32 v45, $0x7;
	_ =	swait.ge @!p0 [sflag:s25], $0x2000  }
0x1f: {  	v48 =	vand.u32 $0x380, v45;
	v49 =	vand.u32 $0x400, v45;
	[sflag:s25] =	ssyncset.done @!p0 $0x0  }
0x20: {  	v48 =	vor.u32 v2, v48;
	v50 =	vor.u32 v3, v49;
	[sflag:s25] =	ssyncadd.s32 @!p0 $0xFFFFE000  }
0x21: {  	v51 =	vor.u32 v48, v50;
	v47 =	vld.idx.msk [tilespmem:v47+s12+$0x0], $0xffff  }
0x22: {  	v52 =	vor.u32 v4, v46;
	_ =	sdelay $0x2  }
0x23: {  	v53 =	vor.u32 v5, v45  }
0x24: {  	[tilespmem:v51+s15+$0x0] =	vst.idx.msk $0xffff, v47;
	v51 =	vand.u32 $0x398, v53  }
0x25: {  	v47 =	vld.idx.msk [tilespmem:v52+s12+$0x0], $0xffff;
	v57 =	vor.u32 v51, v50  }
0x26: {  	v58 =	vor.u32 v6, v46;
	_ =	sdelay $0x2  }
0x27: {  	v54 =	vor.u32 v7, v45  }
0x28: {  	v52 =	vand.u32 $0x3A8, v54;
	[tilespmem:v57+s15+$0x0] =	vst.idx.msk $0xffff, v47  }
0x29: {  	v59 =	vor.u32 v52, v50;
	v47 =	vld.idx.msk [tilespmem:v58+s12+$0x0], $0xffff  }
0x2a: {  	v60 =	vor.u32 v8, v46;
	_ =	sdelay $0x2  }
0x2b: {  	v55 =	vor.u32 v9, v45  }
0x2c: {  	v53 =	vand.u32 $0x3B8, v55;
	[tilespmem:v59+s15+$0x0] =	vst.idx.msk $0xffff, v47  }
0x2d: {  	v61 =	vor.u32 v53, v50;
	v47 =	vld.idx.msk [tilespmem:v60+s12+$0x0], $0xffff  }
0x2e: {  	v62 =	vor.u32 v10, v46;
	_ =	sdelay $0x2  }
0x2f: {  	v56 =	vor.u32 v11, v45  }
0x30: {  	v54 =	vand.u32 $0x3C8, v56;
	[tilespmem:v61+s15+$0x0] =	vst.idx.msk $0xffff, v47  }
0x31: {  	v63 =	vor.u32 v54, v50;
	v47 =	vld.idx.msk [tilespmem:v62+s12+$0x0], $0xffff  }
0x32: {  	v60 =	vor.u32 v12, v46;
	_ =	sdelay $0x2  }
0x33: {  	v57 =	vor.u32 v13, v45  }
0x34: {  	v55 =	vand.u32 $0x3D8, v57;
	[tilespmem:v63+s15+$0x0] =	vst.idx.msk $0xffff, v47  }
0x35: {  	v61 =	vor.u32 v55, v50;
	v47 =	vld.idx.msk [tilespmem:v60+s12+$0x0], $0xffff  }
0x36: {  	v62 =	vor.u32 v14, v46;
	_ =	sdelay $0x2  }
0x37: {  	v58 =	vor.u32 v15, v45  }
0x38: {  	v56 =	vand.u32 $0x3E8, v58;
	[tilespmem:v61+s15+$0x0] =	vst.idx.msk $0xffff, v47  }
0x39: {  	v63 =	vor.u32 v56, v50;
	v47 =	vld.idx.msk [tilespmem:v62+s12+$0x0], $0xffff  }
0x3a: {  	v60 =	vor.u32 v16, v46;
	_ =	sdelay $0x2  }
0x3b: {  	v45 =	vor.u32 v17, v45  }
0x3c: {  	v45 =	vand.u32 $0x3F8, v45;
	[tilespmem:v63+s15+$0x0] =	vst.idx.msk $0xffff, v47  }
0x3d: {  	v50 =	vor.u32 v45, v50;
	v47 =	vld.idx.msk [tilespmem:v60+s12+$0x0], $0xffff  }
0x3e: {  	v61 =	vor.u32 v18, v46;
	_ =	sdelay $0x3  }
0x3f: {  	[tilespmem:v50+s15+$0x0] =	vst.idx.msk $0xffff, v47;
	v47 =	vor.u32 v19, v49  }
0x40: {  	v50 =	vld.idx.msk [tilespmem:v61+s12+$0x0], $0xffff;
	v62 =	vor.u32 v48, v47  }
0x41: {  	v63 =	vor.u32 v20, v46;
	_ =	sdelay $0x3  }
0x42: {  	[tilespmem:v62+s15+$0x0] =	vst.idx.msk $0xffff, v50  }
0x43: {  	v60 =	vor.u32 v51, v47;
	v50 =	vld.idx.msk [tilespmem:v63+s12+$0x0], $0xffff  }
0x44: {  	v61 =	vor.u32 v21, v46;
	_ =	sdelay $0x3  }
0x45: {  	[tilespmem:v60+s15+$0x0] =	vst.idx.msk $0xffff, v50  }
0x46: {  	v62 =	vor.u32 v52, v47;
	v50 =	vld.idx.msk [tilespmem:v61+s12+$0x0], $0xffff  }
0x47: {  	v63 =	vor.u32 v22, v46;
	_ =	sdelay $0x3  }
0x48: {  	[tilespmem:v62+s15+$0x0] =	vst.idx.msk $0xffff, v50  }
0x49: {  	v60 =	vor.u32 v53, v47;
	v50 =	vld.idx.msk [tilespmem:v63+s12+$0x0], $0xffff  }
0x4a: {  	v61 =	vor.u32 v23, v46;
	_ =	sdelay $0x3  }
0x4b: {  	[tilespmem:v60+s15+$0x0] =	vst.idx.msk $0xffff, v50  }
0x4c: {  	v62 =	vor.u32 v54, v47;
	v50 =	vld.idx.msk [tilespmem:v61+s12+$0x0], $0xffff  }
0x4d: {  	v63 =	vor.u32 v24, v46;
	_ =	sdelay $0x3  }
0x4e: {  	[tilespmem:v62+s15+$0x0] =	vst.idx.msk $0xffff, v50  }
0x4f: {  	v60 =	vor.u32 v55, v47;
	v50 =	vld.idx.msk [tilespmem:v63+s12+$0x0], $0xffff  }
0x50: {  	v61 =	vor.u32 v25, v46;
	_ =	sdelay $0x3  }
0x51: {  	[tilespmem:v60+s15+$0x0] =	vst.idx.msk $0xffff, v50  }
0x52: {  	v62 =	vor.u32 v56, v47;
	v50 =	vld.idx.msk [tilespmem:v61+s12+$0x0], $0xffff  }
0x53: {  	v63 =	vor.u32 v26, v46;
	_ =	sdelay $0x3  }
0x54: {  	[tilespmem:v62+s15+$0x0] =	vst.idx.msk $0xffff, v50  }
0x55: {  	v47 =	vor.u32 v45, v47;
	v50 =	vld.idx.msk [tilespmem:v63+s12+$0x0], $0xffff  }
0x56: {  	v60 =	vor.u32 v27, v46;
	_ =	sdelay $0x3  }
0x57: {  	[tilespmem:v47+s15+$0x0] =	vst.idx.msk $0xffff, v50;
	v47 =	vor.u32 v28, v49  }
0x58: {  	v50 =	vld.idx.msk [tilespmem:v60+s12+$0x0], $0xffff;
	v61 =	vor.u32 v48, v47  }
0x59: {  	v62 =	vor.u32 v29, v46;
	_ =	sdelay $0x3  }
0x5a: {  	[tilespmem:v61+s15+$0x0] =	vst.idx.msk $0xffff, v50  }
0x5b: {  	v63 =	vor.u32 v51, v47;
	v50 =	vld.idx.msk [tilespmem:v62+s12+$0x0], $0xffff  }
0x5c: {  	v60 =	vor.u32 v30, v46;
	_ =	sdelay $0x3  }
0x5d: {  	[tilespmem:v63+s15+$0x0] =	vst.idx.msk $0xffff, v50  }
0x5e: {  	v61 =	vor.u32 v52, v47;
	v50 =	vld.idx.msk [tilespmem:v60+s12+$0x0], $0xffff  }
0x5f: {  	v62 =	vor.u32 v31, v46;
	_ =	sdelay $0x3  }
0x60: {  	[tilespmem:v61+s15+$0x0] =	vst.idx.msk $0xffff, v50  }
0x61: {  	v63 =	vor.u32 v53, v47;
	v50 =	vld.idx.msk [tilespmem:v62+s12+$0x0], $0xffff  }
0x62: {  	v60 =	vor.u32 v32, v46;
	_ =	sdelay $0x3  }
0x63: {  	[tilespmem:v63+s15+$0x0] =	vst.idx.msk $0xffff, v50  }
0x64: {  	v61 =	vor.u32 v54, v47;
	v50 =	vld.idx.msk [tilespmem:v60+s12+$0x0], $0xffff  }
0x65: {  	v62 =	vor.u32 v33, v46;
	_ =	sdelay $0x3  }
0x66: {  	[tilespmem:v61+s15+$0x0] =	vst.idx.msk $0xffff, v50  }
0x67: {  	v63 =	vor.u32 v55, v47;
	v50 =	vld.idx.msk [tilespmem:v62+s12+$0x0], $0xffff  }
0x68: {  	v60 =	vor.u32 v34, v46;
	_ =	sdelay $0x3  }
0x69: {  	[tilespmem:v63+s15+$0x0] =	vst.idx.msk $0xffff, v50  }
0x6a: {  	v61 =	vor.u32 v56, v47;
	v50 =	vld.idx.msk [tilespmem:v60+s12+$0x0], $0xffff  }
0x6b: {  	v62 =	vor.u32 v35, v46;
	_ =	sdelay $0x3  }
0x6c: {  	[tilespmem:v61+s15+$0x0] =	vst.idx.msk $0xffff, v50  }
0x6d: {  	v47 =	vor.u32 v45, v47;
	v50 =	vld.idx.msk [tilespmem:v62+s12+$0x0], $0xffff  }
0x6e: {  	v63 =	vor.u32 v36, v46;
	_ =	sdelay $0x3  }
0x6f: {  	[tilespmem:v47+s15+$0x0] =	vst.idx.msk $0xffff, v50;
	v47 =	vor.u32 v37, v49  }
0x70: {  	v59 =	vld.idx.msk [tilespmem:v63+s12+$0x0], $0xffff;
	v48 =	vor.u32 v48, v47  }
0x71: {  	v60 =	vor.u32 v38, v46;
	_ =	sdelay $0x3  }
0x72: {  	[tilespmem:v48+s15+$0x0] =	vst.idx.msk $0xffff, v59  }
0x73: {  	v61 =	vor.u32 v51, v47;
	v48 =	vld.idx.msk [tilespmem:v60+s12+$0x0], $0xffff  }
0x74: {  	v62 =	vor.u32 v39, v46;
	_ =	sdelay $0x3  }
0x75: {  	[tilespmem:v61+s15+$0x0] =	vst.idx.msk $0xffff, v48  }
0x76: {  	v63 =	vor.u32 v52, v47;
	v48 =	vld.idx.msk [tilespmem:v62+s12+$0x0], $0xffff  }
0x77: {  	v52 =	vor.u32 v40, v46;
	_ =	sdelay $0x3  }
0x78: {  	[tilespmem:v63+s15+$0x0] =	vst.idx.msk $0xffff, v48  }
0x79: {  	v57 =	vor.u32 v53, v47;
	v48 =	vld.idx.msk [tilespmem:v52+s12+$0x0], $0xffff  }
0x7a: {  	v58 =	vor.u32 v41, v46;
	_ =	sdelay $0x3  }
0x7b: {  	[tilespmem:v57+s15+$0x0] =	vst.idx.msk $0xffff, v48  }
0x7c: {  	v59 =	vor.u32 v54, v47;
	v48 =	vld.idx.msk [tilespmem:v58+s12+$0x0], $0xffff  }
0x7d: {  	v60 =	vor.u32 v42, v46;
	_ =	sdelay $0x3  }
0x7e: {  	[tilespmem:v59+s15+$0x0] =	vst.idx.msk $0xffff, v48  }
0x7f: {  	v61 =	vor.u32 v55, v47;
	v48 =	vld.idx.msk [tilespmem:v60+s12+$0x0], $0xffff  }
0x80: {  	v62 =	vor.u32 v43, v46;
	_ =	sdelay $0x3  }
0x81: {  	[tilespmem:v61+s15+$0x0] =	vst.idx.msk $0xffff, v48  }
0x82: {  	v63 =	vor.u32 v56, v47;
	v48 =	vld.idx.msk [tilespmem:v62+s12+$0x0], $0xffff  }
0x83: {  	v46 =	vor.u32 v44, v46;
	_ =	sdelay $0x3  }
0x84: {  	s31 =	simm.s32 $0x1;
	[tilespmem:v63+s15+$0x0] =	vst.idx.msk $0xffff, v48  }
0x85: {  	s26 =	sshll.u32 s23, $0x1;
	s25 =	simm.s32 $0x2;
	v49 =	vadd.s32 s31, v0;
	v48 =	vld.idx.msk [tilespmem:v46+s12+$0x0], $0xffff  }
.LBB2_3:
0x86: {  	p1 =	sne.s32 s25, $0xF;
	v46 =	vand.u32 $0xF, v49;
	v45 =	vor.u32 v45, v47  }
0x87: {  	v50 =	vor.u32 v1, v46;
	_ =	sdelay $0x2  }
0x88: {  	v55 =	vshll.u32 v49, $0x7  }
0x89: {  	v49 =	vand.u32 $0x380, v55;
	v47 =	vand.u32 $0x400, v55;
	[tilespmem:v45+s15+$0x0] =	vst.idx.msk $0xffff, v48  }
0x8a: {  	v56 =	vor.u32 v3, v47;
	v48 =	vor.u32 v2, v49;
	v45 =	vld.idx.msk [tilespmem:v50+s12+$0x0], $0xffff  }
0x8b: {  	v49 =	vor.u32 v48, v56  }
0x8c: {  	v50 =	vor.u32 v4, v46;
	_ =	sdelay $0x3  }
0x8d: {  	[tilespmem:v49+s15+$0x0] =	vst.idx.msk $0xffff, v45;
	v45 =	vor.u32 v5, v55  }
0x8e: {  	v50 =	vld.idx.msk [tilespmem:v50+s12+$0x0], $0xffff;
	v49 =	vand.u32 $0x398, v45  }
0x8f: {  	v45 =	vor.u32 v49, v56  }
0x90: {  	v51 =	vor.u32 v6, v46;
	_ =	sdelay $0x3  }
0x91: {  	[tilespmem:v45+s15+$0x0] =	vst.idx.msk $0xffff, v50;
	v45 =	vor.u32 v7, v55  }
0x92: {  	v51 =	vld.idx.msk [tilespmem:v51+s12+$0x0], $0xffff;
	v50 =	vand.u32 $0x3A8, v45  }
0x93: {  	v45 =	vor.u32 v50, v56  }
0x94: {  	v52 =	vor.u32 v8, v46;
	_ =	sdelay $0x3  }
0x95: {  	[tilespmem:v45+s15+$0x0] =	vst.idx.msk $0xffff, v51;
	v45 =	vor.u32 v9, v55  }
0x96: {  	v52 =	vld.idx.msk [tilespmem:v52+s12+$0x0], $0xffff;
	v51 =	vand.u32 $0x3B8, v45  }
0x97: {  	v45 =	vor.u32 v51, v56  }
0x98: {  	v53 =	vor.u32 v10, v46;
	_ =	sdelay $0x3  }
0x99: {  	[tilespmem:v45+s15+$0x0] =	vst.idx.msk $0xffff, v52;
	v45 =	vor.u32 v11, v55  }
0x9a: {  	v53 =	vld.idx.msk [tilespmem:v53+s12+$0x0], $0xffff;
	v52 =	vand.u32 $0x3C8, v45  }
0x9b: {  	v45 =	vor.u32 v52, v56  }
0x9c: {  	v54 =	vor.u32 v12, v46;
	_ =	sdelay $0x3  }
0x9d: {  	[tilespmem:v45+s15+$0x0] =	vst.idx.msk $0xffff, v53;
	v45 =	vor.u32 v13, v55  }
0x9e: {  	v54 =	vld.idx.msk [tilespmem:v54+s12+$0x0], $0xffff;
	v53 =	vand.u32 $0x3D8, v45  }
0x9f: {  	v45 =	vor.u32 v53, v56  }
0xa0: {  	v57 =	vor.u32 v14, v46;
	_ =	sdelay $0x3  }
0xa1: {  	[tilespmem:v45+s15+$0x0] =	vst.idx.msk $0xffff, v54;
	v45 =	vor.u32 v15, v55  }
0xa2: {  	v57 =	vld.idx.msk [tilespmem:v57+s12+$0x0], $0xffff;
	v54 =	vand.u32 $0x3E8, v45  }
0xa3: {  	v45 =	vor.u32 v54, v56  }
0xa4: {  	v58 =	vor.u32 v16, v46;
	_ =	sdelay $0x3  }
0xa5: {  	[tilespmem:v45+s15+$0x0] =	vst.idx.msk $0xffff, v57;
	v45 =	vor.u32 v17, v55  }
0xa6: {  	v55 =	vld.idx.msk [tilespmem:v58+s12+$0x0], $0xffff;
	v45 =	vand.u32 $0x3F8, v45  }
0xa7: {  	v56 =	vor.u32 v45, v56  }
0xa8: {  	v57 =	vor.u32 v18, v46;
	_ =	sdelay $0x3  }
0xa9: {  	[tilespmem:v56+s15+$0x0] =	vst.idx.msk $0xffff, v55  }
0xaa: {  	v56 =	vor.u32 v19, v47;
	v55 =	vld.idx.msk [tilespmem:v57+s12+$0x0], $0xffff  }
0xab: {  	v57 =	vor.u32 v48, v56  }
0xac: {  	v58 =	vor.u32 v20, v46;
	_ =	sdelay $0x3  }
0xad: {  	[tilespmem:v57+s15+$0x0] =	vst.idx.msk $0xffff, v55  }
0xae: {  	v55 =	vld.idx.msk [tilespmem:v58+s12+$0x0], $0xffff  }
0xaf: {  	v57 =	vor.u32 v49, v56  }
0xb0: {  	v58 =	vor.u32 v21, v46;
	_ =	sdelay $0x3  }
0xb1: {  	[tilespmem:v57+s15+$0x0] =	vst.idx.msk $0xffff, v55  }
0xb2: {  	v55 =	vld.idx.msk [tilespmem:v58+s12+$0x0], $0xffff  }
0xb3: {  	v57 =	vor.u32 v50, v56  }
0xb4: {  	v58 =	vor.u32 v22, v46;
	_ =	sdelay $0x3  }
0xb5: {  	[tilespmem:v57+s15+$0x0] =	vst.idx.msk $0xffff, v55  }
0xb6: {  	v55 =	vld.idx.msk [tilespmem:v58+s12+$0x0], $0xffff  }
0xb7: {  	v57 =	vor.u32 v51, v56  }
0xb8: {  	v58 =	vor.u32 v23, v46;
	_ =	sdelay $0x3  }
0xb9: {  	[tilespmem:v57+s15+$0x0] =	vst.idx.msk $0xffff, v55  }
0xba: {  	v55 =	vld.idx.msk [tilespmem:v58+s12+$0x0], $0xffff  }
0xbb: {  	v57 =	vor.u32 v52, v56  }
0xbc: {  	v58 =	vor.u32 v24, v46;
	_ =	sdelay $0x3  }
0xbd: {  	[tilespmem:v57+s15+$0x0] =	vst.idx.msk $0xffff, v55  }
0xbe: {  	v55 =	vld.idx.msk [tilespmem:v58+s12+$0x0], $0xffff  }
0xbf: {  	v57 =	vor.u32 v53, v56  }
0xc0: {  	v58 =	vor.u32 v25, v46;
	_ =	sdelay $0x3  }
0xc1: {  	[tilespmem:v57+s15+$0x0] =	vst.idx.msk $0xffff, v55  }
0xc2: {  	v55 =	vld.idx.msk [tilespmem:v58+s12+$0x0], $0xffff  }
0xc3: {  	v57 =	vor.u32 v54, v56  }
0xc4: {  	v58 =	vor.u32 v26, v46;
	_ =	sdelay $0x3  }
0xc5: {  	[tilespmem:v57+s15+$0x0] =	vst.idx.msk $0xffff, v55  }
0xc6: {  	v55 =	vld.idx.msk [tilespmem:v58+s12+$0x0], $0xffff  }
0xc7: {  	v56 =	vor.u32 v45, v56  }
0xc8: {  	v57 =	vor.u32 v27, v46;
	_ =	sdelay $0x3  }
0xc9: {  	[tilespmem:v56+s15+$0x0] =	vst.idx.msk $0xffff, v55  }
0xca: {  	v56 =	vor.u32 v28, v47;
	v55 =	vld.idx.msk [tilespmem:v57+s12+$0x0], $0xffff  }
0xcb: {  	v57 =	vor.u32 v48, v56  }
0xcc: {  	v58 =	vor.u32 v29, v46;
	_ =	sdelay $0x3  }
0xcd: {  	[tilespmem:v57+s15+$0x0] =	vst.idx.msk $0xffff, v55  }
0xce: {  	v55 =	vld.idx.msk [tilespmem:v58+s12+$0x0], $0xffff  }
0xcf: {  	v57 =	vor.u32 v49, v56  }
0xd0: {  	v58 =	vor.u32 v30, v46;
	_ =	sdelay $0x3  }
0xd1: {  	[tilespmem:v57+s15+$0x0] =	vst.idx.msk $0xffff, v55  }
0xd2: {  	v55 =	vld.idx.msk [tilespmem:v58+s12+$0x0], $0xffff  }
0xd3: {  	v57 =	vor.u32 v50, v56  }
0xd4: {  	v58 =	vor.u32 v31, v46;
	_ =	sdelay $0x3  }
0xd5: {  	[tilespmem:v57+s15+$0x0] =	vst.idx.msk $0xffff, v55  }
0xd6: {  	v55 =	vld.idx.msk [tilespmem:v58+s12+$0x0], $0xffff  }
0xd7: {  	v57 =	vor.u32 v51, v56  }
0xd8: {  	v58 =	vor.u32 v32, v46;
	_ =	sdelay $0x3  }
0xd9: {  	[tilespmem:v57+s15+$0x0] =	vst.idx.msk $0xffff, v55  }
0xda: {  	v55 =	vld.idx.msk [tilespmem:v58+s12+$0x0], $0xffff  }
0xdb: {  	v57 =	vor.u32 v52, v56  }
0xdc: {  	v58 =	vor.u32 v33, v46;
	_ =	sdelay $0x3  }
0xdd: {  	[tilespmem:v57+s15+$0x0] =	vst.idx.msk $0xffff, v55  }
0xde: {  	v55 =	vld.idx.msk [tilespmem:v58+s12+$0x0], $0xffff  }
0xdf: {  	v57 =	vor.u32 v53, v56  }
0xe0: {  	v58 =	vor.u32 v34, v46;
	_ =	sdelay $0x3  }
0xe1: {  	[tilespmem:v57+s15+$0x0] =	vst.idx.msk $0xffff, v55  }
0xe2: {  	v55 =	vld.idx.msk [tilespmem:v58+s12+$0x0], $0xffff  }
0xe3: {  	v57 =	vor.u32 v54, v56  }
0xe4: {  	v58 =	vor.u32 v35, v46;
	_ =	sdelay $0x3  }
0xe5: {  	[tilespmem:v57+s15+$0x0] =	vst.idx.msk $0xffff, v55  }
0xe6: {  	v55 =	vld.idx.msk [tilespmem:v58+s12+$0x0], $0xffff  }
0xe7: {  	v56 =	vor.u32 v45, v56  }
0xe8: {  	v57 =	vor.u32 v36, v46;
	_ =	sdelay $0x3  }
0xe9: {  	[tilespmem:v56+s15+$0x0] =	vst.idx.msk $0xffff, v55  }
0xea: {  	v47 =	vor.u32 v37, v47;
	v55 =	vld.idx.msk [tilespmem:v57+s12+$0x0], $0xffff  }
0xeb: {  	v48 =	vor.u32 v48, v47  }
0xec: {  	v56 =	vor.u32 v38, v46;
	_ =	sdelay $0x3  }
0xed: {  	[tilespmem:v48+s15+$0x0] =	vst.idx.msk $0xffff, v55  }
0xee: {  	v48 =	vld.idx.msk [tilespmem:v56+s12+$0x0], $0xffff  }
0xef: {  	v49 =	vor.u32 v49, v47  }
0xf0: {  	v55 =	vor.u32 v39, v46;
	_ =	sdelay $0x3  }
0xf1: {  	[tilespmem:v49+s15+$0x0] =	vst.idx.msk $0xffff, v48  }
0xf2: {  	v48 =	vld.idx.msk [tilespmem:v55+s12+$0x0], $0xffff  }
0xf3: {  	v49 =	vor.u32 v50, v47  }
0xf4: {  	v50 =	vor.u32 v40, v46;
	_ =	sdelay $0x3  }
0xf5: {  	[tilespmem:v49+s15+$0x0] =	vst.idx.msk $0xffff, v48  }
0xf6: {  	v48 =	vld.idx.msk [tilespmem:v50+s12+$0x0], $0xffff  }
0xf7: {  	v49 =	vor.u32 v51, v47  }
0xf8: {  	v50 =	vor.u32 v41, v46;
	_ =	sdelay $0x3  }
0xf9: {  	[tilespmem:v49+s15+$0x0] =	vst.idx.msk $0xffff, v48  }
0xfa: {  	v48 =	vld.idx.msk [tilespmem:v50+s12+$0x0], $0xffff  }
0xfb: {  	v49 =	vor.u32 v52, v47  }
0xfc: {  	v50 =	vor.u32 v42, v46;
	_ =	sdelay $0x3  }
0xfd: {  	[tilespmem:v49+s15+$0x0] =	vst.idx.msk $0xffff, v48  }
0xfe: {  	v48 =	vld.idx.msk [tilespmem:v50+s12+$0x0], $0xffff  }
0xff: {  	v49 =	vor.u32 v53, v47  }
0x100: {  	v50 =	vor.u32 v43, v46;
	_ =	sdelay $0x3  }
0x101: {  	[tilespmem:v49+s15+$0x0] =	vst.idx.msk $0xffff, v48  }
0x102: {  	v48 =	vld.idx.msk [tilespmem:v50+s12+$0x0], $0xffff  }
0x103: {  	v49 =	vor.u32 v54, v47  }
0x104: {  	v46 =	vor.u32 v44, v46  }
.Ltmp0:
0x105: {  	(pc) =	sbr.rel @p1 .LBB2_3-.Ltmp0, $3  }
0x106: {  	_ =	sdelay $0x1  }
0x107: {  	[tilespmem:v49+s15+$0x0] =	vst.idx.msk $0xffff, v48  }
0x108: {  	v49 =	vadd.s32 s25, v0;
	s25 =	sadd.s32 $0x1, s25;
	v48 =	vld.idx.msk [tilespmem:v46+s12+$0x0], $0xffff  }
0x109: {  	v46 =	vand.u32 $0xF, v49;
	v45 =	vor.u32 v45, v47  }
0x10a: {  	v58 =	vor.u32 v1, v46;
	_ =	sdelay $0x1  }
0x10b: {  	v49 =	vshll.u32 v49, $0x7  }
0x10c: {  	v50 =	vand.u32 $0x380, v49;
	v51 =	vand.u32 $0x400, v49  }
0x10d: {  	[tilespmem:v45+s15+$0x0] =	vst.idx.msk $0xffff, v48;
	v45 =	vor.u32 v2, v50;
	v48 =	vor.u32 v3, v51  }
0x10e: {  	v47 =	vld.idx.msk [tilespmem:v58+s12+$0x0], $0xffff;
	v50 =	vor.u32 v45, v48  }
0x10f: {  	v52 =	vor.u32 v4, v46;
	_ =	sdelay $0x2  }
0x110: {  	v53 =	vor.u32 v5, v49  }
0x111: {  	[tilespmem:v50+s15+$0x0] =	vst.idx.msk $0xffff, v47;
	v47 =	vand.u32 $0x398, v53  }
0x112: {  	v50 =	vld.idx.msk [tilespmem:v52+s12+$0x0], $0xffff;
	v59 =	vor.u32 v47, v48  }
0x113: {  	v60 =	vor.u32 v6, v46;
	_ =	sdelay $0x2  }
0x114: {  	v54 =	vor.u32 v7, v49  }
0x115: {  	[tilespmem:v59+s15+$0x0] =	vst.idx.msk $0xffff, v50;
	v50 =	vand.u32 $0x3A8, v54  }
0x116: {  	v52 =	vld.idx.msk [tilespmem:v60+s12+$0x0], $0xffff;
	v61 =	vor.u32 v50, v48  }
0x117: {  	v62 =	vor.u32 v8, v46;
	_ =	sdelay $0x2  }
0x118: {  	v55 =	vor.u32 v9, v49  }
0x119: {  	[tilespmem:v61+s15+$0x0] =	vst.idx.msk $0xffff, v52;
	v52 =	vand.u32 $0x3B8, v55  }
0x11a: {  	v53 =	vld.idx.msk [tilespmem:v62+s12+$0x0], $0xffff;
	v63 =	vor.u32 v52, v48  }
0x11b: {  	v60 =	vor.u32 v10, v46;
	_ =	sdelay $0x2  }
0x11c: {  	v56 =	vor.u32 v11, v49  }
0x11d: {  	[tilespmem:v63+s15+$0x0] =	vst.idx.msk $0xffff, v53;
	v53 =	vand.u32 $0x3C8, v56  }
0x11e: {  	v54 =	vld.idx.msk [tilespmem:v60+s12+$0x0], $0xffff;
	v61 =	vor.u32 v53, v48  }
0x11f: {  	v62 =	vor.u32 v12, v46;
	_ =	sdelay $0x2  }
0x120: {  	v57 =	vor.u32 v13, v49  }
0x121: {  	[tilespmem:v61+s15+$0x0] =	vst.idx.msk $0xffff, v54;
	v54 =	vand.u32 $0x3D8, v57  }
0x122: {  	v55 =	vld.idx.msk [tilespmem:v62+s12+$0x0], $0xffff;
	v63 =	vor.u32 v54, v48  }
0x123: {  	v60 =	vor.u32 v14, v46;
	_ =	sdelay $0x2  }
0x124: {  	v58 =	vor.u32 v15, v49  }
0x125: {  	[tilespmem:v63+s15+$0x0] =	vst.idx.msk $0xffff, v55;
	v55 =	vand.u32 $0x3E8, v58  }
0x126: {  	v56 =	vld.idx.msk [tilespmem:v60+s12+$0x0], $0xffff;
	v61 =	vor.u32 v55, v48  }
0x127: {  	v62 =	vor.u32 v16, v46;
	_ =	sdelay $0x2  }
0x128: {  	v49 =	vor.u32 v17, v49  }
0x129: {  	v49 =	vand.u32 $0x3F8, v49;
	[tilespmem:v61+s15+$0x0] =	vst.idx.msk $0xffff, v56  }
0x12a: {  	v48 =	vor.u32 v49, v48;
	v56 =	vld.idx.msk [tilespmem:v62+s12+$0x0], $0xffff  }
0x12b: {  	v63 =	vor.u32 v18, v46;
	_ =	sdelay $0x3  }
0x12c: {  	[tilespmem:v48+s15+$0x0] =	vst.idx.msk $0xffff, v56;
	v48 =	vor.u32 v19, v51  }
0x12d: {  	v56 =	vld.idx.msk [tilespmem:v63+s12+$0x0], $0xffff;
	v60 =	vor.u32 v45, v48  }
0x12e: {  	v61 =	vor.u32 v20, v46;
	_ =	sdelay $0x3  }
0x12f: {  	[tilespmem:v60+s15+$0x0] =	vst.idx.msk $0xffff, v56  }
0x130: {  	v62 =	vor.u32 v47, v48;
	v56 =	vld.idx.msk [tilespmem:v61+s12+$0x0], $0xffff  }
0x131: {  	v63 =	vor.u32 v21, v46;
	_ =	sdelay $0x3  }
0x132: {  	[tilespmem:v62+s15+$0x0] =	vst.idx.msk $0xffff, v56  }
0x133: {  	v60 =	vor.u32 v50, v48;
	v56 =	vld.idx.msk [tilespmem:v63+s12+$0x0], $0xffff  }
0x134: {  	v61 =	vor.u32 v22, v46;
	_ =	sdelay $0x3  }
0x135: {  	[tilespmem:v60+s15+$0x0] =	vst.idx.msk $0xffff, v56  }
0x136: {  	v62 =	vor.u32 v52, v48;
	v56 =	vld.idx.msk [tilespmem:v61+s12+$0x0], $0xffff  }
0x137: {  	v63 =	vor.u32 v23, v46;
	_ =	sdelay $0x3  }
0x138: {  	[tilespmem:v62+s15+$0x0] =	vst.idx.msk $0xffff, v56  }
0x139: {  	v60 =	vor.u32 v53, v48;
	v56 =	vld.idx.msk [tilespmem:v63+s12+$0x0], $0xffff  }
0x13a: {  	v61 =	vor.u32 v24, v46;
	_ =	sdelay $0x3  }
0x13b: {  	[tilespmem:v60+s15+$0x0] =	vst.idx.msk $0xffff, v56  }
0x13c: {  	v62 =	vor.u32 v54, v48;
	v56 =	vld.idx.msk [tilespmem:v61+s12+$0x0], $0xffff  }
0x13d: {  	v63 =	vor.u32 v25, v46;
	_ =	sdelay $0x3  }
0x13e: {  	[tilespmem:v62+s15+$0x0] =	vst.idx.msk $0xffff, v56  }
0x13f: {  	v60 =	vor.u32 v55, v48;
	v56 =	vld.idx.msk [tilespmem:v63+s12+$0x0], $0xffff  }
0x140: {  	v61 =	vor.u32 v26, v46;
	_ =	sdelay $0x3  }
0x141: {  	[tilespmem:v60+s15+$0x0] =	vst.idx.msk $0xffff, v56  }
0x142: {  	v48 =	vor.u32 v49, v48;
	v56 =	vld.idx.msk [tilespmem:v61+s12+$0x0], $0xffff  }
0x143: {  	v62 =	vor.u32 v27, v46;
	_ =	sdelay $0x3  }
0x144: {  	[tilespmem:v48+s15+$0x0] =	vst.idx.msk $0xffff, v56;
	v48 =	vor.u32 v28, v51  }
0x145: {  	v56 =	vld.idx.msk [tilespmem:v62+s12+$0x0], $0xffff;
	v63 =	vor.u32 v45, v48  }
0x146: {  	v60 =	vor.u32 v29, v46;
	_ =	sdelay $0x3  }
0x147: {  	[tilespmem:v63+s15+$0x0] =	vst.idx.msk $0xffff, v56  }
0x148: {  	v61 =	vor.u32 v47, v48;
	v56 =	vld.idx.msk [tilespmem:v60+s12+$0x0], $0xffff  }
0x149: {  	v62 =	vor.u32 v30, v46;
	_ =	sdelay $0x3  }
0x14a: {  	[tilespmem:v61+s15+$0x0] =	vst.idx.msk $0xffff, v56  }
0x14b: {  	v63 =	vor.u32 v50, v48;
	v56 =	vld.idx.msk [tilespmem:v62+s12+$0x0], $0xffff  }
0x14c: {  	v60 =	vor.u32 v31, v46;
	_ =	sdelay $0x3  }
0x14d: {  	[tilespmem:v63+s15+$0x0] =	vst.idx.msk $0xffff, v56  }
0x14e: {  	v61 =	vor.u32 v52, v48;
	v56 =	vld.idx.msk [tilespmem:v60+s12+$0x0], $0xffff  }
0x14f: {  	v62 =	vor.u32 v32, v46;
	_ =	sdelay $0x3  }
0x150: {  	[tilespmem:v61+s15+$0x0] =	vst.idx.msk $0xffff, v56  }
0x151: {  	v63 =	vor.u32 v53, v48;
	v56 =	vld.idx.msk [tilespmem:v62+s12+$0x0], $0xffff  }
0x152: {  	v60 =	vor.u32 v33, v46;
	_ =	sdelay $0x3  }
0x153: {  	[tilespmem:v63+s15+$0x0] =	vst.idx.msk $0xffff, v56  }
0x154: {  	v61 =	vor.u32 v54, v48;
	v56 =	vld.idx.msk [tilespmem:v60+s12+$0x0], $0xffff  }
0x155: {  	v62 =	vor.u32 v34, v46;
	_ =	sdelay $0x3  }
0x156: {  	[tilespmem:v61+s15+$0x0] =	vst.idx.msk $0xffff, v56  }
0x157: {  	v63 =	vor.u32 v55, v48;
	v56 =	vld.idx.msk [tilespmem:v62+s12+$0x0], $0xffff  }
0x158: {  	v60 =	vor.u32 v35, v46;
	_ =	sdelay $0x3  }
0x159: {  	[tilespmem:v63+s15+$0x0] =	vst.idx.msk $0xffff, v56  }
0x15a: {  	v48 =	vor.u32 v49, v48;
	v56 =	vld.idx.msk [tilespmem:v60+s12+$0x0], $0xffff  }
0x15b: {  	v61 =	vor.u32 v36, v46;
	_ =	sdelay $0x3  }
0x15c: {  	[tilespmem:v48+s15+$0x0] =	vst.idx.msk $0xffff, v56;
	v48 =	vor.u32 v37, v51  }
0x15d: {  	v62 =	vld.idx.msk [tilespmem:v61+s12+$0x0], $0xffff;
	v45 =	vor.u32 v45, v48  }
0x15e: {  	v63 =	vor.u32 v38, v46;
	_ =	sdelay $0x3  }
0x15f: {  	[tilespmem:v45+s15+$0x0] =	vst.idx.msk $0xffff, v62  }
0x160: {  	v47 =	vor.u32 v47, v48;
	v45 =	vld.idx.msk [tilespmem:v63+s12+$0x0], $0xffff  }
0x161: {  	v58 =	vor.u32 v39, v46;
	_ =	sdelay $0x3  }
0x162: {  	[tilespmem:v47+s15+$0x0] =	vst.idx.msk $0xffff, v45  }
0x163: {  	v59 =	vor.u32 v50, v48;
	v45 =	vld.idx.msk [tilespmem:v58+s12+$0x0], $0xffff  }
0x164: {  	v60 =	vor.u32 v40, v46;
	_ =	sdelay $0x3  }
0x165: {  	[tilespmem:v59+s15+$0x0] =	vst.idx.msk $0xffff, v45  }
0x166: {  	v61 =	vor.u32 v52, v48;
	v45 =	vld.idx.msk [tilespmem:v60+s12+$0x0], $0xffff  }
0x167: {  	v62 =	vor.u32 v41, v46;
	_ =	sdelay $0x3  }
0x168: {  	[tilespmem:v61+s15+$0x0] =	vst.idx.msk $0xffff, v45  }
0x169: {  	v63 =	vor.u32 v53, v48;
	v45 =	vld.idx.msk [tilespmem:v62+s12+$0x0], $0xffff  }
0x16a: {  	v52 =	vor.u32 v42, v46;
	_ =	sdelay $0x3  }
0x16b: {  	[tilespmem:v63+s15+$0x0] =	vst.idx.msk $0xffff, v45  }
0x16c: {  	v53 =	vor.u32 v54, v48;
	v45 =	vld.idx.msk [tilespmem:v52+s12+$0x0], $0xffff  }
0x16d: {  	v54 =	vor.u32 v43, v46;
	_ =	sdelay $0x3  }
0x16e: {  	[tilespmem:v53+s15+$0x0] =	vst.idx.msk $0xffff, v45  }
0x16f: {  	v55 =	vor.u32 v55, v48;
	v45 =	vld.idx.msk [tilespmem:v54+s12+$0x0], $0xffff  }
0x170: {  	v46 =	vor.u32 v44, v46;
	_ =	sdelay $0x3  }
0x171: {  	[tilespmem:v55+s15+$0x0] =	vst.idx.msk $0xffff, v45  }
0x172: {  	v56 =	vor.u32 v49, v48;
	v45 =	vld.idx.msk [tilespmem:v46+s12+$0x0], $0xffff;
	_ =	sdelay $0x1  }
0x173: {  	s25 =	sshll.u32 s23, $0x10;
	s28 =	sand.u32 $0x2, s26  }
0x174: {  	s25 =	sand.u32 $0x7E0000, s25;
	s28 =	sor.u32 s6, s28  }
0x175: {  	s29 =	smin.u32 s26, $0xC5;
	s28 =	sshll.u32 s28, $0x7;
	s25 =	sadd.s32 s1, s25  }
0x176: {  	s26 =	sshll.u32 s29, $0x7;
	s28 =	sadd.s32 s28, s25;
	[tilespmem:v56+s15+$0x0] =	vst.idx.msk $0xffff, v45  }
0x177: {  	[hbm4b:s28+s16] =	stream.strided.scatter [tilespmem:s15], [sflag:$0x3], $0x2000, s17, s16, $0x38;
	[tilespmem:$0xE400] =	vst v63  }
0x178: {  	s30 =	simm.s32 $0x0;
	s26 =	sadd.s32 $0x100, s26  }
0x179: {  	v57 =	vadd.s32 s30, v0;
	[tilespmem:s12], [sflag:$0x1] =	stream.indirect.gather [hbm4b:s4+s11], $0x40, s26, s11, $0xb8;
	[tilespmem:$0xE400] =	vst v63  }
0x17a: {  	v46 =	vand.u32 $0xF, v57;
	_ =	swait.ge [sflag:s18], $0x2000  }
0x17b: {  	v58 =	vor.u32 v1, v46;
	[sflag:s18] =	ssyncset.done $0x0  }
0x17c: {  	s26 =	simm.s32 @!p0 $0x4;
	[sflag:s18] =	ssyncadd.s32 $0xFFFFE000  }
0x17d: {  	v45 =	vshll.u32 v57, $0x7;
	_ =	swait.ge @!p0 [sflag:s26], $0x2000  }
0x17e: {  	v59 =	vand.u32 $0x380, v45;
	v49 =	vand.u32 $0x400, v45;
	[sflag:s26] =	ssyncset.done @!p0 $0x0  }
0x17f: {  	v48 =	vor.u32 v2, v59;
	v50 =	vor.u32 v3, v49;
	[sflag:s26] =	ssyncadd.s32 @!p0 $0xFFFFE000  }
0x180: {  	v60 =	vor.u32 v48, v50;
	v47 =	vld.idx.msk [tilespmem:v58+s13+$0x0], $0xffff  }
0x181: {  	v61 =	vor.u32 v4, v46;
	_ =	sdelay $0x2  }
0x182: {  	v62 =	vor.u32 v5, v45  }
0x183: {  	v51 =	vand.u32 $0x398, v62;
	[tilespmem:v60+s19+$0x0] =	vst.idx.msk $0xffff, v47  }
0x184: {  	v63 =	vor.u32 v51, v50;
	v47 =	vld.idx.msk [tilespmem:v61+s13+$0x0], $0xffff  }
0x185: {  	v57 =	vor.u32 v6, v46;
	_ =	sdelay $0x2  }
0x186: {  	v58 =	vor.u32 v7, v45  }
0x187: {  	v52 =	vand.u32 $0x3A8, v58;
	[tilespmem:v63+s19+$0x0] =	vst.idx.msk $0xffff, v47  }
0x188: {  	v59 =	vor.u32 v52, v50;
	v47 =	vld.idx.msk [tilespmem:v57+s13+$0x0], $0xffff  }
0x189: {  	v60 =	vor.u32 v8, v46;
	_ =	sdelay $0x2  }
0x18a: {  	v61 =	vor.u32 v9, v45  }
0x18b: {  	v53 =	vand.u32 $0x3B8, v61;
	[tilespmem:v59+s19+$0x0] =	vst.idx.msk $0xffff, v47  }
0x18c: {  	v62 =	vor.u32 v53, v50;
	v47 =	vld.idx.msk [tilespmem:v60+s13+$0x0], $0xffff  }
0x18d: {  	v63 =	vor.u32 v10, v46;
	_ =	sdelay $0x2  }
0x18e: {  	v60 =	vor.u32 v11, v45  }
0x18f: {  	v54 =	vand.u32 $0x3C8, v60;
	[tilespmem:v62+s19+$0x0] =	vst.idx.msk $0xffff, v47  }
0x190: {  	v61 =	vor.u32 v54, v50;
	v47 =	vld.idx.msk [tilespmem:v63+s13+$0x0], $0xffff  }
0x191: {  	v62 =	vor.u32 v12, v46;
	_ =	sdelay $0x2  }
0x192: {  	v63 =	vor.u32 v13, v45  }
0x193: {  	v55 =	vand.u32 $0x3D8, v63;
	[tilespmem:v61+s19+$0x0] =	vst.idx.msk $0xffff, v47  }
0x194: {  	v60 =	vor.u32 v55, v50;
	v47 =	vld.idx.msk [tilespmem:v62+s13+$0x0], $0xffff  }
0x195: {  	v61 =	vor.u32 v14, v46;
	_ =	sdelay $0x2  }
0x196: {  	v62 =	vor.u32 v15, v45  }
0x197: {  	v56 =	vand.u32 $0x3E8, v62;
	[tilespmem:v60+s19+$0x0] =	vst.idx.msk $0xffff, v47  }
0x198: {  	v63 =	vor.u32 v56, v50;
	v47 =	vld.idx.msk [tilespmem:v61+s13+$0x0], $0xffff  }
0x199: {  	v60 =	vor.u32 v16, v46;
	_ =	sdelay $0x2  }
0x19a: {  	v45 =	vor.u32 v17, v45  }
0x19b: {  	v45 =	vand.u32 $0x3F8, v45;
	[tilespmem:v63+s19+$0x0] =	vst.idx.msk $0xffff, v47  }
0x19c: {  	v50 =	vor.u32 v45, v50;
	v47 =	vld.idx.msk [tilespmem:v60+s13+$0x0], $0xffff  }
0x19d: {  	v61 =	vor.u32 v18, v46;
	_ =	sdelay $0x3  }
0x19e: {  	[tilespmem:v50+s19+$0x0] =	vst.idx.msk $0xffff, v47;
	v47 =	vor.u32 v19, v49  }
0x19f: {  	v50 =	vld.idx.msk [tilespmem:v61+s13+$0x0], $0xffff;
	v62 =	vor.u32 v48, v47  }
0x1a0: {  	v63 =	vor.u32 v20, v46;
	_ =	sdelay $0x3  }
0x1a1: {  	[tilespmem:v62+s19+$0x0] =	vst.idx.msk $0xffff, v50  }
0x1a2: {  	v60 =	vor.u32 v51, v47;
	v50 =	vld.idx.msk [tilespmem:v63+s13+$0x0], $0xffff  }
0x1a3: {  	v61 =	vor.u32 v21, v46;
	_ =	sdelay $0x3  }
0x1a4: {  	[tilespmem:v60+s19+$0x0] =	vst.idx.msk $0xffff, v50  }
0x1a5: {  	v62 =	vor.u32 v52, v47;
	v50 =	vld.idx.msk [tilespmem:v61+s13+$0x0], $0xffff  }
0x1a6: {  	v63 =	vor.u32 v22, v46;
	_ =	sdelay $0x3  }
0x1a7: {  	[tilespmem:v62+s19+$0x0] =	vst.idx.msk $0xffff, v50  }
0x1a8: {  	v60 =	vor.u32 v53, v47;
	v50 =	vld.idx.msk [tilespmem:v63+s13+$0x0], $0xffff  }
0x1a9: {  	v61 =	vor.u32 v23, v46;
	_ =	sdelay $0x3  }
0x1aa: {  	[tilespmem:v60+s19+$0x0] =	vst.idx.msk $0xffff, v50  }
0x1ab: {  	v62 =	vor.u32 v54, v47;
	v50 =	vld.idx.msk [tilespmem:v61+s13+$0x0], $0xffff  }
0x1ac: {  	v63 =	vor.u32 v24, v46;
	_ =	sdelay $0x3  }
0x1ad: {  	[tilespmem:v62+s19+$0x0] =	vst.idx.msk $0xffff, v50  }
0x1ae: {  	v60 =	vor.u32 v55, v47;
	v50 =	vld.idx.msk [tilespmem:v63+s13+$0x0], $0xffff  }
0x1af: {  	v61 =	vor.u32 v25, v46;
	_ =	sdelay $0x3  }
0x1b0: {  	[tilespmem:v60+s19+$0x0] =	vst.idx.msk $0xffff, v50  }
0x1b1: {  	v62 =	vor.u32 v56, v47;
	v50 =	vld.idx.msk [tilespmem:v61+s13+$0x0], $0xffff  }
0x1b2: {  	v63 =	vor.u32 v26, v46;
	_ =	sdelay $0x3  }
0x1b3: {  	[tilespmem:v62+s19+$0x0] =	vst.idx.msk $0xffff, v50  }
0x1b4: {  	v47 =	vor.u32 v45, v47;
	v50 =	vld.idx.msk [tilespmem:v63+s13+$0x0], $0xffff  }
0x1b5: {  	v60 =	vor.u32 v27, v46;
	_ =	sdelay $0x3  }
0x1b6: {  	[tilespmem:v47+s19+$0x0] =	vst.idx.msk $0xffff, v50;
	v47 =	vor.u32 v28, v49  }
0x1b7: {  	v50 =	vld.idx.msk [tilespmem:v60+s13+$0x0], $0xffff;
	v61 =	vor.u32 v48, v47  }
0x1b8: {  	v62 =	vor.u32 v29, v46;
	_ =	sdelay $0x3  }
0x1b9: {  	[tilespmem:v61+s19+$0x0] =	vst.idx.msk $0xffff, v50  }
0x1ba: {  	v63 =	vor.u32 v51, v47;
	v50 =	vld.idx.msk [tilespmem:v62+s13+$0x0], $0xffff  }
0x1bb: {  	v60 =	vor.u32 v30, v46;
	_ =	sdelay $0x3  }
0x1bc: {  	[tilespmem:v63+s19+$0x0] =	vst.idx.msk $0xffff, v50  }
0x1bd: {  	v61 =	vor.u32 v52, v47;
	v50 =	vld.idx.msk [tilespmem:v60+s13+$0x0], $0xffff  }
0x1be: {  	v62 =	vor.u32 v31, v46;
	_ =	sdelay $0x3  }
0x1bf: {  	[tilespmem:v61+s19+$0x0] =	vst.idx.msk $0xffff, v50  }
0x1c0: {  	v63 =	vor.u32 v53, v47;
	v50 =	vld.idx.msk [tilespmem:v62+s13+$0x0], $0xffff  }
0x1c1: {  	v60 =	vor.u32 v32, v46;
	_ =	sdelay $0x3  }
0x1c2: {  	[tilespmem:v63+s19+$0x0] =	vst.idx.msk $0xffff, v50  }
0x1c3: {  	v61 =	vor.u32 v54, v47;
	v50 =	vld.idx.msk [tilespmem:v60+s13+$0x0], $0xffff  }
0x1c4: {  	v62 =	vor.u32 v33, v46;
	_ =	sdelay $0x3  }
0x1c5: {  	[tilespmem:v61+s19+$0x0] =	vst.idx.msk $0xffff, v50  }
0x1c6: {  	v63 =	vor.u32 v55, v47;
	v50 =	vld.idx.msk [tilespmem:v62+s13+$0x0], $0xffff  }
0x1c7: {  	v60 =	vor.u32 v34, v46;
	_ =	sdelay $0x3  }
0x1c8: {  	[tilespmem:v63+s19+$0x0] =	vst.idx.msk $0xffff, v50  }
0x1c9: {  	v61 =	vor.u32 v56, v47;
	v50 =	vld.idx.msk [tilespmem:v60+s13+$0x0], $0xffff  }
0x1ca: {  	v62 =	vor.u32 v35, v46;
	_ =	sdelay $0x3  }
0x1cb: {  	[tilespmem:v61+s19+$0x0] =	vst.idx.msk $0xffff, v50  }
0x1cc: {  	v47 =	vor.u32 v45, v47;
	v50 =	vld.idx.msk [tilespmem:v62+s13+$0x0], $0xffff  }
0x1cd: {  	v63 =	vor.u32 v36, v46;
	_ =	sdelay $0x3  }
0x1ce: {  	[tilespmem:v47+s19+$0x0] =	vst.idx.msk $0xffff, v50;
	v47 =	vor.u32 v37, v49  }
0x1cf: {  	v59 =	vld.idx.msk [tilespmem:v63+s13+$0x0], $0xffff;
	v48 =	vor.u32 v48, v47  }
0x1d0: {  	v60 =	vor.u32 v38, v46;
	_ =	sdelay $0x3  }
0x1d1: {  	[tilespmem:v48+s19+$0x0] =	vst.idx.msk $0xffff, v59  }
0x1d2: {  	v61 =	vor.u32 v51, v47;
	v48 =	vld.idx.msk [tilespmem:v60+s13+$0x0], $0xffff  }
0x1d3: {  	v62 =	vor.u32 v39, v46;
	_ =	sdelay $0x3  }
0x1d4: {  	[tilespmem:v61+s19+$0x0] =	vst.idx.msk $0xffff, v48  }
0x1d5: {  	v63 =	vor.u32 v52, v47;
	v48 =	vld.idx.msk [tilespmem:v62+s13+$0x0], $0xffff  }
0x1d6: {  	v52 =	vor.u32 v40, v46;
	_ =	sdelay $0x3  }
0x1d7: {  	[tilespmem:v63+s19+$0x0] =	vst.idx.msk $0xffff, v48  }
0x1d8: {  	v57 =	vor.u32 v53, v47;
	v48 =	vld.idx.msk [tilespmem:v52+s13+$0x0], $0xffff  }
0x1d9: {  	v58 =	vor.u32 v41, v46;
	_ =	sdelay $0x3  }
0x1da: {  	[tilespmem:v57+s19+$0x0] =	vst.idx.msk $0xffff, v48  }
0x1db: {  	v59 =	vor.u32 v54, v47;
	v48 =	vld.idx.msk [tilespmem:v58+s13+$0x0], $0xffff  }
0x1dc: {  	v60 =	vor.u32 v42, v46;
	_ =	sdelay $0x3  }
0x1dd: {  	[tilespmem:v59+s19+$0x0] =	vst.idx.msk $0xffff, v48  }
0x1de: {  	v61 =	vor.u32 v55, v47;
	v48 =	vld.idx.msk [tilespmem:v60+s13+$0x0], $0xffff  }
0x1df: {  	v62 =	vor.u32 v43, v46;
	_ =	sdelay $0x3  }
0x1e0: {  	[tilespmem:v61+s19+$0x0] =	vst.idx.msk $0xffff, v48  }
0x1e1: {  	v63 =	vor.u32 v56, v47;
	v48 =	vld.idx.msk [tilespmem:v62+s13+$0x0], $0xffff  }
0x1e2: {  	v46 =	vor.u32 v44, v46;
	_ =	sdelay $0x3  }
0x1e3: {  	s31 =	simm.s32 $0x1;
	[tilespmem:v63+s19+$0x0] =	vst.idx.msk $0xffff, v48  }
0x1e4: {  	s26 =	simm.s32 $0x2;
	v49 =	vadd.s32 s31, v0;
	v48 =	vld.idx.msk [tilespmem:v46+s13+$0x0], $0xffff  }
.LBB2_5:
0x1e5: {  	p0 =	sne.s32 s26, $0xF;
	v46 =	vand.u32 $0xF, v49;
	v45 =	vor.u32 v45, v47  }
0x1e6: {  	v50 =	vor.u32 v1, v46;
	_ =	sdelay $0x2  }
0x1e7: {  	v55 =	vshll.u32 v49, $0x7  }
0x1e8: {  	v49 =	vand.u32 $0x380, v55;
	v47 =	vand.u32 $0x400, v55;
	[tilespmem:v45+s19+$0x0] =	vst.idx.msk $0xffff, v48  }
0x1e9: {  	v56 =	vor.u32 v3, v47;
	v48 =	vor.u32 v2, v49;
	v45 =	vld.idx.msk [tilespmem:v50+s13+$0x0], $0xffff  }
0x1ea: {  	v49 =	vor.u32 v48, v56  }
0x1eb: {  	v50 =	vor.u32 v4, v46;
	_ =	sdelay $0x3  }
0x1ec: {  	[tilespmem:v49+s19+$0x0] =	vst.idx.msk $0xffff, v45;
	v45 =	vor.u32 v5, v55  }
0x1ed: {  	v50 =	vld.idx.msk [tilespmem:v50+s13+$0x0], $0xffff;
	v49 =	vand.u32 $0x398, v45  }
0x1ee: {  	v45 =	vor.u32 v49, v56  }
0x1ef: {  	v51 =	vor.u32 v6, v46;
	_ =	sdelay $0x3  }
0x1f0: {  	[tilespmem:v45+s19+$0x0] =	vst.idx.msk $0xffff, v50;
	v45 =	vor.u32 v7, v55  }
0x1f1: {  	v51 =	vld.idx.msk [tilespmem:v51+s13+$0x0], $0xffff;
	v50 =	vand.u32 $0x3A8, v45  }
0x1f2: {  	v45 =	vor.u32 v50, v56  }
0x1f3: {  	v52 =	vor.u32 v8, v46;
	_ =	sdelay $0x3  }
0x1f4: {  	[tilespmem:v45+s19+$0x0] =	vst.idx.msk $0xffff, v51;
	v45 =	vor.u32 v9, v55  }
0x1f5: {  	v52 =	vld.idx.msk [tilespmem:v52+s13+$0x0], $0xffff;
	v51 =	vand.u32 $0x3B8, v45  }
0x1f6: {  	v45 =	vor.u32 v51, v56  }
0x1f7: {  	v53 =	vor.u32 v10, v46;
	_ =	sdelay $0x3  }
0x1f8: {  	[tilespmem:v45+s19+$0x0] =	vst.idx.msk $0xffff, v52;
	v45 =	vor.u32 v11, v55  }
0x1f9: {  	v53 =	vld.idx.msk [tilespmem:v53+s13+$0x0], $0xffff;
	v52 =	vand.u32 $0x3C8, v45  }
0x1fa: {  	v45 =	vor.u32 v52, v56  }
0x1fb: {  	v54 =	vor.u32 v12, v46;
	_ =	sdelay $0x3  }
0x1fc: {  	[tilespmem:v45+s19+$0x0] =	vst.idx.msk $0xffff, v53;
	v45 =	vor.u32 v13, v55  }
0x1fd: {  	v54 =	vld.idx.msk [tilespmem:v54+s13+$0x0], $0xffff;
	v53 =	vand.u32 $0x3D8, v45  }
0x1fe: {  	v45 =	vor.u32 v53, v56  }
0x1ff: {  	v57 =	vor.u32 v14, v46;
	_ =	sdelay $0x3  }
0x200: {  	[tilespmem:v45+s19+$0x0] =	vst.idx.msk $0xffff, v54;
	v45 =	vor.u32 v15, v55  }
0x201: {  	v57 =	vld.idx.msk [tilespmem:v57+s13+$0x0], $0xffff;
	v54 =	vand.u32 $0x3E8, v45  }
0x202: {  	v45 =	vor.u32 v54, v56  }
0x203: {  	v58 =	vor.u32 v16, v46;
	_ =	sdelay $0x3  }
0x204: {  	[tilespmem:v45+s19+$0x0] =	vst.idx.msk $0xffff, v57;
	v45 =	vor.u32 v17, v55  }
0x205: {  	v55 =	vld.idx.msk [tilespmem:v58+s13+$0x0], $0xffff;
	v45 =	vand.u32 $0x3F8, v45  }
0x206: {  	v56 =	vor.u32 v45, v56  }
0x207: {  	v57 =	vor.u32 v18, v46;
	_ =	sdelay $0x3  }
0x208: {  	[tilespmem:v56+s19+$0x0] =	vst.idx.msk $0xffff, v55  }
0x209: {  	v56 =	vor.u32 v19, v47;
	v55 =	vld.idx.msk [tilespmem:v57+s13+$0x0], $0xffff  }
0x20a: {  	v57 =	vor.u32 v48, v56  }
0x20b: {  	v58 =	vor.u32 v20, v46;
	_ =	sdelay $0x3  }
0x20c: {  	[tilespmem:v57+s19+$0x0] =	vst.idx.msk $0xffff, v55  }
0x20d: {  	v55 =	vld.idx.msk [tilespmem:v58+s13+$0x0], $0xffff  }
0x20e: {  	v57 =	vor.u32 v49, v56  }
0x20f: {  	v58 =	vor.u32 v21, v46;
	_ =	sdelay $0x3  }
0x210: {  	[tilespmem:v57+s19+$0x0] =	vst.idx.msk $0xffff, v55  }
0x211: {  	v55 =	vld.idx.msk [tilespmem:v58+s13+$0x0], $0xffff  }
0x212: {  	v57 =	vor.u32 v50, v56  }
0x213: {  	v58 =	vor.u32 v22, v46;
	_ =	sdelay $0x3  }
0x214: {  	[tilespmem:v57+s19+$0x0] =	vst.idx.msk $0xffff, v55  }
0x215: {  	v55 =	vld.idx.msk [tilespmem:v58+s13+$0x0], $0xffff  }
0x216: {  	v57 =	vor.u32 v51, v56  }
0x217: {  	v58 =	vor.u32 v23, v46;
	_ =	sdelay $0x3  }
0x218: {  	[tilespmem:v57+s19+$0x0] =	vst.idx.msk $0xffff, v55  }
0x219: {  	v55 =	vld.idx.msk [tilespmem:v58+s13+$0x0], $0xffff  }
0x21a: {  	v57 =	vor.u32 v52, v56  }
0x21b: {  	v58 =	vor.u32 v24, v46;
	_ =	sdelay $0x3  }
0x21c: {  	[tilespmem:v57+s19+$0x0] =	vst.idx.msk $0xffff, v55  }
0x21d: {  	v55 =	vld.idx.msk [tilespmem:v58+s13+$0x0], $0xffff  }
0x21e: {  	v57 =	vor.u32 v53, v56  }
0x21f: {  	v58 =	vor.u32 v25, v46;
	_ =	sdelay $0x3  }
0x220: {  	[tilespmem:v57+s19+$0x0] =	vst.idx.msk $0xffff, v55  }
0x221: {  	v55 =	vld.idx.msk [tilespmem:v58+s13+$0x0], $0xffff  }
0x222: {  	v57 =	vor.u32 v54, v56  }
0x223: {  	v58 =	vor.u32 v26, v46;
	_ =	sdelay $0x3  }
0x224: {  	[tilespmem:v57+s19+$0x0] =	vst.idx.msk $0xffff, v55  }
0x225: {  	v55 =	vld.idx.msk [tilespmem:v58+s13+$0x0], $0xffff  }
0x226: {  	v56 =	vor.u32 v45, v56  }
0x227: {  	v57 =	vor.u32 v27, v46;
	_ =	sdelay $0x3  }
0x228: {  	[tilespmem:v56+s19+$0x0] =	vst.idx.msk $0xffff, v55  }
0x229: {  	v56 =	vor.u32 v28, v47;
	v55 =	vld.idx.msk [tilespmem:v57+s13+$0x0], $0xffff  }
0x22a: {  	v57 =	vor.u32 v48, v56  }
0x22b: {  	v58 =	vor.u32 v29, v46;
	_ =	sdelay $0x3  }
0x22c: {  	[tilespmem:v57+s19+$0x0] =	vst.idx.msk $0xffff, v55  }
0x22d: {  	v55 =	vld.idx.msk [tilespmem:v58+s13+$0x0], $0xffff  }
0x22e: {  	v57 =	vor.u32 v49, v56  }
0x22f: {  	v58 =	vor.u32 v30, v46;
	_ =	sdelay $0x3  }
0x230: {  	[tilespmem:v57+s19+$0x0] =	vst.idx.msk $0xffff, v55  }
0x231: {  	v55 =	vld.idx.msk [tilespmem:v58+s13+$0x0], $0xffff  }
0x232: {  	v57 =	vor.u32 v50, v56  }
0x233: {  	v58 =	vor.u32 v31, v46;
	_ =	sdelay $0x3  }
0x234: {  	[tilespmem:v57+s19+$0x0] =	vst.idx.msk $0xffff, v55  }
0x235: {  	v55 =	vld.idx.msk [tilespmem:v58+s13+$0x0], $0xffff  }
0x236: {  	v57 =	vor.u32 v51, v56  }
0x237: {  	v58 =	vor.u32 v32, v46;
	_ =	sdelay $0x3  }
0x238: {  	[tilespmem:v57+s19+$0x0] =	vst.idx.msk $0xffff, v55  }
0x239: {  	v55 =	vld.idx.msk [tilespmem:v58+s13+$0x0], $0xffff  }
0x23a: {  	v57 =	vor.u32 v52, v56  }
0x23b: {  	v58 =	vor.u32 v33, v46;
	_ =	sdelay $0x3  }
0x23c: {  	[tilespmem:v57+s19+$0x0] =	vst.idx.msk $0xffff, v55  }
0x23d: {  	v55 =	vld.idx.msk [tilespmem:v58+s13+$0x0], $0xffff  }
0x23e: {  	v57 =	vor.u32 v53, v56  }
0x23f: {  	v58 =	vor.u32 v34, v46;
	_ =	sdelay $0x3  }
0x240: {  	[tilespmem:v57+s19+$0x0] =	vst.idx.msk $0xffff, v55  }
0x241: {  	v55 =	vld.idx.msk [tilespmem:v58+s13+$0x0], $0xffff  }
0x242: {  	v57 =	vor.u32 v54, v56  }
0x243: {  	v58 =	vor.u32 v35, v46;
	_ =	sdelay $0x3  }
0x244: {  	[tilespmem:v57+s19+$0x0] =	vst.idx.msk $0xffff, v55  }
0x245: {  	v55 =	vld.idx.msk [tilespmem:v58+s13+$0x0], $0xffff  }
0x246: {  	v56 =	vor.u32 v45, v56  }
0x247: {  	v57 =	vor.u32 v36, v46;
	_ =	sdelay $0x3  }
0x248: {  	[tilespmem:v56+s19+$0x0] =	vst.idx.msk $0xffff, v55  }
0x249: {  	v47 =	vor.u32 v37, v47;
	v55 =	vld.idx.msk [tilespmem:v57+s13+$0x0], $0xffff  }
0x24a: {  	v48 =	vor.u32 v48, v47  }
0x24b: {  	v56 =	vor.u32 v38, v46;
	_ =	sdelay $0x3  }
0x24c: {  	[tilespmem:v48+s19+$0x0] =	vst.idx.msk $0xffff, v55  }
0x24d: {  	v48 =	vld.idx.msk [tilespmem:v56+s13+$0x0], $0xffff  }
0x24e: {  	v49 =	vor.u32 v49, v47  }
0x24f: {  	v55 =	vor.u32 v39, v46;
	_ =	sdelay $0x3  }
0x250: {  	[tilespmem:v49+s19+$0x0] =	vst.idx.msk $0xffff, v48  }
0x251: {  	v48 =	vld.idx.msk [tilespmem:v55+s13+$0x0], $0xffff  }
0x252: {  	v49 =	vor.u32 v50, v47  }
0x253: {  	v50 =	vor.u32 v40, v46;
	_ =	sdelay $0x3  }
0x254: {  	[tilespmem:v49+s19+$0x0] =	vst.idx.msk $0xffff, v48  }
0x255: {  	v48 =	vld.idx.msk [tilespmem:v50+s13+$0x0], $0xffff  }
0x256: {  	v49 =	vor.u32 v51, v47  }
0x257: {  	v50 =	vor.u32 v41, v46;
	_ =	sdelay $0x3  }
0x258: {  	[tilespmem:v49+s19+$0x0] =	vst.idx.msk $0xffff, v48  }
0x259: {  	v48 =	vld.idx.msk [tilespmem:v50+s13+$0x0], $0xffff  }
0x25a: {  	v49 =	vor.u32 v52, v47  }
0x25b: {  	v50 =	vor.u32 v42, v46;
	_ =	sdelay $0x3  }
0x25c: {  	[tilespmem:v49+s19+$0x0] =	vst.idx.msk $0xffff, v48  }
0x25d: {  	v48 =	vld.idx.msk [tilespmem:v50+s13+$0x0], $0xffff  }
0x25e: {  	v49 =	vor.u32 v53, v47  }
0x25f: {  	v50 =	vor.u32 v43, v46;
	_ =	sdelay $0x3  }
0x260: {  	[tilespmem:v49+s19+$0x0] =	vst.idx.msk $0xffff, v48  }
0x261: {  	v48 =	vld.idx.msk [tilespmem:v50+s13+$0x0], $0xffff  }
0x262: {  	v49 =	vor.u32 v54, v47  }
0x263: {  	v46 =	vor.u32 v44, v46  }
.Ltmp1:
0x264: {  	(pc) =	sbr.rel @p0 .LBB2_5-.Ltmp1, $3  }
0x265: {  	_ =	sdelay $0x1  }
0x266: {  	[tilespmem:v49+s19+$0x0] =	vst.idx.msk $0xffff, v48  }
0x267: {  	v49 =	vadd.s32 s26, v0;
	s26 =	sadd.s32 $0x1, s26;
	v48 =	vld.idx.msk [tilespmem:v46+s13+$0x0], $0xffff  }
0x268: {  	v46 =	vand.u32 $0xF, v49;
	v45 =	vor.u32 v45, v47  }
0x269: {  	v62 =	vor.u32 v1, v46;
	_ =	sdelay $0x1  }
0x26a: {  	v49 =	vshll.u32 v49, $0x7  }
0x26b: {  	v50 =	vand.u32 $0x380, v49;
	v51 =	vand.u32 $0x400, v49  }
0x26c: {  	[tilespmem:v45+s19+$0x0] =	vst.idx.msk $0xffff, v48;
	v45 =	vor.u32 v2, v50;
	v48 =	vor.u32 v3, v51  }
0x26d: {  	v47 =	vld.idx.msk [tilespmem:v62+s13+$0x0], $0xffff;
	v50 =	vor.u32 v45, v48  }
0x26e: {  	v52 =	vor.u32 v4, v46;
	_ =	sdelay $0x2  }
0x26f: {  	v53 =	vor.u32 v5, v49  }
0x270: {  	[tilespmem:v50+s19+$0x0] =	vst.idx.msk $0xffff, v47;
	v47 =	vand.u32 $0x398, v53  }
0x271: {  	v50 =	vld.idx.msk [tilespmem:v52+s13+$0x0], $0xffff;
	v63 =	vor.u32 v47, v48  }
0x272: {  	v57 =	vor.u32 v6, v46;
	_ =	sdelay $0x2  }
0x273: {  	v54 =	vor.u32 v7, v49  }
0x274: {  	[tilespmem:v63+s19+$0x0] =	vst.idx.msk $0xffff, v50;
	v50 =	vand.u32 $0x3A8, v54  }
0x275: {  	v52 =	vld.idx.msk [tilespmem:v57+s13+$0x0], $0xffff;
	v58 =	vor.u32 v50, v48  }
0x276: {  	v59 =	vor.u32 v8, v46;
	_ =	sdelay $0x2  }
0x277: {  	v55 =	vor.u32 v9, v49  }
0x278: {  	[tilespmem:v58+s19+$0x0] =	vst.idx.msk $0xffff, v52;
	v52 =	vand.u32 $0x3B8, v55  }
0x279: {  	v53 =	vld.idx.msk [tilespmem:v59+s13+$0x0], $0xffff;
	v60 =	vor.u32 v52, v48  }
0x27a: {  	v61 =	vor.u32 v10, v46;
	_ =	sdelay $0x2  }
0x27b: {  	v56 =	vor.u32 v11, v49  }
0x27c: {  	[tilespmem:v60+s19+$0x0] =	vst.idx.msk $0xffff, v53;
	v53 =	vand.u32 $0x3C8, v56  }
0x27d: {  	v54 =	vld.idx.msk [tilespmem:v61+s13+$0x0], $0xffff;
	v62 =	vor.u32 v53, v48  }
0x27e: {  	v63 =	vor.u32 v12, v46;
	_ =	sdelay $0x2  }
0x27f: {  	v57 =	vor.u32 v13, v49  }
0x280: {  	[tilespmem:v62+s19+$0x0] =	vst.idx.msk $0xffff, v54;
	v54 =	vand.u32 $0x3D8, v57  }
0x281: {  	v55 =	vld.idx.msk [tilespmem:v63+s13+$0x0], $0xffff;
	v60 =	vor.u32 v54, v48  }
0x282: {  	v61 =	vor.u32 v14, v46;
	_ =	sdelay $0x2  }
0x283: {  	v58 =	vor.u32 v15, v49  }
0x284: {  	[tilespmem:v60+s19+$0x0] =	vst.idx.msk $0xffff, v55;
	v55 =	vand.u32 $0x3E8, v58  }
0x285: {  	v56 =	vld.idx.msk [tilespmem:v61+s13+$0x0], $0xffff;
	v62 =	vor.u32 v55, v48  }
0x286: {  	v63 =	vor.u32 v16, v46;
	_ =	sdelay $0x2  }
0x287: {  	v49 =	vor.u32 v17, v49  }
0x288: {  	v49 =	vand.u32 $0x3F8, v49;
	[tilespmem:v62+s19+$0x0] =	vst.idx.msk $0xffff, v56  }
0x289: {  	v48 =	vor.u32 v49, v48;
	v56 =	vld.idx.msk [tilespmem:v63+s13+$0x0], $0xffff  }
0x28a: {  	v60 =	vor.u32 v18, v46;
	_ =	sdelay $0x3  }
0x28b: {  	[tilespmem:v48+s19+$0x0] =	vst.idx.msk $0xffff, v56;
	v48 =	vor.u32 v19, v51  }
0x28c: {  	v56 =	vld.idx.msk [tilespmem:v60+s13+$0x0], $0xffff;
	v61 =	vor.u32 v45, v48  }
0x28d: {  	v62 =	vor.u32 v20, v46;
	_ =	sdelay $0x3  }
0x28e: {  	[tilespmem:v61+s19+$0x0] =	vst.idx.msk $0xffff, v56  }
0x28f: {  	v63 =	vor.u32 v47, v48;
	v56 =	vld.idx.msk [tilespmem:v62+s13+$0x0], $0xffff  }
0x290: {  	v60 =	vor.u32 v21, v46;
	_ =	sdelay $0x3  }
0x291: {  	[tilespmem:v63+s19+$0x0] =	vst.idx.msk $0xffff, v56  }
0x292: {  	v61 =	vor.u32 v50, v48;
	v56 =	vld.idx.msk [tilespmem:v60+s13+$0x0], $0xffff  }
0x293: {  	v62 =	vor.u32 v22, v46;
	_ =	sdelay $0x3  }
0x294: {  	[tilespmem:v61+s19+$0x0] =	vst.idx.msk $0xffff, v56  }
0x295: {  	v63 =	vor.u32 v52, v48;
	v56 =	vld.idx.msk [tilespmem:v62+s13+$0x0], $0xffff  }
0x296: {  	v60 =	vor.u32 v23, v46;
	_ =	sdelay $0x3  }
0x297: {  	[tilespmem:v63+s19+$0x0] =	vst.idx.msk $0xffff, v56  }
0x298: {  	v61 =	vor.u32 v53, v48;
	v56 =	vld.idx.msk [tilespmem:v60+s13+$0x0], $0xffff  }
0x299: {  	v62 =	vor.u32 v24, v46;
	_ =	sdelay $0x3  }
0x29a: {  	[tilespmem:v61+s19+$0x0] =	vst.idx.msk $0xffff, v56  }
0x29b: {  	v63 =	vor.u32 v54, v48;
	v56 =	vld.idx.msk [tilespmem:v62+s13+$0x0], $0xffff  }
0x29c: {  	v60 =	vor.u32 v25, v46;
	_ =	sdelay $0x3  }
0x29d: {  	[tilespmem:v63+s19+$0x0] =	vst.idx.msk $0xffff, v56  }
0x29e: {  	v61 =	vor.u32 v55, v48;
	v56 =	vld.idx.msk [tilespmem:v60+s13+$0x0], $0xffff  }
0x29f: {  	v62 =	vor.u32 v26, v46;
	_ =	sdelay $0x3  }
0x2a0: {  	[tilespmem:v61+s19+$0x0] =	vst.idx.msk $0xffff, v56  }
0x2a1: {  	v48 =	vor.u32 v49, v48;
	v56 =	vld.idx.msk [tilespmem:v62+s13+$0x0], $0xffff  }
0x2a2: {  	v63 =	vor.u32 v27, v46;
	_ =	sdelay $0x3  }
0x2a3: {  	[tilespmem:v48+s19+$0x0] =	vst.idx.msk $0xffff, v56;
	v48 =	vor.u32 v28, v51  }
0x2a4: {  	v56 =	vld.idx.msk [tilespmem:v63+s13+$0x0], $0xffff;
	v60 =	vor.u32 v45, v48  }
0x2a5: {  	v61 =	vor.u32 v29, v46;
	_ =	sdelay $0x3  }
0x2a6: {  	[tilespmem:v60+s19+$0x0] =	vst.idx.msk $0xffff, v56  }
0x2a7: {  	v62 =	vor.u32 v47, v48;
	v56 =	vld.idx.msk [tilespmem:v61+s13+$0x0], $0xffff  }
0x2a8: {  	v63 =	vor.u32 v30, v46;
	_ =	sdelay $0x3  }
0x2a9: {  	[tilespmem:v62+s19+$0x0] =	vst.idx.msk $0xffff, v56  }
0x2aa: {  	v60 =	vor.u32 v50, v48;
	v56 =	vld.idx.msk [tilespmem:v63+s13+$0x0], $0xffff  }
0x2ab: {  	v61 =	vor.u32 v31, v46;
	_ =	sdelay $0x3  }
0x2ac: {  	[tilespmem:v60+s19+$0x0] =	vst.idx.msk $0xffff, v56  }
0x2ad: {  	v62 =	vor.u32 v52, v48;
	v56 =	vld.idx.msk [tilespmem:v61+s13+$0x0], $0xffff  }
0x2ae: {  	v63 =	vor.u32 v32, v46;
	_ =	sdelay $0x3  }
0x2af: {  	[tilespmem:v62+s19+$0x0] =	vst.idx.msk $0xffff, v56  }
0x2b0: {  	v60 =	vor.u32 v53, v48;
	v56 =	vld.idx.msk [tilespmem:v63+s13+$0x0], $0xffff  }
0x2b1: {  	v61 =	vor.u32 v33, v46;
	_ =	sdelay $0x3  }
0x2b2: {  	[tilespmem:v60+s19+$0x0] =	vst.idx.msk $0xffff, v56  }
0x2b3: {  	v62 =	vor.u32 v54, v48;
	v56 =	vld.idx.msk [tilespmem:v61+s13+$0x0], $0xffff  }
0x2b4: {  	v63 =	vor.u32 v34, v46;
	_ =	sdelay $0x3  }
0x2b5: {  	[tilespmem:v62+s19+$0x0] =	vst.idx.msk $0xffff, v56  }
0x2b6: {  	v60 =	vor.u32 v55, v48;
	v56 =	vld.idx.msk [tilespmem:v63+s13+$0x0], $0xffff  }
0x2b7: {  	v61 =	vor.u32 v35, v46;
	_ =	sdelay $0x3  }
0x2b8: {  	[tilespmem:v60+s19+$0x0] =	vst.idx.msk $0xffff, v56  }
0x2b9: {  	v48 =	vor.u32 v49, v48;
	v56 =	vld.idx.msk [tilespmem:v61+s13+$0x0], $0xffff  }
0x2ba: {  	v62 =	vor.u32 v36, v46;
	_ =	sdelay $0x3  }
0x2bb: {  	[tilespmem:v48+s19+$0x0] =	vst.idx.msk $0xffff, v56;
	v48 =	vor.u32 v37, v51  }
0x2bc: {  	v63 =	vld.idx.msk [tilespmem:v62+s13+$0x0], $0xffff;
	v45 =	vor.u32 v45, v48  }
0x2bd: {  	v60 =	vor.u32 v38, v46;
	_ =	sdelay $0x3  }
0x2be: {  	[tilespmem:v45+s19+$0x0] =	vst.idx.msk $0xffff, v63  }
0x2bf: {  	v47 =	vor.u32 v47, v48;
	v45 =	vld.idx.msk [tilespmem:v60+s13+$0x0], $0xffff  }
0x2c0: {  	v61 =	vor.u32 v39, v46;
	_ =	sdelay $0x3  }
0x2c1: {  	[tilespmem:v47+s19+$0x0] =	vst.idx.msk $0xffff, v45  }
0x2c2: {  	v62 =	vor.u32 v50, v48;
	v45 =	vld.idx.msk [tilespmem:v61+s13+$0x0], $0xffff  }
0x2c3: {  	v63 =	vor.u32 v40, v46;
	_ =	sdelay $0x3  }
0x2c4: {  	[tilespmem:v62+s19+$0x0] =	vst.idx.msk $0xffff, v45  }
0x2c5: {  	v56 =	vor.u32 v52, v48;
	v45 =	vld.idx.msk [tilespmem:v63+s13+$0x0], $0xffff  }
0x2c6: {  	v57 =	vor.u32 v41, v46;
	_ =	sdelay $0x3  }
0x2c7: {  	[tilespmem:v56+s19+$0x0] =	vst.idx.msk $0xffff, v45  }
0x2c8: {  	v58 =	vor.u32 v53, v48;
	v45 =	vld.idx.msk [tilespmem:v57+s13+$0x0], $0xffff  }
0x2c9: {  	v59 =	vor.u32 v42, v46;
	_ =	sdelay $0x3  }
0x2ca: {  	[tilespmem:v58+s19+$0x0] =	vst.idx.msk $0xffff, v45  }
0x2cb: {  	v60 =	vor.u32 v54, v48;
	v45 =	vld.idx.msk [tilespmem:v59+s13+$0x0], $0xffff  }
0x2cc: {  	v61 =	vor.u32 v43, v46;
	_ =	sdelay $0x3  }
0x2cd: {  	[tilespmem:v60+s19+$0x0] =	vst.idx.msk $0xffff, v45  }
0x2ce: {  	v62 =	vor.u32 v55, v48;
	v45 =	vld.idx.msk [tilespmem:v61+s13+$0x0], $0xffff  }
0x2cf: {  	v46 =	vor.u32 v44, v46;
	_ =	sdelay $0x3  }
0x2d0: {  	[tilespmem:v62+s19+$0x0] =	vst.idx.msk $0xffff, v45  }
0x2d1: {  	s23 =	sadd.s32 $0x1, s23;
	v63 =	vor.u32 v49, v48;
	v45 =	vld.idx.msk [tilespmem:v46+s13+$0x0], $0xffff  }
0x2d2: {  	p0 =	sne.s32 s23, $0x64  }
.Ltmp2:
0x2d3: {  	s24 =	sand.u32 $0x3, s24;
	(pc) =	sbr.rel @p0 .LBB2_2-.Ltmp2, $4  }
0x2d4: {  	s24 =	sor.u32 s6, s24  }
0x2d5: {  	s24 =	sshll.u32 s24, $0x7  }
0x2d6: {  	s24 =	sadd.s32 s24, s25;
	[tilespmem:v63+s19+$0x0] =	vst.idx.msk $0xffff, v45  }
0x2d7: {  	[hbm4b:s24+s16] =	stream.strided.scatter [tilespmem:s19], [sflag:$0x4], $0x2000, s17, s16, $0x38;
	[tilespmem:$0xE400] =	vst v63  }
0x2d8: {  	_ =	swait.ge [sflag:s14], $0x2000  }
0x2d9: {  	[sflag:s14] =	ssyncset.done $0x0  }
0x2da: {  	s22 =	sadd.s32 $0x1, s22;
	[sflag:s14] =	ssyncadd.s32 $0xFFFFE000  }
0x2db: {  	p0 =	sne.s32 s22, s7;
	_ =	swait.ge [sflag:s20], $0x2000  }
.Ltmp3:
0x2dc: {  	[sflag:s20] =	ssyncset.done $0x0;
	(pc) =	sbr.rel @p0 .LBB2_1-.Ltmp3, $4  }
0x2dd: {  	[sflag:s20] =	ssyncadd.s32 $0xFFFFE000  }
0x2de: {  	_ =	swait.ge [sflag:s21], $0x2000  }
0x2df: {  	[sflag:s21] =	ssyncset.done $0x0  }
0x2e0: {  	[sflag:s21] =	ssyncadd.s32 $0xFFFFE000  }
0x2e1: {  	_ =	sfence.sel $0x180000  }
0x2e2: {  	[bflag:$0x0] =	sbarrier.arrive $0xFFFF  }
0x2e3: {  	p0 =	sne.s32 s2, $0x0;
	_ =	strace $0x9000004A  }
0x2e4: {  	s0 =	sadd.s32 @!p0 $0x100000, s0;
	[bflag:$0x2] =	sbarrier.arrive $0xFFFF  }
0x2e5: {  	[sflag:s0] =	ssyncadd.tile.s32 @!p0 $0x1;
	_ =	shalt  }
.Lfunc_end2:
_tile_overlayer_lowered:
.L_overlay_start_2:
0x2e6: {  	(tag) =	ssettag $0x2  }
0x2e7: {  	s0 =	rddreg [dreg:$0x0];
	s2 =	stileid.u32  }
0x2e8: {  	s1 =	rddreg [dreg:$0x1];
	p0 =	sne.s32 s2, $0x0  }
0x2e9: {  	s3 =	rddreg [dreg:$0x2];
	[bflag:$0x3] =	sbarrier.arrive $0xFFFF;
	s2 =	simm.s32 @!p0 $0x1C05  }
0x2ea: {  	[timem:s3], [sflag:s2] =	dma.local @!p0 [hbm:s0], s1  }
0x2eb: {  	s0 =	simm.s32 @!p0 $0x5  }
0x2ec: {  	_ =	swait.ge @!p0 [sflag:s0], s1  }
0x2ed: {  	s1 =	ssub.s32 @!p0 $0x0, s1;
	[sflag:s0] =	ssyncset.done @!p0 $0x0  }
0x2ee: {  	[sflag:s0] =	ssyncadd.s32 @!p0 s1  }
0x2ef: {  	[bflag:$0x3] =	sbarrier.arrive $0xFFFF  }
0x2f0: {  	_ =	shalt  }

</sc_bundles>
